<compile_context>
chip_gen: v7x
topology: tpu7x:2x2x1
jax: 0.10.2.dev20260603
libtpu: 0.0.44.dev20260713+nightly
codegen_flags: <defaults>
</compile_context>

<pallas_src>
import functools

import jax
import jax.numpy as jnp
from jax import lax
from jax.experimental import pallas as pl
from jax.experimental.pallas import tpu as pltpu
from jax.experimental.pallas import tpu_sc as plsc

N_NODES = 10000
N_EDGES = 320000
D = 128

NC = 2
NS = 16
NW = NC * NS

B_EDGE = 128
CHUNKS = 80
E_PAD = NW * CHUNKS * B_EDGE
W_IDX = 16
NWIN = CHUNKS // W_IDX

NPAD = 10240
ROWS_PER_TILE = NPAD // NS
ZR = 128



def _zero_fill(buf, rows, cols):
    def body(r, carry):
        for c in range(cols // 16):
            buf[r, pl.ds(c * 16, 16)] = jnp.zeros((16,), jnp.float32)
        return carry
    lax.fori_loop(0, rows, body, 0, unroll=False)


@functools.cache
def _sc_mesh():
    return plsc.VectorSubcoreMesh(
        core_axis_name="c", subcore_axis_name="s", num_cores=NC, num_subcores=NS)


@functools.cache
def _sc_degree_kernel():
    return pl.kernel(
        _sc_degree,
        out_type=jax.ShapeDtypeStruct((NC, NPAD), jnp.float32),
        mesh=_sc_mesh(),
        scratch_types=[
            pltpu.VMEM((CHUNKS, B_EDGE), jnp.int32),
            pltpu.VMEM((ZR,), jnp.float32),
            pltpu.VMEM((ZR,), jnp.float32),
            pltpu.VMEM_SHARED((NPAD,), jnp.float32),
        ],
    )


def _sc_degree(dst_hbm, out_hbm, dst_v, ones_v, zeros_v, acc):
    cid = lax.axis_index("c")
    sid = lax.axis_index("s")
    wid = cid * NS + sid
    for c in range(ZR // 16):
        ones_v[pl.ds(c * 16, 16)] = jnp.ones((16,), jnp.float32)
        zeros_v[pl.ds(c * 16, 16)] = jnp.zeros((16,), jnp.float32)
    for k in range(ROWS_PER_TILE // ZR):
        pltpu.sync_copy(zeros_v, acc.at[pl.ds(sid * ROWS_PER_TILE + k * ZR, ZR)])
    plsc.subcore_barrier()
    pltpu.sync_copy(dst_hbm.at[wid], dst_v)

    def body(j, carry):
        pltpu.sync_copy(ones_v.at[pl.ds(0, B_EDGE)], acc.at[dst_v.at[j]], add=True)
        return carry

    lax.fori_loop(0, CHUNKS, body, 0, unroll=False)
    plsc.subcore_barrier()
    pltpu.sync_copy(acc.at[pl.ds(sid * ROWS_PER_TILE, ROWS_PER_TILE)],
                    out_hbm.at[cid, pl.ds(sid * ROWS_PER_TILE, ROWS_PER_TILE)])


@functools.cache
def _sc_aggregate_kernel():
    return pl.kernel(
        _sc_aggregate,
        out_type=jax.ShapeDtypeStruct((NC, NPAD, D), jnp.float32),
        mesh=_sc_mesh(),
        scratch_types=[
            pltpu.VMEM((CHUNKS, B_EDGE), jnp.int32),
            pltpu.VMEM((W_IDX, B_EDGE), jnp.int32),
            pltpu.VMEM((W_IDX, B_EDGE), jnp.int32),
            pltpu.VMEM((B_EDGE, D), jnp.float32),
            pltpu.VMEM((B_EDGE, D), jnp.float32),
            pltpu.VMEM_SHARED((NPAD, D), jnp.float32),
            pltpu.SemaphoreType.DMA,
            pltpu.SemaphoreType.DMA,
            pltpu.SemaphoreType.DMA,
        ],
    )


def _sc_aggregate(hs_hbm, src_hbm, dst_hbm, out_hbm,
                  src_v, dstw0, dstw1, rows0, rows1, acc, sem0, sem1, semw):
    cid = lax.axis_index("c")
    sid = lax.axis_index("s")
    wid = cid * NS + sid
    src_fetch = pltpu.async_copy(src_hbm.at[wid], src_v, sem0)
    dst_fetch = pltpu.async_copy(dst_hbm.at[wid, pl.ds(0, W_IDX)], dstw0, semw)
    _zero_fill(rows0, B_EDGE, D)
    base = sid * ROWS_PER_TILE
    for k in range(ROWS_PER_TILE // B_EDGE):
        pltpu.sync_copy(rows0, acc.at[pl.ds(base + k * B_EDGE, B_EDGE)])
    src_fetch.wait()
    dst_fetch.wait()
    plsc.subcore_barrier()

    pltpu.async_copy(hs_hbm.at[src_v.at[0]], rows0, sem0)
    dst_bufs = (dstw0, dstw1)
    for w in range(NWIN):
        cur = dst_bufs[w % 2]
        nxt = dst_bufs[(w + 1) % 2]
        if w + 1 < NWIN:
            fetch = pltpu.async_copy(
                dst_hbm.at[wid, pl.ds((w + 1) * W_IDX, W_IDX)], nxt, semw)

        def body(i, carry, cur=cur, wbase=w * W_IDX):
            jj = wbase + 2 * i
            pltpu.async_copy(hs_hbm.at[src_v.at[jj + 1]], rows1, sem1)
            pltpu.make_async_copy(hs_hbm.at[src_v.at[jj]], rows0, sem0).wait()
            pltpu.sync_copy(rows0, acc.at[cur.at[2 * i]], add=True)

            @pl.when(jj + 2 < CHUNKS)
            def _():
                pltpu.async_copy(hs_hbm.at[src_v.at[jj + 2]], rows0, sem0)

            pltpu.make_async_copy(hs_hbm.at[src_v.at[jj + 1]], rows1, sem1).wait()
            pltpu.sync_copy(rows1, acc.at[cur.at[2 * i + 1]], add=True)
            return carry

        lax.fori_loop(0, W_IDX // 2, body, 0, unroll=False)
        if w + 1 < NWIN:
            fetch.wait()

    plsc.subcore_barrier()
    pltpu.sync_copy(acc.at[pl.ds(sid * ROWS_PER_TILE, ROWS_PER_TILE)],
                    out_hbm.at[cid, pl.ds(sid * ROWS_PER_TILE, ROWS_PER_TILE)])



BLK = 1000


def _tc_prep_body(p0_ref, p1_ref, x_ref, dinv_ref, xs_ref):
    deg = p0_ref[0] + p1_ref[0] + 1.0
    dinv = lax.rsqrt(deg)
    dinv_ref[...] = dinv
    xs_ref[...] = dinv * x_ref[...]


def _tc_layer1_body(t0_ref, t1_ref, xs_ref, dinv_ref, w_ref, b_ref, hs_ref):
    dinv = dinv_ref[...]
    agg = dinv * (t0_ref[0] + t1_ref[0] + xs_ref[...])
    pre = jnp.dot(agg, w_ref[...], preferred_element_type=jnp.float32) + b_ref[...]
    h = jnp.where(pre > 0, pre, jnp.exp(pre) - 1.0)
    hs_ref[...] = dinv * h


def _tc_final_body(t0_ref, t1_ref, hs_ref, dinv_ref, wmu_ref, bmu_ref,
                   wlv_ref, blv_ref, eps_ref, z_ref, mu_ref, lv_ref):
    agg = dinv_ref[...] * (t0_ref[0] + t1_ref[0] + hs_ref[...])
    mu = jnp.dot(agg, wmu_ref[...], preferred_element_type=jnp.float32) + bmu_ref[...]
    lv = jnp.dot(agg, wlv_ref[...], preferred_element_type=jnp.float32) + blv_ref[...]
    mu_ref[...] = mu
    lv_ref[...] = lv
    z_ref[...] = mu + eps_ref[...] * jnp.exp(0.5 * lv)


def _row_spec(cols):
    return pl.BlockSpec((BLK, cols), lambda i: (i, 0))


def _part_spec(core, cols):
    return pl.BlockSpec((1, BLK, cols), lambda i, c=core: (c, i, 0))


def _const_spec(shape):
    return pl.BlockSpec(shape, lambda i: (0, 0))



def kernel(x, edge_index, W1, b1, W_mu, b_mu, W_lv, b_lv):
    per_tile = N_EDGES // NW
    pad = CHUNKS * B_EDGE - per_tile
    pad_src = jnp.broadcast_to(jnp.arange(pad, dtype=jnp.int32), (NW, pad))
    pad_dst = jnp.broadcast_to(
        N_NODES + jnp.arange(pad, dtype=jnp.int32), (NW, pad))
    src = jnp.concatenate(
        [edge_index[0].astype(jnp.int32).reshape(NW, per_tile), pad_src], axis=1
    ).reshape(NW, CHUNKS, B_EDGE)
    dst = jnp.concatenate(
        [edge_index[1].astype(jnp.int32).reshape(NW, per_tile), pad_dst], axis=1
    ).reshape(NW, CHUNKS, B_EDGE)

    grid = N_NODES // BLK

    deg_parts = _sc_degree_kernel()(dst).reshape(NC, NPAD, 1)

    dinv, xs = pl.pallas_call(
        _tc_prep_body,
        grid=(grid,),
        in_specs=[_part_spec(0, 1), _part_spec(1, 1), _row_spec(D)],
        out_specs=[_row_spec(1), _row_spec(D)],
        out_shape=[
            jax.ShapeDtypeStruct((N_NODES, 1), jnp.float32),
            jax.ShapeDtypeStruct((N_NODES, D), jnp.float32),
        ],
    )(deg_parts, deg_parts, x)

    t_parts = _sc_aggregate_kernel()(xs, src, dst)

    hs = pl.pallas_call(
        _tc_layer1_body,
        grid=(grid,),
        in_specs=[_part_spec(0, D), _part_spec(1, D), _row_spec(D), _row_spec(1),
                  _const_spec((D, D)), _const_spec((1, D))],
        out_specs=_row_spec(D),
        out_shape=jax.ShapeDtypeStruct((N_NODES, D), jnp.float32),
    )(t_parts, t_parts, xs, dinv, W1, b1.reshape(1, D))

    t2_parts = _sc_aggregate_kernel()(hs, src, dst)

    eps = jax.random.normal(jax.random.key(1234), (N_NODES, D), jnp.float32)
    z, mu, logvar = pl.pallas_call(
        _tc_final_body,
        grid=(grid,),
        in_specs=[_part_spec(0, D), _part_spec(1, D), _row_spec(D), _row_spec(1),
                  _const_spec((D, D)), _const_spec((1, D)),
                  _const_spec((D, D)), _const_spec((1, D)), _row_spec(D)],
        out_specs=[_row_spec(D), _row_spec(D), _row_spec(D)],
        out_shape=[
            jax.ShapeDtypeStruct((N_NODES, D), jnp.float32),
            jax.ShapeDtypeStruct((N_NODES, D), jnp.float32),
            jax.ShapeDtypeStruct((N_NODES, D), jnp.float32),
        ],
    )(t2_parts, t2_parts, hs, dinv, W_mu, b_mu.reshape(1, D),
      W_lv, b_lv.reshape(1, D), eps)

    return (z, mu, logvar)

# --- scband reference (transcript-rebuilt; emitter-appended) ---
"""Pipeline reference for scband-vgaegraph-encoder-67516885893468 (READ-ONLY COPY).

The authoritative reference and input builder live on the scoring server;
editing this copy changes nothing except your own understanding.
"""

import jax, jax.numpy as jnp
import numpy as np

N_NODES = 10000
N_EDGES = 320000
IN_DIM = 128
HID = 128


def _gcn_conv(x, src, dst, W, b, n):
    # PyG GCNConv: add self-loops, symmetric normalization, linear transform, scatter-add, bias
    loops = jnp.arange(n, dtype=src.dtype)
    s = jnp.concatenate([src, loops])
    d = jnp.concatenate([dst, loops])
    deg = jnp.zeros((n,), dtype=x.dtype).at[d].add(1.0)
    dinv = jnp.where(deg > 0, deg ** -0.5, 0.0)
    norm = dinv[s] * dinv[d]
    h = x @ W
    msg = h[s] * norm[:, None]
    out = jnp.zeros((n, W.shape[1]), dtype=x.dtype).at[d].add(msg)
    return out + b


def setup_inputs(seed: int = 0) -> dict:
    key = jax.random.key(seed)
    ks = jax.random.split(key, 8)
    x = jax.random.normal(ks[0], (N_NODES, IN_DIM), dtype=jnp.float32)
    edge_index = jax.random.randint(ks[1], (2, N_EDGES), 0, N_NODES, dtype=jnp.int64)
    sc = 1.0 / np.sqrt(IN_DIM)
    W1 = jax.random.uniform(ks[2], (IN_DIM, HID), jnp.float32, -sc, sc)
    b1 = jnp.zeros((HID,), jnp.float32)
    sc2 = 1.0 / np.sqrt(HID)
    W_mu = jax.random.uniform(ks[3], (HID, HID), jnp.float32, -sc2, sc2)
    b_mu = jnp.zeros((HID,), jnp.float32)
    W_lv = jax.random.uniform(ks[4], (HID, HID), jnp.float32, -sc2, sc2)
    b_lv = jnp.zeros((HID,), jnp.float32)
    return {"x": x, "edge_index": edge_index, "W1": W1, "b1": b1, "W_mu": W_mu, "b_mu": b_mu, "W_lv": W_lv, "b_lv": b_lv}


def reference(x, edge_index, W1, b1, W_mu, b_mu, W_lv, b_lv):
    src = edge_index[0]
    dst = edge_index[1]
    n = x.shape[0]
    h = jax.nn.elu(_gcn_conv(x, src, dst, W1, b1, n))
    mu = _gcn_conv(h, src, dst, W_mu, b_mu, n)
    logvar = _gcn_conv(h, src, dst, W_lv, b_lv, n)
    std = jnp.exp(0.5 * logvar)
    eps = jax.random.normal(jax.random.key(1234), std.shape, dtype=std.dtype)
    z = mu + eps * std
    return (z, mu, logvar)

if __name__ == "__main__":
    import jax
    _d = setup_inputs()
    print(jax.jit(kernel)(*tuple(_d.values())))

</pallas_src>

<mosaic_0001>
#map = affine_map<(d0, d1) -> (0, 0, 0)>
#map1 = affine_map<(d0, d1) -> (0, 0)>
module attributes {stable_mosaic.version = 14 : i64} {
  func.func @_sc_degree(%arg0: i32, %arg1: i32, %arg2: memref<32x80x128xi32, #tpu.memory_space<hbm>>, %arg3: memref<2x10240xf32, #tpu.memory_space<hbm>>, %arg4: memref<80x128xi32, #tpu.memory_space<vmem>>, %arg5: memref<128xf32, #tpu.memory_space<vmem>>, %arg6: memref<128xf32, #tpu.memory_space<vmem>>, %arg7: memref<10240xf32, #tpu.memory_space<vmem_shared>>) attributes {dimension_semantics = [#tpu.dimension_semantics<core_parallel>, #tpu.dimension_semantics<subcore_parallel>], iteration_bounds = array<i64: 2, 16>, scalar_prefetch = 0 : i64, scratch_operands = 4 : i64, tpu.core_type = #tpu.core_type<sc_vector_subcore>, window_params = [{transform_indices = #map}, {transform_indices = #map1}]} {
    %mul3A = arith.constant 16 : i32
    %mul3A_0 = arith.muli %arg0, %mul3A : i32
    %add3A = arith.addi %mul3A_0, %arg1 : i32
    %broadcast_in_dim3A = arith.constant 1.000000e+00 : f32
    %broadcast_in_dim3A_1 = vector.broadcast %broadcast_in_dim3A : f32 to vector<16xf32>
    %swap3A = arith.constant 0 : index
    %swap3A_2 = tpu.vector_load %arg5[%swap3A] {strides = array<i32>} : memref<128xf32, #tpu.memory_space<vmem>>, vector<16xf32>,
    %swap3A_3 = vector.shape_cast %swap3A_2 : vector<16xf32> to vector<16xf32>
    %swap3A_4 = vector.shape_cast %broadcast_in_dim3A_1 : vector<16xf32> to vector<16xf32>
    tpu.vector_store %arg5[%swap3A], %swap3A_4 {strides = array<i32>} : memref<128xf32, #tpu.memory_space<vmem>>, vector<16xf32>,
    %broadcast_in_dim3A_5 = arith.constant 0.000000e+00 : f32
    %broadcast_in_dim3A_6 = vector.broadcast %broadcast_in_dim3A_5 : f32 to vector<16xf32>
    %swap3A_7 = arith.constant 0 : index
    %swap3A_8 = tpu.vector_load %arg6[%swap3A_7] {strides = array<i32>} : memref<128xf32, #tpu.memory_space<vmem>>, vector<16xf32>,
    %swap3A_9 = vector.shape_cast %swap3A_8 : vector<16xf32> to vector<16xf32>
    %swap3A_10 = vector.shape_cast %broadcast_in_dim3A_6 : vector<16xf32> to vector<16xf32>
    tpu.vector_store %arg6[%swap3A_7], %swap3A_10 {strides = array<i32>} : memref<128xf32, #tpu.memory_space<vmem>>, vector<16xf32>,
    %broadcast_in_dim3A_11 = arith.constant 1.000000e+00 : f32
    %broadcast_in_dim3A_12 = vector.broadcast %broadcast_in_dim3A_11 : f32 to vector<16xf32>
    %swap3A_13 = arith.constant 16 : index
    %swap3A_14 = tpu.vector_load %arg5[%swap3A_13] {strides = array<i32>} : memref<128xf32, #tpu.memory_space<vmem>>, vector<16xf32>,
    %swap3A_15 = vector.shape_cast %swap3A_14 : vector<16xf32> to vector<16xf32>
    %swap3A_16 = vector.shape_cast %broadcast_in_dim3A_12 : vector<16xf32> to vector<16xf32>
    tpu.vector_store %arg5[%swap3A_13], %swap3A_16 {strides = array<i32>} : memref<128xf32, #tpu.memory_space<vmem>>, vector<16xf32>,
    %broadcast_in_dim3A_17 = arith.constant 0.000000e+00 : f32
    %broadcast_in_dim3A_18 = vector.broadcast %broadcast_in_dim3A_17 : f32 to vector<16xf32>
    %swap3A_19 = arith.constant 16 : index
    %swap3A_20 = tpu.vector_load %arg6[%swap3A_19] {strides = array<i32>} : memref<128xf32, #tpu.memory_space<vmem>>, vector<16xf32>,
    %swap3A_21 = vector.shape_cast %swap3A_20 : vector<16xf32> to vector<16xf32>
    %swap3A_22 = vector.shape_cast %broadcast_in_dim3A_18 : vector<16xf32> to vector<16xf32>
    tpu.vector_store %arg6[%swap3A_19], %swap3A_22 {strides = array<i32>} : memref<128xf32, #tpu.memory_space<vmem>>, vector<16xf32>,
    %broadcast_in_dim3A_23 = arith.constant 1.000000e+00 : f32
    %broadcast_in_dim3A_24 = vector.broadcast %broadcast_in_dim3A_23 : f32 to vector<16xf32>
    %swap3A_25 = arith.constant 32 : index
    %swap3A_26 = tpu.vector_load %arg5[%swap3A_25] {strides = array<i32>} : memref<128xf32, #tpu.memory_space<vmem>>, vector<16xf32>,
    %swap3A_27 = vector.shape_cast %swap3A_26 : vector<16xf32> to vector<16xf32>
    %swap3A_28 = vector.shape_cast %broadcast_in_dim3A_24 : vector<16xf32> to vector<16xf32>
    tpu.vector_store %arg5[%swap3A_25], %swap3A_28 {strides = array<i32>} : memref<128xf32, #tpu.memory_space<vmem>>, vector<16xf32>,
    %broadcast_in_dim3A_29 = arith.constant 0.000000e+00 : f32
    %broadcast_in_dim3A_30 = vector.broadcast %broadcast_in_dim3A_29 : f32 to vector<16xf32>
    %swap3A_31 = arith.constant 32 : index
    %swap3A_32 = tpu.vector_load %arg6[%swap3A_31] {strides = array<i32>} : memref<128xf32, #tpu.memory_space<vmem>>, vector<16xf32>,
    %swap3A_33 = vector.shape_cast %swap3A_32 : vector<16xf32> to vector<16xf32>
    %swap3A_34 = vector.shape_cast %broadcast_in_dim3A_30 : vector<16xf32> to vector<16xf32>
    tpu.vector_store %arg6[%swap3A_31], %swap3A_34 {strides = array<i32>} : memref<128xf32, #tpu.memory_space<vmem>>, vector<16xf32>,
    %broadcast_in_dim3A_35 = arith.constant 1.000000e+00 : f32
    %broadcast_in_dim3A_36 = vector.broadcast %broadcast_in_dim3A_35 : f32 to vector<16xf32>
    %swap3A_37 = arith.constant 48 : index
    %swap3A_38 = tpu.vector_load %arg5[%swap3A_37] {strides = array<i32>} : memref<128xf32, #tpu.memory_space<vmem>>, vector<16xf32>,
    %swap3A_39 = vector.shape_cast %swap3A_38 : vector<16xf32> to vector<16xf32>
    %swap3A_40 = vector.shape_cast %broadcast_in_dim3A_36 : vector<16xf32> to vector<16xf32>
    tpu.vector_store %arg5[%swap3A_37], %swap3A_40 {strides = array<i32>} : memref<128xf32, #tpu.memory_space<vmem>>, vector<16xf32>,
    %broadcast_in_dim3A_41 = arith.constant 0.000000e+00 : f32
    %broadcast_in_dim3A_42 = vector.broadcast %broadcast_in_dim3A_41 : f32 to vector<16xf32>
    %swap3A_43 = arith.constant 48 : index
    %swap3A_44 = tpu.vector_load %arg6[%swap3A_43] {strides = array<i32>} : memref<128xf32, #tpu.memory_space<vmem>>, vector<16xf32>,
    %swap3A_45 = vector.shape_cast %swap3A_44 : vector<16xf32> to vector<16xf32>
    %swap3A_46 = vector.shape_cast %broadcast_in_dim3A_42 : vector<16xf32> to vector<16xf32>
    tpu.vector_store %arg6[%swap3A_43], %swap3A_46 {strides = array<i32>} : memref<128xf32, #tpu.memory_space<vmem>>, vector<16xf32>,
    %broadcast_in_dim3A_47 = arith.constant 1.000000e+00 : f32
    %broadcast_in_dim3A_48 = vector.broadcast %broadcast_in_dim3A_47 : f32 to vector<16xf32>
    %swap3A_49 = arith.constant 64 : index
    %swap3A_50 = tpu.vector_load %arg5[%swap3A_49] {strides = array<i32>} : memref<128xf32, #tpu.memory_space<vmem>>, vector<16xf32>,
    %swap3A_51 = vector.shape_cast %swap3A_50 : vector<16xf32> to vector<16xf32>
    %swap3A_52 = vector.shape_cast %broadcast_in_dim3A_48 : vector<16xf32> to vector<16xf32>
    tpu.vector_store %arg5[%swap3A_49], %swap3A_52 {strides = array<i32>} : memref<128xf32, #tpu.memory_space<vmem>>, vector<16xf32>,
    %broadcast_in_dim3A_53 = arith.constant 0.000000e+00 : f32
    %broadcast_in_dim3A_54 = vector.broadcast %broadcast_in_dim3A_53 : f32 to vector<16xf32>
    %swap3A_55 = arith.constant 64 : index
    %swap3A_56 = tpu.vector_load %arg6[%swap3A_55] {strides = array<i32>} : memref<128xf32, #tpu.memory_space<vmem>>, vector<16xf32>,
    %swap3A_57 = vector.shape_cast %swap3A_56 : vector<16xf32> to vector<16xf32>
    %swap3A_58 = vector.shape_cast %broadcast_in_dim3A_54 : vector<16xf32> to vector<16xf32>
    tpu.vector_store %arg6[%swap3A_55], %swap3A_58 {strides = array<i32>} : memref<128xf32, #tpu.memory_space<vmem>>, vector<16xf32>,
    %broadcast_in_dim3A_59 = arith.constant 1.000000e+00 : f32
    %broadcast_in_dim3A_60 = vector.broadcast %broadcast_in_dim3A_59 : f32 to vector<16xf32>
    %swap3A_61 = arith.constant 80 : index
    %swap3A_62 = tpu.vector_load %arg5[%swap3A_61] {strides = array<i32>} : memref<128xf32, #tpu.memory_space<vmem>>, vector<16xf32>,
    %swap3A_63 = vector.shape_cast %swap3A_62 : vector<16xf32> to vector<16xf32>
    %swap3A_64 = vector.shape_cast %broadcast_in_dim3A_60 : vector<16xf32> to vector<16xf32>
    tpu.vector_store %arg5[%swap3A_61], %swap3A_64 {strides = array<i32>} : memref<128xf32, #tpu.memory_space<vmem>>, vector<16xf32>,
    %broadcast_in_dim3A_65 = arith.constant 0.000000e+00 : f32
    %broadcast_in_dim3A_66 = vector.broadcast %broadcast_in_dim3A_65 : f32 to vector<16xf32>
    %swap3A_67 = arith.constant 80 : index
    %swap3A_68 = tpu.vector_load %arg6[%swap3A_67] {strides = array<i32>} : memref<128xf32, #tpu.memory_space<vmem>>, vector<16xf32>,
    %swap3A_69 = vector.shape_cast %swap3A_68 : vector<16xf32> to vector<16xf32>
    %swap3A_70 = vector.shape_cast %broadcast_in_dim3A_66 : vector<16xf32> to vector<16xf32>
    tpu.vector_store %arg6[%swap3A_67], %swap3A_70 {strides = array<i32>} : memref<128xf32, #tpu.memory_space<vmem>>, vector<16xf32>,
    %broadcast_in_dim3A_71 = arith.constant 1.000000e+00 : f32
    %broadcast_in_dim3A_72 = vector.broadcast %broadcast_in_dim3A_71 : f32 to vector<16xf32>
    %swap3A_73 = arith.constant 96 : index
    %swap3A_74 = tpu.vector_load %arg5[%swap3A_73] {strides = array<i32>} : memref<128xf32, #tpu.memory_space<vmem>>, vector<16xf32>,
    %swap3A_75 = vector.shape_cast %swap3A_74 : vector<16xf32> to vector<16xf32>
    %swap3A_76 = vector.shape_cast %broadcast_in_dim3A_72 : vector<16xf32> to vector<16xf32>
    tpu.vector_store %arg5[%swap3A_73], %swap3A_76 {strides = array<i32>} : memref<128xf32, #tpu.memory_space<vmem>>, vector<16xf32>,
    %broadcast_in_dim3A_77 = arith.constant 0.000000e+00 : f32
    %broadcast_in_dim3A_78 = vector.broadcast %broadcast_in_dim3A_77 : f32 to vector<16xf32>
    %swap3A_79 = arith.constant 96 : index
    %swap3A_80 = tpu.vector_load %arg6[%swap3A_79] {strides = array<i32>} : memref<128xf32, #tpu.memory_space<vmem>>, vector<16xf32>,
    %swap3A_81 = vector.shape_cast %swap3A_80 : vector<16xf32> to vector<16xf32>
    %swap3A_82 = vector.shape_cast %broadcast_in_dim3A_78 : vector<16xf32> to vector<16xf32>
    tpu.vector_store %arg6[%swap3A_79], %swap3A_82 {strides = array<i32>} : memref<128xf32, #tpu.memory_space<vmem>>, vector<16xf32>,
    %broadcast_in_dim3A_83 = arith.constant 1.000000e+00 : f32
    %broadcast_in_dim3A_84 = vector.broadcast %broadcast_in_dim3A_83 : f32 to vector<16xf32>
    %swap3A_85 = arith.constant 112 : index
    %swap3A_86 = tpu.vector_load %arg5[%swap3A_85] {strides = array<i32>} : memref<128xf32, #tpu.memory_space<vmem>>, vector<16xf32>,
    %swap3A_87 = vector.shape_cast %swap3A_86 : vector<16xf32> to vector<16xf32>
    %swap3A_88 = vector.shape_cast %broadcast_in_dim3A_84 : vector<16xf32> to vector<16xf32>
    tpu.vector_store %arg5[%swap3A_85], %swap3A_88 {strides = array<i32>} : memref<128xf32, #tpu.memory_space<vmem>>, vector<16xf32>,
    %broadcast_in_dim3A_89 = arith.constant 0.000000e+00 : f32
    %broadcast_in_dim3A_90 = vector.broadcast %broadcast_in_dim3A_89 : f32 to vector<16xf32>
    %swap3A_91 = arith.constant 112 : index
    %swap3A_92 = tpu.vector_load %arg6[%swap3A_91] {strides = array<i32>} : memref<128xf32, #tpu.memory_space<vmem>>, vector<16xf32>,
    %swap3A_93 = vector.shape_cast %swap3A_92 : vector<16xf32> to vector<16xf32>
    %swap3A_94 = vector.shape_cast %broadcast_in_dim3A_90 : vector<16xf32> to vector<16xf32>
    tpu.vector_store %arg6[%swap3A_91], %swap3A_94 {strides = array<i32>} : memref<128xf32, #tpu.memory_space<vmem>>, vector<16xf32>,
    %mul3A_95 = arith.constant 640 : i32
    %mul3A_96 = arith.muli %arg1, %mul3A_95 : i32
    %add3A_97 = arith.constant 0 : i32
    %add3A_98 = arith.addi %mul3A_96, %add3A_97 : i32
    "tpu.region"() ({
      %run_scoped3A = tpu.sem_alloc : memref<!tpu.dma_semaphore, #tpu.memory_space<semaphore_mem>>
      %dma_start3A = tpu.memref_slice %arg7[%add3A_98] : memref<10240xf32, #tpu.memory_space<vmem_shared>> -> memref<128xf32, #tpu.memory_space<vmem_shared>>
      %dma_start3A_125 = tpu.memref_slice %arg7[%add3A_98] : memref<10240xf32, #tpu.memory_space<vmem_shared>> -> memref<128xf32, #tpu.memory_space<vmem_shared>>
      tpu.enqueue_dma source(%arg6 : memref<128xf32, #tpu.memory_space<vmem>>) target(%dma_start3A_125 : memref<128xf32, #tpu.memory_space<vmem_shared>>) target_semaphore(%run_scoped3A : memref<!tpu.dma_semaphore, #tpu.memory_space<semaphore_mem>>)
      %dma_wait3A = tpu.memref_slice %arg7[%add3A_98] : memref<10240xf32, #tpu.memory_space<vmem_shared>> -> memref<128xf32, #tpu.memory_space<vmem_shared>>
      %dma_wait3A_126 = tpu.memref_slice %arg7[%add3A_98] : memref<10240xf32, #tpu.memory_space<vmem_shared>> -> memref<128xf32, #tpu.memory_space<vmem_shared>>
      tpu.wait_dma2 semaphore(%run_scoped3A : memref<!tpu.dma_semaphore, #tpu.memory_space<semaphore_mem>>) src(%arg6 : memref<128xf32, #tpu.memory_space<vmem>>) dst(%dma_wait3A_126 : memref<128xf32, #tpu.memory_space<vmem_shared>>)
      tpu.yield
    }) : () -> ()
    %mul3A_99 = arith.constant 640 : i32
    %mul3A_100 = arith.muli %arg1, %mul3A_99 : i32
    %add3A_101 = arith.constant 128 : i32
    %add3A_102 = arith.addi %mul3A_100, %add3A_101 : i32
    "tpu.region"() ({
      %run_scoped3A = tpu.sem_alloc : memref<!tpu.dma_semaphore, #tpu.memory_space<semaphore_mem>>
      %dma_start3A = tpu.memref_slice %arg7[%add3A_102] : memref<10240xf32, #tpu.memory_space<vmem_shared>> -> memref<128xf32, #tpu.memory_space<vmem_shared>>
      %dma_start3A_125 = tpu.memref_slice %arg7[%add3A_102] : memref<10240xf32, #tpu.memory_space<vmem_shared>> -> memref<128xf32, #tpu.memory_space<vmem_shared>>
      tpu.enqueue_dma source(%arg6 : memref<128xf32, #tpu.memory_space<vmem>>) target(%dma_start3A_125 : memref<128xf32, #tpu.memory_space<vmem_shared>>) target_semaphore(%run_scoped3A : memref<!tpu.dma_semaphore, #tpu.memory_space<semaphore_mem>>)
      %dma_wait3A = tpu.memref_slice %arg7[%add3A_102] : memref<10240xf32, #tpu.memory_space<vmem_shared>> -> memref<128xf32, #tpu.memory_space<vmem_shared>>
      %dma_wait3A_126 = tpu.memref_slice %arg7[%add3A_102] : memref<10240xf32, #tpu.memory_space<vmem_shared>> -> memref<128xf32, #tpu.memory_space<vmem_shared>>
      tpu.wait_dma2 semaphore(%run_scoped3A : memref<!tpu.dma_semaphore, #tpu.memory_space<semaphore_mem>>) src(%arg6 : memref<128xf32, #tpu.memory_space<vmem>>) dst(%dma_wait3A_126 : memref<128xf32, #tpu.memory_space<vmem_shared>>)
      tpu.yield
    }) : () -> ()
    %mul3A_103 = arith.constant 640 : i32
    %mul3A_104 = arith.muli %arg1, %mul3A_103 : i32
    %add3A_105 = arith.constant 256 : i32
    %add3A_106 = arith.addi %mul3A_104, %add3A_105 : i32
    "tpu.region"() ({
      %run_scoped3A = tpu.sem_alloc : memref<!tpu.dma_semaphore, #tpu.memory_space<semaphore_mem>>
      %dma_start3A = tpu.memref_slice %arg7[%add3A_106] : memref<10240xf32, #tpu.memory_space<vmem_shared>> -> memref<128xf32, #tpu.memory_space<vmem_shared>>
      %dma_start3A_125 = tpu.memref_slice %arg7[%add3A_106] : memref<10240xf32, #tpu.memory_space<vmem_shared>> -> memref<128xf32, #tpu.memory_space<vmem_shared>>
      tpu.enqueue_dma source(%arg6 : memref<128xf32, #tpu.memory_space<vmem>>) target(%dma_start3A_125 : memref<128xf32, #tpu.memory_space<vmem_shared>>) target_semaphore(%run_scoped3A : memref<!tpu.dma_semaphore, #tpu.memory_space<semaphore_mem>>)
      %dma_wait3A = tpu.memref_slice %arg7[%add3A_106] : memref<10240xf32, #tpu.memory_space<vmem_shared>> -> memref<128xf32, #tpu.memory_space<vmem_shared>>
      %dma_wait3A_126 = tpu.memref_slice %arg7[%add3A_106] : memref<10240xf32, #tpu.memory_space<vmem_shared>> -> memref<128xf32, #tpu.memory_space<vmem_shared>>
      tpu.wait_dma2 semaphore(%run_scoped3A : memref<!tpu.dma_semaphore, #tpu.memory_space<semaphore_mem>>) src(%arg6 : memref<128xf32, #tpu.memory_space<vmem>>) dst(%dma_wait3A_126 : memref<128xf32, #tpu.memory_space<vmem_shared>>)
      tpu.yield
    }) : () -> ()
    %mul3A_107 = arith.constant 640 : i32
    %mul3A_108 = arith.muli %arg1, %mul3A_107 : i32
    %add3A_109 = arith.constant 384 : i32
    %add3A_110 = arith.addi %mul3A_108, %add3A_109 : i32
    "tpu.region"() ({
      %run_scoped3A = tpu.sem_alloc : memref<!tpu.dma_semaphore, #tpu.memory_space<semaphore_mem>>
      %dma_start3A = tpu.memref_slice %arg7[%add3A_110] : memref<10240xf32, #tpu.memory_space<vmem_shared>> -> memref<128xf32, #tpu.memory_space<vmem_shared>>
      %dma_start3A_125 = tpu.memref_slice %arg7[%add3A_110] : memref<10240xf32, #tpu.memory_space<vmem_shared>> -> memref<128xf32, #tpu.memory_space<vmem_shared>>
      tpu.enqueue_dma source(%arg6 : memref<128xf32, #tpu.memory_space<vmem>>) target(%dma_start3A_125 : memref<128xf32, #tpu.memory_space<vmem_shared>>) target_semaphore(%run_scoped3A : memref<!tpu.dma_semaphore, #tpu.memory_space<semaphore_mem>>)
      %dma_wait3A = tpu.memref_slice %arg7[%add3A_110] : memref<10240xf32, #tpu.memory_space<vmem_shared>> -> memref<128xf32, #tpu.memory_space<vmem_shared>>
      %dma_wait3A_126 = tpu.memref_slice %arg7[%add3A_110] : memref<10240xf32, #tpu.memory_space<vmem_shared>> -> memref<128xf32, #tpu.memory_space<vmem_shared>>
      tpu.wait_dma2 semaphore(%run_scoped3A : memref<!tpu.dma_semaphore, #tpu.memory_space<semaphore_mem>>) src(%arg6 : memref<128xf32, #tpu.memory_space<vmem>>) dst(%dma_wait3A_126 : memref<128xf32, #tpu.memory_space<vmem_shared>>)
      tpu.yield
    }) : () -> ()
    %mul3A_111 = arith.constant 640 : i32
    %mul3A_112 = arith.muli %arg1, %mul3A_111 : i32
    %add3A_113 = arith.constant 512 : i32
    %add3A_114 = arith.addi %mul3A_112, %add3A_113 : i32
    "tpu.region"() ({
      %run_scoped3A = tpu.sem_alloc : memref<!tpu.dma_semaphore, #tpu.memory_space<semaphore_mem>>
      %dma_start3A = tpu.memref_slice %arg7[%add3A_114] : memref<10240xf32, #tpu.memory_space<vmem_shared>> -> memref<128xf32, #tpu.memory_space<vmem_shared>>
      %dma_start3A_125 = tpu.memref_slice %arg7[%add3A_114] : memref<10240xf32, #tpu.memory_space<vmem_shared>> -> memref<128xf32, #tpu.memory_space<vmem_shared>>
      tpu.enqueue_dma source(%arg6 : memref<128xf32, #tpu.memory_space<vmem>>) target(%dma_start3A_125 : memref<128xf32, #tpu.memory_space<vmem_shared>>) target_semaphore(%run_scoped3A : memref<!tpu.dma_semaphore, #tpu.memory_space<semaphore_mem>>)
      %dma_wait3A = tpu.memref_slice %arg7[%add3A_114] : memref<10240xf32, #tpu.memory_space<vmem_shared>> -> memref<128xf32, #tpu.memory_space<vmem_shared>>
      %dma_wait3A_126 = tpu.memref_slice %arg7[%add3A_114] : memref<10240xf32, #tpu.memory_space<vmem_shared>> -> memref<128xf32, #tpu.memory_space<vmem_shared>>
      tpu.wait_dma2 semaphore(%run_scoped3A : memref<!tpu.dma_semaphore, #tpu.memory_space<semaphore_mem>>) src(%arg6 : memref<128xf32, #tpu.memory_space<vmem>>) dst(%dma_wait3A_126 : memref<128xf32, #tpu.memory_space<vmem_shared>>)
      tpu.yield
    }) : () -> ()
    %barrier3A = arith.constant 0 : index
    tpu.barrier barrier_id(%barrier3A)
    "tpu.region"() ({
      %run_scoped3A = tpu.sem_alloc : memref<!tpu.dma_semaphore, #tpu.memory_space<semaphore_mem>>
      %dma_start3A = arith.constant 0 : i32
      %dma_start3A_125 = arith.constant 0 : i32
      %dma_start3A_126 = tpu.memref_slice %arg2[%add3A, %dma_start3A, %dma_start3A_125] : memref<32x80x128xi32, #tpu.memory_space<hbm>> -> memref<1x80x128xi32, #tpu.memory_space<hbm>>
      %dma_start3A_127 = tpu.memref_squeeze %dma_start3A_126 : memref<1x80x128xi32, #tpu.memory_space<hbm>> -> memref<80x128xi32, #tpu.memory_space<hbm>>
      %dma_start3A_128 = arith.constant 0 : i32
      %dma_start3A_129 = arith.constant 0 : i32
      %dma_start3A_130 = tpu.memref_slice %arg2[%add3A, %dma_start3A_128, %dma_start3A_129] : memref<32x80x128xi32, #tpu.memory_space<hbm>> -> memref<1x80x128xi32, #tpu.memory_space<hbm>>
      %dma_start3A_131 = tpu.memref_squeeze %dma_start3A_130 : memref<1x80x128xi32, #tpu.memory_space<hbm>> -> memref<80x128xi32, #tpu.memory_space<hbm>>
      tpu.enqueue_dma source(%dma_start3A_131 : memref<80x128xi32, #tpu.memory_space<hbm>>) target(%arg4 : memref<80x128xi32, #tpu.memory_space<vmem>>) target_semaphore(%run_scoped3A : memref<!tpu.dma_semaphore, #tpu.memory_space<semaphore_mem>>)
      %dma_wait3A = arith.constant 0 : i32
      %dma_wait3A_132 = arith.constant 0 : i32
      %dma_wait3A_133 = tpu.memref_slice %arg2[%add3A, %dma_wait3A, %dma_wait3A_132] : memref<32x80x128xi32, #tpu.memory_space<hbm>> -> memref<1x80x128xi32, #tpu.memory_space<hbm>>
      %dma_wait3A_134 = tpu.memref_squeeze %dma_wait3A_133 : memref<1x80x128xi32, #tpu.memory_space<hbm>> -> memref<80x128xi32, #tpu.memory_space<hbm>>
      %dma_wait3A_135 = arith.constant 0 : i32
      %dma_wait3A_136 = arith.constant 0 : i32
      %dma_wait3A_137 = tpu.memref_slice %arg2[%add3A, %dma_wait3A_135, %dma_wait3A_136] : memref<32x80x128xi32, #tpu.memory_space<hbm>> -> memref<1x80x128xi32, #tpu.memory_space<hbm>>
      %dma_wait3A_138 = tpu.memref_squeeze %dma_wait3A_137 : memref<1x80x128xi32, #tpu.memory_space<hbm>> -> memref<80x128xi32, #tpu.memory_space<hbm>>
      tpu.wait_dma2 semaphore(%run_scoped3A : memref<!tpu.dma_semaphore, #tpu.memory_space<semaphore_mem>>) src(%dma_wait3A_138 : memref<80x128xi32, #tpu.memory_space<hbm>>) dst(%arg4 : memref<80x128xi32, #tpu.memory_space<vmem>>)
      tpu.yield
    }) : () -> ()
    %scan3A = arith.constant 0 : i32
    %scan3A_115 = arith.constant 0 : i32
    %scan3A_116 = arith.constant 80 : i32
    %scan3A_117 = arith.addi %scan3A_115, %scan3A_116 : i32
    %scan3A_118 = arith.constant 1 : i32
    scf.for %scan3A_125 = %scan3A_115 to %scan3A_117 step %scan3A_118  : i32 {
      "tpu.region"() ({
        %run_scoped3A = tpu.sem_alloc : memref<!tpu.dma_semaphore, #tpu.memory_space<semaphore_mem>>
        %dma_start3A = arith.constant 0 : i32
        %dma_start3A_126 = tpu.memref_slice %arg5[%dma_start3A] : memref<128xf32, #tpu.memory_space<vmem>> -> memref<128xf32, #tpu.memory_space<vmem>>
        %dma_start3A_127 = arith.constant 0 : i32
        %dma_start3A_128 = tpu.memref_slice %arg4[%scan3A_125, %dma_start3A_127] : memref<80x128xi32, #tpu.memory_space<vmem>> -> memref<1x128xi32, #tpu.memory_space<vmem>>
        %dma_start3A_129 = tpu.memref_squeeze %dma_start3A_128 : memref<1x128xi32, #tpu.memory_space<vmem>> -> memref<128xi32, #tpu.memory_space<vmem>>
        %dma_start3A_130 = arith.constant 0 : i32
        %dma_start3A_131 = tpu.memref_slice %arg7[%dma_start3A_130] : memref<10240xf32, #tpu.memory_space<vmem_shared>> -> memref<10240xf32, #tpu.memory_space<vmem_shared>>
        tpu.enqueue_indirect_dma source(%dma_start3A_126 : memref<128xf32, #tpu.memory_space<vmem>>) target(%dma_start3A_131 : memref<10240xf32, #tpu.memory_space<vmem_shared>>) offsets(%dma_start3A_129 : memref<128xi32, #tpu.memory_space<vmem>>) semaphore(%run_scoped3A : memref<!tpu.dma_semaphore, #tpu.memory_space<semaphore_mem>>) {add = true}
        %dma_wait3A = arith.constant 0 : i32
        %dma_wait3A_132 = tpu.memref_slice %arg5[%dma_wait3A] : memref<128xf32, #tpu.memory_space<vmem>> -> memref<128xf32, #tpu.memory_space<vmem>>
        %dma_wait3A_133 = arith.constant 0 : i32
        %dma_wait3A_134 = tpu.memref_slice %arg4[%scan3A_125, %dma_wait3A_133] : memref<80x128xi32, #tpu.memory_space<vmem>> -> memref<1x128xi32, #tpu.memory_space<vmem>>
        %dma_wait3A_135 = tpu.memref_squeeze %dma_wait3A_134 : memref<1x128xi32, #tpu.memory_space<vmem>> -> memref<128xi32, #tpu.memory_space<vmem>>
        %dma_wait3A_136 = arith.constant 0 : i32
        %dma_wait3A_137 = tpu.memref_slice %arg7[%dma_wait3A_136] : memref<10240xf32, #tpu.memory_space<vmem_shared>> -> memref<10240xf32, #tpu.memory_space<vmem_shared>>
        tpu.wait_indirect_dma semaphore(%run_scoped3A : memref<!tpu.dma_semaphore, #tpu.memory_space<semaphore_mem>>) src(%dma_wait3A_132 : memref<128xf32, #tpu.memory_space<vmem>>) dst(%dma_wait3A_137 : memref<10240xf32, #tpu.memory_space<vmem_shared>>)
        tpu.yield
      }) : () -> ()
    }
    %scan3A_119 = arith.constant 80 : i32
    %barrier3A_120 = arith.constant 0 : index
    tpu.barrier barrier_id(%barrier3A_120)
    %mul3A_121 = arith.constant 640 : i32
    %mul3A_122 = arith.muli %arg1, %mul3A_121 : i32
    %mul3A_123 = arith.constant 640 : i32
    %mul3A_124 = arith.muli %arg1, %mul3A_123 : i32
    "tpu.region"() ({
      %run_scoped3A = tpu.sem_alloc : memref<!tpu.dma_semaphore, #tpu.memory_space<semaphore_mem>>
      %dma_start3A = tpu.memref_slice %arg3[%arg0, %mul3A_124] : memref<2x10240xf32, #tpu.memory_space<hbm>> -> memref<1x640xf32, #tpu.memory_space<hbm>>
      %dma_start3A_125 = tpu.memref_squeeze %dma_start3A : memref<1x640xf32, #tpu.memory_space<hbm>> -> memref<640xf32, #tpu.memory_space<hbm>>
      %dma_start3A_126 = tpu.memref_slice %arg7[%mul3A_122] : memref<10240xf32, #tpu.memory_space<vmem_shared>> -> memref<640xf32, #tpu.memory_space<vmem_shared>>
      tpu.enqueue_dma source(%dma_start3A_126 : memref<640xf32, #tpu.memory_space<vmem_shared>>) target(%dma_start3A_125 : memref<640xf32, #tpu.memory_space<hbm>>) target_semaphore(%run_scoped3A : memref<!tpu.dma_semaphore, #tpu.memory_space<semaphore_mem>>)
      %dma_wait3A = tpu.memref_slice %arg3[%arg0, %mul3A_124] : memref<2x10240xf32, #tpu.memory_space<hbm>> -> memref<1x640xf32, #tpu.memory_space<hbm>>
      %dma_wait3A_127 = tpu.memref_squeeze %dma_wait3A : memref<1x640xf32, #tpu.memory_space<hbm>> -> memref<640xf32, #tpu.memory_space<hbm>>
      %dma_wait3A_128 = tpu.memref_slice %arg7[%mul3A_122] : memref<10240xf32, #tpu.memory_space<vmem_shared>> -> memref<640xf32, #tpu.memory_space<vmem_shared>>
      tpu.wait_dma2 semaphore(%run_scoped3A : memref<!tpu.dma_semaphore, #tpu.memory_space<semaphore_mem>>) src(%dma_wait3A_128 : memref<640xf32, #tpu.memory_space<vmem_shared>>) dst(%dma_wait3A_127 : memref<640xf32, #tpu.memory_space<hbm>>)
      tpu.yield
    }) : () -> ()
    return
  }
}

#map = affine_map<(d0, d1) -> (0, 0)>
#map1 = affine_map<(d0, d1) -> (0, 0, 0)>
module attributes {stable_mosaic.version = 14 : i64} {
  func.func @_sc_aggregate(%arg0: i32, %arg1: i32, %arg2: memref<10000x128xf32, #tpu.memory_space<hbm>>, %arg3: memref<32x80x128xi32, #tpu.memory_space<hbm>>, %arg4: memref<32x80x128xi32, #tpu.memory_space<hbm>>, %arg5: memref<2x10240x128xf32, #tpu.memory_space<hbm>>, %arg6: memref<80x128xi32, #tpu.memory_space<vmem>>, %arg7: memref<16x128xi32, #tpu.memory_space<vmem>>, %arg8: memref<16x128xi32, #tpu.memory_space<vmem>>, %arg9: memref<128x128xf32, #tpu.memory_space<vmem>>, %arg10: memref<128x128xf32, #tpu.memory_space<vmem>>, %arg11: memref<10240x128xf32, #tpu.memory_space<vmem_shared>>, %arg12: memref<!tpu.dma_semaphore, #tpu.memory_space<semaphore_mem>>, %arg13: memref<!tpu.dma_semaphore, #tpu.memory_space<semaphore_mem>>, %arg14: memref<!tpu.dma_semaphore, #tpu.memory_space<semaphore_mem>>) attributes {dimension_semantics = [#tpu.dimension_semantics<core_parallel>, #tpu.dimension_semantics<subcore_parallel>], iteration_bounds = array<i64: 2, 16>, scalar_prefetch = 0 : i64, scratch_operands = 9 : i64, tpu.core_type = #tpu.core_type<sc_vector_subcore>, window_params = [{transform_indices = #map}, {transform_indices = #map1}, {transform_indices = #map1}, {transform_indices = #map1}]} {
    %mul3A = arith.constant 16 : i32
    %mul3A_0 = arith.muli %arg0, %mul3A : i32
    %add3A = arith.addi %mul3A_0, %arg1 : i32
    %dma_start3A = arith.constant 0 : i32
    %dma_start3A_1 = arith.constant 0 : i32
    %dma_start3A_2 = tpu.memref_slice %arg3[%add3A, %dma_start3A, %dma_start3A_1] : memref<32x80x128xi32, #tpu.memory_space<hbm>> -> memref<1x80x128xi32, #tpu.memory_space<hbm>>
    %dma_start3A_3 = tpu.memref_squeeze %dma_start3A_2 : memref<1x80x128xi32, #tpu.memory_space<hbm>> -> memref<80x128xi32, #tpu.memory_space<hbm>>
    %dma_start3A_4 = arith.constant 0 : i32
    %dma_start3A_5 = arith.constant 0 : i32
    %dma_start3A_6 = tpu.memref_slice %arg3[%add3A, %dma_start3A_4, %dma_start3A_5] : memref<32x80x128xi32, #tpu.memory_space<hbm>> -> memref<1x80x128xi32, #tpu.memory_space<hbm>>
    %dma_start3A_7 = tpu.memref_squeeze %dma_start3A_6 : memref<1x80x128xi32, #tpu.memory_space<hbm>> -> memref<80x128xi32, #tpu.memory_space<hbm>>
    tpu.enqueue_dma source(%dma_start3A_7 : memref<80x128xi32, #tpu.memory_space<hbm>>) target(%arg6 : memref<80x128xi32, #tpu.memory_space<vmem>>) target_semaphore(%arg12 : memref<!tpu.dma_semaphore, #tpu.memory_space<semaphore_mem>>)
    %dma_start3A_8 = arith.constant 0 : i32
    %dma_start3A_9 = arith.constant 0 : i32
    %dma_start3A_10 = tpu.memref_slice %arg4[%add3A, %dma_start3A_8, %dma_start3A_9] : memref<32x80x128xi32, #tpu.memory_space<hbm>> -> memref<1x16x128xi32, #tpu.memory_space<hbm>>
    %dma_start3A_11 = tpu.memref_squeeze %dma_start3A_10 : memref<1x16x128xi32, #tpu.memory_space<hbm>> -> memref<16x128xi32, #tpu.memory_space<hbm>>
    %dma_start3A_12 = arith.constant 0 : i32
    %dma_start3A_13 = arith.constant 0 : i32
    %dma_start3A_14 = tpu.memref_slice %arg4[%add3A, %dma_start3A_12, %dma_start3A_13] : memref<32x80x128xi32, #tpu.memory_space<hbm>> -> memref<1x16x128xi32, #tpu.memory_space<hbm>>
    %dma_start3A_15 = tpu.memref_squeeze %dma_start3A_14 : memref<1x16x128xi32, #tpu.memory_space<hbm>> -> memref<16x128xi32, #tpu.memory_space<hbm>>
    tpu.enqueue_dma source(%dma_start3A_15 : memref<16x128xi32, #tpu.memory_space<hbm>>) target(%arg7 : memref<16x128xi32, #tpu.memory_space<vmem>>) target_semaphore(%arg14 : memref<!tpu.dma_semaphore, #tpu.memory_space<semaphore_mem>>)
    %scan3A = arith.constant 0 : i32
    %scan3A_16 = arith.constant 0 : i32
    %scan3A_17 = arith.constant 128 : i32
    %scan3A_18 = arith.addi %scan3A_16, %scan3A_17 : i32
    %scan3A_19 = arith.constant 1 : i32
    scf.for %scan3A_154 = %scan3A_16 to %scan3A_18 step %scan3A_19  : i32 {
      %broadcast_in_dim3A = arith.constant 0.000000e+00 : f32
      %broadcast_in_dim3A_155 = vector.broadcast %broadcast_in_dim3A : f32 to vector<16xf32>
      %swap3A = arith.index_cast %scan3A_154 : i32 to index
      %swap3A_156 = arith.constant 0 : index
      %swap3A_157 = tpu.vector_load %arg9[%swap3A, %swap3A_156] {strides = array<i32>} : memref<128x128xf32, #tpu.memory_space<vmem>>, vector<1x16xf32>,
      %swap3A_158 = vector.shape_cast %swap3A_157 : vector<1x16xf32> to vector<16xf32>
      %swap3A_159 = vector.shape_cast %broadcast_in_dim3A_155 : vector<16xf32> to vector<1x16xf32>
      tpu.vector_store %arg9[%swap3A, %swap3A_156], %swap3A_159 {strides = array<i32>} : memref<128x128xf32, #tpu.memory_space<vmem>>, vector<1x16xf32>,
      %broadcast_in_dim3A_160 = arith.constant 0.000000e+00 : f32
      %broadcast_in_dim3A_161 = vector.broadcast %broadcast_in_dim3A_160 : f32 to vector<16xf32>
      %swap3A_162 = arith.index_cast %scan3A_154 : i32 to index
      %swap3A_163 = arith.constant 16 : index
      %swap3A_164 = tpu.vector_load %arg9[%swap3A_162, %swap3A_163] {strides = array<i32>} : memref<128x128xf32, #tpu.memory_space<vmem>>, vector<1x16xf32>,
      %swap3A_165 = vector.shape_cast %swap3A_164 : vector<1x16xf32> to vector<16xf32>
      %swap3A_166 = vector.shape_cast %broadcast_in_dim3A_161 : vector<16xf32> to vector<1x16xf32>
      tpu.vector_store %arg9[%swap3A_162, %swap3A_163], %swap3A_166 {strides = array<i32>} : memref<128x128xf32, #tpu.memory_space<vmem>>, vector<1x16xf32>,
      %broadcast_in_dim3A_167 = arith.constant 0.000000e+00 : f32
      %broadcast_in_dim3A_168 = vector.broadcast %broadcast_in_dim3A_167 : f32 to vector<16xf32>
      %swap3A_169 = arith.index_cast %scan3A_154 : i32 to index
      %swap3A_170 = arith.constant 32 : index
      %swap3A_171 = tpu.vector_load %arg9[%swap3A_169, %swap3A_170] {strides = array<i32>} : memref<128x128xf32, #tpu.memory_space<vmem>>, vector<1x16xf32>,
      %swap3A_172 = vector.shape_cast %swap3A_171 : vector<1x16xf32> to vector<16xf32>
      %swap3A_173 = vector.shape_cast %broadcast_in_dim3A_168 : vector<16xf32> to vector<1x16xf32>
      tpu.vector_store %arg9[%swap3A_169, %swap3A_170], %swap3A_173 {strides = array<i32>} : memref<128x128xf32, #tpu.memory_space<vmem>>, vector<1x16xf32>,
      %broadcast_in_dim3A_174 = arith.constant 0.000000e+00 : f32
      %broadcast_in_dim3A_175 = vector.broadcast %broadcast_in_dim3A_174 : f32 to vector<16xf32>
      %swap3A_176 = arith.index_cast %scan3A_154 : i32 to index
      %swap3A_177 = arith.constant 48 : index
      %swap3A_178 = tpu.vector_load %arg9[%swap3A_176, %swap3A_177] {strides = array<i32>} : memref<128x128xf32, #tpu.memory_space<vmem>>, vector<1x16xf32>,
      %swap3A_179 = vector.shape_cast %swap3A_178 : vector<1x16xf32> to vector<16xf32>
      %swap3A_180 = vector.shape_cast %broadcast_in_dim3A_175 : vector<16xf32> to vector<1x16xf32>
      tpu.vector_store %arg9[%swap3A_176, %swap3A_177], %swap3A_180 {strides = array<i32>} : memref<128x128xf32, #tpu.memory_space<vmem>>, vector<1x16xf32>,
      %broadcast_in_dim3A_181 = arith.constant 0.000000e+00 : f32
      %broadcast_in_dim3A_182 = vector.broadcast %broadcast_in_dim3A_181 : f32 to vector<16xf32>
      %swap3A_183 = arith.index_cast %scan3A_154 : i32 to index
      %swap3A_184 = arith.constant 64 : index
      %swap3A_185 = tpu.vector_load %arg9[%swap3A_183, %swap3A_184] {strides = array<i32>} : memref<128x128xf32, #tpu.memory_space<vmem>>, vector<1x16xf32>,
      %swap3A_186 = vector.shape_cast %swap3A_185 : vector<1x16xf32> to vector<16xf32>
      %swap3A_187 = vector.shape_cast %broadcast_in_dim3A_182 : vector<16xf32> to vector<1x16xf32>
      tpu.vector_store %arg9[%swap3A_183, %swap3A_184], %swap3A_187 {strides = array<i32>} : memref<128x128xf32, #tpu.memory_space<vmem>>, vector<1x16xf32>,
      %broadcast_in_dim3A_188 = arith.constant 0.000000e+00 : f32
      %broadcast_in_dim3A_189 = vector.broadcast %broadcast_in_dim3A_188 : f32 to vector<16xf32>
      %swap3A_190 = arith.index_cast %scan3A_154 : i32 to index
      %swap3A_191 = arith.constant 80 : index
      %swap3A_192 = tpu.vector_load %arg9[%swap3A_190, %swap3A_191] {strides = array<i32>} : memref<128x128xf32, #tpu.memory_space<vmem>>, vector<1x16xf32>,
      %swap3A_193 = vector.shape_cast %swap3A_192 : vector<1x16xf32> to vector<16xf32>
      %swap3A_194 = vector.shape_cast %broadcast_in_dim3A_189 : vector<16xf32> to vector<1x16xf32>
      tpu.vector_store %arg9[%swap3A_190, %swap3A_191], %swap3A_194 {strides = array<i32>} : memref<128x128xf32, #tpu.memory_space<vmem>>, vector<1x16xf32>,
      %broadcast_in_dim3A_195 = arith.constant 0.000000e+00 : f32
      %broadcast_in_dim3A_196 = vector.broadcast %broadcast_in_dim3A_195 : f32 to vector<16xf32>
      %swap3A_197 = arith.index_cast %scan3A_154 : i32 to index
      %swap3A_198 = arith.constant 96 : index
      %swap3A_199 = tpu.vector_load %arg9[%swap3A_197, %swap3A_198] {strides = array<i32>} : memref<128x128xf32, #tpu.memory_space<vmem>>, vector<1x16xf32>,
      %swap3A_200 = vector.shape_cast %swap3A_199 : vector<1x16xf32> to vector<16xf32>
      %swap3A_201 = vector.shape_cast %broadcast_in_dim3A_196 : vector<16xf32> to vector<1x16xf32>
      tpu.vector_store %arg9[%swap3A_197, %swap3A_198], %swap3A_201 {strides = array<i32>} : memref<128x128xf32, #tpu.memory_space<vmem>>, vector<1x16xf32>,
      %broadcast_in_dim3A_202 = arith.constant 0.000000e+00 : f32
      %broadcast_in_dim3A_203 = vector.broadcast %broadcast_in_dim3A_202 : f32 to vector<16xf32>
      %swap3A_204 = arith.index_cast %scan3A_154 : i32 to index
      %swap3A_205 = arith.constant 112 : index
      %swap3A_206 = tpu.vector_load %arg9[%swap3A_204, %swap3A_205] {strides = array<i32>} : memref<128x128xf32, #tpu.memory_space<vmem>>, vector<1x16xf32>,
      %swap3A_207 = vector.shape_cast %swap3A_206 : vector<1x16xf32> to vector<16xf32>
      %swap3A_208 = vector.shape_cast %broadcast_in_dim3A_203 : vector<16xf32> to vector<1x16xf32>
      tpu.vector_store %arg9[%swap3A_204, %swap3A_205], %swap3A_208 {strides = array<i32>} : memref<128x128xf32, #tpu.memory_space<vmem>>, vector<1x16xf32>,
    }
    %scan3A_20 = arith.constant 128 : i32
    %mul3A_21 = arith.constant 640 : i32
    %mul3A_22 = arith.muli %arg1, %mul3A_21 : i32
    %add3A_23 = arith.constant 0 : i32
    %add3A_24 = arith.addi %mul3A_22, %add3A_23 : i32
    "tpu.region"() ({
      %run_scoped3A = tpu.sem_alloc : memref<!tpu.dma_semaphore, #tpu.memory_space<semaphore_mem>>
      %dma_start3A_154 = arith.constant 0 : i32
      %dma_start3A_155 = tpu.memref_slice %arg11[%add3A_24, %dma_start3A_154] : memref<10240x128xf32, #tpu.memory_space<vmem_shared>> -> memref<128x128xf32, #tpu.memory_space<vmem_shared>>
      %dma_start3A_156 = arith.constant 0 : i32
      %dma_start3A_157 = tpu.memref_slice %arg11[%add3A_24, %dma_start3A_156] : memref<10240x128xf32, #tpu.memory_space<vmem_shared>> -> memref<128x128xf32, #tpu.memory_space<vmem_shared>>
      tpu.enqueue_dma source(%arg9 : memref<128x128xf32, #tpu.memory_space<vmem>>) target(%dma_start3A_157 : memref<128x128xf32, #tpu.memory_space<vmem_shared>>) target_semaphore(%run_scoped3A : memref<!tpu.dma_semaphore, #tpu.memory_space<semaphore_mem>>)
      %dma_wait3A_158 = arith.constant 0 : i32
      %dma_wait3A_159 = tpu.memref_slice %arg11[%add3A_24, %dma_wait3A_158] : memref<10240x128xf32, #tpu.memory_space<vmem_shared>> -> memref<128x128xf32, #tpu.memory_space<vmem_shared>>
      %dma_wait3A_160 = arith.constant 0 : i32
      %dma_wait3A_161 = tpu.memref_slice %arg11[%add3A_24, %dma_wait3A_160] : memref<10240x128xf32, #tpu.memory_space<vmem_shared>> -> memref<128x128xf32, #tpu.memory_space<vmem_shared>>
      tpu.wait_dma2 semaphore(%run_scoped3A : memref<!tpu.dma_semaphore, #tpu.memory_space<semaphore_mem>>) src(%arg9 : memref<128x128xf32, #tpu.memory_space<vmem>>) dst(%dma_wait3A_161 : memref<128x128xf32, #tpu.memory_space<vmem_shared>>)
      tpu.yield
    }) : () -> ()
    %add3A_25 = arith.constant 128 : i32
    %add3A_26 = arith.addi %mul3A_22, %add3A_25 : i32
    "tpu.region"() ({
      %run_scoped3A = tpu.sem_alloc : memref<!tpu.dma_semaphore, #tpu.memory_space<semaphore_mem>>
      %dma_start3A_154 = arith.constant 0 : i32
      %dma_start3A_155 = tpu.memref_slice %arg11[%add3A_26, %dma_start3A_154] : memref<10240x128xf32, #tpu.memory_space<vmem_shared>> -> memref<128x128xf32, #tpu.memory_space<vmem_shared>>
      %dma_start3A_156 = arith.constant 0 : i32
      %dma_start3A_157 = tpu.memref_slice %arg11[%add3A_26, %dma_start3A_156] : memref<10240x128xf32, #tpu.memory_space<vmem_shared>> -> memref<128x128xf32, #tpu.memory_space<vmem_shared>>
      tpu.enqueue_dma source(%arg9 : memref<128x128xf32, #tpu.memory_space<vmem>>) target(%dma_start3A_157 : memref<128x128xf32, #tpu.memory_space<vmem_shared>>) target_semaphore(%run_scoped3A : memref<!tpu.dma_semaphore, #tpu.memory_space<semaphore_mem>>)
      %dma_wait3A_158 = arith.constant 0 : i32
      %dma_wait3A_159 = tpu.memref_slice %arg11[%add3A_26, %dma_wait3A_158] : memref<10240x128xf32, #tpu.memory_space<vmem_shared>> -> memref<128x128xf32, #tpu.memory_space<vmem_shared>>
      %dma_wait3A_160 = arith.constant 0 : i32
      %dma_wait3A_161 = tpu.memref_slice %arg11[%add3A_26, %dma_wait3A_160] : memref<10240x128xf32, #tpu.memory_space<vmem_shared>> -> memref<128x128xf32, #tpu.memory_space<vmem_shared>>
      tpu.wait_dma2 semaphore(%run_scoped3A : memref<!tpu.dma_semaphore, #tpu.memory_space<semaphore_mem>>) src(%arg9 : memref<128x128xf32, #tpu.memory_space<vmem>>) dst(%dma_wait3A_161 : memref<128x128xf32, #tpu.memory_space<vmem_shared>>)
      tpu.yield
    }) : () -> ()
    %add3A_27 = arith.constant 256 : i32
    %add3A_28 = arith.addi %mul3A_22, %add3A_27 : i32
    "tpu.region"() ({
      %run_scoped3A = tpu.sem_alloc : memref<!tpu.dma_semaphore, #tpu.memory_space<semaphore_mem>>
      %dma_start3A_154 = arith.constant 0 : i32
      %dma_start3A_155 = tpu.memref_slice %arg11[%add3A_28, %dma_start3A_154] : memref<10240x128xf32, #tpu.memory_space<vmem_shared>> -> memref<128x128xf32, #tpu.memory_space<vmem_shared>>
      %dma_start3A_156 = arith.constant 0 : i32
      %dma_start3A_157 = tpu.memref_slice %arg11[%add3A_28, %dma_start3A_156] : memref<10240x128xf32, #tpu.memory_space<vmem_shared>> -> memref<128x128xf32, #tpu.memory_space<vmem_shared>>
      tpu.enqueue_dma source(%arg9 : memref<128x128xf32, #tpu.memory_space<vmem>>) target(%dma_start3A_157 : memref<128x128xf32, #tpu.memory_space<vmem_shared>>) target_semaphore(%run_scoped3A : memref<!tpu.dma_semaphore, #tpu.memory_space<semaphore_mem>>)
      %dma_wait3A_158 = arith.constant 0 : i32
      %dma_wait3A_159 = tpu.memref_slice %arg11[%add3A_28, %dma_wait3A_158] : memref<10240x128xf32, #tpu.memory_space<vmem_shared>> -> memref<128x128xf32, #tpu.memory_space<vmem_shared>>
      %dma_wait3A_160 = arith.constant 0 : i32
      %dma_wait3A_161 = tpu.memref_slice %arg11[%add3A_28, %dma_wait3A_160] : memref<10240x128xf32, #tpu.memory_space<vmem_shared>> -> memref<128x128xf32, #tpu.memory_space<vmem_shared>>
      tpu.wait_dma2 semaphore(%run_scoped3A : memref<!tpu.dma_semaphore, #tpu.memory_space<semaphore_mem>>) src(%arg9 : memref<128x128xf32, #tpu.memory_space<vmem>>) dst(%dma_wait3A_161 : memref<128x128xf32, #tpu.memory_space<vmem_shared>>)
      tpu.yield
    }) : () -> ()
    %add3A_29 = arith.constant 384 : i32
    %add3A_30 = arith.addi %mul3A_22, %add3A_29 : i32
    "tpu.region"() ({
      %run_scoped3A = tpu.sem_alloc : memref<!tpu.dma_semaphore, #tpu.memory_space<semaphore_mem>>
      %dma_start3A_154 = arith.constant 0 : i32
      %dma_start3A_155 = tpu.memref_slice %arg11[%add3A_30, %dma_start3A_154] : memref<10240x128xf32, #tpu.memory_space<vmem_shared>> -> memref<128x128xf32, #tpu.memory_space<vmem_shared>>
      %dma_start3A_156 = arith.constant 0 : i32
      %dma_start3A_157 = tpu.memref_slice %arg11[%add3A_30, %dma_start3A_156] : memref<10240x128xf32, #tpu.memory_space<vmem_shared>> -> memref<128x128xf32, #tpu.memory_space<vmem_shared>>
      tpu.enqueue_dma source(%arg9 : memref<128x128xf32, #tpu.memory_space<vmem>>) target(%dma_start3A_157 : memref<128x128xf32, #tpu.memory_space<vmem_shared>>) target_semaphore(%run_scoped3A : memref<!tpu.dma_semaphore, #tpu.memory_space<semaphore_mem>>)
      %dma_wait3A_158 = arith.constant 0 : i32
      %dma_wait3A_159 = tpu.memref_slice %arg11[%add3A_30, %dma_wait3A_158] : memref<10240x128xf32, #tpu.memory_space<vmem_shared>> -> memref<128x128xf32, #tpu.memory_space<vmem_shared>>
      %dma_wait3A_160 = arith.constant 0 : i32
      %dma_wait3A_161 = tpu.memref_slice %arg11[%add3A_30, %dma_wait3A_160] : memref<10240x128xf32, #tpu.memory_space<vmem_shared>> -> memref<128x128xf32, #tpu.memory_space<vmem_shared>>
      tpu.wait_dma2 semaphore(%run_scoped3A : memref<!tpu.dma_semaphore, #tpu.memory_space<semaphore_mem>>) src(%arg9 : memref<128x128xf32, #tpu.memory_space<vmem>>) dst(%dma_wait3A_161 : memref<128x128xf32, #tpu.memory_space<vmem_shared>>)
      tpu.yield
    }) : () -> ()
    %add3A_31 = arith.constant 512 : i32
    %add3A_32 = arith.addi %mul3A_22, %add3A_31 : i32
    "tpu.region"() ({
      %run_scoped3A = tpu.sem_alloc : memref<!tpu.dma_semaphore, #tpu.memory_space<semaphore_mem>>
      %dma_start3A_154 = arith.constant 0 : i32
      %dma_start3A_155 = tpu.memref_slice %arg11[%add3A_32, %dma_start3A_154] : memref<10240x128xf32, #tpu.memory_space<vmem_shared>> -> memref<128x128xf32, #tpu.memory_space<vmem_shared>>
      %dma_start3A_156 = arith.constant 0 : i32
      %dma_start3A_157 = tpu.memref_slice %arg11[%add3A_32, %dma_start3A_156] : memref<10240x128xf32, #tpu.memory_space<vmem_shared>> -> memref<128x128xf32, #tpu.memory_space<vmem_shared>>
      tpu.enqueue_dma source(%arg9 : memref<128x128xf32, #tpu.memory_space<vmem>>) target(%dma_start3A_157 : memref<128x128xf32, #tpu.memory_space<vmem_shared>>) target_semaphore(%run_scoped3A : memref<!tpu.dma_semaphore, #tpu.memory_space<semaphore_mem>>)
      %dma_wait3A_158 = arith.constant 0 : i32
      %dma_wait3A_159 = tpu.memref_slice %arg11[%add3A_32, %dma_wait3A_158] : memref<10240x128xf32, #tpu.memory_space<vmem_shared>> -> memref<128x128xf32, #tpu.memory_space<vmem_shared>>
      %dma_wait3A_160 = arith.constant 0 : i32
      %dma_wait3A_161 = tpu.memref_slice %arg11[%add3A_32, %dma_wait3A_160] : memref<10240x128xf32, #tpu.memory_space<vmem_shared>> -> memref<128x128xf32, #tpu.memory_space<vmem_shared>>
      tpu.wait_dma2 semaphore(%run_scoped3A : memref<!tpu.dma_semaphore, #tpu.memory_space<semaphore_mem>>) src(%arg9 : memref<128x128xf32, #tpu.memory_space<vmem>>) dst(%dma_wait3A_161 : memref<128x128xf32, #tpu.memory_space<vmem_shared>>)
      tpu.yield
    }) : () -> ()
    %dma_wait3A = arith.constant 0 : i32
    %dma_wait3A_33 = arith.constant 0 : i32
    %dma_wait3A_34 = tpu.memref_slice %arg3[%add3A, %dma_wait3A, %dma_wait3A_33] : memref<32x80x128xi32, #tpu.memory_space<hbm>> -> memref<1x80x128xi32, #tpu.memory_space<hbm>>
    %dma_wait3A_35 = tpu.memref_squeeze %dma_wait3A_34 : memref<1x80x128xi32, #tpu.memory_space<hbm>> -> memref<80x128xi32, #tpu.memory_space<hbm>>
    %dma_wait3A_36 = arith.constant 0 : i32
    %dma_wait3A_37 = arith.constant 0 : i32
    %dma_wait3A_38 = tpu.memref_slice %arg3[%add3A, %dma_wait3A_36, %dma_wait3A_37] : memref<32x80x128xi32, #tpu.memory_space<hbm>> -> memref<1x80x128xi32, #tpu.memory_space<hbm>>
    %dma_wait3A_39 = tpu.memref_squeeze %dma_wait3A_38 : memref<1x80x128xi32, #tpu.memory_space<hbm>> -> memref<80x128xi32, #tpu.memory_space<hbm>>
    tpu.wait_dma2 semaphore(%arg12 : memref<!tpu.dma_semaphore, #tpu.memory_space<semaphore_mem>>) src(%dma_wait3A_39 : memref<80x128xi32, #tpu.memory_space<hbm>>) dst(%arg6 : memref<80x128xi32, #tpu.memory_space<vmem>>)
    %dma_wait3A_40 = arith.constant 0 : i32
    %dma_wait3A_41 = arith.constant 0 : i32
    %dma_wait3A_42 = tpu.memref_slice %arg4[%add3A, %dma_wait3A_40, %dma_wait3A_41] : memref<32x80x128xi32, #tpu.memory_space<hbm>> -> memref<1x16x128xi32, #tpu.memory_space<hbm>>
    %dma_wait3A_43 = tpu.memref_squeeze %dma_wait3A_42 : memref<1x16x128xi32, #tpu.memory_space<hbm>> -> memref<16x128xi32, #tpu.memory_space<hbm>>
    %dma_wait3A_44 = arith.constant 0 : i32
    %dma_wait3A_45 = arith.constant 0 : i32
    %dma_wait3A_46 = tpu.memref_slice %arg4[%add3A, %dma_wait3A_44, %dma_wait3A_45] : memref<32x80x128xi32, #tpu.memory_space<hbm>> -> memref<1x16x128xi32, #tpu.memory_space<hbm>>
    %dma_wait3A_47 = tpu.memref_squeeze %dma_wait3A_46 : memref<1x16x128xi32, #tpu.memory_space<hbm>> -> memref<16x128xi32, #tpu.memory_space<hbm>>
    tpu.wait_dma2 semaphore(%arg14 : memref<!tpu.dma_semaphore, #tpu.memory_space<semaphore_mem>>) src(%dma_wait3A_47 : memref<16x128xi32, #tpu.memory_space<hbm>>) dst(%arg7 : memref<16x128xi32, #tpu.memory_space<vmem>>)
    %barrier3A = arith.constant 0 : index
    tpu.barrier barrier_id(%barrier3A)
    %dma_start3A_48 = arith.constant 0 : i32
    %dma_start3A_49 = arith.constant 0 : i32
    %dma_start3A_50 = tpu.memref_slice %arg6[%dma_start3A_48, %dma_start3A_49] : memref<80x128xi32, #tpu.memory_space<vmem>> -> memref<1x128xi32, #tpu.memory_space<vmem>>
    %dma_start3A_51 = tpu.memref_squeeze %dma_start3A_50 : memref<1x128xi32, #tpu.memory_space<vmem>> -> memref<128xi32, #tpu.memory_space<vmem>>
    %dma_start3A_52 = arith.constant 0 : i32
    %dma_start3A_53 = arith.constant 0 : i32
    %dma_start3A_54 = tpu.memref_slice %arg2[%dma_start3A_52, %dma_start3A_53] : memref<10000x128xf32, #tpu.memory_space<hbm>> -> memref<10000x128xf32, #tpu.memory_space<hbm>>
    tpu.enqueue_indirect_dma source(%dma_start3A_54 : memref<10000x128xf32, #tpu.memory_space<hbm>>) target(%arg9 : memref<128x128xf32, #tpu.memory_space<vmem>>) offsets(%dma_start3A_51 : memref<128xi32, #tpu.memory_space<vmem>>) semaphore(%arg12 : memref<!tpu.dma_semaphore, #tpu.memory_space<semaphore_mem>>)
    %dma_start3A_55 = arith.constant 16 : i32
    %dma_start3A_56 = arith.constant 0 : i32
    %dma_start3A_57 = tpu.memref_slice %arg4[%add3A, %dma_start3A_55, %dma_start3A_56] : memref<32x80x128xi32, #tpu.memory_space<hbm>> -> memref<1x16x128xi32, #tpu.memory_space<hbm>>
    %dma_start3A_58 = tpu.memref_squeeze %dma_start3A_57 : memref<1x16x128xi32, #tpu.memory_space<hbm>> -> memref<16x128xi32, #tpu.memory_space<hbm>>
    %dma_start3A_59 = arith.constant 16 : i32
    %dma_start3A_60 = arith.constant 0 : i32
    %dma_start3A_61 = tpu.memref_slice %arg4[%add3A, %dma_start3A_59, %dma_start3A_60] : memref<32x80x128xi32, #tpu.memory_space<hbm>> -> memref<1x16x128xi32, #tpu.memory_space<hbm>>
    %dma_start3A_62 = tpu.memref_squeeze %dma_start3A_61 : memref<1x16x128xi32, #tpu.memory_space<hbm>> -> memref<16x128xi32, #tpu.memory_space<hbm>>
    tpu.enqueue_dma source(%dma_start3A_62 : memref<16x128xi32, #tpu.memory_space<hbm>>) target(%arg8 : memref<16x128xi32, #tpu.memory_space<vmem>>) target_semaphore(%arg14 : memref<!tpu.dma_semaphore, #tpu.memory_space<semaphore_mem>>)
    %scan3A_63 = arith.constant 0 : i32
    %scan3A_64 = arith.constant 0 : i32
    %scan3A_65 = arith.constant 8 : i32
    %scan3A_66 = arith.addi %scan3A_64, %scan3A_65 : i32
    %scan3A_67 = arith.constant 1 : i32
    scf.for %scan3A_154 = %scan3A_64 to %scan3A_66 step %scan3A_67  : i32 {
      %mul3A_155 = arith.constant 2 : i32
      %mul3A_156 = arith.muli %mul3A_155, %scan3A_154 : i32
      %add3A_157 = arith.constant 0 : i32
      %add3A_158 = arith.addi %add3A_157, %mul3A_156 : i32
      %add3A_159 = arith.constant 1 : i32
      %add3A_160 = arith.addi %add3A_158, %add3A_159 : i32
      %dma_start3A_161 = arith.constant 0 : i32
      %dma_start3A_162 = tpu.memref_slice %arg6[%add3A_160, %dma_start3A_161] : memref<80x128xi32, #tpu.memory_space<vmem>> -> memref<1x128xi32, #tpu.memory_space<vmem>>
      %dma_start3A_163 = tpu.memref_squeeze %dma_start3A_162 : memref<1x128xi32, #tpu.memory_space<vmem>> -> memref<128xi32, #tpu.memory_space<vmem>>
      %dma_start3A_164 = arith.constant 0 : i32
      %dma_start3A_165 = arith.constant 0 : i32
      %dma_start3A_166 = tpu.memref_slice %arg2[%dma_start3A_164, %dma_start3A_165] : memref<10000x128xf32, #tpu.memory_space<hbm>> -> memref<10000x128xf32, #tpu.memory_space<hbm>>
      tpu.enqueue_indirect_dma source(%dma_start3A_166 : memref<10000x128xf32, #tpu.memory_space<hbm>>) target(%arg10 : memref<128x128xf32, #tpu.memory_space<vmem>>) offsets(%dma_start3A_163 : memref<128xi32, #tpu.memory_space<vmem>>) semaphore(%arg13 : memref<!tpu.dma_semaphore, #tpu.memory_space<semaphore_mem>>)
      %dma_wait3A_167 = arith.constant 0 : i32
      %dma_wait3A_168 = tpu.memref_slice %arg6[%add3A_158, %dma_wait3A_167] : memref<80x128xi32, #tpu.memory_space<vmem>> -> memref<1x128xi32, #tpu.memory_space<vmem>>
      %dma_wait3A_169 = tpu.memref_squeeze %dma_wait3A_168 : memref<1x128xi32, #tpu.memory_space<vmem>> -> memref<128xi32, #tpu.memory_space<vmem>>
      %dma_wait3A_170 = arith.constant 0 : i32
      %dma_wait3A_171 = arith.constant 0 : i32
      %dma_wait3A_172 = tpu.memref_slice %arg2[%dma_wait3A_170, %dma_wait3A_171] : memref<10000x128xf32, #tpu.memory_space<hbm>> -> memref<10000x128xf32, #tpu.memory_space<hbm>>
      tpu.wait_indirect_dma semaphore(%arg12 : memref<!tpu.dma_semaphore, #tpu.memory_space<semaphore_mem>>) src(%dma_wait3A_172 : memref<10000x128xf32, #tpu.memory_space<hbm>>) dst(%arg9 : memref<128x128xf32, #tpu.memory_space<vmem>>)
      %mul3A_173 = arith.constant 2 : i32
      %mul3A_174 = arith.muli %mul3A_173, %scan3A_154 : i32
      "tpu.region"() ({
        %run_scoped3A = tpu.sem_alloc : memref<!tpu.dma_semaphore, #tpu.memory_space<semaphore_mem>>
        %dma_start3A_191 = arith.constant 0 : i32
        %dma_start3A_192 = tpu.memref_slice %arg7[%mul3A_174, %dma_start3A_191] : memref<16x128xi32, #tpu.memory_space<vmem>> -> memref<1x128xi32, #tpu.memory_space<vmem>>
        %dma_start3A_193 = tpu.memref_squeeze %dma_start3A_192 : memref<1x128xi32, #tpu.memory_space<vmem>> -> memref<128xi32, #tpu.memory_space<vmem>>
        %dma_start3A_194 = arith.constant 0 : i32
        %dma_start3A_195 = arith.constant 0 : i32
        %dma_start3A_196 = tpu.memref_slice %arg11[%dma_start3A_194, %dma_start3A_195] : memref<10240x128xf32, #tpu.memory_space<vmem_shared>> -> memref<10240x128xf32, #tpu.memory_space<vmem_shared>>
        tpu.enqueue_indirect_dma source(%arg9 : memref<128x128xf32, #tpu.memory_space<vmem>>) target(%dma_start3A_196 : memref<10240x128xf32, #tpu.memory_space<vmem_shared>>) offsets(%dma_start3A_193 : memref<128xi32, #tpu.memory_space<vmem>>) semaphore(%run_scoped3A : memref<!tpu.dma_semaphore, #tpu.memory_space<semaphore_mem>>) {add = true}
        %dma_wait3A_197 = arith.constant 0 : i32
        %dma_wait3A_198 = tpu.memref_slice %arg7[%mul3A_174, %dma_wait3A_197] : memref<16x128xi32, #tpu.memory_space<vmem>> -> memref<1x128xi32, #tpu.memory_space<vmem>>
        %dma_wait3A_199 = tpu.memref_squeeze %dma_wait3A_198 : memref<1x128xi32, #tpu.memory_space<vmem>> -> memref<128xi32, #tpu.memory_space<vmem>>
        %dma_wait3A_200 = arith.constant 0 : i32
        %dma_wait3A_201 = arith.constant 0 : i32
        %dma_wait3A_202 = tpu.memref_slice %arg11[%dma_wait3A_200, %dma_wait3A_201] : memref<10240x128xf32, #tpu.memory_space<vmem_shared>> -> memref<10240x128xf32, #tpu.memory_space<vmem_shared>>
        tpu.wait_indirect_dma semaphore(%run_scoped3A : memref<!tpu.dma_semaphore, #tpu.memory_space<semaphore_mem>>) src(%arg9 : memref<128x128xf32, #tpu.memory_space<vmem>>) dst(%dma_wait3A_202 : memref<10240x128xf32, #tpu.memory_space<vmem_shared>>)
        tpu.yield
      }) : () -> ()
      %add3A_175 = arith.constant 2 : i32
      %add3A_176 = arith.addi %add3A_158, %add3A_175 : i32
      %lt3A = arith.constant 80 : i32
      %lt3A_177 = arith.cmpi slt, %add3A_176, %lt3A : i32
      %convert_element_type3A = arith.extui %lt3A_177 : i1 to i32
      %cond3A = arith.constant 0 : i32
      %cond3A_178 = arith.cmpi ne, %convert_element_type3A, %cond3A : i32
      scf.if %cond3A_178 {
        %add3A_191 = arith.constant 2 : i32
        %add3A_192 = arith.addi %add3A_158, %add3A_191 : i32
        %dma_start3A_193 = arith.constant 0 : i32
        %dma_start3A_194 = tpu.memref_slice %arg6[%add3A_192, %dma_start3A_193] : memref<80x128xi32, #tpu.memory_space<vmem>> -> memref<1x128xi32, #tpu.memory_space<vmem>>
        %dma_start3A_195 = tpu.memref_squeeze %dma_start3A_194 : memref<1x128xi32, #tpu.memory_space<vmem>> -> memref<128xi32, #tpu.memory_space<vmem>>
        %dma_start3A_196 = arith.constant 0 : i32
        %dma_start3A_197 = arith.constant 0 : i32
        %dma_start3A_198 = tpu.memref_slice %arg2[%dma_start3A_196, %dma_start3A_197] : memref<10000x128xf32, #tpu.memory_space<hbm>> -> memref<10000x128xf32, #tpu.memory_space<hbm>>
        tpu.enqueue_indirect_dma source(%dma_start3A_198 : memref<10000x128xf32, #tpu.memory_space<hbm>>) target(%arg9 : memref<128x128xf32, #tpu.memory_space<vmem>>) offsets(%dma_start3A_195 : memref<128xi32, #tpu.memory_space<vmem>>) semaphore(%arg12 : memref<!tpu.dma_semaphore, #tpu.memory_space<semaphore_mem>>)
      } else {
      }
      %add3A_179 = arith.constant 1 : i32
      %add3A_180 = arith.addi %add3A_158, %add3A_179 : i32
      %dma_wait3A_181 = arith.constant 0 : i32
      %dma_wait3A_182 = tpu.memref_slice %arg6[%add3A_180, %dma_wait3A_181] : memref<80x128xi32, #tpu.memory_space<vmem>> -> memref<1x128xi32, #tpu.memory_space<vmem>>
      %dma_wait3A_183 = tpu.memref_squeeze %dma_wait3A_182 : memref<1x128xi32, #tpu.memory_space<vmem>> -> memref<128xi32, #tpu.memory_space<vmem>>
      %dma_wait3A_184 = arith.constant 0 : i32
      %dma_wait3A_185 = arith.constant 0 : i32
      %dma_wait3A_186 = tpu.memref_slice %arg2[%dma_wait3A_184, %dma_wait3A_185] : memref<10000x128xf32, #tpu.memory_space<hbm>> -> memref<10000x128xf32, #tpu.memory_space<hbm>>
      tpu.wait_indirect_dma semaphore(%arg13 : memref<!tpu.dma_semaphore, #tpu.memory_space<semaphore_mem>>) src(%dma_wait3A_186 : memref<10000x128xf32, #tpu.memory_space<hbm>>) dst(%arg10 : memref<128x128xf32, #tpu.memory_space<vmem>>)
      %mul3A_187 = arith.constant 2 : i32
      %mul3A_188 = arith.muli %mul3A_187, %scan3A_154 : i32
      %add3A_189 = arith.constant 1 : i32
      %add3A_190 = arith.addi %mul3A_188, %add3A_189 : i32
      "tpu.region"() ({
        %run_scoped3A = tpu.sem_alloc : memref<!tpu.dma_semaphore, #tpu.memory_space<semaphore_mem>>
        %dma_start3A_191 = arith.constant 0 : i32
        %dma_start3A_192 = tpu.memref_slice %arg7[%add3A_190, %dma_start3A_191] : memref<16x128xi32, #tpu.memory_space<vmem>> -> memref<1x128xi32, #tpu.memory_space<vmem>>
        %dma_start3A_193 = tpu.memref_squeeze %dma_start3A_192 : memref<1x128xi32, #tpu.memory_space<vmem>> -> memref<128xi32, #tpu.memory_space<vmem>>
        %dma_start3A_194 = arith.constant 0 : i32
        %dma_start3A_195 = arith.constant 0 : i32
        %dma_start3A_196 = tpu.memref_slice %arg11[%dma_start3A_194, %dma_start3A_195] : memref<10240x128xf32, #tpu.memory_space<vmem_shared>> -> memref<10240x128xf32, #tpu.memory_space<vmem_shared>>
        tpu.enqueue_indirect_dma source(%arg10 : memref<128x128xf32, #tpu.memory_space<vmem>>) target(%dma_start3A_196 : memref<10240x128xf32, #tpu.memory_space<vmem_shared>>) offsets(%dma_start3A_193 : memref<128xi32, #tpu.memory_space<vmem>>) semaphore(%run_scoped3A : memref<!tpu.dma_semaphore, #tpu.memory_space<semaphore_mem>>) {add = true}
        %dma_wait3A_197 = arith.constant 0 : i32
        %dma_wait3A_198 = tpu.memref_slice %arg7[%add3A_190, %dma_wait3A_197] : memref<16x128xi32, #tpu.memory_space<vmem>> -> memref<1x128xi32, #tpu.memory_space<vmem>>
        %dma_wait3A_199 = tpu.memref_squeeze %dma_wait3A_198 : memref<1x128xi32, #tpu.memory_space<vmem>> -> memref<128xi32, #tpu.memory_space<vmem>>
        %dma_wait3A_200 = arith.constant 0 : i32
        %dma_wait3A_201 = arith.constant 0 : i32
        %dma_wait3A_202 = tpu.memref_slice %arg11[%dma_wait3A_200, %dma_wait3A_201] : memref<10240x128xf32, #tpu.memory_space<vmem_shared>> -> memref<10240x128xf32, #tpu.memory_space<vmem_shared>>
        tpu.wait_indirect_dma semaphore(%run_scoped3A : memref<!tpu.dma_semaphore, #tpu.memory_space<semaphore_mem>>) src(%arg10 : memref<128x128xf32, #tpu.memory_space<vmem>>) dst(%dma_wait3A_202 : memref<10240x128xf32, #tpu.memory_space<vmem_shared>>)
        tpu.yield
      }) : () -> ()
    }
    %scan3A_68 = arith.constant 8 : i32
    %dma_wait3A_69 = arith.constant 16 : i32
    %dma_wait3A_70 = arith.constant 0 : i32
    %dma_wait3A_71 = tpu.memref_slice %arg4[%add3A, %dma_wait3A_69, %dma_wait3A_70] : memref<32x80x128xi32, #tpu.memory_space<hbm>> -> memref<1x16x128xi32, #tpu.memory_space<hbm>>
    %dma_wait3A_72 = tpu.memref_squeeze %dma_wait3A_71 : memref<1x16x128xi32, #tpu.memory_space<hbm>> -> memref<16x128xi32, #tpu.memory_space<hbm>>
    %dma_wait3A_73 = arith.constant 16 : i32
    %dma_wait3A_74 = arith.constant 0 : i32
    %dma_wait3A_75 = tpu.memref_slice %arg4[%add3A, %dma_wait3A_73, %dma_wait3A_74] : memref<32x80x128xi32, #tpu.memory_space<hbm>> -> memref<1x16x128xi32, #tpu.memory_space<hbm>>
    %dma_wait3A_76 = tpu.memref_squeeze %dma_wait3A_75 : memref<1x16x128xi32, #tpu.memory_space<hbm>> -> memref<16x128xi32, #tpu.memory_space<hbm>>
    tpu.wait_dma2 semaphore(%arg14 : memref<!tpu.dma_semaphore, #tpu.memory_space<semaphore_mem>>) src(%dma_wait3A_76 : memref<16x128xi32, #tpu.memory_space<hbm>>) dst(%arg8 : memref<16x128xi32, #tpu.memory_space<vmem>>)
    %dma_start3A_77 = arith.constant 32 : i32
    %dma_start3A_78 = arith.constant 0 : i32
    %dma_start3A_79 = tpu.memref_slice %arg4[%add3A, %dma_start3A_77, %dma_start3A_78] : memref<32x80x128xi32, #tpu.memory_space<hbm>> -> memref<1x16x128xi32, #tpu.memory_space<hbm>>
    %dma_start3A_80 = tpu.memref_squeeze %dma_start3A_79 : memref<1x16x128xi32, #tpu.memory_space<hbm>> -> memref<16x128xi32, #tpu.memory_space<hbm>>
    %dma_start3A_81 = arith.constant 32 : i32
    %dma_start3A_82 = arith.constant 0 : i32
    %dma_start3A_83 = tpu.memref_slice %arg4[%add3A, %dma_start3A_81, %dma_start3A_82] : memref<32x80x128xi32, #tpu.memory_space<hbm>> -> memref<1x16x128xi32, #tpu.memory_space<hbm>>
    %dma_start3A_84 = tpu.memref_squeeze %dma_start3A_83 : memref<1x16x128xi32, #tpu.memory_space<hbm>> -> memref<16x128xi32, #tpu.memory_space<hbm>>
    tpu.enqueue_dma source(%dma_start3A_84 : memref<16x128xi32, #tpu.memory_space<hbm>>) target(%arg7 : memref<16x128xi32, #tpu.memory_space<vmem>>) target_semaphore(%arg14 : memref<!tpu.dma_semaphore, #tpu.memory_space<semaphore_mem>>)
    %scan3A_85 = arith.constant 0 : i32
    %scan3A_86 = arith.constant 0 : i32
    %scan3A_87 = arith.constant 8 : i32
    %scan3A_88 = arith.addi %scan3A_86, %scan3A_87 : i32
    %scan3A_89 = arith.constant 1 : i32
    scf.for %scan3A_154 = %scan3A_86 to %scan3A_88 step %scan3A_89  : i32 {
      %mul3A_155 = arith.constant 2 : i32
      %mul3A_156 = arith.muli %mul3A_155, %scan3A_154 : i32
      %add3A_157 = arith.constant 16 : i32
      %add3A_158 = arith.addi %add3A_157, %mul3A_156 : i32
      %add3A_159 = arith.constant 1 : i32
      %add3A_160 = arith.addi %add3A_158, %add3A_159 : i32
      %dma_start3A_161 = arith.constant 0 : i32
      %dma_start3A_162 = tpu.memref_slice %arg6[%add3A_160, %dma_start3A_161] : memref<80x128xi32, #tpu.memory_space<vmem>> -> memref<1x128xi32, #tpu.memory_space<vmem>>
      %dma_start3A_163 = tpu.memref_squeeze %dma_start3A_162 : memref<1x128xi32, #tpu.memory_space<vmem>> -> memref<128xi32, #tpu.memory_space<vmem>>
      %dma_start3A_164 = arith.constant 0 : i32
      %dma_start3A_165 = arith.constant 0 : i32
      %dma_start3A_166 = tpu.memref_slice %arg2[%dma_start3A_164, %dma_start3A_165] : memref<10000x128xf32, #tpu.memory_space<hbm>> -> memref<10000x128xf32, #tpu.memory_space<hbm>>
      tpu.enqueue_indirect_dma source(%dma_start3A_166 : memref<10000x128xf32, #tpu.memory_space<hbm>>) target(%arg10 : memref<128x128xf32, #tpu.memory_space<vmem>>) offsets(%dma_start3A_163 : memref<128xi32, #tpu.memory_space<vmem>>) semaphore(%arg13 : memref<!tpu.dma_semaphore, #tpu.memory_space<semaphore_mem>>)
      %dma_wait3A_167 = arith.constant 0 : i32
      %dma_wait3A_168 = tpu.memref_slice %arg6[%add3A_158, %dma_wait3A_167] : memref<80x128xi32, #tpu.memory_space<vmem>> -> memref<1x128xi32, #tpu.memory_space<vmem>>
      %dma_wait3A_169 = tpu.memref_squeeze %dma_wait3A_168 : memref<1x128xi32, #tpu.memory_space<vmem>> -> memref<128xi32, #tpu.memory_space<vmem>>
      %dma_wait3A_170 = arith.constant 0 : i32
      %dma_wait3A_171 = arith.constant 0 : i32
      %dma_wait3A_172 = tpu.memref_slice %arg2[%dma_wait3A_170, %dma_wait3A_171] : memref<10000x128xf32, #tpu.memory_space<hbm>> -> memref<10000x128xf32, #tpu.memory_space<hbm>>
      tpu.wait_indirect_dma semaphore(%arg12 : memref<!tpu.dma_semaphore, #tpu.memory_space<semaphore_mem>>) src(%dma_wait3A_172 : memref<10000x128xf32, #tpu.memory_space<hbm>>) dst(%arg9 : memref<128x128xf32, #tpu.memory_space<vmem>>)
      %mul3A_173 = arith.constant 2 : i32
      %mul3A_174 = arith.muli %mul3A_173, %scan3A_154 : i32
      "tpu.region"() ({
        %run_scoped3A = tpu.sem_alloc : memref<!tpu.dma_semaphore, #tpu.memory_space<semaphore_mem>>
        %dma_start3A_191 = arith.constant 0 : i32
        %dma_start3A_192 = tpu.memref_slice %arg8[%mul3A_174, %dma_start3A_191] : memref<16x128xi32, #tpu.memory_space<vmem>> -> memref<1x128xi32, #tpu.memory_space<vmem>>
        %dma_start3A_193 = tpu.memref_squeeze %dma_start3A_192 : memref<1x128xi32, #tpu.memory_space<vmem>> -> memref<128xi32, #tpu.memory_space<vmem>>
        %dma_start3A_194 = arith.constant 0 : i32
        %dma_start3A_195 = arith.constant 0 : i32
        %dma_start3A_196 = tpu.memref_slice %arg11[%dma_start3A_194, %dma_start3A_195] : memref<10240x128xf32, #tpu.memory_space<vmem_shared>> -> memref<10240x128xf32, #tpu.memory_space<vmem_shared>>
        tpu.enqueue_indirect_dma source(%arg9 : memref<128x128xf32, #tpu.memory_space<vmem>>) target(%dma_start3A_196 : memref<10240x128xf32, #tpu.memory_space<vmem_shared>>) offsets(%dma_start3A_193 : memref<128xi32, #tpu.memory_space<vmem>>) semaphore(%run_scoped3A : memref<!tpu.dma_semaphore, #tpu.memory_space<semaphore_mem>>) {add = true}
        %dma_wait3A_197 = arith.constant 0 : i32
        %dma_wait3A_198 = tpu.memref_slice %arg8[%mul3A_174, %dma_wait3A_197] : memref<16x128xi32, #tpu.memory_space<vmem>> -> memref<1x128xi32, #tpu.memory_space<vmem>>
        %dma_wait3A_199 = tpu.memref_squeeze %dma_wait3A_198 : memref<1x128xi32, #tpu.memory_space<vmem>> -> memref<128xi32, #tpu.memory_space<vmem>>
        %dma_wait3A_200 = arith.constant 0 : i32
        %dma_wait3A_201 = arith.constant 0 : i32
        %dma_wait3A_202 = tpu.memref_slice %arg11[%dma_wait3A_200, %dma_wait3A_201] : memref<10240x128xf32, #tpu.memory_space<vmem_shared>> -> memref<10240x128xf32, #tpu.memory_space<vmem_shared>>
        tpu.wait_indirect_dma semaphore(%run_scoped3A : memref<!tpu.dma_semaphore, #tpu.memory_space<semaphore_mem>>) src(%arg9 : memref<128x128xf32, #tpu.memory_space<vmem>>) dst(%dma_wait3A_202 : memref<10240x128xf32, #tpu.memory_space<vmem_shared>>)
        tpu.yield
      }) : () -> ()
      %add3A_175 = arith.constant 2 : i32
      %add3A_176 = arith.addi %add3A_158, %add3A_175 : i32
      %lt3A = arith.constant 80 : i32
      %lt3A_177 = arith.cmpi slt, %add3A_176, %lt3A : i32
      %convert_element_type3A = arith.extui %lt3A_177 : i1 to i32
      %cond3A = arith.constant 0 : i32
      %cond3A_178 = arith.cmpi ne, %convert_element_type3A, %cond3A : i32
      scf.if %cond3A_178 {
        %add3A_191 = arith.constant 2 : i32
        %add3A_192 = arith.addi %add3A_158, %add3A_191 : i32
        %dma_start3A_193 = arith.constant 0 : i32
        %dma_start3A_194 = tpu.memref_slice %arg6[%add3A_192, %dma_start3A_193] : memref<80x128xi32, #tpu.memory_space<vmem>> -> memref<1x128xi32, #tpu.memory_space<vmem>>
        %dma_start3A_195 = tpu.memref_squeeze %dma_start3A_194 : memref<1x128xi32, #tpu.memory_space<vmem>> -> memref<128xi32, #tpu.memory_space<vmem>>
        %dma_start3A_196 = arith.constant 0 : i32
        %dma_start3A_197 = arith.constant 0 : i32
        %dma_start3A_198 = tpu.memref_slice %arg2[%dma_start3A_196, %dma_start3A_197] : memref<10000x128xf32, #tpu.memory_space<hbm>> -> memref<10000x128xf32, #tpu.memory_space<hbm>>
        tpu.enqueue_indirect_dma source(%dma_start3A_198 : memref<10000x128xf32, #tpu.memory_space<hbm>>) target(%arg9 : memref<128x128xf32, #tpu.memory_space<vmem>>) offsets(%dma_start3A_195 : memref<128xi32, #tpu.memory_space<vmem>>) semaphore(%arg12 : memref<!tpu.dma_semaphore, #tpu.memory_space<semaphore_mem>>)
      } else {
      }
      %add3A_179 = arith.constant 1 : i32
      %add3A_180 = arith.addi %add3A_158, %add3A_179 : i32
      %dma_wait3A_181 = arith.constant 0 : i32
      %dma_wait3A_182 = tpu.memref_slice %arg6[%add3A_180, %dma_wait3A_181] : memref<80x128xi32, #tpu.memory_space<vmem>> -> memref<1x128xi32, #tpu.memory_space<vmem>>
      %dma_wait3A_183 = tpu.memref_squeeze %dma_wait3A_182 : memref<1x128xi32, #tpu.memory_space<vmem>> -> memref<128xi32, #tpu.memory_space<vmem>>
      %dma_wait3A_184 = arith.constant 0 : i32
      %dma_wait3A_185 = arith.constant 0 : i32
      %dma_wait3A_186 = tpu.memref_slice %arg2[%dma_wait3A_184, %dma_wait3A_185] : memref<10000x128xf32, #tpu.memory_space<hbm>> -> memref<10000x128xf32, #tpu.memory_space<hbm>>
      tpu.wait_indirect_dma semaphore(%arg13 : memref<!tpu.dma_semaphore, #tpu.memory_space<semaphore_mem>>) src(%dma_wait3A_186 : memref<10000x128xf32, #tpu.memory_space<hbm>>) dst(%arg10 : memref<128x128xf32, #tpu.memory_space<vmem>>)
      %mul3A_187 = arith.constant 2 : i32
      %mul3A_188 = arith.muli %mul3A_187, %scan3A_154 : i32
      %add3A_189 = arith.constant 1 : i32
      %add3A_190 = arith.addi %mul3A_188, %add3A_189 : i32
      "tpu.region"() ({
        %run_scoped3A = tpu.sem_alloc : memref<!tpu.dma_semaphore, #tpu.memory_space<semaphore_mem>>
        %dma_start3A_191 = arith.constant 0 : i32
        %dma_start3A_192 = tpu.memref_slice %arg8[%add3A_190, %dma_start3A_191] : memref<16x128xi32, #tpu.memory_space<vmem>> -> memref<1x128xi32, #tpu.memory_space<vmem>>
        %dma_start3A_193 = tpu.memref_squeeze %dma_start3A_192 : memref<1x128xi32, #tpu.memory_space<vmem>> -> memref<128xi32, #tpu.memory_space<vmem>>
        %dma_start3A_194 = arith.constant 0 : i32
        %dma_start3A_195 = arith.constant 0 : i32
        %dma_start3A_196 = tpu.memref_slice %arg11[%dma_start3A_194, %dma_start3A_195] : memref<10240x128xf32, #tpu.memory_space<vmem_shared>> -> memref<10240x128xf32, #tpu.memory_space<vmem_shared>>
        tpu.enqueue_indirect_dma source(%arg10 : memref<128x128xf32, #tpu.memory_space<vmem>>) target(%dma_start3A_196 : memref<10240x128xf32, #tpu.memory_space<vmem_shared>>) offsets(%dma_start3A_193 : memref<128xi32, #tpu.memory_space<vmem>>) semaphore(%run_scoped3A : memref<!tpu.dma_semaphore, #tpu.memory_space<semaphore_mem>>) {add = true}
        %dma_wait3A_197 = arith.constant 0 : i32
        %dma_wait3A_198 = tpu.memref_slice %arg8[%add3A_190, %dma_wait3A_197] : memref<16x128xi32, #tpu.memory_space<vmem>> -> memref<1x128xi32, #tpu.memory_space<vmem>>
        %dma_wait3A_199 = tpu.memref_squeeze %dma_wait3A_198 : memref<1x128xi32, #tpu.memory_space<vmem>> -> memref<128xi32, #tpu.memory_space<vmem>>
        %dma_wait3A_200 = arith.constant 0 : i32
        %dma_wait3A_201 = arith.constant 0 : i32
        %dma_wait3A_202 = tpu.memref_slice %arg11[%dma_wait3A_200, %dma_wait3A_201] : memref<10240x128xf32, #tpu.memory_space<vmem_shared>> -> memref<10240x128xf32, #tpu.memory_space<vmem_shared>>
        tpu.wait_indirect_dma semaphore(%run_scoped3A : memref<!tpu.dma_semaphore, #tpu.memory_space<semaphore_mem>>) src(%arg10 : memref<128x128xf32, #tpu.memory_space<vmem>>) dst(%dma_wait3A_202 : memref<10240x128xf32, #tpu.memory_space<vmem_shared>>)
        tpu.yield
      }) : () -> ()
    }
    %scan3A_90 = arith.constant 8 : i32
    %dma_wait3A_91 = arith.constant 32 : i32
    %dma_wait3A_92 = arith.constant 0 : i32
    %dma_wait3A_93 = tpu.memref_slice %arg4[%add3A, %dma_wait3A_91, %dma_wait3A_92] : memref<32x80x128xi32, #tpu.memory_space<hbm>> -> memref<1x16x128xi32, #tpu.memory_space<hbm>>
    %dma_wait3A_94 = tpu.memref_squeeze %dma_wait3A_93 : memref<1x16x128xi32, #tpu.memory_space<hbm>> -> memref<16x128xi32, #tpu.memory_space<hbm>>
    %dma_wait3A_95 = arith.constant 32 : i32
    %dma_wait3A_96 = arith.constant 0 : i32
    %dma_wait3A_97 = tpu.memref_slice %arg4[%add3A, %dma_wait3A_95, %dma_wait3A_96] : memref<32x80x128xi32, #tpu.memory_space<hbm>> -> memref<1x16x128xi32, #tpu.memory_space<hbm>>
    %dma_wait3A_98 = tpu.memref_squeeze %dma_wait3A_97 : memref<1x16x128xi32, #tpu.memory_space<hbm>> -> memref<16x128xi32, #tpu.memory_space<hbm>>
    tpu.wait_dma2 semaphore(%arg14 : memref<!tpu.dma_semaphore, #tpu.memory_space<semaphore_mem>>) src(%dma_wait3A_98 : memref<16x128xi32, #tpu.memory_space<hbm>>) dst(%arg7 : memref<16x128xi32, #tpu.memory_space<vmem>>)
    %dma_start3A_99 = arith.constant 48 : i32
    %dma_start3A_100 = arith.constant 0 : i32
    %dma_start3A_101 = tpu.memref_slice %arg4[%add3A, %dma_start3A_99, %dma_start3A_100] : memref<32x80x128xi32, #tpu.memory_space<hbm>> -> memref<1x16x128xi32, #tpu.memory_space<hbm>>
    %dma_start3A_102 = tpu.memref_squeeze %dma_start3A_101 : memref<1x16x128xi32, #tpu.memory_space<hbm>> -> memref<16x128xi32, #tpu.memory_space<hbm>>
    %dma_start3A_103 = arith.constant 48 : i32
    %dma_start3A_104 = arith.constant 0 : i32
    %dma_start3A_105 = tpu.memref_slice %arg4[%add3A, %dma_start3A_103, %dma_start3A_104] : memref<32x80x128xi32, #tpu.memory_space<hbm>> -> memref<1x16x128xi32, #tpu.memory_space<hbm>>
    %dma_start3A_106 = tpu.memref_squeeze %dma_start3A_105 : memref<1x16x128xi32, #tpu.memory_space<hbm>> -> memref<16x128xi32, #tpu.memory_space<hbm>>
    tpu.enqueue_dma source(%dma_start3A_106 : memref<16x128xi32, #tpu.memory_space<hbm>>) target(%arg8 : memref<16x128xi32, #tpu.memory_space<vmem>>) target_semaphore(%arg14 : memref<!tpu.dma_semaphore, #tpu.memory_space<semaphore_mem>>)
    %scan3A_107 = arith.constant 0 : i32
    %scan3A_108 = arith.constant 0 : i32
    %scan3A_109 = arith.constant 8 : i32
    %scan3A_110 = arith.addi %scan3A_108, %scan3A_109 : i32
    %scan3A_111 = arith.constant 1 : i32
    scf.for %scan3A_154 = %scan3A_108 to %scan3A_110 step %scan3A_111  : i32 {
      %mul3A_155 = arith.constant 2 : i32
      %mul3A_156 = arith.muli %mul3A_155, %scan3A_154 : i32
      %add3A_157 = arith.constant 32 : i32
      %add3A_158 = arith.addi %add3A_157, %mul3A_156 : i32
      %add3A_159 = arith.constant 1 : i32
      %add3A_160 = arith.addi %add3A_158, %add3A_159 : i32
      %dma_start3A_161 = arith.constant 0 : i32
      %dma_start3A_162 = tpu.memref_slice %arg6[%add3A_160, %dma_start3A_161] : memref<80x128xi32, #tpu.memory_space<vmem>> -> memref<1x128xi32, #tpu.memory_space<vmem>>
      %dma_start3A_163 = tpu.memref_squeeze %dma_start3A_162 : memref<1x128xi32, #tpu.memory_space<vmem>> -> memref<128xi32, #tpu.memory_space<vmem>>
      %dma_start3A_164 = arith.constant 0 : i32
      %dma_start3A_165 = arith.constant 0 : i32
      %dma_start3A_166 = tpu.memref_slice %arg2[%dma_start3A_164, %dma_start3A_165] : memref<10000x128xf32, #tpu.memory_space<hbm>> -> memref<10000x128xf32, #tpu.memory_space<hbm>>
      tpu.enqueue_indirect_dma source(%dma_start3A_166 : memref<10000x128xf32, #tpu.memory_space<hbm>>) target(%arg10 : memref<128x128xf32, #tpu.memory_space<vmem>>) offsets(%dma_start3A_163 : memref<128xi32, #tpu.memory_space<vmem>>) semaphore(%arg13 : memref<!tpu.dma_semaphore, #tpu.memory_space<semaphore_mem>>)
      %dma_wait3A_167 = arith.constant 0 : i32
      %dma_wait3A_168 = tpu.memref_slice %arg6[%add3A_158, %dma_wait3A_167] : memref<80x128xi32, #tpu.memory_space<vmem>> -> memref<1x128xi32, #tpu.memory_space<vmem>>
      %dma_wait3A_169 = tpu.memref_squeeze %dma_wait3A_168 : memref<1x128xi32, #tpu.memory_space<vmem>> -> memref<128xi32, #tpu.memory_space<vmem>>
      %dma_wait3A_170 = arith.constant 0 : i32
      %dma_wait3A_171 = arith.constant 0 : i32
      %dma_wait3A_172 = tpu.memref_slice %arg2[%dma_wait3A_170, %dma_wait3A_171] : memref<10000x128xf32, #tpu.memory_space<hbm>> -> memref<10000x128xf32, #tpu.memory_space<hbm>>
      tpu.wait_indirect_dma semaphore(%arg12 : memref<!tpu.dma_semaphore, #tpu.memory_space<semaphore_mem>>) src(%dma_wait3A_172 : memref<10000x128xf32, #tpu.memory_space<hbm>>) dst(%arg9 : memref<128x128xf32, #tpu.memory_space<vmem>>)
      %mul3A_173 = arith.constant 2 : i32
      %mul3A_174 = arith.muli %mul3A_173, %scan3A_154 : i32
      "tpu.region"() ({
        %run_scoped3A = tpu.sem_alloc : memref<!tpu.dma_semaphore, #tpu.memory_space<semaphore_mem>>
        %dma_start3A_191 = arith.constant 0 : i32
        %dma_start3A_192 = tpu.memref_slice %arg7[%mul3A_174, %dma_start3A_191] : memref<16x128xi32, #tpu.memory_space<vmem>> -> memref<1x128xi32, #tpu.memory_space<vmem>>
        %dma_start3A_193 = tpu.memref_squeeze %dma_start3A_192 : memref<1x128xi32, #tpu.memory_space<vmem>> -> memref<128xi32, #tpu.memory_space<vmem>>
        %dma_start3A_194 = arith.constant 0 : i32
        %dma_start3A_195 = arith.constant 0 : i32
        %dma_start3A_196 = tpu.memref_slice %arg11[%dma_start3A_194, %dma_start3A_195] : memref<10240x128xf32, #tpu.memory_space<vmem_shared>> -> memref<10240x128xf32, #tpu.memory_space<vmem_shared>>
        tpu.enqueue_indirect_dma source(%arg9 : memref<128x128xf32, #tpu.memory_space<vmem>>) target(%dma_start3A_196 : memref<10240x128xf32, #tpu.memory_space<vmem_shared>>) offsets(%dma_start3A_193 : memref<128xi32, #tpu.memory_space<vmem>>) semaphore(%run_scoped3A : memref<!tpu.dma_semaphore, #tpu.memory_space<semaphore_mem>>) {add = true}
        %dma_wait3A_197 = arith.constant 0 : i32
        %dma_wait3A_198 = tpu.memref_slice %arg7[%mul3A_174, %dma_wait3A_197] : memref<16x128xi32, #tpu.memory_space<vmem>> -> memref<1x128xi32, #tpu.memory_space<vmem>>
        %dma_wait3A_199 = tpu.memref_squeeze %dma_wait3A_198 : memref<1x128xi32, #tpu.memory_space<vmem>> -> memref<128xi32, #tpu.memory_space<vmem>>
        %dma_wait3A_200 = arith.constant 0 : i32
        %dma_wait3A_201 = arith.constant 0 : i32
        %dma_wait3A_202 = tpu.memref_slice %arg11[%dma_wait3A_200, %dma_wait3A_201] : memref<10240x128xf32, #tpu.memory_space<vmem_shared>> -> memref<10240x128xf32, #tpu.memory_space<vmem_shared>>
        tpu.wait_indirect_dma semaphore(%run_scoped3A : memref<!tpu.dma_semaphore, #tpu.memory_space<semaphore_mem>>) src(%arg9 : memref<128x128xf32, #tpu.memory_space<vmem>>) dst(%dma_wait3A_202 : memref<10240x128xf32, #tpu.memory_space<vmem_shared>>)
        tpu.yield
      }) : () -> ()
      %add3A_175 = arith.constant 2 : i32
      %add3A_176 = arith.addi %add3A_158, %add3A_175 : i32
      %lt3A = arith.constant 80 : i32
      %lt3A_177 = arith.cmpi slt, %add3A_176, %lt3A : i32
      %convert_element_type3A = arith.extui %lt3A_177 : i1 to i32
      %cond3A = arith.constant 0 : i32
      %cond3A_178 = arith.cmpi ne, %convert_element_type3A, %cond3A : i32
      scf.if %cond3A_178 {
        %add3A_191 = arith.constant 2 : i32
        %add3A_192 = arith.addi %add3A_158, %add3A_191 : i32
        %dma_start3A_193 = arith.constant 0 : i32
        %dma_start3A_194 = tpu.memref_slice %arg6[%add3A_192, %dma_start3A_193] : memref<80x128xi32, #tpu.memory_space<vmem>> -> memref<1x128xi32, #tpu.memory_space<vmem>>
        %dma_start3A_195 = tpu.memref_squeeze %dma_start3A_194 : memref<1x128xi32, #tpu.memory_space<vmem>> -> memref<128xi32, #tpu.memory_space<vmem>>
        %dma_start3A_196 = arith.constant 0 : i32
        %dma_start3A_197 = arith.constant 0 : i32
        %dma_start3A_198 = tpu.memref_slice %arg2[%dma_start3A_196, %dma_start3A_197] : memref<10000x128xf32, #tpu.memory_space<hbm>> -> memref<10000x128xf32, #tpu.memory_space<hbm>>
        tpu.enqueue_indirect_dma source(%dma_start3A_198 : memref<10000x128xf32, #tpu.memory_space<hbm>>) target(%arg9 : memref<128x128xf32, #tpu.memory_space<vmem>>) offsets(%dma_start3A_195 : memref<128xi32, #tpu.memory_space<vmem>>) semaphore(%arg12 : memref<!tpu.dma_semaphore, #tpu.memory_space<semaphore_mem>>)
      } else {
      }
      %add3A_179 = arith.constant 1 : i32
      %add3A_180 = arith.addi %add3A_158, %add3A_179 : i32
      %dma_wait3A_181 = arith.constant 0 : i32
      %dma_wait3A_182 = tpu.memref_slice %arg6[%add3A_180, %dma_wait3A_181] : memref<80x128xi32, #tpu.memory_space<vmem>> -> memref<1x128xi32, #tpu.memory_space<vmem>>
      %dma_wait3A_183 = tpu.memref_squeeze %dma_wait3A_182 : memref<1x128xi32, #tpu.memory_space<vmem>> -> memref<128xi32, #tpu.memory_space<vmem>>
      %dma_wait3A_184 = arith.constant 0 : i32
      %dma_wait3A_185 = arith.constant 0 : i32
      %dma_wait3A_186 = tpu.memref_slice %arg2[%dma_wait3A_184, %dma_wait3A_185] : memref<10000x128xf32, #tpu.memory_space<hbm>> -> memref<10000x128xf32, #tpu.memory_space<hbm>>
      tpu.wait_indirect_dma semaphore(%arg13 : memref<!tpu.dma_semaphore, #tpu.memory_space<semaphore_mem>>) src(%dma_wait3A_186 : memref<10000x128xf32, #tpu.memory_space<hbm>>) dst(%arg10 : memref<128x128xf32, #tpu.memory_space<vmem>>)
      %mul3A_187 = arith.constant 2 : i32
      %mul3A_188 = arith.muli %mul3A_187, %scan3A_154 : i32
      %add3A_189 = arith.constant 1 : i32
      %add3A_190 = arith.addi %mul3A_188, %add3A_189 : i32
      "tpu.region"() ({
        %run_scoped3A = tpu.sem_alloc : memref<!tpu.dma_semaphore, #tpu.memory_space<semaphore_mem>>
        %dma_start3A_191 = arith.constant 0 : i32
        %dma_start3A_192 = tpu.memref_slice %arg7[%add3A_190, %dma_start3A_191] : memref<16x128xi32, #tpu.memory_space<vmem>> -> memref<1x128xi32, #tpu.memory_space<vmem>>
        %dma_start3A_193 = tpu.memref_squeeze %dma_start3A_192 : memref<1x128xi32, #tpu.memory_space<vmem>> -> memref<128xi32, #tpu.memory_space<vmem>>
        %dma_start3A_194 = arith.constant 0 : i32
        %dma_start3A_195 = arith.constant 0 : i32
        %dma_start3A_196 = tpu.memref_slice %arg11[%dma_start3A_194, %dma_start3A_195] : memref<10240x128xf32, #tpu.memory_space<vmem_shared>> -> memref<10240x128xf32, #tpu.memory_space<vmem_shared>>
        tpu.enqueue_indirect_dma source(%arg10 : memref<128x128xf32, #tpu.memory_space<vmem>>) target(%dma_start3A_196 : memref<10240x128xf32, #tpu.memory_space<vmem_shared>>) offsets(%dma_start3A_193 : memref<128xi32, #tpu.memory_space<vmem>>) semaphore(%run_scoped3A : memref<!tpu.dma_semaphore, #tpu.memory_space<semaphore_mem>>) {add = true}
        %dma_wait3A_197 = arith.constant 0 : i32
        %dma_wait3A_198 = tpu.memref_slice %arg7[%add3A_190, %dma_wait3A_197] : memref<16x128xi32, #tpu.memory_space<vmem>> -> memref<1x128xi32, #tpu.memory_space<vmem>>
        %dma_wait3A_199 = tpu.memref_squeeze %dma_wait3A_198 : memref<1x128xi32, #tpu.memory_space<vmem>> -> memref<128xi32, #tpu.memory_space<vmem>>
        %dma_wait3A_200 = arith.constant 0 : i32
        %dma_wait3A_201 = arith.constant 0 : i32
        %dma_wait3A_202 = tpu.memref_slice %arg11[%dma_wait3A_200, %dma_wait3A_201] : memref<10240x128xf32, #tpu.memory_space<vmem_shared>> -> memref<10240x128xf32, #tpu.memory_space<vmem_shared>>
        tpu.wait_indirect_dma semaphore(%run_scoped3A : memref<!tpu.dma_semaphore, #tpu.memory_space<semaphore_mem>>) src(%arg10 : memref<128x128xf32, #tpu.memory_space<vmem>>) dst(%dma_wait3A_202 : memref<10240x128xf32, #tpu.memory_space<vmem_shared>>)
        tpu.yield
      }) : () -> ()
    }
    %scan3A_112 = arith.constant 8 : i32
    %dma_wait3A_113 = arith.constant 48 : i32
    %dma_wait3A_114 = arith.constant 0 : i32
    %dma_wait3A_115 = tpu.memref_slice %arg4[%add3A, %dma_wait3A_113, %dma_wait3A_114] : memref<32x80x128xi32, #tpu.memory_space<hbm>> -> memref<1x16x128xi32, #tpu.memory_space<hbm>>
    %dma_wait3A_116 = tpu.memref_squeeze %dma_wait3A_115 : memref<1x16x128xi32, #tpu.memory_space<hbm>> -> memref<16x128xi32, #tpu.memory_space<hbm>>
    %dma_wait3A_117 = arith.constant 48 : i32
    %dma_wait3A_118 = arith.constant 0 : i32
    %dma_wait3A_119 = tpu.memref_slice %arg4[%add3A, %dma_wait3A_117, %dma_wait3A_118] : memref<32x80x128xi32, #tpu.memory_space<hbm>> -> memref<1x16x128xi32, #tpu.memory_space<hbm>>
    %dma_wait3A_120 = tpu.memref_squeeze %dma_wait3A_119 : memref<1x16x128xi32, #tpu.memory_space<hbm>> -> memref<16x128xi32, #tpu.memory_space<hbm>>
    tpu.wait_dma2 semaphore(%arg14 : memref<!tpu.dma_semaphore, #tpu.memory_space<semaphore_mem>>) src(%dma_wait3A_120 : memref<16x128xi32, #tpu.memory_space<hbm>>) dst(%arg8 : memref<16x128xi32, #tpu.memory_space<vmem>>)
    %dma_start3A_121 = arith.constant 64 : i32
    %dma_start3A_122 = arith.constant 0 : i32
    %dma_start3A_123 = tpu.memref_slice %arg4[%add3A, %dma_start3A_121, %dma_start3A_122] : memref<32x80x128xi32, #tpu.memory_space<hbm>> -> memref<1x16x128xi32, #tpu.memory_space<hbm>>
    %dma_start3A_124 = tpu.memref_squeeze %dma_start3A_123 : memref<1x16x128xi32, #tpu.memory_space<hbm>> -> memref<16x128xi32, #tpu.memory_space<hbm>>
    %dma_start3A_125 = arith.constant 64 : i32
    %dma_start3A_126 = arith.constant 0 : i32
    %dma_start3A_127 = tpu.memref_slice %arg4[%add3A, %dma_start3A_125, %dma_start3A_126] : memref<32x80x128xi32, #tpu.memory_space<hbm>> -> memref<1x16x128xi32, #tpu.memory_space<hbm>>
    %dma_start3A_128 = tpu.memref_squeeze %dma_start3A_127 : memref<1x16x128xi32, #tpu.memory_space<hbm>> -> memref<16x128xi32, #tpu.memory_space<hbm>>
    tpu.enqueue_dma source(%dma_start3A_128 : memref<16x128xi32, #tpu.memory_space<hbm>>) target(%arg7 : memref<16x128xi32, #tpu.memory_space<vmem>>) target_semaphore(%arg14 : memref<!tpu.dma_semaphore, #tpu.memory_space<semaphore_mem>>)
    %scan3A_129 = arith.constant 0 : i32
    %scan3A_130 = arith.constant 0 : i32
    %scan3A_131 = arith.constant 8 : i32
    %scan3A_132 = arith.addi %scan3A_130, %scan3A_131 : i32
    %scan3A_133 = arith.constant 1 : i32
    scf.for %scan3A_154 = %scan3A_130 to %scan3A_132 step %scan3A_133  : i32 {
      %mul3A_155 = arith.constant 2 : i32
      %mul3A_156 = arith.muli %mul3A_155, %scan3A_154 : i32
      %add3A_157 = arith.constant 48 : i32
      %add3A_158 = arith.addi %add3A_157, %mul3A_156 : i32
      %add3A_159 = arith.constant 1 : i32
      %add3A_160 = arith.addi %add3A_158, %add3A_159 : i32
      %dma_start3A_161 = arith.constant 0 : i32
      %dma_start3A_162 = tpu.memref_slice %arg6[%add3A_160, %dma_start3A_161] : memref<80x128xi32, #tpu.memory_space<vmem>> -> memref<1x128xi32, #tpu.memory_space<vmem>>
      %dma_start3A_163 = tpu.memref_squeeze %dma_start3A_162 : memref<1x128xi32, #tpu.memory_space<vmem>> -> memref<128xi32, #tpu.memory_space<vmem>>
      %dma_start3A_164 = arith.constant 0 : i32
      %dma_start3A_165 = arith.constant 0 : i32
      %dma_start3A_166 = tpu.memref_slice %arg2[%dma_start3A_164, %dma_start3A_165] : memref<10000x128xf32, #tpu.memory_space<hbm>> -> memref<10000x128xf32, #tpu.memory_space<hbm>>
      tpu.enqueue_indirect_dma source(%dma_start3A_166 : memref<10000x128xf32, #tpu.memory_space<hbm>>) target(%arg10 : memref<128x128xf32, #tpu.memory_space<vmem>>) offsets(%dma_start3A_163 : memref<128xi32, #tpu.memory_space<vmem>>) semaphore(%arg13 : memref<!tpu.dma_semaphore, #tpu.memory_space<semaphore_mem>>)
      %dma_wait3A_167 = arith.constant 0 : i32
      %dma_wait3A_168 = tpu.memref_slice %arg6[%add3A_158, %dma_wait3A_167] : memref<80x128xi32, #tpu.memory_space<vmem>> -> memref<1x128xi32, #tpu.memory_space<vmem>>
      %dma_wait3A_169 = tpu.memref_squeeze %dma_wait3A_168 : memref<1x128xi32, #tpu.memory_space<vmem>> -> memref<128xi32, #tpu.memory_space<vmem>>
      %dma_wait3A_170 = arith.constant 0 : i32
      %dma_wait3A_171 = arith.constant 0 : i32
      %dma_wait3A_172 = tpu.memref_slice %arg2[%dma_wait3A_170, %dma_wait3A_171] : memref<10000x128xf32, #tpu.memory_space<hbm>> -> memref<10000x128xf32, #tpu.memory_space<hbm>>
      tpu.wait_indirect_dma semaphore(%arg12 : memref<!tpu.dma_semaphore, #tpu.memory_space<semaphore_mem>>) src(%dma_wait3A_172 : memref<10000x128xf32, #tpu.memory_space<hbm>>) dst(%arg9 : memref<128x128xf32, #tpu.memory_space<vmem>>)
      %mul3A_173 = arith.constant 2 : i32
      %mul3A_174 = arith.muli %mul3A_173, %scan3A_154 : i32
      "tpu.region"() ({
        %run_scoped3A = tpu.sem_alloc : memref<!tpu.dma_semaphore, #tpu.memory_space<semaphore_mem>>
        %dma_start3A_191 = arith.constant 0 : i32
        %dma_start3A_192 = tpu.memref_slice %arg8[%mul3A_174, %dma_start3A_191] : memref<16x128xi32, #tpu.memory_space<vmem>> -> memref<1x128xi32, #tpu.memory_space<vmem>>
        %dma_start3A_193 = tpu.memref_squeeze %dma_start3A_192 : memref<1x128xi32, #tpu.memory_space<vmem>> -> memref<128xi32, #tpu.memory_space<vmem>>
        %dma_start3A_194 = arith.constant 0 : i32
        %dma_start3A_195 = arith.constant 0 : i32
        %dma_start3A_196 = tpu.memref_slice %arg11[%dma_start3A_194, %dma_start3A_195] : memref<10240x128xf32, #tpu.memory_space<vmem_shared>> -> memref<10240x128xf32, #tpu.memory_space<vmem_shared>>
        tpu.enqueue_indirect_dma source(%arg9 : memref<128x128xf32, #tpu.memory_space<vmem>>) target(%dma_start3A_196 : memref<10240x128xf32, #tpu.memory_space<vmem_shared>>) offsets(%dma_start3A_193 : memref<128xi32, #tpu.memory_space<vmem>>) semaphore(%run_scoped3A : memref<!tpu.dma_semaphore, #tpu.memory_space<semaphore_mem>>) {add = true}
        %dma_wait3A_197 = arith.constant 0 : i32
        %dma_wait3A_198 = tpu.memref_slice %arg8[%mul3A_174, %dma_wait3A_197] : memref<16x128xi32, #tpu.memory_space<vmem>> -> memref<1x128xi32, #tpu.memory_space<vmem>>
        %dma_wait3A_199 = tpu.memref_squeeze %dma_wait3A_198 : memref<1x128xi32, #tpu.memory_space<vmem>> -> memref<128xi32, #tpu.memory_space<vmem>>
        %dma_wait3A_200 = arith.constant 0 : i32
        %dma_wait3A_201 = arith.constant 0 : i32
        %dma_wait3A_202 = tpu.memref_slice %arg11[%dma_wait3A_200, %dma_wait3A_201] : memref<10240x128xf32, #tpu.memory_space<vmem_shared>> -> memref<10240x128xf32, #tpu.memory_space<vmem_shared>>
        tpu.wait_indirect_dma semaphore(%run_scoped3A : memref<!tpu.dma_semaphore, #tpu.memory_space<semaphore_mem>>) src(%arg9 : memref<128x128xf32, #tpu.memory_space<vmem>>) dst(%dma_wait3A_202 : memref<10240x128xf32, #tpu.memory_space<vmem_shared>>)
        tpu.yield
      }) : () -> ()
      %add3A_175 = arith.constant 2 : i32
      %add3A_176 = arith.addi %add3A_158, %add3A_175 : i32
      %lt3A = arith.constant 80 : i32
      %lt3A_177 = arith.cmpi slt, %add3A_176, %lt3A : i32
      %convert_element_type3A = arith.extui %lt3A_177 : i1 to i32
      %cond3A = arith.constant 0 : i32
      %cond3A_178 = arith.cmpi ne, %convert_element_type3A, %cond3A : i32
      scf.if %cond3A_178 {
        %add3A_191 = arith.constant 2 : i32
        %add3A_192 = arith.addi %add3A_158, %add3A_191 : i32
        %dma_start3A_193 = arith.constant 0 : i32
        %dma_start3A_194 = tpu.memref_slice %arg6[%add3A_192, %dma_start3A_193] : memref<80x128xi32, #tpu.memory_space<vmem>> -> memref<1x128xi32, #tpu.memory_space<vmem>>
        %dma_start3A_195 = tpu.memref_squeeze %dma_start3A_194 : memref<1x128xi32, #tpu.memory_space<vmem>> -> memref<128xi32, #tpu.memory_space<vmem>>
        %dma_start3A_196 = arith.constant 0 : i32
        %dma_start3A_197 = arith.constant 0 : i32
        %dma_start3A_198 = tpu.memref_slice %arg2[%dma_start3A_196, %dma_start3A_197] : memref<10000x128xf32, #tpu.memory_space<hbm>> -> memref<10000x128xf32, #tpu.memory_space<hbm>>
        tpu.enqueue_indirect_dma source(%dma_start3A_198 : memref<10000x128xf32, #tpu.memory_space<hbm>>) target(%arg9 : memref<128x128xf32, #tpu.memory_space<vmem>>) offsets(%dma_start3A_195 : memref<128xi32, #tpu.memory_space<vmem>>) semaphore(%arg12 : memref<!tpu.dma_semaphore, #tpu.memory_space<semaphore_mem>>)
      } else {
      }
      %add3A_179 = arith.constant 1 : i32
      %add3A_180 = arith.addi %add3A_158, %add3A_179 : i32
      %dma_wait3A_181 = arith.constant 0 : i32
      %dma_wait3A_182 = tpu.memref_slice %arg6[%add3A_180, %dma_wait3A_181] : memref<80x128xi32, #tpu.memory_space<vmem>> -> memref<1x128xi32, #tpu.memory_space<vmem>>
      %dma_wait3A_183 = tpu.memref_squeeze %dma_wait3A_182 : memref<1x128xi32, #tpu.memory_space<vmem>> -> memref<128xi32, #tpu.memory_space<vmem>>
      %dma_wait3A_184 = arith.constant 0 : i32
      %dma_wait3A_185 = arith.constant 0 : i32
      %dma_wait3A_186 = tpu.memref_slice %arg2[%dma_wait3A_184, %dma_wait3A_185] : memref<10000x128xf32, #tpu.memory_space<hbm>> -> memref<10000x128xf32, #tpu.memory_space<hbm>>
      tpu.wait_indirect_dma semaphore(%arg13 : memref<!tpu.dma_semaphore, #tpu.memory_space<semaphore_mem>>) src(%dma_wait3A_186 : memref<10000x128xf32, #tpu.memory_space<hbm>>) dst(%arg10 : memref<128x128xf32, #tpu.memory_space<vmem>>)
      %mul3A_187 = arith.constant 2 : i32
      %mul3A_188 = arith.muli %mul3A_187, %scan3A_154 : i32
      %add3A_189 = arith.constant 1 : i32
      %add3A_190 = arith.addi %mul3A_188, %add3A_189 : i32
      "tpu.region"() ({
        %run_scoped3A = tpu.sem_alloc : memref<!tpu.dma_semaphore, #tpu.memory_space<semaphore_mem>>
        %dma_start3A_191 = arith.constant 0 : i32
        %dma_start3A_192 = tpu.memref_slice %arg8[%add3A_190, %dma_start3A_191] : memref<16x128xi32, #tpu.memory_space<vmem>> -> memref<1x128xi32, #tpu.memory_space<vmem>>
        %dma_start3A_193 = tpu.memref_squeeze %dma_start3A_192 : memref<1x128xi32, #tpu.memory_space<vmem>> -> memref<128xi32, #tpu.memory_space<vmem>>
        %dma_start3A_194 = arith.constant 0 : i32
        %dma_start3A_195 = arith.constant 0 : i32
        %dma_start3A_196 = tpu.memref_slice %arg11[%dma_start3A_194, %dma_start3A_195] : memref<10240x128xf32, #tpu.memory_space<vmem_shared>> -> memref<10240x128xf32, #tpu.memory_space<vmem_shared>>
        tpu.enqueue_indirect_dma source(%arg10 : memref<128x128xf32, #tpu.memory_space<vmem>>) target(%dma_start3A_196 : memref<10240x128xf32, #tpu.memory_space<vmem_shared>>) offsets(%dma_start3A_193 : memref<128xi32, #tpu.memory_space<vmem>>) semaphore(%run_scoped3A : memref<!tpu.dma_semaphore, #tpu.memory_space<semaphore_mem>>) {add = true}
        %dma_wait3A_197 = arith.constant 0 : i32
        %dma_wait3A_198 = tpu.memref_slice %arg8[%add3A_190, %dma_wait3A_197] : memref<16x128xi32, #tpu.memory_space<vmem>> -> memref<1x128xi32, #tpu.memory_space<vmem>>
        %dma_wait3A_199 = tpu.memref_squeeze %dma_wait3A_198 : memref<1x128xi32, #tpu.memory_space<vmem>> -> memref<128xi32, #tpu.memory_space<vmem>>
        %dma_wait3A_200 = arith.constant 0 : i32
        %dma_wait3A_201 = arith.constant 0 : i32
        %dma_wait3A_202 = tpu.memref_slice %arg11[%dma_wait3A_200, %dma_wait3A_201] : memref<10240x128xf32, #tpu.memory_space<vmem_shared>> -> memref<10240x128xf32, #tpu.memory_space<vmem_shared>>
        tpu.wait_indirect_dma semaphore(%run_scoped3A : memref<!tpu.dma_semaphore, #tpu.memory_space<semaphore_mem>>) src(%arg10 : memref<128x128xf32, #tpu.memory_space<vmem>>) dst(%dma_wait3A_202 : memref<10240x128xf32, #tpu.memory_space<vmem_shared>>)
        tpu.yield
      }) : () -> ()
    }
    %scan3A_134 = arith.constant 8 : i32
    %dma_wait3A_135 = arith.constant 64 : i32
    %dma_wait3A_136 = arith.constant 0 : i32
    %dma_wait3A_137 = tpu.memref_slice %arg4[%add3A, %dma_wait3A_135, %dma_wait3A_136] : memref<32x80x128xi32, #tpu.memory_space<hbm>> -> memref<1x16x128xi32, #tpu.memory_space<hbm>>
    %dma_wait3A_138 = tpu.memref_squeeze %dma_wait3A_137 : memref<1x16x128xi32, #tpu.memory_space<hbm>> -> memref<16x128xi32, #tpu.memory_space<hbm>>
    %dma_wait3A_139 = arith.constant 64 : i32
    %dma_wait3A_140 = arith.constant 0 : i32
    %dma_wait3A_141 = tpu.memref_slice %arg4[%add3A, %dma_wait3A_139, %dma_wait3A_140] : memref<32x80x128xi32, #tpu.memory_space<hbm>> -> memref<1x16x128xi32, #tpu.memory_space<hbm>>
    %dma_wait3A_142 = tpu.memref_squeeze %dma_wait3A_141 : memref<1x16x128xi32, #tpu.memory_space<hbm>> -> memref<16x128xi32, #tpu.memory_space<hbm>>
    tpu.wait_dma2 semaphore(%arg14 : memref<!tpu.dma_semaphore, #tpu.memory_space<semaphore_mem>>) src(%dma_wait3A_142 : memref<16x128xi32, #tpu.memory_space<hbm>>) dst(%arg7 : memref<16x128xi32, #tpu.memory_space<vmem>>)
    %scan3A_143 = arith.constant 0 : i32
    %scan3A_144 = arith.constant 0 : i32
    %scan3A_145 = arith.constant 8 : i32
    %scan3A_146 = arith.addi %scan3A_144, %scan3A_145 : i32
    %scan3A_147 = arith.constant 1 : i32
    scf.for %scan3A_154 = %scan3A_144 to %scan3A_146 step %scan3A_147  : i32 {
      %mul3A_155 = arith.constant 2 : i32
      %mul3A_156 = arith.muli %mul3A_155, %scan3A_154 : i32
      %add3A_157 = arith.constant 64 : i32
      %add3A_158 = arith.addi %add3A_157, %mul3A_156 : i32
      %add3A_159 = arith.constant 1 : i32
      %add3A_160 = arith.addi %add3A_158, %add3A_159 : i32
      %dma_start3A_161 = arith.constant 0 : i32
      %dma_start3A_162 = tpu.memref_slice %arg6[%add3A_160, %dma_start3A_161] : memref<80x128xi32, #tpu.memory_space<vmem>> -> memref<1x128xi32, #tpu.memory_space<vmem>>
      %dma_start3A_163 = tpu.memref_squeeze %dma_start3A_162 : memref<1x128xi32, #tpu.memory_space<vmem>> -> memref<128xi32, #tpu.memory_space<vmem>>
      %dma_start3A_164 = arith.constant 0 : i32
      %dma_start3A_165 = arith.constant 0 : i32
      %dma_start3A_166 = tpu.memref_slice %arg2[%dma_start3A_164, %dma_start3A_165] : memref<10000x128xf32, #tpu.memory_space<hbm>> -> memref<10000x128xf32, #tpu.memory_space<hbm>>
      tpu.enqueue_indirect_dma source(%dma_start3A_166 : memref<10000x128xf32, #tpu.memory_space<hbm>>) target(%arg10 : memref<128x128xf32, #tpu.memory_space<vmem>>) offsets(%dma_start3A_163 : memref<128xi32, #tpu.memory_space<vmem>>) semaphore(%arg13 : memref<!tpu.dma_semaphore, #tpu.memory_space<semaphore_mem>>)
      %dma_wait3A_167 = arith.constant 0 : i32
      %dma_wait3A_168 = tpu.memref_slice %arg6[%add3A_158, %dma_wait3A_167] : memref<80x128xi32, #tpu.memory_space<vmem>> -> memref<1x128xi32, #tpu.memory_space<vmem>>
      %dma_wait3A_169 = tpu.memref_squeeze %dma_wait3A_168 : memref<1x128xi32, #tpu.memory_space<vmem>> -> memref<128xi32, #tpu.memory_space<vmem>>
      %dma_wait3A_170 = arith.constant 0 : i32
      %dma_wait3A_171 = arith.constant 0 : i32
      %dma_wait3A_172 = tpu.memref_slice %arg2[%dma_wait3A_170, %dma_wait3A_171] : memref<10000x128xf32, #tpu.memory_space<hbm>> -> memref<10000x128xf32, #tpu.memory_space<hbm>>
      tpu.wait_indirect_dma semaphore(%arg12 : memref<!tpu.dma_semaphore, #tpu.memory_space<semaphore_mem>>) src(%dma_wait3A_172 : memref<10000x128xf32, #tpu.memory_space<hbm>>) dst(%arg9 : memref<128x128xf32, #tpu.memory_space<vmem>>)
      %mul3A_173 = arith.constant 2 : i32
      %mul3A_174 = arith.muli %mul3A_173, %scan3A_154 : i32
      "tpu.region"() ({
        %run_scoped3A = tpu.sem_alloc : memref<!tpu.dma_semaphore, #tpu.memory_space<semaphore_mem>>
        %dma_start3A_191 = arith.constant 0 : i32
        %dma_start3A_192 = tpu.memref_slice %arg7[%mul3A_174, %dma_start3A_191] : memref<16x128xi32, #tpu.memory_space<vmem>> -> memref<1x128xi32, #tpu.memory_space<vmem>>
        %dma_start3A_193 = tpu.memref_squeeze %dma_start3A_192 : memref<1x128xi32, #tpu.memory_space<vmem>> -> memref<128xi32, #tpu.memory_space<vmem>>
        %dma_start3A_194 = arith.constant 0 : i32
        %dma_start3A_195 = arith.constant 0 : i32
        %dma_start3A_196 = tpu.memref_slice %arg11[%dma_start3A_194, %dma_start3A_195] : memref<10240x128xf32, #tpu.memory_space<vmem_shared>> -> memref<10240x128xf32, #tpu.memory_space<vmem_shared>>
        tpu.enqueue_indirect_dma source(%arg9 : memref<128x128xf32, #tpu.memory_space<vmem>>) target(%dma_start3A_196 : memref<10240x128xf32, #tpu.memory_space<vmem_shared>>) offsets(%dma_start3A_193 : memref<128xi32, #tpu.memory_space<vmem>>) semaphore(%run_scoped3A : memref<!tpu.dma_semaphore, #tpu.memory_space<semaphore_mem>>) {add = true}
        %dma_wait3A_197 = arith.constant 0 : i32
        %dma_wait3A_198 = tpu.memref_slice %arg7[%mul3A_174, %dma_wait3A_197] : memref<16x128xi32, #tpu.memory_space<vmem>> -> memref<1x128xi32, #tpu.memory_space<vmem>>
        %dma_wait3A_199 = tpu.memref_squeeze %dma_wait3A_198 : memref<1x128xi32, #tpu.memory_space<vmem>> -> memref<128xi32, #tpu.memory_space<vmem>>
        %dma_wait3A_200 = arith.constant 0 : i32
        %dma_wait3A_201 = arith.constant 0 : i32
        %dma_wait3A_202 = tpu.memref_slice %arg11[%dma_wait3A_200, %dma_wait3A_201] : memref<10240x128xf32, #tpu.memory_space<vmem_shared>> -> memref<10240x128xf32, #tpu.memory_space<vmem_shared>>
        tpu.wait_indirect_dma semaphore(%run_scoped3A : memref<!tpu.dma_semaphore, #tpu.memory_space<semaphore_mem>>) src(%arg9 : memref<128x128xf32, #tpu.memory_space<vmem>>) dst(%dma_wait3A_202 : memref<10240x128xf32, #tpu.memory_space<vmem_shared>>)
        tpu.yield
      }) : () -> ()
      %add3A_175 = arith.constant 2 : i32
      %add3A_176 = arith.addi %add3A_158, %add3A_175 : i32
      %lt3A = arith.constant 80 : i32
      %lt3A_177 = arith.cmpi slt, %add3A_176, %lt3A : i32
      %convert_element_type3A = arith.extui %lt3A_177 : i1 to i32
      %cond3A = arith.constant 0 : i32
      %cond3A_178 = arith.cmpi ne, %convert_element_type3A, %cond3A : i32
      scf.if %cond3A_178 {
        %add3A_191 = arith.constant 2 : i32
        %add3A_192 = arith.addi %add3A_158, %add3A_191 : i32
        %dma_start3A_193 = arith.constant 0 : i32
        %dma_start3A_194 = tpu.memref_slice %arg6[%add3A_192, %dma_start3A_193] : memref<80x128xi32, #tpu.memory_space<vmem>> -> memref<1x128xi32, #tpu.memory_space<vmem>>
        %dma_start3A_195 = tpu.memref_squeeze %dma_start3A_194 : memref<1x128xi32, #tpu.memory_space<vmem>> -> memref<128xi32, #tpu.memory_space<vmem>>
        %dma_start3A_196 = arith.constant 0 : i32
        %dma_start3A_197 = arith.constant 0 : i32
        %dma_start3A_198 = tpu.memref_slice %arg2[%dma_start3A_196, %dma_start3A_197] : memref<10000x128xf32, #tpu.memory_space<hbm>> -> memref<10000x128xf32, #tpu.memory_space<hbm>>
        tpu.enqueue_indirect_dma source(%dma_start3A_198 : memref<10000x128xf32, #tpu.memory_space<hbm>>) target(%arg9 : memref<128x128xf32, #tpu.memory_space<vmem>>) offsets(%dma_start3A_195 : memref<128xi32, #tpu.memory_space<vmem>>) semaphore(%arg12 : memref<!tpu.dma_semaphore, #tpu.memory_space<semaphore_mem>>)
      } else {
      }
      %add3A_179 = arith.constant 1 : i32
      %add3A_180 = arith.addi %add3A_158, %add3A_179 : i32
      %dma_wait3A_181 = arith.constant 0 : i32
      %dma_wait3A_182 = tpu.memref_slice %arg6[%add3A_180, %dma_wait3A_181] : memref<80x128xi32, #tpu.memory_space<vmem>> -> memref<1x128xi32, #tpu.memory_space<vmem>>
      %dma_wait3A_183 = tpu.memref_squeeze %dma_wait3A_182 : memref<1x128xi32, #tpu.memory_space<vmem>> -> memref<128xi32, #tpu.memory_space<vmem>>
      %dma_wait3A_184 = arith.constant 0 : i32
      %dma_wait3A_185 = arith.constant 0 : i32
      %dma_wait3A_186 = tpu.memref_slice %arg2[%dma_wait3A_184, %dma_wait3A_185] : memref<10000x128xf32, #tpu.memory_space<hbm>> -> memref<10000x128xf32, #tpu.memory_space<hbm>>
      tpu.wait_indirect_dma semaphore(%arg13 : memref<!tpu.dma_semaphore, #tpu.memory_space<semaphore_mem>>) src(%dma_wait3A_186 : memref<10000x128xf32, #tpu.memory_space<hbm>>) dst(%arg10 : memref<128x128xf32, #tpu.memory_space<vmem>>)
      %mul3A_187 = arith.constant 2 : i32
      %mul3A_188 = arith.muli %mul3A_187, %scan3A_154 : i32
      %add3A_189 = arith.constant 1 : i32
      %add3A_190 = arith.addi %mul3A_188, %add3A_189 : i32
      "tpu.region"() ({
        %run_scoped3A = tpu.sem_alloc : memref<!tpu.dma_semaphore, #tpu.memory_space<semaphore_mem>>
        %dma_start3A_191 = arith.constant 0 : i32
        %dma_start3A_192 = tpu.memref_slice %arg7[%add3A_190, %dma_start3A_191] : memref<16x128xi32, #tpu.memory_space<vmem>> -> memref<1x128xi32, #tpu.memory_space<vmem>>
        %dma_start3A_193 = tpu.memref_squeeze %dma_start3A_192 : memref<1x128xi32, #tpu.memory_space<vmem>> -> memref<128xi32, #tpu.memory_space<vmem>>
        %dma_start3A_194 = arith.constant 0 : i32
        %dma_start3A_195 = arith.constant 0 : i32
        %dma_start3A_196 = tpu.memref_slice %arg11[%dma_start3A_194, %dma_start3A_195] : memref<10240x128xf32, #tpu.memory_space<vmem_shared>> -> memref<10240x128xf32, #tpu.memory_space<vmem_shared>>
        tpu.enqueue_indirect_dma source(%arg10 : memref<128x128xf32, #tpu.memory_space<vmem>>) target(%dma_start3A_196 : memref<10240x128xf32, #tpu.memory_space<vmem_shared>>) offsets(%dma_start3A_193 : memref<128xi32, #tpu.memory_space<vmem>>) semaphore(%run_scoped3A : memref<!tpu.dma_semaphore, #tpu.memory_space<semaphore_mem>>) {add = true}
        %dma_wait3A_197 = arith.constant 0 : i32
        %dma_wait3A_198 = tpu.memref_slice %arg7[%add3A_190, %dma_wait3A_197] : memref<16x128xi32, #tpu.memory_space<vmem>> -> memref<1x128xi32, #tpu.memory_space<vmem>>
        %dma_wait3A_199 = tpu.memref_squeeze %dma_wait3A_198 : memref<1x128xi32, #tpu.memory_space<vmem>> -> memref<128xi32, #tpu.memory_space<vmem>>
        %dma_wait3A_200 = arith.constant 0 : i32
        %dma_wait3A_201 = arith.constant 0 : i32
        %dma_wait3A_202 = tpu.memref_slice %arg11[%dma_wait3A_200, %dma_wait3A_201] : memref<10240x128xf32, #tpu.memory_space<vmem_shared>> -> memref<10240x128xf32, #tpu.memory_space<vmem_shared>>
        tpu.wait_indirect_dma semaphore(%run_scoped3A : memref<!tpu.dma_semaphore, #tpu.memory_space<semaphore_mem>>) src(%arg10 : memref<128x128xf32, #tpu.memory_space<vmem>>) dst(%dma_wait3A_202 : memref<10240x128xf32, #tpu.memory_space<vmem_shared>>)
        tpu.yield
      }) : () -> ()
    }
    %scan3A_148 = arith.constant 8 : i32
    %barrier3A_149 = arith.constant 0 : index
    tpu.barrier barrier_id(%barrier3A_149)
    %mul3A_150 = arith.constant 640 : i32
    %mul3A_151 = arith.muli %arg1, %mul3A_150 : i32
    %mul3A_152 = arith.constant 640 : i32
    %mul3A_153 = arith.muli %arg1, %mul3A_152 : i32
    "tpu.region"() ({
      %run_scoped3A = tpu.sem_alloc : memref<!tpu.dma_semaphore, #tpu.memory_space<semaphore_mem>>
      %dma_start3A_154 = arith.constant 0 : i32
      %dma_start3A_155 = tpu.memref_slice %arg5[%arg0, %mul3A_153, %dma_start3A_154] : memref<2x10240x128xf32, #tpu.memory_space<hbm>> -> memref<1x640x128xf32, #tpu.memory_space<hbm>>
      %dma_start3A_156 = tpu.memref_squeeze %dma_start3A_155 : memref<1x640x128xf32, #tpu.memory_space<hbm>> -> memref<640x128xf32, #tpu.memory_space<hbm>>
      %dma_start3A_157 = arith.constant 0 : i32
      %dma_start3A_158 = tpu.memref_slice %arg11[%mul3A_151, %dma_start3A_157] : memref<10240x128xf32, #tpu.memory_space<vmem_shared>> -> memref<640x128xf32, #tpu.memory_space<vmem_shared>>
      tpu.enqueue_dma source(%dma_start3A_158 : memref<640x128xf32, #tpu.memory_space<vmem_shared>>) target(%dma_start3A_156 : memref<640x128xf32, #tpu.memory_space<hbm>>) target_semaphore(%run_scoped3A : memref<!tpu.dma_semaphore, #tpu.memory_space<semaphore_mem>>)
      %dma_wait3A_159 = arith.constant 0 : i32
      %dma_wait3A_160 = tpu.memref_slice %arg5[%arg0, %mul3A_153, %dma_wait3A_159] : memref<2x10240x128xf32, #tpu.memory_space<hbm>> -> memref<1x640x128xf32, #tpu.memory_space<hbm>>
      %dma_wait3A_161 = tpu.memref_squeeze %dma_wait3A_160 : memref<1x640x128xf32, #tpu.memory_space<hbm>> -> memref<640x128xf32, #tpu.memory_space<hbm>>
      %dma_wait3A_162 = arith.constant 0 : i32
      %dma_wait3A_163 = tpu.memref_slice %arg11[%mul3A_151, %dma_wait3A_162] : memref<10240x128xf32, #tpu.memory_space<vmem_shared>> -> memref<640x128xf32, #tpu.memory_space<vmem_shared>>
      tpu.wait_dma2 semaphore(%run_scoped3A : memref<!tpu.dma_semaphore, #tpu.memory_space<semaphore_mem>>) src(%dma_wait3A_163 : memref<640x128xf32, #tpu.memory_space<vmem_shared>>) dst(%dma_wait3A_161 : memref<640x128xf32, #tpu.memory_space<hbm>>)
      tpu.yield
    }) : () -> ()
    return
  }
}

#map = affine_map<(d0, d1) -> (0, 0)>
#map1 = affine_map<(d0, d1) -> (0, 0, 0)>
module attributes {stable_mosaic.version = 14 : i64} {
  func.func @_sc_aggregate(%arg0: i32, %arg1: i32, %arg2: memref<10000x128xf32, #tpu.memory_space<hbm>>, %arg3: memref<32x80x128xi32, #tpu.memory_space<hbm>>, %arg4: memref<32x80x128xi32, #tpu.memory_space<hbm>>, %arg5: memref<2x10240x128xf32, #tpu.memory_space<hbm>>, %arg6: memref<80x128xi32, #tpu.memory_space<vmem>>, %arg7: memref<16x128xi32, #tpu.memory_space<vmem>>, %arg8: memref<16x128xi32, #tpu.memory_space<vmem>>, %arg9: memref<128x128xf32, #tpu.memory_space<vmem>>, %arg10: memref<128x128xf32, #tpu.memory_space<vmem>>, %arg11: memref<10240x128xf32, #tpu.memory_space<vmem_shared>>, %arg12: memref<!tpu.dma_semaphore, #tpu.memory_space<semaphore_mem>>, %arg13: memref<!tpu.dma_semaphore, #tpu.memory_space<semaphore_mem>>, %arg14: memref<!tpu.dma_semaphore, #tpu.memory_space<semaphore_mem>>) attributes {dimension_semantics = [#tpu.dimension_semantics<core_parallel>, #tpu.dimension_semantics<subcore_parallel>], iteration_bounds = array<i64: 2, 16>, scalar_prefetch = 0 : i64, scratch_operands = 9 : i64, tpu.core_type = #tpu.core_type<sc_vector_subcore>, window_params = [{transform_indices = #map}, {transform_indices = #map1}, {transform_indices = #map1}, {transform_indices = #map1}]} {
    %mul3A = arith.constant 16 : i32
    %mul3A_0 = arith.muli %arg0, %mul3A : i32
    %add3A = arith.addi %mul3A_0, %arg1 : i32
    %dma_start3A = arith.constant 0 : i32
    %dma_start3A_1 = arith.constant 0 : i32
    %dma_start3A_2 = tpu.memref_slice %arg3[%add3A, %dma_start3A, %dma_start3A_1] : memref<32x80x128xi32, #tpu.memory_space<hbm>> -> memref<1x80x128xi32, #tpu.memory_space<hbm>>
    %dma_start3A_3 = tpu.memref_squeeze %dma_start3A_2 : memref<1x80x128xi32, #tpu.memory_space<hbm>> -> memref<80x128xi32, #tpu.memory_space<hbm>>
    %dma_start3A_4 = arith.constant 0 : i32
    %dma_start3A_5 = arith.constant 0 : i32
    %dma_start3A_6 = tpu.memref_slice %arg3[%add3A, %dma_start3A_4, %dma_start3A_5] : memref<32x80x128xi32, #tpu.memory_space<hbm>> -> memref<1x80x128xi32, #tpu.memory_space<hbm>>
    %dma_start3A_7 = tpu.memref_squeeze %dma_start3A_6 : memref<1x80x128xi32, #tpu.memory_space<hbm>> -> memref<80x128xi32, #tpu.memory_space<hbm>>
    tpu.enqueue_dma source(%dma_start3A_7 : memref<80x128xi32, #tpu.memory_space<hbm>>) target(%arg6 : memref<80x128xi32, #tpu.memory_space<vmem>>) target_semaphore(%arg12 : memref<!tpu.dma_semaphore, #tpu.memory_space<semaphore_mem>>)
    %dma_start3A_8 = arith.constant 0 : i32
    %dma_start3A_9 = arith.constant 0 : i32
    %dma_start3A_10 = tpu.memref_slice %arg4[%add3A, %dma_start3A_8, %dma_start3A_9] : memref<32x80x128xi32, #tpu.memory_space<hbm>> -> memref<1x16x128xi32, #tpu.memory_space<hbm>>
    %dma_start3A_11 = tpu.memref_squeeze %dma_start3A_10 : memref<1x16x128xi32, #tpu.memory_space<hbm>> -> memref<16x128xi32, #tpu.memory_space<hbm>>
    %dma_start3A_12 = arith.constant 0 : i32
    %dma_start3A_13 = arith.constant 0 : i32
    %dma_start3A_14 = tpu.memref_slice %arg4[%add3A, %dma_start3A_12, %dma_start3A_13] : memref<32x80x128xi32, #tpu.memory_space<hbm>> -> memref<1x16x128xi32, #tpu.memory_space<hbm>>
    %dma_start3A_15 = tpu.memref_squeeze %dma_start3A_14 : memref<1x16x128xi32, #tpu.memory_space<hbm>> -> memref<16x128xi32, #tpu.memory_space<hbm>>
    tpu.enqueue_dma source(%dma_start3A_15 : memref<16x128xi32, #tpu.memory_space<hbm>>) target(%arg7 : memref<16x128xi32, #tpu.memory_space<vmem>>) target_semaphore(%arg14 : memref<!tpu.dma_semaphore, #tpu.memory_space<semaphore_mem>>)
    %scan3A = arith.constant 0 : i32
    %scan3A_16 = arith.constant 0 : i32
    %scan3A_17 = arith.constant 128 : i32
    %scan3A_18 = arith.addi %scan3A_16, %scan3A_17 : i32
    %scan3A_19 = arith.constant 1 : i32
    scf.for %scan3A_154 = %scan3A_16 to %scan3A_18 step %scan3A_19  : i32 {
      %broadcast_in_dim3A = arith.constant 0.000000e+00 : f32
      %broadcast_in_dim3A_155 = vector.broadcast %broadcast_in_dim3A : f32 to vector<16xf32>
      %swap3A = arith.index_cast %scan3A_154 : i32 to index
      %swap3A_156 = arith.constant 0 : index
      %swap3A_157 = tpu.vector_load %arg9[%swap3A, %swap3A_156] {strides = array<i32>} : memref<128x128xf32, #tpu.memory_space<vmem>>, vector<1x16xf32>,
      %swap3A_158 = vector.shape_cast %swap3A_157 : vector<1x16xf32> to vector<16xf32>
      %swap3A_159 = vector.shape_cast %broadcast_in_dim3A_155 : vector<16xf32> to vector<1x16xf32>
      tpu.vector_store %arg9[%swap3A, %swap3A_156], %swap3A_159 {strides = array<i32>} : memref<128x128xf32, #tpu.memory_space<vmem>>, vector<1x16xf32>,
      %broadcast_in_dim3A_160 = arith.constant 0.000000e+00 : f32
      %broadcast_in_dim3A_161 = vector.broadcast %broadcast_in_dim3A_160 : f32 to vector<16xf32>
      %swap3A_162 = arith.index_cast %scan3A_154 : i32 to index
      %swap3A_163 = arith.constant 16 : index
      %swap3A_164 = tpu.vector_load %arg9[%swap3A_162, %swap3A_163] {strides = array<i32>} : memref<128x128xf32, #tpu.memory_space<vmem>>, vector<1x16xf32>,
      %swap3A_165 = vector.shape_cast %swap3A_164 : vector<1x16xf32> to vector<16xf32>
      %swap3A_166 = vector.shape_cast %broadcast_in_dim3A_161 : vector<16xf32> to vector<1x16xf32>
      tpu.vector_store %arg9[%swap3A_162, %swap3A_163], %swap3A_166 {strides = array<i32>} : memref<128x128xf32, #tpu.memory_space<vmem>>, vector<1x16xf32>,
      %broadcast_in_dim3A_167 = arith.constant 0.000000e+00 : f32
      %broadcast_in_dim3A_168 = vector.broadcast %broadcast_in_dim3A_167 : f32 to vector<16xf32>
      %swap3A_169 = arith.index_cast %scan3A_154 : i32 to index
      %swap3A_170 = arith.constant 32 : index
      %swap3A_171 = tpu.vector_load %arg9[%swap3A_169, %swap3A_170] {strides = array<i32>} : memref<128x128xf32, #tpu.memory_space<vmem>>, vector<1x16xf32>,
      %swap3A_172 = vector.shape_cast %swap3A_171 : vector<1x16xf32> to vector<16xf32>
      %swap3A_173 = vector.shape_cast %broadcast_in_dim3A_168 : vector<16xf32> to vector<1x16xf32>
      tpu.vector_store %arg9[%swap3A_169, %swap3A_170], %swap3A_173 {strides = array<i32>} : memref<128x128xf32, #tpu.memory_space<vmem>>, vector<1x16xf32>,
      %broadcast_in_dim3A_174 = arith.constant 0.000000e+00 : f32
      %broadcast_in_dim3A_175 = vector.broadcast %broadcast_in_dim3A_174 : f32 to vector<16xf32>
      %swap3A_176 = arith.index_cast %scan3A_154 : i32 to index
      %swap3A_177 = arith.constant 48 : index
      %swap3A_178 = tpu.vector_load %arg9[%swap3A_176, %swap3A_177] {strides = array<i32>} : memref<128x128xf32, #tpu.memory_space<vmem>>, vector<1x16xf32>,
      %swap3A_179 = vector.shape_cast %swap3A_178 : vector<1x16xf32> to vector<16xf32>
      %swap3A_180 = vector.shape_cast %broadcast_in_dim3A_175 : vector<16xf32> to vector<1x16xf32>
      tpu.vector_store %arg9[%swap3A_176, %swap3A_177], %swap3A_180 {strides = array<i32>} : memref<128x128xf32, #tpu.memory_space<vmem>>, vector<1x16xf32>,
      %broadcast_in_dim3A_181 = arith.constant 0.000000e+00 : f32
      %broadcast_in_dim3A_182 = vector.broadcast %broadcast_in_dim3A_181 : f32 to vector<16xf32>
      %swap3A_183 = arith.index_cast %scan3A_154 : i32 to index
      %swap3A_184 = arith.constant 64 : index
      %swap3A_185 = tpu.vector_load %arg9[%swap3A_183, %swap3A_184] {strides = array<i32>} : memref<128x128xf32, #tpu.memory_space<vmem>>, vector<1x16xf32>,
      %swap3A_186 = vector.shape_cast %swap3A_185 : vector<1x16xf32> to vector<16xf32>
      %swap3A_187 = vector.shape_cast %broadcast_in_dim3A_182 : vector<16xf32> to vector<1x16xf32>
      tpu.vector_store %arg9[%swap3A_183, %swap3A_184], %swap3A_187 {strides = array<i32>} : memref<128x128xf32, #tpu.memory_space<vmem>>, vector<1x16xf32>,
      %broadcast_in_dim3A_188 = arith.constant 0.000000e+00 : f32
      %broadcast_in_dim3A_189 = vector.broadcast %broadcast_in_dim3A_188 : f32 to vector<16xf32>
      %swap3A_190 = arith.index_cast %scan3A_154 : i32 to index
      %swap3A_191 = arith.constant 80 : index
      %swap3A_192 = tpu.vector_load %arg9[%swap3A_190, %swap3A_191] {strides = array<i32>} : memref<128x128xf32, #tpu.memory_space<vmem>>, vector<1x16xf32>,
      %swap3A_193 = vector.shape_cast %swap3A_192 : vector<1x16xf32> to vector<16xf32>
      %swap3A_194 = vector.shape_cast %broadcast_in_dim3A_189 : vector<16xf32> to vector<1x16xf32>
      tpu.vector_store %arg9[%swap3A_190, %swap3A_191], %swap3A_194 {strides = array<i32>} : memref<128x128xf32, #tpu.memory_space<vmem>>, vector<1x16xf32>,
      %broadcast_in_dim3A_195 = arith.constant 0.000000e+00 : f32
      %broadcast_in_dim3A_196 = vector.broadcast %broadcast_in_dim3A_195 : f32 to vector<16xf32>
      %swap3A_197 = arith.index_cast %scan3A_154 : i32 to index
      %swap3A_198 = arith.constant 96 : index
      %swap3A_199 = tpu.vector_load %arg9[%swap3A_197, %swap3A_198] {strides = array<i32>} : memref<128x128xf32, #tpu.memory_space<vmem>>, vector<1x16xf32>,
      %swap3A_200 = vector.shape_cast %swap3A_199 : vector<1x16xf32> to vector<16xf32>
      %swap3A_201 = vector.shape_cast %broadcast_in_dim3A_196 : vector<16xf32> to vector<1x16xf32>
      tpu.vector_store %arg9[%swap3A_197, %swap3A_198], %swap3A_201 {strides = array<i32>} : memref<128x128xf32, #tpu.memory_space<vmem>>, vector<1x16xf32>,
      %broadcast_in_dim3A_202 = arith.constant 0.000000e+00 : f32
      %broadcast_in_dim3A_203 = vector.broadcast %broadcast_in_dim3A_202 : f32 to vector<16xf32>
      %swap3A_204 = arith.index_cast %scan3A_154 : i32 to index
      %swap3A_205 = arith.constant 112 : index
      %swap3A_206 = tpu.vector_load %arg9[%swap3A_204, %swap3A_205] {strides = array<i32>} : memref<128x128xf32, #tpu.memory_space<vmem>>, vector<1x16xf32>,
      %swap3A_207 = vector.shape_cast %swap3A_206 : vector<1x16xf32> to vector<16xf32>
      %swap3A_208 = vector.shape_cast %broadcast_in_dim3A_203 : vector<16xf32> to vector<1x16xf32>
      tpu.vector_store %arg9[%swap3A_204, %swap3A_205], %swap3A_208 {strides = array<i32>} : memref<128x128xf32, #tpu.memory_space<vmem>>, vector<1x16xf32>,
    }
    %scan3A_20 = arith.constant 128 : i32
    %mul3A_21 = arith.constant 640 : i32
    %mul3A_22 = arith.muli %arg1, %mul3A_21 : i32
    %add3A_23 = arith.constant 0 : i32
    %add3A_24 = arith.addi %mul3A_22, %add3A_23 : i32
    "tpu.region"() ({
      %run_scoped3A = tpu.sem_alloc : memref<!tpu.dma_semaphore, #tpu.memory_space<semaphore_mem>>
      %dma_start3A_154 = arith.constant 0 : i32
      %dma_start3A_155 = tpu.memref_slice %arg11[%add3A_24, %dma_start3A_154] : memref<10240x128xf32, #tpu.memory_space<vmem_shared>> -> memref<128x128xf32, #tpu.memory_space<vmem_shared>>
      %dma_start3A_156 = arith.constant 0 : i32
      %dma_start3A_157 = tpu.memref_slice %arg11[%add3A_24, %dma_start3A_156] : memref<10240x128xf32, #tpu.memory_space<vmem_shared>> -> memref<128x128xf32, #tpu.memory_space<vmem_shared>>
      tpu.enqueue_dma source(%arg9 : memref<128x128xf32, #tpu.memory_space<vmem>>) target(%dma_start3A_157 : memref<128x128xf32, #tpu.memory_space<vmem_shared>>) target_semaphore(%run_scoped3A : memref<!tpu.dma_semaphore, #tpu.memory_space<semaphore_mem>>)
      %dma_wait3A_158 = arith.constant 0 : i32
      %dma_wait3A_159 = tpu.memref_slice %arg11[%add3A_24, %dma_wait3A_158] : memref<10240x128xf32, #tpu.memory_space<vmem_shared>> -> memref<128x128xf32, #tpu.memory_space<vmem_shared>>
      %dma_wait3A_160 = arith.constant 0 : i32
      %dma_wait3A_161 = tpu.memref_slice %arg11[%add3A_24, %dma_wait3A_160] : memref<10240x128xf32, #tpu.memory_space<vmem_shared>> -> memref<128x128xf32, #tpu.memory_space<vmem_shared>>
      tpu.wait_dma2 semaphore(%run_scoped3A : memref<!tpu.dma_semaphore, #tpu.memory_space<semaphore_mem>>) src(%arg9 : memref<128x128xf32, #tpu.memory_space<vmem>>) dst(%dma_wait3A_161 : memref<128x128xf32, #tpu.memory_space<vmem_shared>>)
      tpu.yield
    }) : () -> ()
    %add3A_25 = arith.constant 128 : i32
    %add3A_26 = arith.addi %mul3A_22, %add3A_25 : i32
    "tpu.region"() ({
      %run_scoped3A = tpu.sem_alloc : memref<!tpu.dma_semaphore, #tpu.memory_space<semaphore_mem>>
      %dma_start3A_154 = arith.constant 0 : i32
      %dma_start3A_155 = tpu.memref_slice %arg11[%add3A_26, %dma_start3A_154] : memref<10240x128xf32, #tpu.memory_space<vmem_shared>> -> memref<128x128xf32, #tpu.memory_space<vmem_shared>>
      %dma_start3A_156 = arith.constant 0 : i32
      %dma_start3A_157 = tpu.memref_slice %arg11[%add3A_26, %dma_start3A_156] : memref<10240x128xf32, #tpu.memory_space<vmem_shared>> -> memref<128x128xf32, #tpu.memory_space<vmem_shared>>
      tpu.enqueue_dma source(%arg9 : memref<128x128xf32, #tpu.memory_space<vmem>>) target(%dma_start3A_157 : memref<128x128xf32, #tpu.memory_space<vmem_shared>>) target_semaphore(%run_scoped3A : memref<!tpu.dma_semaphore, #tpu.memory_space<semaphore_mem>>)
      %dma_wait3A_158 = arith.constant 0 : i32
      %dma_wait3A_159 = tpu.memref_slice %arg11[%add3A_26, %dma_wait3A_158] : memref<10240x128xf32, #tpu.memory_space<vmem_shared>> -> memref<128x128xf32, #tpu.memory_space<vmem_shared>>
      %dma_wait3A_160 = arith.constant 0 : i32
      %dma_wait3A_161 = tpu.memref_slice %arg11[%add3A_26, %dma_wait3A_160] : memref<10240x128xf32, #tpu.memory_space<vmem_shared>> -> memref<128x128xf32, #tpu.memory_space<vmem_shared>>
      tpu.wait_dma2 semaphore(%run_scoped3A : memref<!tpu.dma_semaphore, #tpu.memory_space<semaphore_mem>>) src(%arg9 : memref<128x128xf32, #tpu.memory_space<vmem>>) dst(%dma_wait3A_161 : memref<128x128xf32, #tpu.memory_space<vmem_shared>>)
      tpu.yield
    }) : () -> ()
    %add3A_27 = arith.constant 256 : i32
    %add3A_28 = arith.addi %mul3A_22, %add3A_27 : i32
    "tpu.region"() ({
      %run_scoped3A = tpu.sem_alloc : memref<!tpu.dma_semaphore, #tpu.memory_space<semaphore_mem>>
      %dma_start3A_154 = arith.constant 0 : i32
      %dma_start3A_155 = tpu.memref_slice %arg11[%add3A_28, %dma_start3A_154] : memref<10240x128xf32, #tpu.memory_space<vmem_shared>> -> memref<128x128xf32, #tpu.memory_space<vmem_shared>>
      %dma_start3A_156 = arith.constant 0 : i32
      %dma_start3A_157 = tpu.memref_slice %arg11[%add3A_28, %dma_start3A_156] : memref<10240x128xf32, #tpu.memory_space<vmem_shared>> -> memref<128x128xf32, #tpu.memory_space<vmem_shared>>
      tpu.enqueue_dma source(%arg9 : memref<128x128xf32, #tpu.memory_space<vmem>>) target(%dma_start3A_157 : memref<128x128xf32, #tpu.memory_space<vmem_shared>>) target_semaphore(%run_scoped3A : memref<!tpu.dma_semaphore, #tpu.memory_space<semaphore_mem>>)
      %dma_wait3A_158 = arith.constant 0 : i32
      %dma_wait3A_159 = tpu.memref_slice %arg11[%add3A_28, %dma_wait3A_158] : memref<10240x128xf32, #tpu.memory_space<vmem_shared>> -> memref<128x128xf32, #tpu.memory_space<vmem_shared>>
      %dma_wait3A_160 = arith.constant 0 : i32
      %dma_wait3A_161 = tpu.memref_slice %arg11[%add3A_28, %dma_wait3A_160] : memref<10240x128xf32, #tpu.memory_space<vmem_shared>> -> memref<128x128xf32, #tpu.memory_space<vmem_shared>>
      tpu.wait_dma2 semaphore(%run_scoped3A : memref<!tpu.dma_semaphore, #tpu.memory_space<semaphore_mem>>) src(%arg9 : memref<128x128xf32, #tpu.memory_space<vmem>>) dst(%dma_wait3A_161 : memref<128x128xf32, #tpu.memory_space<vmem_shared>>)
      tpu.yield
    }) : () -> ()
    %add3A_29 = arith.constant 384 : i32
    %add3A_30 = arith.addi %mul3A_22, %add3A_29 : i32
    "tpu.region"() ({
      %run_scoped3A = tpu.sem_alloc : memref<!tpu.dma_semaphore, #tpu.memory_space<semaphore_mem>>
      %dma_start3A_154 = arith.constant 0 : i32
      %dma_start3A_155 = tpu.memref_slice %arg11[%add3A_30, %dma_start3A_154] : memref<10240x128xf32, #tpu.memory_space<vmem_shared>> -> memref<128x128xf32, #tpu.memory_space<vmem_shared>>
      %dma_start3A_156 = arith.constant 0 : i32
      %dma_start3A_157 = tpu.memref_slice %arg11[%add3A_30, %dma_start3A_156] : memref<10240x128xf32, #tpu.memory_space<vmem_shared>> -> memref<128x128xf32, #tpu.memory_space<vmem_shared>>
      tpu.enqueue_dma source(%arg9 : memref<128x128xf32, #tpu.memory_space<vmem>>) target(%dma_start3A_157 : memref<128x128xf32, #tpu.memory_space<vmem_shared>>) target_semaphore(%run_scoped3A : memref<!tpu.dma_semaphore, #tpu.memory_space<semaphore_mem>>)
      %dma_wait3A_158 = arith.constant 0 : i32
      %dma_wait3A_159 = tpu.memref_slice %arg11[%add3A_30, %dma_wait3A_158] : memref<10240x128xf32, #tpu.memory_space<vmem_shared>> -> memref<128x128xf32, #tpu.memory_space<vmem_shared>>
      %dma_wait3A_160 = arith.constant 0 : i32
      %dma_wait3A_161 = tpu.memref_slice %arg11[%add3A_30, %dma_wait3A_160] : memref<10240x128xf32, #tpu.memory_space<vmem_shared>> -> memref<128x128xf32, #tpu.memory_space<vmem_shared>>
      tpu.wait_dma2 semaphore(%run_scoped3A : memref<!tpu.dma_semaphore, #tpu.memory_space<semaphore_mem>>) src(%arg9 : memref<128x128xf32, #tpu.memory_space<vmem>>) dst(%dma_wait3A_161 : memref<128x128xf32, #tpu.memory_space<vmem_shared>>)
      tpu.yield
    }) : () -> ()
    %add3A_31 = arith.constant 512 : i32
    %add3A_32 = arith.addi %mul3A_22, %add3A_31 : i32
    "tpu.region"() ({
      %run_scoped3A = tpu.sem_alloc : memref<!tpu.dma_semaphore, #tpu.memory_space<semaphore_mem>>
      %dma_start3A_154 = arith.constant 0 : i32
      %dma_start3A_155 = tpu.memref_slice %arg11[%add3A_32, %dma_start3A_154] : memref<10240x128xf32, #tpu.memory_space<vmem_shared>> -> memref<128x128xf32, #tpu.memory_space<vmem_shared>>
      %dma_start3A_156 = arith.constant 0 : i32
      %dma_start3A_157 = tpu.memref_slice %arg11[%add3A_32, %dma_start3A_156] : memref<10240x128xf32, #tpu.memory_space<vmem_shared>> -> memref<128x128xf32, #tpu.memory_space<vmem_shared>>
      tpu.enqueue_dma source(%arg9 : memref<128x128xf32, #tpu.memory_space<vmem>>) target(%dma_start3A_157 : memref<128x128xf32, #tpu.memory_space<vmem_shared>>) target_semaphore(%run_scoped3A : memref<!tpu.dma_semaphore, #tpu.memory_space<semaphore_mem>>)
      %dma_wait3A_158 = arith.constant 0 : i32
      %dma_wait3A_159 = tpu.memref_slice %arg11[%add3A_32, %dma_wait3A_158] : memref<10240x128xf32, #tpu.memory_space<vmem_shared>> -> memref<128x128xf32, #tpu.memory_space<vmem_shared>>
      %dma_wait3A_160 = arith.constant 0 : i32
      %dma_wait3A_161 = tpu.memref_slice %arg11[%add3A_32, %dma_wait3A_160] : memref<10240x128xf32, #tpu.memory_space<vmem_shared>> -> memref<128x128xf32, #tpu.memory_space<vmem_shared>>
      tpu.wait_dma2 semaphore(%run_scoped3A : memref<!tpu.dma_semaphore, #tpu.memory_space<semaphore_mem>>) src(%arg9 : memref<128x128xf32, #tpu.memory_space<vmem>>) dst(%dma_wait3A_161 : memref<128x128xf32, #tpu.memory_space<vmem_shared>>)
      tpu.yield
    }) : () -> ()
    %dma_wait3A = arith.constant 0 : i32
    %dma_wait3A_33 = arith.constant 0 : i32
    %dma_wait3A_34 = tpu.memref_slice %arg3[%add3A, %dma_wait3A, %dma_wait3A_33] : memref<32x80x128xi32, #tpu.memory_space<hbm>> -> memref<1x80x128xi32, #tpu.memory_space<hbm>>
    %dma_wait3A_35 = tpu.memref_squeeze %dma_wait3A_34 : memref<1x80x128xi32, #tpu.memory_space<hbm>> -> memref<80x128xi32, #tpu.memory_space<hbm>>
    %dma_wait3A_36 = arith.constant 0 : i32
    %dma_wait3A_37 = arith.constant 0 : i32
    %dma_wait3A_38 = tpu.memref_slice %arg3[%add3A, %dma_wait3A_36, %dma_wait3A_37] : memref<32x80x128xi32, #tpu.memory_space<hbm>> -> memref<1x80x128xi32, #tpu.memory_space<hbm>>
    %dma_wait3A_39 = tpu.memref_squeeze %dma_wait3A_38 : memref<1x80x128xi32, #tpu.memory_space<hbm>> -> memref<80x128xi32, #tpu.memory_space<hbm>>
    tpu.wait_dma2 semaphore(%arg12 : memref<!tpu.dma_semaphore, #tpu.memory_space<semaphore_mem>>) src(%dma_wait3A_39 : memref<80x128xi32, #tpu.memory_space<hbm>>) dst(%arg6 : memref<80x128xi32, #tpu.memory_space<vmem>>)
    %dma_wait3A_40 = arith.constant 0 : i32
    %dma_wait3A_41 = arith.constant 0 : i32
    %dma_wait3A_42 = tpu.memref_slice %arg4[%add3A, %dma_wait3A_40, %dma_wait3A_41] : memref<32x80x128xi32, #tpu.memory_space<hbm>> -> memref<1x16x128xi32, #tpu.memory_space<hbm>>
    %dma_wait3A_43 = tpu.memref_squeeze %dma_wait3A_42 : memref<1x16x128xi32, #tpu.memory_space<hbm>> -> memref<16x128xi32, #tpu.memory_space<hbm>>
    %dma_wait3A_44 = arith.constant 0 : i32
    %dma_wait3A_45 = arith.constant 0 : i32
    %dma_wait3A_46 = tpu.memref_slice %arg4[%add3A, %dma_wait3A_44, %dma_wait3A_45] : memref<32x80x128xi32, #tpu.memory_space<hbm>> -> memref<1x16x128xi32, #tpu.memory_space<hbm>>
    %dma_wait3A_47 = tpu.memref_squeeze %dma_wait3A_46 : memref<1x16x128xi32, #tpu.memory_space<hbm>> -> memref<16x128xi32, #tpu.memory_space<hbm>>
    tpu.wait_dma2 semaphore(%arg14 : memref<!tpu.dma_semaphore, #tpu.memory_space<semaphore_mem>>) src(%dma_wait3A_47 : memref<16x128xi32, #tpu.memory_space<hbm>>) dst(%arg7 : memref<16x128xi32, #tpu.memory_space<vmem>>)
    %barrier3A = arith.constant 0 : index
    tpu.barrier barrier_id(%barrier3A)
    %dma_start3A_48 = arith.constant 0 : i32
    %dma_start3A_49 = arith.constant 0 : i32
    %dma_start3A_50 = tpu.memref_slice %arg6[%dma_start3A_48, %dma_start3A_49] : memref<80x128xi32, #tpu.memory_space<vmem>> -> memref<1x128xi32, #tpu.memory_space<vmem>>
    %dma_start3A_51 = tpu.memref_squeeze %dma_start3A_50 : memref<1x128xi32, #tpu.memory_space<vmem>> -> memref<128xi32, #tpu.memory_space<vmem>>
    %dma_start3A_52 = arith.constant 0 : i32
    %dma_start3A_53 = arith.constant 0 : i32
    %dma_start3A_54 = tpu.memref_slice %arg2[%dma_start3A_52, %dma_start3A_53] : memref<10000x128xf32, #tpu.memory_space<hbm>> -> memref<10000x128xf32, #tpu.memory_space<hbm>>
    tpu.enqueue_indirect_dma source(%dma_start3A_54 : memref<10000x128xf32, #tpu.memory_space<hbm>>) target(%arg9 : memref<128x128xf32, #tpu.memory_space<vmem>>) offsets(%dma_start3A_51 : memref<128xi32, #tpu.memory_space<vmem>>) semaphore(%arg12 : memref<!tpu.dma_semaphore, #tpu.memory_space<semaphore_mem>>)
    %dma_start3A_55 = arith.constant 16 : i32
    %dma_start3A_56 = arith.constant 0 : i32
    %dma_start3A_57 = tpu.memref_slice %arg4[%add3A, %dma_start3A_55, %dma_start3A_56] : memref<32x80x128xi32, #tpu.memory_space<hbm>> -> memref<1x16x128xi32, #tpu.memory_space<hbm>>
    %dma_start3A_58 = tpu.memref_squeeze %dma_start3A_57 : memref<1x16x128xi32, #tpu.memory_space<hbm>> -> memref<16x128xi32, #tpu.memory_space<hbm>>
    %dma_start3A_59 = arith.constant 16 : i32
    %dma_start3A_60 = arith.constant 0 : i32
    %dma_start3A_61 = tpu.memref_slice %arg4[%add3A, %dma_start3A_59, %dma_start3A_60] : memref<32x80x128xi32, #tpu.memory_space<hbm>> -> memref<1x16x128xi32, #tpu.memory_space<hbm>>
    %dma_start3A_62 = tpu.memref_squeeze %dma_start3A_61 : memref<1x16x128xi32, #tpu.memory_space<hbm>> -> memref<16x128xi32, #tpu.memory_space<hbm>>
    tpu.enqueue_dma source(%dma_start3A_62 : memref<16x128xi32, #tpu.memory_space<hbm>>) target(%arg8 : memref<16x128xi32, #tpu.memory_space<vmem>>) target_semaphore(%arg14 : memref<!tpu.dma_semaphore, #tpu.memory_space<semaphore_mem>>)
    %scan3A_63 = arith.constant 0 : i32
    %scan3A_64 = arith.constant 0 : i32
    %scan3A_65 = arith.constant 8 : i32
    %scan3A_66 = arith.addi %scan3A_64, %scan3A_65 : i32
    %scan3A_67 = arith.constant 1 : i32
    scf.for %scan3A_154 = %scan3A_64 to %scan3A_66 step %scan3A_67  : i32 {
      %mul3A_155 = arith.constant 2 : i32
      %mul3A_156 = arith.muli %mul3A_155, %scan3A_154 : i32
      %add3A_157 = arith.constant 0 : i32
      %add3A_158 = arith.addi %add3A_157, %mul3A_156 : i32
      %add3A_159 = arith.constant 1 : i32
      %add3A_160 = arith.addi %add3A_158, %add3A_159 : i32
      %dma_start3A_161 = arith.constant 0 : i32
      %dma_start3A_162 = tpu.memref_slice %arg6[%add3A_160, %dma_start3A_161] : memref<80x128xi32, #tpu.memory_space<vmem>> -> memref<1x128xi32, #tpu.memory_space<vmem>>
      %dma_start3A_163 = tpu.memref_squeeze %dma_start3A_162 : memref<1x128xi32, #tpu.memory_space<vmem>> -> memref<128xi32, #tpu.memory_space<vmem>>
      %dma_start3A_164 = arith.constant 0 : i32
      %dma_start3A_165 = arith.constant 0 : i32
      %dma_start3A_166 = tpu.memref_slice %arg2[%dma_start3A_164, %dma_start3A_165] : memref<10000x128xf32, #tpu.memory_space<hbm>> -> memref<10000x128xf32, #tpu.memory_space<hbm>>
      tpu.enqueue_indirect_dma source(%dma_start3A_166 : memref<10000x128xf32, #tpu.memory_space<hbm>>) target(%arg10 : memref<128x128xf32, #tpu.memory_space<vmem>>) offsets(%dma_start3A_163 : memref<128xi32, #tpu.memory_space<vmem>>) semaphore(%arg13 : memref<!tpu.dma_semaphore, #tpu.memory_space<semaphore_mem>>)
      %dma_wait3A_167 = arith.constant 0 : i32
      %dma_wait3A_168 = tpu.memref_slice %arg6[%add3A_158, %dma_wait3A_167] : memref<80x128xi32, #tpu.memory_space<vmem>> -> memref<1x128xi32, #tpu.memory_space<vmem>>
      %dma_wait3A_169 = tpu.memref_squeeze %dma_wait3A_168 : memref<1x128xi32, #tpu.memory_space<vmem>> -> memref<128xi32, #tpu.memory_space<vmem>>
      %dma_wait3A_170 = arith.constant 0 : i32
      %dma_wait3A_171 = arith.constant 0 : i32
      %dma_wait3A_172 = tpu.memref_slice %arg2[%dma_wait3A_170, %dma_wait3A_171] : memref<10000x128xf32, #tpu.memory_space<hbm>> -> memref<10000x128xf32, #tpu.memory_space<hbm>>
      tpu.wait_indirect_dma semaphore(%arg12 : memref<!tpu.dma_semaphore, #tpu.memory_space<semaphore_mem>>) src(%dma_wait3A_172 : memref<10000x128xf32, #tpu.memory_space<hbm>>) dst(%arg9 : memref<128x128xf32, #tpu.memory_space<vmem>>)
      %mul3A_173 = arith.constant 2 : i32
      %mul3A_174 = arith.muli %mul3A_173, %scan3A_154 : i32
      "tpu.region"() ({
        %run_scoped3A = tpu.sem_alloc : memref<!tpu.dma_semaphore, #tpu.memory_space<semaphore_mem>>
        %dma_start3A_191 = arith.constant 0 : i32
        %dma_start3A_192 = tpu.memref_slice %arg7[%mul3A_174, %dma_start3A_191] : memref<16x128xi32, #tpu.memory_space<vmem>> -> memref<1x128xi32, #tpu.memory_space<vmem>>
        %dma_start3A_193 = tpu.memref_squeeze %dma_start3A_192 : memref<1x128xi32, #tpu.memory_space<vmem>> -> memref<128xi32, #tpu.memory_space<vmem>>
        %dma_start3A_194 = arith.constant 0 : i32
        %dma_start3A_195 = arith.constant 0 : i32
        %dma_start3A_196 = tpu.memref_slice %arg11[%dma_start3A_194, %dma_start3A_195] : memref<10240x128xf32, #tpu.memory_space<vmem_shared>> -> memref<10240x128xf32, #tpu.memory_space<vmem_shared>>
        tpu.enqueue_indirect_dma source(%arg9 : memref<128x128xf32, #tpu.memory_space<vmem>>) target(%dma_start3A_196 : memref<10240x128xf32, #tpu.memory_space<vmem_shared>>) offsets(%dma_start3A_193 : memref<128xi32, #tpu.memory_space<vmem>>) semaphore(%run_scoped3A : memref<!tpu.dma_semaphore, #tpu.memory_space<semaphore_mem>>) {add = true}
        %dma_wait3A_197 = arith.constant 0 : i32
        %dma_wait3A_198 = tpu.memref_slice %arg7[%mul3A_174, %dma_wait3A_197] : memref<16x128xi32, #tpu.memory_space<vmem>> -> memref<1x128xi32, #tpu.memory_space<vmem>>
        %dma_wait3A_199 = tpu.memref_squeeze %dma_wait3A_198 : memref<1x128xi32, #tpu.memory_space<vmem>> -> memref<128xi32, #tpu.memory_space<vmem>>
        %dma_wait3A_200 = arith.constant 0 : i32
        %dma_wait3A_201 = arith.constant 0 : i32
        %dma_wait3A_202 = tpu.memref_slice %arg11[%dma_wait3A_200, %dma_wait3A_201] : memref<10240x128xf32, #tpu.memory_space<vmem_shared>> -> memref<10240x128xf32, #tpu.memory_space<vmem_shared>>
        tpu.wait_indirect_dma semaphore(%run_scoped3A : memref<!tpu.dma_semaphore, #tpu.memory_space<semaphore_mem>>) src(%arg9 : memref<128x128xf32, #tpu.memory_space<vmem>>) dst(%dma_wait3A_202 : memref<10240x128xf32, #tpu.memory_space<vmem_shared>>)
        tpu.yield
      }) : () -> ()
      %add3A_175 = arith.constant 2 : i32
      %add3A_176 = arith.addi %add3A_158, %add3A_175 : i32
      %lt3A = arith.constant 80 : i32
      %lt3A_177 = arith.cmpi slt, %add3A_176, %lt3A : i32
      %convert_element_type3A = arith.extui %lt3A_177 : i1 to i32
      %cond3A = arith.constant 0 : i32
      %cond3A_178 = arith.cmpi ne, %convert_element_type3A, %cond3A : i32
      scf.if %cond3A_178 {
        %add3A_191 = arith.constant 2 : i32
        %add3A_192 = arith.addi %add3A_158, %add3A_191 : i32
        %dma_start3A_193 = arith.constant 0 : i32
        %dma_start3A_194 = tpu.memref_slice %arg6[%add3A_192, %dma_start3A_193] : memref<80x128xi32, #tpu.memory_space<vmem>> -> memref<1x128xi32, #tpu.memory_space<vmem>>
        %dma_start3A_195 = tpu.memref_squeeze %dma_start3A_194 : memref<1x128xi32, #tpu.memory_space<vmem>> -> memref<128xi32, #tpu.memory_space<vmem>>
        %dma_start3A_196 = arith.constant 0 : i32
        %dma_start3A_197 = arith.constant 0 : i32
        %dma_start3A_198 = tpu.memref_slice %arg2[%dma_start3A_196, %dma_start3A_197] : memref<10000x128xf32, #tpu.memory_space<hbm>> -> memref<10000x128xf32, #tpu.memory_space<hbm>>
        tpu.enqueue_indirect_dma source(%dma_start3A_198 : memref<10000x128xf32, #tpu.memory_space<hbm>>) target(%arg9 : memref<128x128xf32, #tpu.memory_space<vmem>>) offsets(%dma_start3A_195 : memref<128xi32, #tpu.memory_space<vmem>>) semaphore(%arg12 : memref<!tpu.dma_semaphore, #tpu.memory_space<semaphore_mem>>)
      } else {
      }
      %add3A_179 = arith.constant 1 : i32
      %add3A_180 = arith.addi %add3A_158, %add3A_179 : i32
      %dma_wait3A_181 = arith.constant 0 : i32
      %dma_wait3A_182 = tpu.memref_slice %arg6[%add3A_180, %dma_wait3A_181] : memref<80x128xi32, #tpu.memory_space<vmem>> -> memref<1x128xi32, #tpu.memory_space<vmem>>
      %dma_wait3A_183 = tpu.memref_squeeze %dma_wait3A_182 : memref<1x128xi32, #tpu.memory_space<vmem>> -> memref<128xi32, #tpu.memory_space<vmem>>
      %dma_wait3A_184 = arith.constant 0 : i32
      %dma_wait3A_185 = arith.constant 0 : i32
      %dma_wait3A_186 = tpu.memref_slice %arg2[%dma_wait3A_184, %dma_wait3A_185] : memref<10000x128xf32, #tpu.memory_space<hbm>> -> memref<10000x128xf32, #tpu.memory_space<hbm>>
      tpu.wait_indirect_dma semaphore(%arg13 : memref<!tpu.dma_semaphore, #tpu.memory_space<semaphore_mem>>) src(%dma_wait3A_186 : memref<10000x128xf32, #tpu.memory_space<hbm>>) dst(%arg10 : memref<128x128xf32, #tpu.memory_space<vmem>>)
      %mul3A_187 = arith.constant 2 : i32
      %mul3A_188 = arith.muli %mul3A_187, %scan3A_154 : i32
      %add3A_189 = arith.constant 1 : i32
      %add3A_190 = arith.addi %mul3A_188, %add3A_189 : i32
      "tpu.region"() ({
        %run_scoped3A = tpu.sem_alloc : memref<!tpu.dma_semaphore, #tpu.memory_space<semaphore_mem>>
        %dma_start3A_191 = arith.constant 0 : i32
        %dma_start3A_192 = tpu.memref_slice %arg7[%add3A_190, %dma_start3A_191] : memref<16x128xi32, #tpu.memory_space<vmem>> -> memref<1x128xi32, #tpu.memory_space<vmem>>
        %dma_start3A_193 = tpu.memref_squeeze %dma_start3A_192 : memref<1x128xi32, #tpu.memory_space<vmem>> -> memref<128xi32, #tpu.memory_space<vmem>>
        %dma_start3A_194 = arith.constant 0 : i32
        %dma_start3A_195 = arith.constant 0 : i32
        %dma_start3A_196 = tpu.memref_slice %arg11[%dma_start3A_194, %dma_start3A_195] : memref<10240x128xf32, #tpu.memory_space<vmem_shared>> -> memref<10240x128xf32, #tpu.memory_space<vmem_shared>>
        tpu.enqueue_indirect_dma source(%arg10 : memref<128x128xf32, #tpu.memory_space<vmem>>) target(%dma_start3A_196 : memref<10240x128xf32, #tpu.memory_space<vmem_shared>>) offsets(%dma_start3A_193 : memref<128xi32, #tpu.memory_space<vmem>>) semaphore(%run_scoped3A : memref<!tpu.dma_semaphore, #tpu.memory_space<semaphore_mem>>) {add = true}
        %dma_wait3A_197 = arith.constant 0 : i32
        %dma_wait3A_198 = tpu.memref_slice %arg7[%add3A_190, %dma_wait3A_197] : memref<16x128xi32, #tpu.memory_space<vmem>> -> memref<1x128xi32, #tpu.memory_space<vmem>>
        %dma_wait3A_199 = tpu.memref_squeeze %dma_wait3A_198 : memref<1x128xi32, #tpu.memory_space<vmem>> -> memref<128xi32, #tpu.memory_space<vmem>>
        %dma_wait3A_200 = arith.constant 0 : i32
        %dma_wait3A_201 = arith.constant 0 : i32
        %dma_wait3A_202 = tpu.memref_slice %arg11[%dma_wait3A_200, %dma_wait3A_201] : memref<10240x128xf32, #tpu.memory_space<vmem_shared>> -> memref<10240x128xf32, #tpu.memory_space<vmem_shared>>
        tpu.wait_indirect_dma semaphore(%run_scoped3A : memref<!tpu.dma_semaphore, #tpu.memory_space<semaphore_mem>>) src(%arg10 : memref<128x128xf32, #tpu.memory_space<vmem>>) dst(%dma_wait3A_202 : memref<10240x128xf32, #tpu.memory_space<vmem_shared>>)
        tpu.yield
      }) : () -> ()
    }
    %scan3A_68 = arith.constant 8 : i32
    %dma_wait3A_69 = arith.constant 16 : i32
    %dma_wait3A_70 = arith.constant 0 : i32
    %dma_wait3A_71 = tpu.memref_slice %arg4[%add3A, %dma_wait3A_69, %dma_wait3A_70] : memref<32x80x128xi32, #tpu.memory_space<hbm>> -> memref<1x16x128xi32, #tpu.memory_space<hbm>>
    %dma_wait3A_72 = tpu.memref_squeeze %dma_wait3A_71 : memref<1x16x128xi32, #tpu.memory_space<hbm>> -> memref<16x128xi32, #tpu.memory_space<hbm>>
    %dma_wait3A_73 = arith.constant 16 : i32
    %dma_wait3A_74 = arith.constant 0 : i32
    %dma_wait3A_75 = tpu.memref_slice %arg4[%add3A, %dma_wait3A_73, %dma_wait3A_74] : memref<32x80x128xi32, #tpu.memory_space<hbm>> -> memref<1x16x128xi32, #tpu.memory_space<hbm>>
    %dma_wait3A_76 = tpu.memref_squeeze %dma_wait3A_75 : memref<1x16x128xi32, #tpu.memory_space<hbm>> -> memref<16x128xi32, #tpu.memory_space<hbm>>
    tpu.wait_dma2 semaphore(%arg14 : memref<!tpu.dma_semaphore, #tpu.memory_space<semaphore_mem>>) src(%dma_wait3A_76 : memref<16x128xi32, #tpu.memory_space<hbm>>) dst(%arg8 : memref<16x128xi32, #tpu.memory_space<vmem>>)
    %dma_start3A_77 = arith.constant 32 : i32
    %dma_start3A_78 = arith.constant 0 : i32
    %dma_start3A_79 = tpu.memref_slice %arg4[%add3A, %dma_start3A_77, %dma_start3A_78] : memref<32x80x128xi32, #tpu.memory_space<hbm>> -> memref<1x16x128xi32, #tpu.memory_space<hbm>>
    %dma_start3A_80 = tpu.memref_squeeze %dma_start3A_79 : memref<1x16x128xi32, #tpu.memory_space<hbm>> -> memref<16x128xi32, #tpu.memory_space<hbm>>
    %dma_start3A_81 = arith.constant 32 : i32
    %dma_start3A_82 = arith.constant 0 : i32
    %dma_start3A_83 = tpu.memref_slice %arg4[%add3A, %dma_start3A_81, %dma_start3A_82] : memref<32x80x128xi32, #tpu.memory_space<hbm>> -> memref<1x16x128xi32, #tpu.memory_space<hbm>>
    %dma_start3A_84 = tpu.memref_squeeze %dma_start3A_83 : memref<1x16x128xi32, #tpu.memory_space<hbm>> -> memref<16x128xi32, #tpu.memory_space<hbm>>
    tpu.enqueue_dma source(%dma_start3A_84 : memref<16x128xi32, #tpu.memory_space<hbm>>) target(%arg7 : memref<16x128xi32, #tpu.memory_space<vmem>>) target_semaphore(%arg14 : memref<!tpu.dma_semaphore, #tpu.memory_space<semaphore_mem>>)
    %scan3A_85 = arith.constant 0 : i32
    %scan3A_86 = arith.constant 0 : i32
    %scan3A_87 = arith.constant 8 : i32
    %scan3A_88 = arith.addi %scan3A_86, %scan3A_87 : i32
    %scan3A_89 = arith.constant 1 : i32
    scf.for %scan3A_154 = %scan3A_86 to %scan3A_88 step %scan3A_89  : i32 {
      %mul3A_155 = arith.constant 2 : i32
      %mul3A_156 = arith.muli %mul3A_155, %scan3A_154 : i32
      %add3A_157 = arith.constant 16 : i32
      %add3A_158 = arith.addi %add3A_157, %mul3A_156 : i32
      %add3A_159 = arith.constant 1 : i32
      %add3A_160 = arith.addi %add3A_158, %add3A_159 : i32
      %dma_start3A_161 = arith.constant 0 : i32
      %dma_start3A_162 = tpu.memref_slice %arg6[%add3A_160, %dma_start3A_161] : memref<80x128xi32, #tpu.memory_space<vmem>> -> memref<1x128xi32, #tpu.memory_space<vmem>>
      %dma_start3A_163 = tpu.memref_squeeze %dma_start3A_162 : memref<1x128xi32, #tpu.memory_space<vmem>> -> memref<128xi32, #tpu.memory_space<vmem>>
      %dma_start3A_164 = arith.constant 0 : i32
      %dma_start3A_165 = arith.constant 0 : i32
      %dma_start3A_166 = tpu.memref_slice %arg2[%dma_start3A_164, %dma_start3A_165] : memref<10000x128xf32, #tpu.memory_space<hbm>> -> memref<10000x128xf32, #tpu.memory_space<hbm>>
      tpu.enqueue_indirect_dma source(%dma_start3A_166 : memref<10000x128xf32, #tpu.memory_space<hbm>>) target(%arg10 : memref<128x128xf32, #tpu.memory_space<vmem>>) offsets(%dma_start3A_163 : memref<128xi32, #tpu.memory_space<vmem>>) semaphore(%arg13 : memref<!tpu.dma_semaphore, #tpu.memory_space<semaphore_mem>>)
      %dma_wait3A_167 = arith.constant 0 : i32
      %dma_wait3A_168 = tpu.memref_slice %arg6[%add3A_158, %dma_wait3A_167] : memref<80x128xi32, #tpu.memory_space<vmem>> -> memref<1x128xi32, #tpu.memory_space<vmem>>
      %dma_wait3A_169 = tpu.memref_squeeze %dma_wait3A_168 : memref<1x128xi32, #tpu.memory_space<vmem>> -> memref<128xi32, #tpu.memory_space<vmem>>
      %dma_wait3A_170 = arith.constant 0 : i32
      %dma_wait3A_171 = arith.constant 0 : i32
      %dma_wait3A_172 = tpu.memref_slice %arg2[%dma_wait3A_170, %dma_wait3A_171] : memref<10000x128xf32, #tpu.memory_space<hbm>> -> memref<10000x128xf32, #tpu.memory_space<hbm>>
      tpu.wait_indirect_dma semaphore(%arg12 : memref<!tpu.dma_semaphore, #tpu.memory_space<semaphore_mem>>) src(%dma_wait3A_172 : memref<10000x128xf32, #tpu.memory_space<hbm>>) dst(%arg9 : memref<128x128xf32, #tpu.memory_space<vmem>>)
      %mul3A_173 = arith.constant 2 : i32
      %mul3A_174 = arith.muli %mul3A_173, %scan3A_154 : i32
      "tpu.region"() ({
        %run_scoped3A = tpu.sem_alloc : memref<!tpu.dma_semaphore, #tpu.memory_space<semaphore_mem>>
        %dma_start3A_191 = arith.constant 0 : i32
        %dma_start3A_192 = tpu.memref_slice %arg8[%mul3A_174, %dma_start3A_191] : memref<16x128xi32, #tpu.memory_space<vmem>> -> memref<1x128xi32, #tpu.memory_space<vmem>>
        %dma_start3A_193 = tpu.memref_squeeze %dma_start3A_192 : memref<1x128xi32, #tpu.memory_space<vmem>> -> memref<128xi32, #tpu.memory_space<vmem>>
        %dma_start3A_194 = arith.constant 0 : i32
        %dma_start3A_195 = arith.constant 0 : i32
        %dma_start3A_196 = tpu.memref_slice %arg11[%dma_start3A_194, %dma_start3A_195] : memref<10240x128xf32, #tpu.memory_space<vmem_shared>> -> memref<10240x128xf32, #tpu.memory_space<vmem_shared>>
        tpu.enqueue_indirect_dma source(%arg9 : memref<128x128xf32, #tpu.memory_space<vmem>>) target(%dma_start3A_196 : memref<10240x128xf32, #tpu.memory_space<vmem_shared>>) offsets(%dma_start3A_193 : memref<128xi32, #tpu.memory_space<vmem>>) semaphore(%run_scoped3A : memref<!tpu.dma_semaphore, #tpu.memory_space<semaphore_mem>>) {add = true}
        %dma_wait3A_197 = arith.constant 0 : i32
        %dma_wait3A_198 = tpu.memref_slice %arg8[%mul3A_174, %dma_wait3A_197] : memref<16x128xi32, #tpu.memory_space<vmem>> -> memref<1x128xi32, #tpu.memory_space<vmem>>
        %dma_wait3A_199 = tpu.memref_squeeze %dma_wait3A_198 : memref<1x128xi32, #tpu.memory_space<vmem>> -> memref<128xi32, #tpu.memory_space<vmem>>
        %dma_wait3A_200 = arith.constant 0 : i32
        %dma_wait3A_201 = arith.constant 0 : i32
        %dma_wait3A_202 = tpu.memref_slice %arg11[%dma_wait3A_200, %dma_wait3A_201] : memref<10240x128xf32, #tpu.memory_space<vmem_shared>> -> memref<10240x128xf32, #tpu.memory_space<vmem_shared>>
        tpu.wait_indirect_dma semaphore(%run_scoped3A : memref<!tpu.dma_semaphore, #tpu.memory_space<semaphore_mem>>) src(%arg9 : memref<128x128xf32, #tpu.memory_space<vmem>>) dst(%dma_wait3A_202 : memref<10240x128xf32, #tpu.memory_space<vmem_shared>>)
        tpu.yield
      }) : () -> ()
      %add3A_175 = arith.constant 2 : i32
      %add3A_176 = arith.addi %add3A_158, %add3A_175 : i32
      %lt3A = arith.constant 80 : i32
      %lt3A_177 = arith.cmpi slt, %add3A_176, %lt3A : i32
      %convert_element_type3A = arith.extui %lt3A_177 : i1 to i32
      %cond3A = arith.constant 0 : i32
      %cond3A_178 = arith.cmpi ne, %convert_element_type3A, %cond3A : i32
      scf.if %cond3A_178 {
        %add3A_191 = arith.constant 2 : i32
        %add3A_192 = arith.addi %add3A_158, %add3A_191 : i32
        %dma_start3A_193 = arith.constant 0 : i32
        %dma_start3A_194 = tpu.memref_slice %arg6[%add3A_192, %dma_start3A_193] : memref<80x128xi32, #tpu.memory_space<vmem>> -> memref<1x128xi32, #tpu.memory_space<vmem>>
        %dma_start3A_195 = tpu.memref_squeeze %dma_start3A_194 : memref<1x128xi32, #tpu.memory_space<vmem>> -> memref<128xi32, #tpu.memory_space<vmem>>
        %dma_start3A_196 = arith.constant 0 : i32
        %dma_start3A_197 = arith.constant 0 : i32
        %dma_start3A_198 = tpu.memref_slice %arg2[%dma_start3A_196, %dma_start3A_197] : memref<10000x128xf32, #tpu.memory_space<hbm>> -> memref<10000x128xf32, #tpu.memory_space<hbm>>
        tpu.enqueue_indirect_dma source(%dma_start3A_198 : memref<10000x128xf32, #tpu.memory_space<hbm>>) target(%arg9 : memref<128x128xf32, #tpu.memory_space<vmem>>) offsets(%dma_start3A_195 : memref<128xi32, #tpu.memory_space<vmem>>) semaphore(%arg12 : memref<!tpu.dma_semaphore, #tpu.memory_space<semaphore_mem>>)
      } else {
      }
      %add3A_179 = arith.constant 1 : i32
      %add3A_180 = arith.addi %add3A_158, %add3A_179 : i32
      %dma_wait3A_181 = arith.constant 0 : i32
      %dma_wait3A_182 = tpu.memref_slice %arg6[%add3A_180, %dma_wait3A_181] : memref<80x128xi32, #tpu.memory_space<vmem>> -> memref<1x128xi32, #tpu.memory_space<vmem>>
      %dma_wait3A_183 = tpu.memref_squeeze %dma_wait3A_182 : memref<1x128xi32, #tpu.memory_space<vmem>> -> memref<128xi32, #tpu.memory_space<vmem>>
      %dma_wait3A_184 = arith.constant 0 : i32
      %dma_wait3A_185 = arith.constant 0 : i32
      %dma_wait3A_186 = tpu.memref_slice %arg2[%dma_wait3A_184, %dma_wait3A_185] : memref<10000x128xf32, #tpu.memory_space<hbm>> -> memref<10000x128xf32, #tpu.memory_space<hbm>>
      tpu.wait_indirect_dma semaphore(%arg13 : memref<!tpu.dma_semaphore, #tpu.memory_space<semaphore_mem>>) src(%dma_wait3A_186 : memref<10000x128xf32, #tpu.memory_space<hbm>>) dst(%arg10 : memref<128x128xf32, #tpu.memory_space<vmem>>)
      %mul3A_187 = arith.constant 2 : i32
      %mul3A_188 = arith.muli %mul3A_187, %scan3A_154 : i32
      %add3A_189 = arith.constant 1 : i32
      %add3A_190 = arith.addi %mul3A_188, %add3A_189 : i32
      "tpu.region"() ({
        %run_scoped3A = tpu.sem_alloc : memref<!tpu.dma_semaphore, #tpu.memory_space<semaphore_mem>>
        %dma_start3A_191 = arith.constant 0 : i32
        %dma_start3A_192 = tpu.memref_slice %arg8[%add3A_190, %dma_start3A_191] : memref<16x128xi32, #tpu.memory_space<vmem>> -> memref<1x128xi32, #tpu.memory_space<vmem>>
        %dma_start3A_193 = tpu.memref_squeeze %dma_start3A_192 : memref<1x128xi32, #tpu.memory_space<vmem>> -> memref<128xi32, #tpu.memory_space<vmem>>
        %dma_start3A_194 = arith.constant 0 : i32
        %dma_start3A_195 = arith.constant 0 : i32
        %dma_start3A_196 = tpu.memref_slice %arg11[%dma_start3A_194, %dma_start3A_195] : memref<10240x128xf32, #tpu.memory_space<vmem_shared>> -> memref<10240x128xf32, #tpu.memory_space<vmem_shared>>
        tpu.enqueue_indirect_dma source(%arg10 : memref<128x128xf32, #tpu.memory_space<vmem>>) target(%dma_start3A_196 : memref<10240x128xf32, #tpu.memory_space<vmem_shared>>) offsets(%dma_start3A_193 : memref<128xi32, #tpu.memory_space<vmem>>) semaphore(%run_scoped3A : memref<!tpu.dma_semaphore, #tpu.memory_space<semaphore_mem>>) {add = true}
        %dma_wait3A_197 = arith.constant 0 : i32
        %dma_wait3A_198 = tpu.memref_slice %arg8[%add3A_190, %dma_wait3A_197] : memref<16x128xi32, #tpu.memory_space<vmem>> -> memref<1x128xi32, #tpu.memory_space<vmem>>
        %dma_wait3A_199 = tpu.memref_squeeze %dma_wait3A_198 : memref<1x128xi32, #tpu.memory_space<vmem>> -> memref<128xi32, #tpu.memory_space<vmem>>
        %dma_wait3A_200 = arith.constant 0 : i32
        %dma_wait3A_201 = arith.constant 0 : i32
        %dma_wait3A_202 = tpu.memref_slice %arg11[%dma_wait3A_200, %dma_wait3A_201] : memref<10240x128xf32, #tpu.memory_space<vmem_shared>> -> memref<10240x128xf32, #tpu.memory_space<vmem_shared>>
        tpu.wait_indirect_dma semaphore(%run_scoped3A : memref<!tpu.dma_semaphore, #tpu.memory_space<semaphore_mem>>) src(%arg10 : memref<128x128xf32, #tpu.memory_space<vmem>>) dst(%dma_wait3A_202 : memref<10240x128xf32, #tpu.memory_space<vmem_shared>>)
        tpu.yield
      }) : () -> ()
    }
    %scan3A_90 = arith.constant 8 : i32
    %dma_wait3A_91 = arith.constant 32 : i32
    %dma_wait3A_92 = arith.constant 0 : i32
    %dma_wait3A_93 = tpu.memref_slice %arg4[%add3A, %dma_wait3A_91, %dma_wait3A_92] : memref<32x80x128xi32, #tpu.memory_space<hbm>> -> memref<1x16x128xi32, #tpu.memory_space<hbm>>
    %dma_wait3A_94 = tpu.memref_squeeze %dma_wait3A_93 : memref<1x16x128xi32, #tpu.memory_space<hbm>> -> memref<16x128xi32, #tpu.memory_space<hbm>>
    %dma_wait3A_95 = arith.constant 32 : i32
    %dma_wait3A_96 = arith.constant 0 : i32
    %dma_wait3A_97 = tpu.memref_slice %arg4[%add3A, %dma_wait3A_95, %dma_wait3A_96] : memref<32x80x128xi32, #tpu.memory_space<hbm>> -> memref<1x16x128xi32, #tpu.memory_space<hbm>>
    %dma_wait3A_98 = tpu.memref_squeeze %dma_wait3A_97 : memref<1x16x128xi32, #tpu.memory_space<hbm>> -> memref<16x128xi32, #tpu.memory_space<hbm>>
    tpu.wait_dma2 semaphore(%arg14 : memref<!tpu.dma_semaphore, #tpu.memory_space<semaphore_mem>>) src(%dma_wait3A_98 : memref<16x128xi32, #tpu.memory_space<hbm>>) dst(%arg7 : memref<16x128xi32, #tpu.memory_space<vmem>>)
    %dma_start3A_99 = arith.constant 48 : i32
    %dma_start3A_100 = arith.constant 0 : i32
    %dma_start3A_101 = tpu.memref_slice %arg4[%add3A, %dma_start3A_99, %dma_start3A_100] : memref<32x80x128xi32, #tpu.memory_space<hbm>> -> memref<1x16x128xi32, #tpu.memory_space<hbm>>
    %dma_start3A_102 = tpu.memref_squeeze %dma_start3A_101 : memref<1x16x128xi32, #tpu.memory_space<hbm>> -> memref<16x128xi32, #tpu.memory_space<hbm>>
    %dma_start3A_103 = arith.constant 48 : i32
    %dma_start3A_104 = arith.constant 0 : i32
    %dma_start3A_105 = tpu.memref_slice %arg4[%add3A, %dma_start3A_103, %dma_start3A_104] : memref<32x80x128xi32, #tpu.memory_space<hbm>> -> memref<1x16x128xi32, #tpu.memory_space<hbm>>
    %dma_start3A_106 = tpu.memref_squeeze %dma_start3A_105 : memref<1x16x128xi32, #tpu.memory_space<hbm>> -> memref<16x128xi32, #tpu.memory_space<hbm>>
    tpu.enqueue_dma source(%dma_start3A_106 : memref<16x128xi32, #tpu.memory_space<hbm>>) target(%arg8 : memref<16x128xi32, #tpu.memory_space<vmem>>) target_semaphore(%arg14 : memref<!tpu.dma_semaphore, #tpu.memory_space<semaphore_mem>>)
    %scan3A_107 = arith.constant 0 : i32
    %scan3A_108 = arith.constant 0 : i32
    %scan3A_109 = arith.constant 8 : i32
    %scan3A_110 = arith.addi %scan3A_108, %scan3A_109 : i32
    %scan3A_111 = arith.constant 1 : i32
    scf.for %scan3A_154 = %scan3A_108 to %scan3A_110 step %scan3A_111  : i32 {
      %mul3A_155 = arith.constant 2 : i32
      %mul3A_156 = arith.muli %mul3A_155, %scan3A_154 : i32
      %add3A_157 = arith.constant 32 : i32
      %add3A_158 = arith.addi %add3A_157, %mul3A_156 : i32
      %add3A_159 = arith.constant 1 : i32
      %add3A_160 = arith.addi %add3A_158, %add3A_159 : i32
      %dma_start3A_161 = arith.constant 0 : i32
      %dma_start3A_162 = tpu.memref_slice %arg6[%add3A_160, %dma_start3A_161] : memref<80x128xi32, #tpu.memory_space<vmem>> -> memref<1x128xi32, #tpu.memory_space<vmem>>
      %dma_start3A_163 = tpu.memref_squeeze %dma_start3A_162 : memref<1x128xi32, #tpu.memory_space<vmem>> -> memref<128xi32, #tpu.memory_space<vmem>>
      %dma_start3A_164 = arith.constant 0 : i32
      %dma_start3A_165 = arith.constant 0 : i32
      %dma_start3A_166 = tpu.memref_slice %arg2[%dma_start3A_164, %dma_start3A_165] : memref<10000x128xf32, #tpu.memory_space<hbm>> -> memref<10000x128xf32, #tpu.memory_space<hbm>>
      tpu.enqueue_indirect_dma source(%dma_start3A_166 : memref<10000x128xf32, #tpu.memory_space<hbm>>) target(%arg10 : memref<128x128xf32, #tpu.memory_space<vmem>>) offsets(%dma_start3A_163 : memref<128xi32, #tpu.memory_space<vmem>>) semaphore(%arg13 : memref<!tpu.dma_semaphore, #tpu.memory_space<semaphore_mem>>)
      %dma_wait3A_167 = arith.constant 0 : i32
      %dma_wait3A_168 = tpu.memref_slice %arg6[%add3A_158, %dma_wait3A_167] : memref<80x128xi32, #tpu.memory_space<vmem>> -> memref<1x128xi32, #tpu.memory_space<vmem>>
      %dma_wait3A_169 = tpu.memref_squeeze %dma_wait3A_168 : memref<1x128xi32, #tpu.memory_space<vmem>> -> memref<128xi32, #tpu.memory_space<vmem>>
      %dma_wait3A_170 = arith.constant 0 : i32
      %dma_wait3A_171 = arith.constant 0 : i32
      %dma_wait3A_172 = tpu.memref_slice %arg2[%dma_wait3A_170, %dma_wait3A_171] : memref<10000x128xf32, #tpu.memory_space<hbm>> -> memref<10000x128xf32, #tpu.memory_space<hbm>>
      tpu.wait_indirect_dma semaphore(%arg12 : memref<!tpu.dma_semaphore, #tpu.memory_space<semaphore_mem>>) src(%dma_wait3A_172 : memref<10000x128xf32, #tpu.memory_space<hbm>>) dst(%arg9 : memref<128x128xf32, #tpu.memory_space<vmem>>)
      %mul3A_173 = arith.constant 2 : i32
      %mul3A_174 = arith.muli %mul3A_173, %scan3A_154 : i32
      "tpu.region"() ({
        %run_scoped3A = tpu.sem_alloc : memref<!tpu.dma_semaphore, #tpu.memory_space<semaphore_mem>>
        %dma_start3A_191 = arith.constant 0 : i32
        %dma_start3A_192 = tpu.memref_slice %arg7[%mul3A_174, %dma_start3A_191] : memref<16x128xi32, #tpu.memory_space<vmem>> -> memref<1x128xi32, #tpu.memory_space<vmem>>
        %dma_start3A_193 = tpu.memref_squeeze %dma_start3A_192 : memref<1x128xi32, #tpu.memory_space<vmem>> -> memref<128xi32, #tpu.memory_space<vmem>>
        %dma_start3A_194 = arith.constant 0 : i32
        %dma_start3A_195 = arith.constant 0 : i32
        %dma_start3A_196 = tpu.memref_slice %arg11[%dma_start3A_194, %dma_start3A_195] : memref<10240x128xf32, #tpu.memory_space<vmem_shared>> -> memref<10240x128xf32, #tpu.memory_space<vmem_shared>>
        tpu.enqueue_indirect_dma source(%arg9 : memref<128x128xf32, #tpu.memory_space<vmem>>) target(%dma_start3A_196 : memref<10240x128xf32, #tpu.memory_space<vmem_shared>>) offsets(%dma_start3A_193 : memref<128xi32, #tpu.memory_space<vmem>>) semaphore(%run_scoped3A : memref<!tpu.dma_semaphore, #tpu.memory_space<semaphore_mem>>) {add = true}
        %dma_wait3A_197 = arith.constant 0 : i32
        %dma_wait3A_198 = tpu.memref_slice %arg7[%mul3A_174, %dma_wait3A_197] : memref<16x128xi32, #tpu.memory_space<vmem>> -> memref<1x128xi32, #tpu.memory_space<vmem>>
        %dma_wait3A_199 = tpu.memref_squeeze %dma_wait3A_198 : memref<1x128xi32, #tpu.memory_space<vmem>> -> memref<128xi32, #tpu.memory_space<vmem>>
        %dma_wait3A_200 = arith.constant 0 : i32
        %dma_wait3A_201 = arith.constant 0 : i32
        %dma_wait3A_202 = tpu.memref_slice %arg11[%dma_wait3A_200, %dma_wait3A_201] : memref<10240x128xf32, #tpu.memory_space<vmem_shared>> -> memref<10240x128xf32, #tpu.memory_space<vmem_shared>>
        tpu.wait_indirect_dma semaphore(%run_scoped3A : memref<!tpu.dma_semaphore, #tpu.memory_space<semaphore_mem>>) src(%arg9 : memref<128x128xf32, #tpu.memory_space<vmem>>) dst(%dma_wait3A_202 : memref<10240x128xf32, #tpu.memory_space<vmem_shared>>)
        tpu.yield
      }) : () -> ()
      %add3A_175 = arith.constant 2 : i32
      %add3A_176 = arith.addi %add3A_158, %add3A_175 : i32
      %lt3A = arith.constant 80 : i32
      %lt3A_177 = arith.cmpi slt, %add3A_176, %lt3A : i32
      %convert_element_type3A = arith.extui %lt3A_177 : i1 to i32
      %cond3A = arith.constant 0 : i32
      %cond3A_178 = arith.cmpi ne, %convert_element_type3A, %cond3A : i32
      scf.if %cond3A_178 {
        %add3A_191 = arith.constant 2 : i32
        %add3A_192 = arith.addi %add3A_158, %add3A_191 : i32
        %dma_start3A_193 = arith.constant 0 : i32
        %dma_start3A_194 = tpu.memref_slice %arg6[%add3A_192, %dma_start3A_193] : memref<80x128xi32, #tpu.memory_space<vmem>> -> memref<1x128xi32, #tpu.memory_space<vmem>>
        %dma_start3A_195 = tpu.memref_squeeze %dma_start3A_194 : memref<1x128xi32, #tpu.memory_space<vmem>> -> memref<128xi32, #tpu.memory_space<vmem>>
        %dma_start3A_196 = arith.constant 0 : i32
        %dma_start3A_197 = arith.constant 0 : i32
        %dma_start3A_198 = tpu.memref_slice %arg2[%dma_start3A_196, %dma_start3A_197] : memref<10000x128xf32, #tpu.memory_space<hbm>> -> memref<10000x128xf32, #tpu.memory_space<hbm>>
        tpu.enqueue_indirect_dma source(%dma_start3A_198 : memref<10000x128xf32, #tpu.memory_space<hbm>>) target(%arg9 : memref<128x128xf32, #tpu.memory_space<vmem>>) offsets(%dma_start3A_195 : memref<128xi32, #tpu.memory_space<vmem>>) semaphore(%arg12 : memref<!tpu.dma_semaphore, #tpu.memory_space<semaphore_mem>>)
      } else {
      }
      %add3A_179 = arith.constant 1 : i32
      %add3A_180 = arith.addi %add3A_158, %add3A_179 : i32
      %dma_wait3A_181 = arith.constant 0 : i32
      %dma_wait3A_182 = tpu.memref_slice %arg6[%add3A_180, %dma_wait3A_181] : memref<80x128xi32, #tpu.memory_space<vmem>> -> memref<1x128xi32, #tpu.memory_space<vmem>>
      %dma_wait3A_183 = tpu.memref_squeeze %dma_wait3A_182 : memref<1x128xi32, #tpu.memory_space<vmem>> -> memref<128xi32, #tpu.memory_space<vmem>>
      %dma_wait3A_184 = arith.constant 0 : i32
      %dma_wait3A_185 = arith.constant 0 : i32
      %dma_wait3A_186 = tpu.memref_slice %arg2[%dma_wait3A_184, %dma_wait3A_185] : memref<10000x128xf32, #tpu.memory_space<hbm>> -> memref<10000x128xf32, #tpu.memory_space<hbm>>
      tpu.wait_indirect_dma semaphore(%arg13 : memref<!tpu.dma_semaphore, #tpu.memory_space<semaphore_mem>>) src(%dma_wait3A_186 : memref<10000x128xf32, #tpu.memory_space<hbm>>) dst(%arg10 : memref<128x128xf32, #tpu.memory_space<vmem>>)
      %mul3A_187 = arith.constant 2 : i32
      %mul3A_188 = arith.muli %mul3A_187, %scan3A_154 : i32
      %add3A_189 = arith.constant 1 : i32
      %add3A_190 = arith.addi %mul3A_188, %add3A_189 : i32
      "tpu.region"() ({
        %run_scoped3A = tpu.sem_alloc : memref<!tpu.dma_semaphore, #tpu.memory_space<semaphore_mem>>
        %dma_start3A_191 = arith.constant 0 : i32
        %dma_start3A_192 = tpu.memref_slice %arg7[%add3A_190, %dma_start3A_191] : memref<16x128xi32, #tpu.memory_space<vmem>> -> memref<1x128xi32, #tpu.memory_space<vmem>>
        %dma_start3A_193 = tpu.memref_squeeze %dma_start3A_192 : memref<1x128xi32, #tpu.memory_space<vmem>> -> memref<128xi32, #tpu.memory_space<vmem>>
        %dma_start3A_194 = arith.constant 0 : i32
        %dma_start3A_195 = arith.constant 0 : i32
        %dma_start3A_196 = tpu.memref_slice %arg11[%dma_start3A_194, %dma_start3A_195] : memref<10240x128xf32, #tpu.memory_space<vmem_shared>> -> memref<10240x128xf32, #tpu.memory_space<vmem_shared>>
        tpu.enqueue_indirect_dma source(%arg10 : memref<128x128xf32, #tpu.memory_space<vmem>>) target(%dma_start3A_196 : memref<10240x128xf32, #tpu.memory_space<vmem_shared>>) offsets(%dma_start3A_193 : memref<128xi32, #tpu.memory_space<vmem>>) semaphore(%run_scoped3A : memref<!tpu.dma_semaphore, #tpu.memory_space<semaphore_mem>>) {add = true}
        %dma_wait3A_197 = arith.constant 0 : i32
        %dma_wait3A_198 = tpu.memref_slice %arg7[%add3A_190, %dma_wait3A_197] : memref<16x128xi32, #tpu.memory_space<vmem>> -> memref<1x128xi32, #tpu.memory_space<vmem>>
        %dma_wait3A_199 = tpu.memref_squeeze %dma_wait3A_198 : memref<1x128xi32, #tpu.memory_space<vmem>> -> memref<128xi32, #tpu.memory_space<vmem>>
        %dma_wait3A_200 = arith.constant 0 : i32
        %dma_wait3A_201 = arith.constant 0 : i32
        %dma_wait3A_202 = tpu.memref_slice %arg11[%dma_wait3A_200, %dma_wait3A_201] : memref<10240x128xf32, #tpu.memory_space<vmem_shared>> -> memref<10240x128xf32, #tpu.memory_space<vmem_shared>>
        tpu.wait_indirect_dma semaphore(%run_scoped3A : memref<!tpu.dma_semaphore, #tpu.memory_space<semaphore_mem>>) src(%arg10 : memref<128x128xf32, #tpu.memory_space<vmem>>) dst(%dma_wait3A_202 : memref<10240x128xf32, #tpu.memory_space<vmem_shared>>)
        tpu.yield
      }) : () -> ()
    }
    %scan3A_112 = arith.constant 8 : i32
    %dma_wait3A_113 = arith.constant 48 : i32
    %dma_wait3A_114 = arith.constant 0 : i32
    %dma_wait3A_115 = tpu.memref_slice %arg4[%add3A, %dma_wait3A_113, %dma_wait3A_114] : memref<32x80x128xi32, #tpu.memory_space<hbm>> -> memref<1x16x128xi32, #tpu.memory_space<hbm>>
    %dma_wait3A_116 = tpu.memref_squeeze %dma_wait3A_115 : memref<1x16x128xi32, #tpu.memory_space<hbm>> -> memref<16x128xi32, #tpu.memory_space<hbm>>
    %dma_wait3A_117 = arith.constant 48 : i32
    %dma_wait3A_118 = arith.constant 0 : i32
    %dma_wait3A_119 = tpu.memref_slice %arg4[%add3A, %dma_wait3A_117, %dma_wait3A_118] : memref<32x80x128xi32, #tpu.memory_space<hbm>> -> memref<1x16x128xi32, #tpu.memory_space<hbm>>
    %dma_wait3A_120 = tpu.memref_squeeze %dma_wait3A_119 : memref<1x16x128xi32, #tpu.memory_space<hbm>> -> memref<16x128xi32, #tpu.memory_space<hbm>>
    tpu.wait_dma2 semaphore(%arg14 : memref<!tpu.dma_semaphore, #tpu.memory_space<semaphore_mem>>) src(%dma_wait3A_120 : memref<16x128xi32, #tpu.memory_space<hbm>>) dst(%arg8 : memref<16x128xi32, #tpu.memory_space<vmem>>)
    %dma_start3A_121 = arith.constant 64 : i32
    %dma_start3A_122 = arith.constant 0 : i32
    %dma_start3A_123 = tpu.memref_slice %arg4[%add3A, %dma_start3A_121, %dma_start3A_122] : memref<32x80x128xi32, #tpu.memory_space<hbm>> -> memref<1x16x128xi32, #tpu.memory_space<hbm>>
    %dma_start3A_124 = tpu.memref_squeeze %dma_start3A_123 : memref<1x16x128xi32, #tpu.memory_space<hbm>> -> memref<16x128xi32, #tpu.memory_space<hbm>>
    %dma_start3A_125 = arith.constant 64 : i32
    %dma_start3A_126 = arith.constant 0 : i32
    %dma_start3A_127 = tpu.memref_slice %arg4[%add3A, %dma_start3A_125, %dma_start3A_126] : memref<32x80x128xi32, #tpu.memory_space<hbm>> -> memref<1x16x128xi32, #tpu.memory_space<hbm>>
    %dma_start3A_128 = tpu.memref_squeeze %dma_start3A_127 : memref<1x16x128xi32, #tpu.memory_space<hbm>> -> memref<16x128xi32, #tpu.memory_space<hbm>>
    tpu.enqueue_dma source(%dma_start3A_128 : memref<16x128xi32, #tpu.memory_space<hbm>>) target(%arg7 : memref<16x128xi32, #tpu.memory_space<vmem>>) target_semaphore(%arg14 : memref<!tpu.dma_semaphore, #tpu.memory_space<semaphore_mem>>)
    %scan3A_129 = arith.constant 0 : i32
    %scan3A_130 = arith.constant 0 : i32
    %scan3A_131 = arith.constant 8 : i32
    %scan3A_132 = arith.addi %scan3A_130, %scan3A_131 : i32
    %scan3A_133 = arith.constant 1 : i32
    scf.for %scan3A_154 = %scan3A_130 to %scan3A_132 step %scan3A_133  : i32 {
      %mul3A_155 = arith.constant 2 : i32
      %mul3A_156 = arith.muli %mul3A_155, %scan3A_154 : i32
      %add3A_157 = arith.constant 48 : i32
      %add3A_158 = arith.addi %add3A_157, %mul3A_156 : i32
      %add3A_159 = arith.constant 1 : i32
      %add3A_160 = arith.addi %add3A_158, %add3A_159 : i32
      %dma_start3A_161 = arith.constant 0 : i32
      %dma_start3A_162 = tpu.memref_slice %arg6[%add3A_160, %dma_start3A_161] : memref<80x128xi32, #tpu.memory_space<vmem>> -> memref<1x128xi32, #tpu.memory_space<vmem>>
      %dma_start3A_163 = tpu.memref_squeeze %dma_start3A_162 : memref<1x128xi32, #tpu.memory_space<vmem>> -> memref<128xi32, #tpu.memory_space<vmem>>
      %dma_start3A_164 = arith.constant 0 : i32
      %dma_start3A_165 = arith.constant 0 : i32
      %dma_start3A_166 = tpu.memref_slice %arg2[%dma_start3A_164, %dma_start3A_165] : memref<10000x128xf32, #tpu.memory_space<hbm>> -> memref<10000x128xf32, #tpu.memory_space<hbm>>
      tpu.enqueue_indirect_dma source(%dma_start3A_166 : memref<10000x128xf32, #tpu.memory_space<hbm>>) target(%arg10 : memref<128x128xf32, #tpu.memory_space<vmem>>) offsets(%dma_start3A_163 : memref<128xi32, #tpu.memory_space<vmem>>) semaphore(%arg13 : memref<!tpu.dma_semaphore, #tpu.memory_space<semaphore_mem>>)
      %dma_wait3A_167 = arith.constant 0 : i32
      %dma_wait3A_168 = tpu.memref_slice %arg6[%add3A_158, %dma_wait3A_167] : memref<80x128xi32, #tpu.memory_space<vmem>> -> memref<1x128xi32, #tpu.memory_space<vmem>>
      %dma_wait3A_169 = tpu.memref_squeeze %dma_wait3A_168 : memref<1x128xi32, #tpu.memory_space<vmem>> -> memref<128xi32, #tpu.memory_space<vmem>>
      %dma_wait3A_170 = arith.constant 0 : i32
      %dma_wait3A_171 = arith.constant 0 : i32
      %dma_wait3A_172 = tpu.memref_slice %arg2[%dma_wait3A_170, %dma_wait3A_171] : memref<10000x128xf32, #tpu.memory_space<hbm>> -> memref<10000x128xf32, #tpu.memory_space<hbm>>
      tpu.wait_indirect_dma semaphore(%arg12 : memref<!tpu.dma_semaphore, #tpu.memory_space<semaphore_mem>>) src(%dma_wait3A_172 : memref<10000x128xf32, #tpu.memory_space<hbm>>) dst(%arg9 : memref<128x128xf32, #tpu.memory_space<vmem>>)
      %mul3A_173 = arith.constant 2 : i32
      %mul3A_174 = arith.muli %mul3A_173, %scan3A_154 : i32
      "tpu.region"() ({
        %run_scoped3A = tpu.sem_alloc : memref<!tpu.dma_semaphore, #tpu.memory_space<semaphore_mem>>
        %dma_start3A_191 = arith.constant 0 : i32
        %dma_start3A_192 = tpu.memref_slice %arg8[%mul3A_174, %dma_start3A_191] : memref<16x128xi32, #tpu.memory_space<vmem>> -> memref<1x128xi32, #tpu.memory_space<vmem>>
        %dma_start3A_193 = tpu.memref_squeeze %dma_start3A_192 : memref<1x128xi32, #tpu.memory_space<vmem>> -> memref<128xi32, #tpu.memory_space<vmem>>
        %dma_start3A_194 = arith.constant 0 : i32
        %dma_start3A_195 = arith.constant 0 : i32
        %dma_start3A_196 = tpu.memref_slice %arg11[%dma_start3A_194, %dma_start3A_195] : memref<10240x128xf32, #tpu.memory_space<vmem_shared>> -> memref<10240x128xf32, #tpu.memory_space<vmem_shared>>
        tpu.enqueue_indirect_dma source(%arg9 : memref<128x128xf32, #tpu.memory_space<vmem>>) target(%dma_start3A_196 : memref<10240x128xf32, #tpu.memory_space<vmem_shared>>) offsets(%dma_start3A_193 : memref<128xi32, #tpu.memory_space<vmem>>) semaphore(%run_scoped3A : memref<!tpu.dma_semaphore, #tpu.memory_space<semaphore_mem>>) {add = true}
        %dma_wait3A_197 = arith.constant 0 : i32
        %dma_wait3A_198 = tpu.memref_slice %arg8[%mul3A_174, %dma_wait3A_197] : memref<16x128xi32, #tpu.memory_space<vmem>> -> memref<1x128xi32, #tpu.memory_space<vmem>>
        %dma_wait3A_199 = tpu.memref_squeeze %dma_wait3A_198 : memref<1x128xi32, #tpu.memory_space<vmem>> -> memref<128xi32, #tpu.memory_space<vmem>>
        %dma_wait3A_200 = arith.constant 0 : i32
        %dma_wait3A_201 = arith.constant 0 : i32
        %dma_wait3A_202 = tpu.memref_slice %arg11[%dma_wait3A_200, %dma_wait3A_201] : memref<10240x128xf32, #tpu.memory_space<vmem_shared>> -> memref<10240x128xf32, #tpu.memory_space<vmem_shared>>
        tpu.wait_indirect_dma semaphore(%run_scoped3A : memref<!tpu.dma_semaphore, #tpu.memory_space<semaphore_mem>>) src(%arg9 : memref<128x128xf32, #tpu.memory_space<vmem>>) dst(%dma_wait3A_202 : memref<10240x128xf32, #tpu.memory_space<vmem_shared>>)
        tpu.yield
      }) : () -> ()
      %add3A_175 = arith.constant 2 : i32
      %add3A_176 = arith.addi %add3A_158, %add3A_175 : i32
      %lt3A = arith.constant 80 : i32
      %lt3A_177 = arith.cmpi slt, %add3A_176, %lt3A : i32
      %convert_element_type3A = arith.extui %lt3A_177 : i1 to i32
      %cond3A = arith.constant 0 : i32
      %cond3A_178 = arith.cmpi ne, %convert_element_type3A, %cond3A : i32
      scf.if %cond3A_178 {
        %add3A_191 = arith.constant 2 : i32
        %add3A_192 = arith.addi %add3A_158, %add3A_191 : i32
        %dma_start3A_193 = arith.constant 0 : i32
        %dma_start3A_194 = tpu.memref_slice %arg6[%add3A_192, %dma_start3A_193] : memref<80x128xi32, #tpu.memory_space<vmem>> -> memref<1x128xi32, #tpu.memory_space<vmem>>
        %dma_start3A_195 = tpu.memref_squeeze %dma_start3A_194 : memref<1x128xi32, #tpu.memory_space<vmem>> -> memref<128xi32, #tpu.memory_space<vmem>>
        %dma_start3A_196 = arith.constant 0 : i32
        %dma_start3A_197 = arith.constant 0 : i32
        %dma_start3A_198 = tpu.memref_slice %arg2[%dma_start3A_196, %dma_start3A_197] : memref<10000x128xf32, #tpu.memory_space<hbm>> -> memref<10000x128xf32, #tpu.memory_space<hbm>>
        tpu.enqueue_indirect_dma source(%dma_start3A_198 : memref<10000x128xf32, #tpu.memory_space<hbm>>) target(%arg9 : memref<128x128xf32, #tpu.memory_space<vmem>>) offsets(%dma_start3A_195 : memref<128xi32, #tpu.memory_space<vmem>>) semaphore(%arg12 : memref<!tpu.dma_semaphore, #tpu.memory_space<semaphore_mem>>)
      } else {
      }
      %add3A_179 = arith.constant 1 : i32
      %add3A_180 = arith.addi %add3A_158, %add3A_179 : i32
      %dma_wait3A_181 = arith.constant 0 : i32
      %dma_wait3A_182 = tpu.memref_slice %arg6[%add3A_180, %dma_wait3A_181] : memref<80x128xi32, #tpu.memory_space<vmem>> -> memref<1x128xi32, #tpu.memory_space<vmem>>
      %dma_wait3A_183 = tpu.memref_squeeze %dma_wait3A_182 : memref<1x128xi32, #tpu.memory_space<vmem>> -> memref<128xi32, #tpu.memory_space<vmem>>
      %dma_wait3A_184 = arith.constant 0 : i32
      %dma_wait3A_185 = arith.constant 0 : i32
      %dma_wait3A_186 = tpu.memref_slice %arg2[%dma_wait3A_184, %dma_wait3A_185] : memref<10000x128xf32, #tpu.memory_space<hbm>> -> memref<10000x128xf32, #tpu.memory_space<hbm>>
      tpu.wait_indirect_dma semaphore(%arg13 : memref<!tpu.dma_semaphore, #tpu.memory_space<semaphore_mem>>) src(%dma_wait3A_186 : memref<10000x128xf32, #tpu.memory_space<hbm>>) dst(%arg10 : memref<128x128xf32, #tpu.memory_space<vmem>>)
      %mul3A_187 = arith.constant 2 : i32
      %mul3A_188 = arith.muli %mul3A_187, %scan3A_154 : i32
      %add3A_189 = arith.constant 1 : i32
      %add3A_190 = arith.addi %mul3A_188, %add3A_189 : i32
      "tpu.region"() ({
        %run_scoped3A = tpu.sem_alloc : memref<!tpu.dma_semaphore, #tpu.memory_space<semaphore_mem>>
        %dma_start3A_191 = arith.constant 0 : i32
        %dma_start3A_192 = tpu.memref_slice %arg8[%add3A_190, %dma_start3A_191] : memref<16x128xi32, #tpu.memory_space<vmem>> -> memref<1x128xi32, #tpu.memory_space<vmem>>
        %dma_start3A_193 = tpu.memref_squeeze %dma_start3A_192 : memref<1x128xi32, #tpu.memory_space<vmem>> -> memref<128xi32, #tpu.memory_space<vmem>>
        %dma_start3A_194 = arith.constant 0 : i32
        %dma_start3A_195 = arith.constant 0 : i32
        %dma_start3A_196 = tpu.memref_slice %arg11[%dma_start3A_194, %dma_start3A_195] : memref<10240x128xf32, #tpu.memory_space<vmem_shared>> -> memref<10240x128xf32, #tpu.memory_space<vmem_shared>>
        tpu.enqueue_indirect_dma source(%arg10 : memref<128x128xf32, #tpu.memory_space<vmem>>) target(%dma_start3A_196 : memref<10240x128xf32, #tpu.memory_space<vmem_shared>>) offsets(%dma_start3A_193 : memref<128xi32, #tpu.memory_space<vmem>>) semaphore(%run_scoped3A : memref<!tpu.dma_semaphore, #tpu.memory_space<semaphore_mem>>) {add = true}
        %dma_wait3A_197 = arith.constant 0 : i32
        %dma_wait3A_198 = tpu.memref_slice %arg8[%add3A_190, %dma_wait3A_197] : memref<16x128xi32, #tpu.memory_space<vmem>> -> memref<1x128xi32, #tpu.memory_space<vmem>>
        %dma_wait3A_199 = tpu.memref_squeeze %dma_wait3A_198 : memref<1x128xi32, #tpu.memory_space<vmem>> -> memref<128xi32, #tpu.memory_space<vmem>>
        %dma_wait3A_200 = arith.constant 0 : i32
        %dma_wait3A_201 = arith.constant 0 : i32
        %dma_wait3A_202 = tpu.memref_slice %arg11[%dma_wait3A_200, %dma_wait3A_201] : memref<10240x128xf32, #tpu.memory_space<vmem_shared>> -> memref<10240x128xf32, #tpu.memory_space<vmem_shared>>
        tpu.wait_indirect_dma semaphore(%run_scoped3A : memref<!tpu.dma_semaphore, #tpu.memory_space<semaphore_mem>>) src(%arg10 : memref<128x128xf32, #tpu.memory_space<vmem>>) dst(%dma_wait3A_202 : memref<10240x128xf32, #tpu.memory_space<vmem_shared>>)
        tpu.yield
      }) : () -> ()
    }
    %scan3A_134 = arith.constant 8 : i32
    %dma_wait3A_135 = arith.constant 64 : i32
    %dma_wait3A_136 = arith.constant 0 : i32
    %dma_wait3A_137 = tpu.memref_slice %arg4[%add3A, %dma_wait3A_135, %dma_wait3A_136] : memref<32x80x128xi32, #tpu.memory_space<hbm>> -> memref<1x16x128xi32, #tpu.memory_space<hbm>>
    %dma_wait3A_138 = tpu.memref_squeeze %dma_wait3A_137 : memref<1x16x128xi32, #tpu.memory_space<hbm>> -> memref<16x128xi32, #tpu.memory_space<hbm>>
    %dma_wait3A_139 = arith.constant 64 : i32
    %dma_wait3A_140 = arith.constant 0 : i32
    %dma_wait3A_141 = tpu.memref_slice %arg4[%add3A, %dma_wait3A_139, %dma_wait3A_140] : memref<32x80x128xi32, #tpu.memory_space<hbm>> -> memref<1x16x128xi32, #tpu.memory_space<hbm>>
    %dma_wait3A_142 = tpu.memref_squeeze %dma_wait3A_141 : memref<1x16x128xi32, #tpu.memory_space<hbm>> -> memref<16x128xi32, #tpu.memory_space<hbm>>
    tpu.wait_dma2 semaphore(%arg14 : memref<!tpu.dma_semaphore, #tpu.memory_space<semaphore_mem>>) src(%dma_wait3A_142 : memref<16x128xi32, #tpu.memory_space<hbm>>) dst(%arg7 : memref<16x128xi32, #tpu.memory_space<vmem>>)
    %scan3A_143 = arith.constant 0 : i32
    %scan3A_144 = arith.constant 0 : i32
    %scan3A_145 = arith.constant 8 : i32
    %scan3A_146 = arith.addi %scan3A_144, %scan3A_145 : i32
    %scan3A_147 = arith.constant 1 : i32
    scf.for %scan3A_154 = %scan3A_144 to %scan3A_146 step %scan3A_147  : i32 {
      %mul3A_155 = arith.constant 2 : i32
      %mul3A_156 = arith.muli %mul3A_155, %scan3A_154 : i32
      %add3A_157 = arith.constant 64 : i32
      %add3A_158 = arith.addi %add3A_157, %mul3A_156 : i32
      %add3A_159 = arith.constant 1 : i32
      %add3A_160 = arith.addi %add3A_158, %add3A_159 : i32
      %dma_start3A_161 = arith.constant 0 : i32
      %dma_start3A_162 = tpu.memref_slice %arg6[%add3A_160, %dma_start3A_161] : memref<80x128xi32, #tpu.memory_space<vmem>> -> memref<1x128xi32, #tpu.memory_space<vmem>>
      %dma_start3A_163 = tpu.memref_squeeze %dma_start3A_162 : memref<1x128xi32, #tpu.memory_space<vmem>> -> memref<128xi32, #tpu.memory_space<vmem>>
      %dma_start3A_164 = arith.constant 0 : i32
      %dma_start3A_165 = arith.constant 0 : i32
      %dma_start3A_166 = tpu.memref_slice %arg2[%dma_start3A_164, %dma_start3A_165] : memref<10000x128xf32, #tpu.memory_space<hbm>> -> memref<10000x128xf32, #tpu.memory_space<hbm>>
      tpu.enqueue_indirect_dma source(%dma_start3A_166 : memref<10000x128xf32, #tpu.memory_space<hbm>>) target(%arg10 : memref<128x128xf32, #tpu.memory_space<vmem>>) offsets(%dma_start3A_163 : memref<128xi32, #tpu.memory_space<vmem>>) semaphore(%arg13 : memref<!tpu.dma_semaphore, #tpu.memory_space<semaphore_mem>>)
      %dma_wait3A_167 = arith.constant 0 : i32
      %dma_wait3A_168 = tpu.memref_slice %arg6[%add3A_158, %dma_wait3A_167] : memref<80x128xi32, #tpu.memory_space<vmem>> -> memref<1x128xi32, #tpu.memory_space<vmem>>
      %dma_wait3A_169 = tpu.memref_squeeze %dma_wait3A_168 : memref<1x128xi32, #tpu.memory_space<vmem>> -> memref<128xi32, #tpu.memory_space<vmem>>
      %dma_wait3A_170 = arith.constant 0 : i32
      %dma_wait3A_171 = arith.constant 0 : i32
      %dma_wait3A_172 = tpu.memref_slice %arg2[%dma_wait3A_170, %dma_wait3A_171] : memref<10000x128xf32, #tpu.memory_space<hbm>> -> memref<10000x128xf32, #tpu.memory_space<hbm>>
      tpu.wait_indirect_dma semaphore(%arg12 : memref<!tpu.dma_semaphore, #tpu.memory_space<semaphore_mem>>) src(%dma_wait3A_172 : memref<10000x128xf32, #tpu.memory_space<hbm>>) dst(%arg9 : memref<128x128xf32, #tpu.memory_space<vmem>>)
      %mul3A_173 = arith.constant 2 : i32
      %mul3A_174 = arith.muli %mul3A_173, %scan3A_154 : i32
      "tpu.region"() ({
        %run_scoped3A = tpu.sem_alloc : memref<!tpu.dma_semaphore, #tpu.memory_space<semaphore_mem>>
        %dma_start3A_191 = arith.constant 0 : i32
        %dma_start3A_192 = tpu.memref_slice %arg7[%mul3A_174, %dma_start3A_191] : memref<16x128xi32, #tpu.memory_space<vmem>> -> memref<1x128xi32, #tpu.memory_space<vmem>>
        %dma_start3A_193 = tpu.memref_squeeze %dma_start3A_192 : memref<1x128xi32, #tpu.memory_space<vmem>> -> memref<128xi32, #tpu.memory_space<vmem>>
        %dma_start3A_194 = arith.constant 0 : i32
        %dma_start3A_195 = arith.constant 0 : i32
        %dma_start3A_196 = tpu.memref_slice %arg11[%dma_start3A_194, %dma_start3A_195] : memref<10240x128xf32, #tpu.memory_space<vmem_shared>> -> memref<10240x128xf32, #tpu.memory_space<vmem_shared>>
        tpu.enqueue_indirect_dma source(%arg9 : memref<128x128xf32, #tpu.memory_space<vmem>>) target(%dma_start3A_196 : memref<10240x128xf32, #tpu.memory_space<vmem_shared>>) offsets(%dma_start3A_193 : memref<128xi32, #tpu.memory_space<vmem>>) semaphore(%run_scoped3A : memref<!tpu.dma_semaphore, #tpu.memory_space<semaphore_mem>>) {add = true}
        %dma_wait3A_197 = arith.constant 0 : i32
        %dma_wait3A_198 = tpu.memref_slice %arg7[%mul3A_174, %dma_wait3A_197] : memref<16x128xi32, #tpu.memory_space<vmem>> -> memref<1x128xi32, #tpu.memory_space<vmem>>
        %dma_wait3A_199 = tpu.memref_squeeze %dma_wait3A_198 : memref<1x128xi32, #tpu.memory_space<vmem>> -> memref<128xi32, #tpu.memory_space<vmem>>
        %dma_wait3A_200 = arith.constant 0 : i32
        %dma_wait3A_201 = arith.constant 0 : i32
        %dma_wait3A_202 = tpu.memref_slice %arg11[%dma_wait3A_200, %dma_wait3A_201] : memref<10240x128xf32, #tpu.memory_space<vmem_shared>> -> memref<10240x128xf32, #tpu.memory_space<vmem_shared>>
        tpu.wait_indirect_dma semaphore(%run_scoped3A : memref<!tpu.dma_semaphore, #tpu.memory_space<semaphore_mem>>) src(%arg9 : memref<128x128xf32, #tpu.memory_space<vmem>>) dst(%dma_wait3A_202 : memref<10240x128xf32, #tpu.memory_space<vmem_shared>>)
        tpu.yield
      }) : () -> ()
      %add3A_175 = arith.constant 2 : i32
      %add3A_176 = arith.addi %add3A_158, %add3A_175 : i32
      %lt3A = arith.constant 80 : i32
      %lt3A_177 = arith.cmpi slt, %add3A_176, %lt3A : i32
      %convert_element_type3A = arith.extui %lt3A_177 : i1 to i32
      %cond3A = arith.constant 0 : i32
      %cond3A_178 = arith.cmpi ne, %convert_element_type3A, %cond3A : i32
      scf.if %cond3A_178 {
        %add3A_191 = arith.constant 2 : i32
        %add3A_192 = arith.addi %add3A_158, %add3A_191 : i32
        %dma_start3A_193 = arith.constant 0 : i32
        %dma_start3A_194 = tpu.memref_slice %arg6[%add3A_192, %dma_start3A_193] : memref<80x128xi32, #tpu.memory_space<vmem>> -> memref<1x128xi32, #tpu.memory_space<vmem>>
        %dma_start3A_195 = tpu.memref_squeeze %dma_start3A_194 : memref<1x128xi32, #tpu.memory_space<vmem>> -> memref<128xi32, #tpu.memory_space<vmem>>
        %dma_start3A_196 = arith.constant 0 : i32
        %dma_start3A_197 = arith.constant 0 : i32
        %dma_start3A_198 = tpu.memref_slice %arg2[%dma_start3A_196, %dma_start3A_197] : memref<10000x128xf32, #tpu.memory_space<hbm>> -> memref<10000x128xf32, #tpu.memory_space<hbm>>
        tpu.enqueue_indirect_dma source(%dma_start3A_198 : memref<10000x128xf32, #tpu.memory_space<hbm>>) target(%arg9 : memref<128x128xf32, #tpu.memory_space<vmem>>) offsets(%dma_start3A_195 : memref<128xi32, #tpu.memory_space<vmem>>) semaphore(%arg12 : memref<!tpu.dma_semaphore, #tpu.memory_space<semaphore_mem>>)
      } else {
      }
      %add3A_179 = arith.constant 1 : i32
      %add3A_180 = arith.addi %add3A_158, %add3A_179 : i32
      %dma_wait3A_181 = arith.constant 0 : i32
      %dma_wait3A_182 = tpu.memref_slice %arg6[%add3A_180, %dma_wait3A_181] : memref<80x128xi32, #tpu.memory_space<vmem>> -> memref<1x128xi32, #tpu.memory_space<vmem>>
      %dma_wait3A_183 = tpu.memref_squeeze %dma_wait3A_182 : memref<1x128xi32, #tpu.memory_space<vmem>> -> memref<128xi32, #tpu.memory_space<vmem>>
      %dma_wait3A_184 = arith.constant 0 : i32
      %dma_wait3A_185 = arith.constant 0 : i32
      %dma_wait3A_186 = tpu.memref_slice %arg2[%dma_wait3A_184, %dma_wait3A_185] : memref<10000x128xf32, #tpu.memory_space<hbm>> -> memref<10000x128xf32, #tpu.memory_space<hbm>>
      tpu.wait_indirect_dma semaphore(%arg13 : memref<!tpu.dma_semaphore, #tpu.memory_space<semaphore_mem>>) src(%dma_wait3A_186 : memref<10000x128xf32, #tpu.memory_space<hbm>>) dst(%arg10 : memref<128x128xf32, #tpu.memory_space<vmem>>)
      %mul3A_187 = arith.constant 2 : i32
      %mul3A_188 = arith.muli %mul3A_187, %scan3A_154 : i32
      %add3A_189 = arith.constant 1 : i32
      %add3A_190 = arith.addi %mul3A_188, %add3A_189 : i32
      "tpu.region"() ({
        %run_scoped3A = tpu.sem_alloc : memref<!tpu.dma_semaphore, #tpu.memory_space<semaphore_mem>>
        %dma_start3A_191 = arith.constant 0 : i32
        %dma_start3A_192 = tpu.memref_slice %arg7[%add3A_190, %dma_start3A_191] : memref<16x128xi32, #tpu.memory_space<vmem>> -> memref<1x128xi32, #tpu.memory_space<vmem>>
        %dma_start3A_193 = tpu.memref_squeeze %dma_start3A_192 : memref<1x128xi32, #tpu.memory_space<vmem>> -> memref<128xi32, #tpu.memory_space<vmem>>
        %dma_start3A_194 = arith.constant 0 : i32
        %dma_start3A_195 = arith.constant 0 : i32
        %dma_start3A_196 = tpu.memref_slice %arg11[%dma_start3A_194, %dma_start3A_195] : memref<10240x128xf32, #tpu.memory_space<vmem_shared>> -> memref<10240x128xf32, #tpu.memory_space<vmem_shared>>
        tpu.enqueue_indirect_dma source(%arg10 : memref<128x128xf32, #tpu.memory_space<vmem>>) target(%dma_start3A_196 : memref<10240x128xf32, #tpu.memory_space<vmem_shared>>) offsets(%dma_start3A_193 : memref<128xi32, #tpu.memory_space<vmem>>) semaphore(%run_scoped3A : memref<!tpu.dma_semaphore, #tpu.memory_space<semaphore_mem>>) {add = true}
        %dma_wait3A_197 = arith.constant 0 : i32
        %dma_wait3A_198 = tpu.memref_slice %arg7[%add3A_190, %dma_wait3A_197] : memref<16x128xi32, #tpu.memory_space<vmem>> -> memref<1x128xi32, #tpu.memory_space<vmem>>
        %dma_wait3A_199 = tpu.memref_squeeze %dma_wait3A_198 : memref<1x128xi32, #tpu.memory_space<vmem>> -> memref<128xi32, #tpu.memory_space<vmem>>
        %dma_wait3A_200 = arith.constant 0 : i32
        %dma_wait3A_201 = arith.constant 0 : i32
        %dma_wait3A_202 = tpu.memref_slice %arg11[%dma_wait3A_200, %dma_wait3A_201] : memref<10240x128xf32, #tpu.memory_space<vmem_shared>> -> memref<10240x128xf32, #tpu.memory_space<vmem_shared>>
        tpu.wait_indirect_dma semaphore(%run_scoped3A : memref<!tpu.dma_semaphore, #tpu.memory_space<semaphore_mem>>) src(%arg10 : memref<128x128xf32, #tpu.memory_space<vmem>>) dst(%dma_wait3A_202 : memref<10240x128xf32, #tpu.memory_space<vmem_shared>>)
        tpu.yield
      }) : () -> ()
    }
    %scan3A_148 = arith.constant 8 : i32
    %barrier3A_149 = arith.constant 0 : index
    tpu.barrier barrier_id(%barrier3A_149)
    %mul3A_150 = arith.constant 640 : i32
    %mul3A_151 = arith.muli %arg1, %mul3A_150 : i32
    %mul3A_152 = arith.constant 640 : i32
    %mul3A_153 = arith.muli %arg1, %mul3A_152 : i32
    "tpu.region"() ({
      %run_scoped3A = tpu.sem_alloc : memref<!tpu.dma_semaphore, #tpu.memory_space<semaphore_mem>>
      %dma_start3A_154 = arith.constant 0 : i32
      %dma_start3A_155 = tpu.memref_slice %arg5[%arg0, %mul3A_153, %dma_start3A_154] : memref<2x10240x128xf32, #tpu.memory_space<hbm>> -> memref<1x640x128xf32, #tpu.memory_space<hbm>>
      %dma_start3A_156 = tpu.memref_squeeze %dma_start3A_155 : memref<1x640x128xf32, #tpu.memory_space<hbm>> -> memref<640x128xf32, #tpu.memory_space<hbm>>
      %dma_start3A_157 = arith.constant 0 : i32
      %dma_start3A_158 = tpu.memref_slice %arg11[%mul3A_151, %dma_start3A_157] : memref<10240x128xf32, #tpu.memory_space<vmem_shared>> -> memref<640x128xf32, #tpu.memory_space<vmem_shared>>
      tpu.enqueue_dma source(%dma_start3A_158 : memref<640x128xf32, #tpu.memory_space<vmem_shared>>) target(%dma_start3A_156 : memref<640x128xf32, #tpu.memory_space<hbm>>) target_semaphore(%run_scoped3A : memref<!tpu.dma_semaphore, #tpu.memory_space<semaphore_mem>>)
      %dma_wait3A_159 = arith.constant 0 : i32
      %dma_wait3A_160 = tpu.memref_slice %arg5[%arg0, %mul3A_153, %dma_wait3A_159] : memref<2x10240x128xf32, #tpu.memory_space<hbm>> -> memref<1x640x128xf32, #tpu.memory_space<hbm>>
      %dma_wait3A_161 = tpu.memref_squeeze %dma_wait3A_160 : memref<1x640x128xf32, #tpu.memory_space<hbm>> -> memref<640x128xf32, #tpu.memory_space<hbm>>
      %dma_wait3A_162 = arith.constant 0 : i32
      %dma_wait3A_163 = tpu.memref_slice %arg11[%mul3A_151, %dma_wait3A_162] : memref<10240x128xf32, #tpu.memory_space<vmem_shared>> -> memref<640x128xf32, #tpu.memory_space<vmem_shared>>
      tpu.wait_dma2 semaphore(%run_scoped3A : memref<!tpu.dma_semaphore, #tpu.memory_space<semaphore_mem>>) src(%dma_wait3A_163 : memref<640x128xf32, #tpu.memory_space<vmem_shared>>) dst(%dma_wait3A_161 : memref<640x128xf32, #tpu.memory_space<hbm>>)
      tpu.yield
    }) : () -> ()
    return
  }
}

module attributes {stable_mosaic.version = 14 : i64} {
  func.func @_tc_prep_body(%arg0: i32, %arg1: memref<1x1000x1xf32, #tpu.memory_space<vmem>>, %arg2: memref<1x1000x1xf32, #tpu.memory_space<vmem>>, %arg3: memref<1000x128xf32, #tpu.memory_space<vmem>>, %arg4: memref<1000x1xf32, #tpu.memory_space<vmem>>, %arg5: memref<1000x128xf32, #tpu.memory_space<vmem>>) attributes {dimension_semantics = [#tpu.dimension_semantics<arbitrary>], iteration_bounds = array<i64: 10>, scalar_prefetch = 0 : i64, scratch_operands = 0 : i64, tpu.core_type = #tpu.core_type<tc>, window_params = [{transform_indices = @transform_0, window_bounds = array<i64: 1, 1000, 1>}, {transform_indices = @transform_1, window_bounds = array<i64: 1, 1000, 1>}, {transform_indices = @transform_2, window_bounds = array<i64: 1000, 128>}, {transform_indices = @transform_3, window_bounds = array<i64: 1000, 1>}, {transform_indices = @transform_4, window_bounds = array<i64: 1000, 128>}]} {
    %get3A = arith.constant 0 : index
    %get3A_0 = arith.constant 0 : index
    %get3A_1 = arith.constant 0 : index
    %get3A_2 = vector.load %arg1[%get3A, %get3A_0, %get3A_1] : memref<1x1000x1xf32, #tpu.memory_space<vmem>>, vector<1x1000x1xf32>
    %get3A_3 = vector.shape_cast %get3A_2 : vector<1x1000x1xf32> to vector<1000x1xf32>
    %get3A_4 = arith.constant 0 : index
    %get3A_5 = arith.constant 0 : index
    %get3A_6 = arith.constant 0 : index
    %get3A_7 = vector.load %arg2[%get3A_4, %get3A_5, %get3A_6] : memref<1x1000x1xf32, #tpu.memory_space<vmem>>, vector<1x1000x1xf32>
    %get3A_8 = vector.shape_cast %get3A_7 : vector<1x1000x1xf32> to vector<1000x1xf32>
    %add3A = arith.addf %get3A_3, %get3A_8 : vector<1000x1xf32>
    %add3A_9 = arith.constant 1.000000e+00 : f32
    %add3A_10 = vector.broadcast %add3A_9 : f32 to vector<1000x1xf32>
    %add3A_11 = arith.addf %add3A, %add3A_10 : vector<1000x1xf32>
    %rsqrt3A = math.rsqrt %add3A_11 : vector<1000x1xf32>
    %swap3A = arith.constant 0 : index
    %swap3A_12 = arith.constant 0 : index
    %swap3A_13 = vector.load %arg4[%swap3A, %swap3A_12] : memref<1000x1xf32, #tpu.memory_space<vmem>>, vector<1000x1xf32>
    tpu.vector_store %arg4[%swap3A, %swap3A_12], %rsqrt3A {strides = array<i32>} : memref<1000x1xf32, #tpu.memory_space<vmem>>, vector<1000x1xf32>,
    %get3A_14 = arith.constant 0 : index
    %get3A_15 = arith.constant 0 : index
    %get3A_16 = vector.load %arg3[%get3A_14, %get3A_15] : memref<1000x128xf32, #tpu.memory_space<vmem>>, vector<1000x128xf32>
    %mul3A = vector.broadcast %rsqrt3A : vector<1000x1xf32> to vector<1000x128xf32>
    %mul3A_17 = arith.mulf %mul3A, %get3A_16 : vector<1000x128xf32>
    %swap3A_18 = arith.constant 0 : index
    %swap3A_19 = arith.constant 0 : index
    %swap3A_20 = vector.load %arg5[%swap3A_18, %swap3A_19] : memref<1000x128xf32, #tpu.memory_space<vmem>>, vector<1000x128xf32>
    tpu.vector_store %arg5[%swap3A_18, %swap3A_19], %mul3A_17 {strides = array<i32>} : memref<1000x128xf32, #tpu.memory_space<vmem>>, vector<1000x128xf32>,
    return
  }
  func.func @transform_0(%arg0: i32) -> (i32, i32, i32) {
    %c0_i32 = arith.constant 0 : i32
    %c0_i32_0 = arith.constant 0 : i32
    %c0_i32_1 = arith.constant 0 : i32
    return %c0_i32, %arg0, %c0_i32_0 : i32, i32, i32
  }
  func.func @transform_1(%arg0: i32) -> (i32, i32, i32) {
    %c1_i32 = arith.constant 1 : i32
    %c0_i32 = arith.constant 0 : i32
    %c0_i32_0 = arith.constant 0 : i32
    return %c1_i32, %arg0, %c0_i32 : i32, i32, i32
  }
  func.func @transform_2(%arg0: i32) -> (i32, i32) {
    %c0_i32 = arith.constant 0 : i32
    %c0_i32_0 = arith.constant 0 : i32
    return %arg0, %c0_i32 : i32, i32
  }
  func.func @transform_3(%arg0: i32) -> (i32, i32) {
    %c0_i32 = arith.constant 0 : i32
    %c0_i32_0 = arith.constant 0 : i32
    return %arg0, %c0_i32 : i32, i32
  }
  func.func @transform_4(%arg0: i32) -> (i32, i32) {
    %c0_i32 = arith.constant 0 : i32
    %c0_i32_0 = arith.constant 0 : i32
    return %arg0, %c0_i32 : i32, i32
  }
}

module attributes {stable_mosaic.version = 14 : i64} {
  func.func @_tc_layer1_body(%arg0: i32, %arg1: memref<1x1000x128xf32, #tpu.memory_space<vmem>>, %arg2: memref<1x1000x128xf32, #tpu.memory_space<vmem>>, %arg3: memref<1000x128xf32, #tpu.memory_space<vmem>>, %arg4: memref<1000x1xf32, #tpu.memory_space<vmem>>, %arg5: memref<128x128xf32, #tpu.memory_space<vmem>>, %arg6: memref<1x128xf32, #tpu.memory_space<vmem>>, %arg7: memref<1000x128xf32, #tpu.memory_space<vmem>>) attributes {dimension_semantics = [#tpu.dimension_semantics<arbitrary>], iteration_bounds = array<i64: 10>, scalar_prefetch = 0 : i64, scratch_operands = 0 : i64, tpu.core_type = #tpu.core_type<tc>, window_params = [{transform_indices = @transform_0, window_bounds = array<i64: 1, 1000, 128>}, {transform_indices = @transform_1, window_bounds = array<i64: 1, 1000, 128>}, {transform_indices = @transform_2, window_bounds = array<i64: 1000, 128>}, {transform_indices = @transform_3, window_bounds = array<i64: 1000, 1>}, {pipeline_mode = #tpu.pipeline_mode<synchronous>, transform_indices = @transform_4, window_bounds = array<i64: 128, 128>}, {pipeline_mode = #tpu.pipeline_mode<synchronous>, transform_indices = @transform_5, window_bounds = array<i64: 1, 128>}, {transform_indices = @transform_6, window_bounds = array<i64: 1000, 128>}]} {
    %get3A = arith.constant 0 : index
    %get3A_0 = arith.constant 0 : index
    %get3A_1 = vector.load %arg4[%get3A, %get3A_0] : memref<1000x1xf32, #tpu.memory_space<vmem>>, vector<1000x1xf32>
    %get3A_2 = arith.constant 0 : index
    %get3A_3 = arith.constant 0 : index
    %get3A_4 = arith.constant 0 : index
    %get3A_5 = vector.load %arg1[%get3A_2, %get3A_3, %get3A_4] : memref<1x1000x128xf32, #tpu.memory_space<vmem>>, vector<1x1000x128xf32>
    %get3A_6 = vector.shape_cast %get3A_5 : vector<1x1000x128xf32> to vector<1000x128xf32>
    %get3A_7 = arith.constant 0 : index
    %get3A_8 = arith.constant 0 : index
    %get3A_9 = arith.constant 0 : index
    %get3A_10 = vector.load %arg2[%get3A_7, %get3A_8, %get3A_9] : memref<1x1000x128xf32, #tpu.memory_space<vmem>>, vector<1x1000x128xf32>
    %get3A_11 = vector.shape_cast %get3A_10 : vector<1x1000x128xf32> to vector<1000x128xf32>
    %add3A = arith.addf %get3A_6, %get3A_11 : vector<1000x128xf32>
    %get3A_12 = arith.constant 0 : index
    %get3A_13 = arith.constant 0 : index
    %get3A_14 = vector.load %arg3[%get3A_12, %get3A_13] : memref<1000x128xf32, #tpu.memory_space<vmem>>, vector<1000x128xf32>
    %add3A_15 = arith.addf %add3A, %get3A_14 : vector<1000x128xf32>
    %mul3A = vector.broadcast %get3A_1 : vector<1000x1xf32> to vector<1000x128xf32>
    %mul3A_16 = arith.mulf %mul3A, %add3A_15 : vector<1000x128xf32>
    %get3A_17 = arith.constant 0 : index
    %get3A_18 = arith.constant 0 : index
    %get3A_19 = vector.load %arg5[%get3A_17, %get3A_18] : memref<128x128xf32, #tpu.memory_space<vmem>>, vector<128x128xf32>
    %dot_general3A = arith.constant dense<0.000000e+00> : vector<1000x128xf32>
    %dot_general3A_20 = tpu.matmul %mul3A_16, %get3A_19, %dot_general3A {dimension_numbers = #tpu.dot_dimension_numbers<[1], [0], [0], [1], [0, 0, 1, 1], [], []>, transpose_lhs_hint = false} : vector<1000x128xf32>, vector<128x128xf32>, vector<1000x128xf32> -> vector<1000x128xf32>
    %get3A_21 = arith.constant 0 : index
    %get3A_22 = arith.constant 0 : index
    %get3A_23 = vector.load %arg6[%get3A_21, %get3A_22] : memref<1x128xf32, #tpu.memory_space<vmem>>, vector<1x128xf32>
    %add3A_24 = vector.broadcast %get3A_23 : vector<1x128xf32> to vector<1000x128xf32>
    %add3A_25 = arith.addf %dot_general3A_20, %add3A_24 : vector<1000x128xf32>
    %gt3A = arith.constant 0.000000e+00 : f32
    %gt3A_26 = vector.broadcast %gt3A : f32 to vector<1000x128xf32>
    %gt3A_27 = arith.cmpf ogt, %add3A_25, %gt3A_26 : vector<1000x128xf32>
    %exp3A = math.exp %add3A_25 : vector<1000x128xf32>
    %sub3A = arith.constant 1.000000e+00 : f32
    %sub3A_28 = vector.broadcast %sub3A : f32 to vector<1000x128xf32>
    %sub3A_29 = arith.subf %exp3A, %sub3A_28 : vector<1000x128xf32>
    %select_n3A = arith.select %gt3A_27, %add3A_25, %sub3A_29 : vector<1000x128xi1>, vector<1000x128xf32>
    %mul3A_30 = vector.broadcast %get3A_1 : vector<1000x1xf32> to vector<1000x128xf32>
    %mul3A_31 = arith.mulf %mul3A_30, %select_n3A : vector<1000x128xf32>
    %swap3A = arith.constant 0 : index
    %swap3A_32 = arith.constant 0 : index
    %swap3A_33 = vector.load %arg7[%swap3A, %swap3A_32] : memref<1000x128xf32, #tpu.memory_space<vmem>>, vector<1000x128xf32>
    tpu.vector_store %arg7[%swap3A, %swap3A_32], %mul3A_31 {strides = array<i32>} : memref<1000x128xf32, #tpu.memory_space<vmem>>, vector<1000x128xf32>,
    return
  }
  func.func @transform_0(%arg0: i32) -> (i32, i32, i32) {
    %c0_i32 = arith.constant 0 : i32
    %c0_i32_0 = arith.constant 0 : i32
    %c0_i32_1 = arith.constant 0 : i32
    return %c0_i32, %arg0, %c0_i32_0 : i32, i32, i32
  }
  func.func @transform_1(%arg0: i32) -> (i32, i32, i32) {
    %c1_i32 = arith.constant 1 : i32
    %c0_i32 = arith.constant 0 : i32
    %c0_i32_0 = arith.constant 0 : i32
    return %c1_i32, %arg0, %c0_i32 : i32, i32, i32
  }
  func.func @transform_2(%arg0: i32) -> (i32, i32) {
    %c0_i32 = arith.constant 0 : i32
    %c0_i32_0 = arith.constant 0 : i32
    return %arg0, %c0_i32 : i32, i32
  }
  func.func @transform_3(%arg0: i32) -> (i32, i32) {
    %c0_i32 = arith.constant 0 : i32
    %c0_i32_0 = arith.constant 0 : i32
    return %arg0, %c0_i32 : i32, i32
  }
  func.func @transform_4(%arg0: i32) -> (i32, i32) {
    %c0_i32 = arith.constant 0 : i32
    %c0_i32_0 = arith.constant 0 : i32
    %c0_i32_1 = arith.constant 0 : i32
    return %c0_i32, %c0_i32_0 : i32, i32
  }
  func.func @transform_5(%arg0: i32) -> (i32, i32) {
    %c0_i32 = arith.constant 0 : i32
    %c0_i32_0 = arith.constant 0 : i32
    %c0_i32_1 = arith.constant 0 : i32
    return %c0_i32, %c0_i32_0 : i32, i32
  }
  func.func @transform_6(%arg0: i32) -> (i32, i32) {
    %c0_i32 = arith.constant 0 : i32
    %c0_i32_0 = arith.constant 0 : i32
    return %arg0, %c0_i32 : i32, i32
  }
}

module attributes {stable_mosaic.version = 14 : i64} {
  func.func @_tc_final_body(%arg0: i32, %arg1: memref<1x1000x128xf32, #tpu.memory_space<vmem>>, %arg2: memref<1x1000x128xf32, #tpu.memory_space<vmem>>, %arg3: memref<1000x128xf32, #tpu.memory_space<vmem>>, %arg4: memref<1000x1xf32, #tpu.memory_space<vmem>>, %arg5: memref<128x128xf32, #tpu.memory_space<vmem>>, %arg6: memref<1x128xf32, #tpu.memory_space<vmem>>, %arg7: memref<128x128xf32, #tpu.memory_space<vmem>>, %arg8: memref<1x128xf32, #tpu.memory_space<vmem>>, %arg9: memref<1000x128xf32, #tpu.memory_space<vmem>>, %arg10: memref<1000x128xf32, #tpu.memory_space<vmem>>, %arg11: memref<1000x128xf32, #tpu.memory_space<vmem>>, %arg12: memref<1000x128xf32, #tpu.memory_space<vmem>>) attributes {dimension_semantics = [#tpu.dimension_semantics<arbitrary>], iteration_bounds = array<i64: 10>, scalar_prefetch = 0 : i64, scratch_operands = 0 : i64, tpu.core_type = #tpu.core_type<tc>, window_params = [{transform_indices = @transform_0, window_bounds = array<i64: 1, 1000, 128>}, {transform_indices = @transform_1, window_bounds = array<i64: 1, 1000, 128>}, {transform_indices = @transform_2, window_bounds = array<i64: 1000, 128>}, {transform_indices = @transform_3, window_bounds = array<i64: 1000, 1>}, {pipeline_mode = #tpu.pipeline_mode<synchronous>, transform_indices = @transform_4, window_bounds = array<i64: 128, 128>}, {pipeline_mode = #tpu.pipeline_mode<synchronous>, transform_indices = @transform_5, window_bounds = array<i64: 1, 128>}, {pipeline_mode = #tpu.pipeline_mode<synchronous>, transform_indices = @transform_6, window_bounds = array<i64: 128, 128>}, {pipeline_mode = #tpu.pipeline_mode<synchronous>, transform_indices = @transform_7, window_bounds = array<i64: 1, 128>}, {transform_indices = @transform_8, window_bounds = array<i64: 1000, 128>}, {transform_indices = @transform_9, window_bounds = array<i64: 1000, 128>}, {transform_indices = @transform_10, window_bounds = array<i64: 1000, 128>}, {transform_indices = @transform_11, window_bounds = array<i64: 1000, 128>}]} {
    %get3A = arith.constant 0 : index
    %get3A_0 = arith.constant 0 : index
    %get3A_1 = vector.load %arg4[%get3A, %get3A_0] : memref<1000x1xf32, #tpu.memory_space<vmem>>, vector<1000x1xf32>
    %get3A_2 = arith.constant 0 : index
    %get3A_3 = arith.constant 0 : index
    %get3A_4 = arith.constant 0 : index
    %get3A_5 = vector.load %arg1[%get3A_2, %get3A_3, %get3A_4] : memref<1x1000x128xf32, #tpu.memory_space<vmem>>, vector<1x1000x128xf32>
    %get3A_6 = vector.shape_cast %get3A_5 : vector<1x1000x128xf32> to vector<1000x128xf32>
    %get3A_7 = arith.constant 0 : index
    %get3A_8 = arith.constant 0 : index
    %get3A_9 = arith.constant 0 : index
    %get3A_10 = vector.load %arg2[%get3A_7, %get3A_8, %get3A_9] : memref<1x1000x128xf32, #tpu.memory_space<vmem>>, vector<1x1000x128xf32>
    %get3A_11 = vector.shape_cast %get3A_10 : vector<1x1000x128xf32> to vector<1000x128xf32>
    %add3A = arith.addf %get3A_6, %get3A_11 : vector<1000x128xf32>
    %get3A_12 = arith.constant 0 : index
    %get3A_13 = arith.constant 0 : index
    %get3A_14 = vector.load %arg3[%get3A_12, %get3A_13] : memref<1000x128xf32, #tpu.memory_space<vmem>>, vector<1000x128xf32>
    %add3A_15 = arith.addf %add3A, %get3A_14 : vector<1000x128xf32>
    %mul3A = vector.broadcast %get3A_1 : vector<1000x1xf32> to vector<1000x128xf32>
    %mul3A_16 = arith.mulf %mul3A, %add3A_15 : vector<1000x128xf32>
    %get3A_17 = arith.constant 0 : index
    %get3A_18 = arith.constant 0 : index
    %get3A_19 = vector.load %arg5[%get3A_17, %get3A_18] : memref<128x128xf32, #tpu.memory_space<vmem>>, vector<128x128xf32>
    %dot_general3A = arith.constant dense<0.000000e+00> : vector<1000x128xf32>
    %dot_general3A_20 = tpu.matmul %mul3A_16, %get3A_19, %dot_general3A {dimension_numbers = #tpu.dot_dimension_numbers<[1], [0], [0], [1], [0, 0, 1, 1], [], []>, transpose_lhs_hint = false} : vector<1000x128xf32>, vector<128x128xf32>, vector<1000x128xf32> -> vector<1000x128xf32>
    %get3A_21 = arith.constant 0 : index
    %get3A_22 = arith.constant 0 : index
    %get3A_23 = vector.load %arg6[%get3A_21, %get3A_22] : memref<1x128xf32, #tpu.memory_space<vmem>>, vector<1x128xf32>
    %add3A_24 = vector.broadcast %get3A_23 : vector<1x128xf32> to vector<1000x128xf32>
    %add3A_25 = arith.addf %dot_general3A_20, %add3A_24 : vector<1000x128xf32>
    %get3A_26 = arith.constant 0 : index
    %get3A_27 = arith.constant 0 : index
    %get3A_28 = vector.load %arg7[%get3A_26, %get3A_27] : memref<128x128xf32, #tpu.memory_space<vmem>>, vector<128x128xf32>
    %dot_general3A_29 = arith.constant dense<0.000000e+00> : vector<1000x128xf32>
    %dot_general3A_30 = tpu.matmul %mul3A_16, %get3A_28, %dot_general3A_29 {dimension_numbers = #tpu.dot_dimension_numbers<[1], [0], [0], [1], [0, 0, 1, 1], [], []>, transpose_lhs_hint = false} : vector<1000x128xf32>, vector<128x128xf32>, vector<1000x128xf32> -> vector<1000x128xf32>
    %get3A_31 = arith.constant 0 : index
    %get3A_32 = arith.constant 0 : index
    %get3A_33 = vector.load %arg8[%get3A_31, %get3A_32] : memref<1x128xf32, #tpu.memory_space<vmem>>, vector<1x128xf32>
    %add3A_34 = vector.broadcast %get3A_33 : vector<1x128xf32> to vector<1000x128xf32>
    %add3A_35 = arith.addf %dot_general3A_30, %add3A_34 : vector<1000x128xf32>
    %swap3A = arith.constant 0 : index
    %swap3A_36 = arith.constant 0 : index
    %swap3A_37 = vector.load %arg11[%swap3A, %swap3A_36] : memref<1000x128xf32, #tpu.memory_space<vmem>>, vector<1000x128xf32>
    tpu.vector_store %arg11[%swap3A, %swap3A_36], %add3A_25 {strides = array<i32>} : memref<1000x128xf32, #tpu.memory_space<vmem>>, vector<1000x128xf32>,
    %swap3A_38 = arith.constant 0 : index
    %swap3A_39 = arith.constant 0 : index
    %swap3A_40 = vector.load %arg12[%swap3A_38, %swap3A_39] : memref<1000x128xf32, #tpu.memory_space<vmem>>, vector<1000x128xf32>
    tpu.vector_store %arg12[%swap3A_38, %swap3A_39], %add3A_35 {strides = array<i32>} : memref<1000x128xf32, #tpu.memory_space<vmem>>, vector<1000x128xf32>,
    %get3A_41 = arith.constant 0 : index
    %get3A_42 = arith.constant 0 : index
    %get3A_43 = vector.load %arg9[%get3A_41, %get3A_42] : memref<1000x128xf32, #tpu.memory_space<vmem>>, vector<1000x128xf32>
    %mul3A_44 = arith.constant 5.000000e-01 : f32
    %mul3A_45 = vector.broadcast %mul3A_44 : f32 to vector<1000x128xf32>
    %mul3A_46 = arith.mulf %mul3A_45, %add3A_35 : vector<1000x128xf32>
    %exp3A = math.exp %mul3A_46 : vector<1000x128xf32>
    %mul3A_47 = arith.mulf %get3A_43, %exp3A : vector<1000x128xf32>
    %add3A_48 = arith.addf %add3A_25, %mul3A_47 : vector<1000x128xf32>
    %swap3A_49 = arith.constant 0 : index
    %swap3A_50 = arith.constant 0 : index
    %swap3A_51 = vector.load %arg10[%swap3A_49, %swap3A_50] : memref<1000x128xf32, #tpu.memory_space<vmem>>, vector<1000x128xf32>
    tpu.vector_store %arg10[%swap3A_49, %swap3A_50], %add3A_48 {strides = array<i32>} : memref<1000x128xf32, #tpu.memory_space<vmem>>, vector<1000x128xf32>,
    return
  }
  func.func @transform_0(%arg0: i32) -> (i32, i32, i32) {
    %c0_i32 = arith.constant 0 : i32
    %c0_i32_0 = arith.constant 0 : i32
    %c0_i32_1 = arith.constant 0 : i32
    return %c0_i32, %arg0, %c0_i32_0 : i32, i32, i32
  }
  func.func @transform_1(%arg0: i32) -> (i32, i32, i32) {
    %c1_i32 = arith.constant 1 : i32
    %c0_i32 = arith.constant 0 : i32
    %c0_i32_0 = arith.constant 0 : i32
    return %c1_i32, %arg0, %c0_i32 : i32, i32, i32
  }
  func.func @transform_2(%arg0: i32) -> (i32, i32) {
    %c0_i32 = arith.constant 0 : i32
    %c0_i32_0 = arith.constant 0 : i32
    return %arg0, %c0_i32 : i32, i32
  }
  func.func @transform_3(%arg0: i32) -> (i32, i32) {
    %c0_i32 = arith.constant 0 : i32
    %c0_i32_0 = arith.constant 0 : i32
    return %arg0, %c0_i32 : i32, i32
  }
  func.func @transform_4(%arg0: i32) -> (i32, i32) {
    %c0_i32 = arith.constant 0 : i32
    %c0_i32_0 = arith.constant 0 : i32
    %c0_i32_1 = arith.constant 0 : i32
    return %c0_i32, %c0_i32_0 : i32, i32
  }
  func.func @transform_5(%arg0: i32) -> (i32, i32) {
    %c0_i32 = arith.constant 0 : i32
    %c0_i32_0 = arith.constant 0 : i32
    %c0_i32_1 = arith.constant 0 : i32
    return %c0_i32, %c0_i32_0 : i32, i32
  }
  func.func @transform_6(%arg0: i32) -> (i32, i32) {
    %c0_i32 = arith.constant 0 : i32
    %c0_i32_0 = arith.constant 0 : i32
    %c0_i32_1 = arith.constant 0 : i32
    return %c0_i32, %c0_i32_0 : i32, i32
  }
  func.func @transform_7(%arg0: i32) -> (i32, i32) {
    %c0_i32 = arith.constant 0 : i32
    %c0_i32_0 = arith.constant 0 : i32
    %c0_i32_1 = arith.constant 0 : i32
    return %c0_i32, %c0_i32_0 : i32, i32
  }
  func.func @transform_8(%arg0: i32) -> (i32, i32) {
    %c0_i32 = arith.constant 0 : i32
    %c0_i32_0 = arith.constant 0 : i32
    return %arg0, %c0_i32 : i32, i32
  }
  func.func @transform_9(%arg0: i32) -> (i32, i32) {
    %c0_i32 = arith.constant 0 : i32
    %c0_i32_0 = arith.constant 0 : i32
    return %arg0, %c0_i32 : i32, i32
  }
  func.func @transform_10(%arg0: i32) -> (i32, i32) {
    %c0_i32 = arith.constant 0 : i32
    %c0_i32_0 = arith.constant 0 : i32
    return %arg0, %c0_i32 : i32, i32
  }
  func.func @transform_11(%arg0: i32) -> (i32, i32) {
    %c0_i32 = arith.constant 0 : i32
    %c0_i32_0 = arith.constant 0 : i32
    return %arg0, %c0_i32 : i32, i32
  }
}

</mosaic_0001>

<sc_bundles>
// kernel: kernel.11.cloned.1.call-start
scs
__scs_entry_jumppad:
0x0: {  	(pc) =	sbr.rel $0x88, $3  }
0x1: {  	(tag) =	ssettag $0x0;
	lr =	simm.s32 $0x1  }
0x2: {  	[smem:$0x3F99] =	sst lr;
	_ =	strace $0xD0000000  }
0x3: {  	_ = 	snop  }
0x4: {  	_ = 	snop  }
0x5: {  	_ = 	snop  }
0x6: {  	_ = 	snop  }
0x7: {  	_ = 	snop  }
__scs_overlays_trampoline_lowered:
0x8: {  	[smem:$0x3FA8] =	sst s0  }
0x9: {  	[smem:$0x3FA9] =	sst s1  }
0xa: {  	[smem:$0x3FAA] =	sst s2  }
0xb: {  	[smem:$0x3FAB] =	sst s3  }
0xc: {  	[smem:$0x3FAC] =	sst s4  }
0xd: {  	[smem:$0x3FAD] =	sst s5  }
0xe: {  	[smem:$0x3FAE] =	sst s6  }
0xf: {  	[smem:$0x3FAF] =	sst s7  }
0x10: {  	[smem:$0x3FB0] =	sst s8  }
0x11: {  	[smem:$0x3FB1] =	sst s9;
	s0 =	simm.s32 @!p0 $0x0  }
0x12: {  	s1 =	sld [smem:$0x3F97];
	s0 =	simm.s32 @p0 $0x1  }
0x13: {  	[smem:$0x3FB2] =	sst s0;
	s0 =	simm.s32 @!p1 $0x0  }
0x14: {  	s2 =	sld [smem:$0x3F96];
	s0 =	simm.s32 @p1 $0x1  }
0x15: {  	[smem:$0x3FB3] =	sst s0;
	s0 =	simm.s32 @!p2 $0x0  }
0x16: {  	s3 =	sld [smem:$0x3FDB];
	s0 =	simm.s32 @p2 $0x1  }
0x17: {  	s4 =	simm.s32 $0x1BF5;
	[smem:$0x3FB5] =	sst s0  }
0x18: {  	s0 =	sld [smem:$0x3F98];
	_ =	swait.ge [sflag:s4], $0x0  }
0x19: {  	s7 =	sld [smem:$0x3F99]  }
0x1a: {  	s8 =	sadd.s32 $0xFFFFE003, lr  }
0x1b: {  	s9 =	sadd.s32 $0xFFFFFEF7, lr;
	s5 =	simm.s32 $0xFFFFFFFF;
	p2 =	slt.u32 s8, $0xFFFFF086  }
0x1c: {  	p1 =	slt.u32 s9, $0xF7A;
	s5 =	simm.s32 @!p2 $0x0  }
0x1d: {  	s5 =	simm.s32 @p1 $0x1;
	p0 =	seq.s32 s7, s2  }
0x1e: {  	s7 =	smul.u32 @!p0 $0xF7A, s2;
	p2 =	seq.s32 @!p0 s5, $0x0  }
0x1f: {  	s9 =	smul.u32 $0xF7A, s1;
	s8 =	simm.s32 @!p0 $0x1BF5;
	p2 =	por !p2, p0  }
0x20: {  	[sflag:s8] =	ssyncset.s32 @!p0 $0xFFFFF086;
	s6 =	sadd.s32 @!p0 s3, s7;
	s7 =	simm.s32 @!p0 $0x108  }
0x21: {  	s3 =	sadd.s32 s3, s9;
	s6 =	sadd.s32 @!p0 $0x88, s6;
	s7 =	simm.s32 @p2 $0x1082  }
0x22: {  	[simem:s7], [sflag:s8] =	dma.local @!p0 [hbm:s6], $0xF7A  }
0x23: {  	s9 =	sor.u32 $0xD0000000, s2;
	s6 =	simm.s32 $0x108;
	_ =	swait.ge @!p0 [sflag:s8], $0x0  }
0x24: {  	s3 =	sadd.s32 $0x88, s3;
	s6 =	simm.s32 @!p1 $0x1082;
	[sflag:s4] =	ssyncset.s32 $0xFFFFF086  }
0x25: {  	[simem:s6], [sflag:s4] =	dma.local [hbm:s3], $0xF7A  }
0x26: {  	[smem:$0x3F99] =	sst s1;
	(tag) =	ssettag s2;
	_ =	strace s9  }
0x27: {  	s1 =	sld [smem:$0x3FA9]  }
0x28: {  	s2 =	sld [smem:$0x3FAA]  }
0x29: {  	s4 =	sld [smem:$0x3FAC]  }
0x2a: {  	p0 =	seq.s32 s5, $0x0;
	s5 =	sld [smem:$0x3FAD]  }
0x2b: {  	s6 =	sld [smem:$0x3FAE]  }
0x2c: {  	s7 =	sld [smem:$0x3FAF]  }
0x2d: {  	s3 =	simm.s32 $0x108;
	s8 =	sld [smem:$0x3FB0]  }
0x2e: {  	s3 =	simm.s32 @!p0 $0x1082;
	s9 =	sld [smem:$0x3FB1]  }
0x2f: {  	lr =	sadd.s32 s0, s3;
	s0 =	sld [smem:$0x3FA8]  }
0x30: {  	s3 =	sld [smem:$0x3FAB]  }
0x31: {  	[smem:$0x3FB4] =	sst s10  }
0x32: {  	s10 =	sld [smem:$0x3FB2];
	_ =	sdelay $0x3  }
0x33: {  	p0 =	seq.s32 s10, $0x1;
	s10 =	sld [smem:$0x3FB4];
	_ =	sdelay $0x3  }
0x34: {  	[smem:$0x3FB4] =	sst s10  }
0x35: {  	s10 =	sld [smem:$0x3FB3];
	_ =	sdelay $0x3  }
0x36: {  	p1 =	seq.s32 s10, $0x1;
	s10 =	sld [smem:$0x3FB4];
	_ =	sdelay $0x3  }
0x37: {  	[smem:$0x3FB4] =	sst s10  }
0x38: {  	s10 =	sld [smem:$0x3FB5]  }
0x39: {  	_ = 	snop;
	(pc) =	sbr.ind lr, $3  }
0x3a: {  	_ = 	snop  }
0x3b: {  	_ = 	snop  }
0x3c: {  	p2 =	seq.s32 s10, $0x1;
	s10 =	sld [smem:$0x3FB4]  }
0x3d: {  	_ =	shalt  }
0x3e: {  	_ =	shalt  }
0x3f: {  	_ =	shalt  }
0x40: {  	_ =	shalt  }
0x41: {  	_ =	shalt  }
0x42: {  	_ =	shalt  }
0x43: {  	_ =	shalt  }
0x44: {  	_ =	shalt  }
0x45: {  	_ =	shalt  }
0x46: {  	_ =	shalt  }
0x47: {  	_ =	shalt  }
0x48: {  	_ =	shalt  }
0x49: {  	_ =	shalt  }
0x4a: {  	_ =	shalt  }
0x4b: {  	_ =	shalt  }
0x4c: {  	_ =	shalt  }
0x4d: {  	_ =	shalt  }
0x4e: {  	_ =	shalt  }
0x4f: {  	_ =	shalt  }
0x50: {  	_ =	shalt  }
0x51: {  	_ =	shalt  }
0x52: {  	_ =	shalt  }
0x53: {  	_ =	shalt  }
0x54: {  	_ =	shalt  }
0x55: {  	_ =	shalt  }
0x56: {  	_ =	shalt  }
0x57: {  	_ =	shalt  }
0x58: {  	_ =	shalt  }
0x59: {  	_ =	shalt  }
0x5a: {  	_ =	shalt  }
0x5b: {  	_ =	shalt  }
0x5c: {  	_ =	shalt  }
0x5d: {  	_ =	shalt  }
0x5e: {  	_ =	shalt  }
0x5f: {  	_ =	shalt  }
0x60: {  	_ =	shalt  }
0x61: {  	_ =	shalt  }
0x62: {  	_ =	shalt  }
0x63: {  	_ =	shalt  }
0x64: {  	_ =	shalt  }
0x65: {  	_ =	shalt  }
0x66: {  	_ =	shalt  }
0x67: {  	_ =	shalt  }
0x68: {  	_ =	shalt  }
0x69: {  	_ =	shalt  }
0x6a: {  	_ =	shalt  }
0x6b: {  	_ =	shalt  }
0x6c: {  	_ =	shalt  }
0x6d: {  	_ =	shalt  }
0x6e: {  	_ =	shalt  }
0x6f: {  	_ =	shalt  }
0x70: {  	_ =	shalt  }
0x71: {  	_ =	shalt  }
0x72: {  	_ =	shalt  }
0x73: {  	_ =	shalt  }
0x74: {  	_ =	shalt  }
0x75: {  	_ =	shalt  }
0x76: {  	_ =	shalt  }
0x77: {  	_ =	shalt  }
0x78: {  	_ =	shalt  }
0x79: {  	_ =	shalt  }
0x7a: {  	_ =	shalt  }
0x7b: {  	_ =	shalt  }
0x7c: {  	_ =	shalt  }
0x7d: {  	_ =	shalt  }
0x7e: {  	_ =	shalt  }
0x7f: {  	_ =	shalt  }
0x80: {  	_ =	shalt  }
0x81: {  	_ =	shalt  }
0x82: {  	_ =	shalt  }
0x83: {  	_ =	shalt  }
0x84: {  	_ =	shalt  }
0x85: {  	_ =	shalt  }
0x86: {  	_ =	shalt  }
0x87: {  	_ =	shalt  }
.Lfunc_end0:
.L_simem_size_0:
called_computation.1_lowered:
.L_overlay_start_0:
0x88: {  	s2 =	sld [smem:$0x3FD9]  }
0x89: {  	s3 =	sld [smem:$0x3FFE];
	_ =	sdelay $0x1  }
0x8a: {  	s1 =	srdreg.scid  }
0x8b: {  	s0 =	sand.u32 $0x1, s1  }
0x8c: {  	s14 =	sshll.u32 s0, $0xA;
	s2 =	sadd.s32 s3, s2  }
0x8d: {  	s2 =	sadd.s32 s2, s14  }
0x8e: {  	[smem:$0x3FC0] =	sst s2  }
0x8f: {  	_ = 	snop  }
0x90: {  	s2 =	sld [smem:$0x3FD0];
	_ =	sdelay $0x2  }
0x91: {  	s15 =	simm.s32 $0xA;
	s4 =	simm.s32 $0x10  }
0x92: {  	[smem:s4], [sflag:s15] =	dma.local [hbm:s2], $0x1  }
0x93: {  	_ =	swait.eq [sflag:s15], $0x1  }
0x94: {  	s16 =	sld [smem:$0x10];
	[sflag:s15] =	ssyncset.done $0x0  }
0x95: {  	s17 =	sld [smem:$0x11];
	[sflag:s15] =	ssyncadd.s32 $0xFFFFFFFF  }
0x96: {  	s18 =	sld [smem:$0x12];
	(tm) =	ssettm $0x1  }
0x97: {  	s5 =	sld [smem:$0x3FFB];
	_ =	sdelay $0x3  }
0x98: {  	_ =	strace s5  }
0x99: {  	s5 =	sld [smem:$0x3FFC];
	_ =	sdelay $0x3  }
0x9a: {  	_ =	strace s5  }
0x9b: {  	s5 =	sld [smem:$0x3FFD];
	_ =	sdelay $0x3  }
0x9c: {  	_ =	strace s5  }
0x9d: {  	_ =	strace $0x8FFFFFFF  }
0x9e: {  	s19 =	sld [smem:$0x3FDB];
	_ =	sdelay $0x1  }
0x9f: {  	s6 =	simm.s32 $_scs_section_size  }
0xa0: {  	s7 =	simm.s32 $_size__tile_overlayer_lowered;
	s8 =	simm.s32 $_tile_overlayer_lowered  }
0xa1: {  	s22 =	simm.s32 $0x1BFF;
	s21 =	sshll.u32 s8, $0x1;
	s5 =	sadd.s32 s6, s19  }
0xa2: {  	s9 =	simm.s32 $0x0;
	s20 =	sshll.u32 s7, $0x1;
	s7 =	sadd.s32 s21, s5  }
0xa3: {  	[timem:s9], [sflag:s22] =	dma.local [hbm:s7], s20  }
0xa4: {  	_ =	swait.ge [sflag:s22], s20  }
0xa5: {  	s6 =	ssub.s32 $0x0, s20;
	[sflag:s22] =	ssyncset.done $0x0  }
0xa6: {  	[sflag:s22] =	ssyncadd.s32 s6;
	_ =	sdelay $0x1  }
0xa7: {  	s23 =	simm.s32 $0x1B8B  }
0xa8: {  	_ =	swait.ge [sflag:s23], $0x1  }
0xa9: {  	[sflag:s23] =	ssyncset.done $0x0  }
0xaa: {  	s25 =	simm.s32 $0x1B8E;
	s24 =	sld [smem:$0x3FFE];
	[sflag:s23] =	ssyncadd.s32 $0xFFFFFFFF  }
0xab: {  	s26 =	simm.s32 $execute0_lowered;
	[smem:$0x3FD2] =	sst s25  }
0xac: {  	s7 =	sshll.u32 s26, $0x1;
	_ =	strace $0x80000049;
	[dreg:$0x1] =	wrdreg $0xFFFFFFFF  }
0xad: {  	s28 =	simm.s32 $_size_execute0_lowered;
	s5 =	sadd.s32 s5, s7;
	[dreg:$0x0] =	wrdreg $0x0  }
0xae: {  	s7 =	sshll.u32 s28, $0x1;
	[dreg:$0x2] =	wrdreg s5  }
0xaf: {  	[dreg:$0x3] =	wrdreg s7  }
0xb0: {  	[dreg:$0x4] =	wrdreg $0xC0  }
0xb1: {  	_ =	task [dreg:s9], $0x5FFFF  }
0xb2: {  	[dreg:$0x1] =	wrdreg $0xFFFFFFFF  }
0xb3: {  	[dreg:$0x0] =	wrdreg $0x60  }
0xb4: {  	[dreg:$0x2] =	wrdreg s18  }
0xb5: {  	[dreg:$0x3] =	wrdreg s16  }
0xb6: {  	[dreg:$0x4] =	wrdreg s17  }
0xb7: {  	[dreg:$0x5] =	wrdreg s24  }
0xb8: {  	[dreg:$0x6] =	wrdreg $0xB8000  }
0xb9: {  	[dreg:$0x7] =	wrdreg $0x9  }
0xba: {  	_ =	task.clear_ibuf [dreg:s9], $0x8FFFF;
	_ =	strace $0x90000049  }
0xbb: {  	s29 =	simm.s32 $0x9;
	_ =	strace $0x8000004B  }
0xbc: {  	_ =	swait.ge [sflag:s29], $0x1  }
0xbd: {  	[sflag:s29] =	ssyncadd.s32 $0xFFFFFFFF  }
0xbe: {  	_ =	strace $0x9000004B  }
0xbf: {  	_ =	sfence  }
0xc0: {  	s30 =	sld [smem:$0x0];
	_ =	sdelay $0x2  }
0xc1: {  	s31 =	sshll.u32 s1, $0xD;
	s1 =	sshrl.u32 s1, $0x2  }
0xc2: {  	s3 =	sand.u32 $0x4000, s31;
	s1 =	sadd.s32 s1, s30  }
0xc3: {  	s0 =	sor.u32 s3, s0;
	s1 =	sshll.u32 s1, $0x11  }
0xc4: {  	s0 =	sor.u32 s1, s0  }
0xc5: {  	s0 =	sadd.s32 $0x8F2B, s0  }
0xc6: {  	[sflag:s0] =	ssyncadd.remote.s32 $0x1  }
0xc7: {  	_ =	sfence.sel $0xFFFF  }
0xc8: {  	[dreg:$0x0] =	wrdreg $0xFFFFFFFF;
	(pc) =	sbr.abs _section_cstart, $3  }
0xc9: {  	[dreg:$0x1] =	wrdreg $0xFFFFFFFF  }
0xca: {  	_ =	task.clear_ibuf [dreg:s9], $0x2FFFF;
	_ =	strace $0x9FFFFFFF  }
0xcb: {  	(tm) =	ssettm $0x7FFFFFFF  }
tec
execute0_lowered:
.L_overlay_start_1:
0x0: {  	(tag) =	ssettag $0x1  }
0x1: {  	s0 =	rddreg [dreg:$0x0]  }
0x2: {  	s1 =	rddreg [dreg:$0x1]  }
0x3: {  	s2 =	rddreg [dreg:$0x2]  }
0x4: {  	s3 =	srdreg.scid;
	s9 =	rddreg [dreg:$0x3]  }
0x5: {  	s8 =	stileid.u32;
	s30 =	simm.s32 $0x0;
	s31 =	simm.s32 $0x2800  }
0x6: {  	s28 =	simm.s32 $0x2;
	s10 =	simm.s32 $0x3400;
	s11 =	simm.s32 $0x3480  }
0x7: {  	s12 =	simm.s32 $0x3500;
	s6 =	sand.u32 $0x1, s3;
	s3 =	rddreg [dreg:$0x4]  }
0x8: {  	s13 =	simm.s32 $0x3580;
	s5 =	smul.u32 $0x14000, s8;
	[smem:$0x7FF] =	sst s30  }
0x9: {  	s7 =	smul.u32 $0x140000, s6;
	s4 =	sshll.u32 s6, $0x4;
	_ =	strace $0x8000004A  }
0xa: {  	s6 =	ssub.s32 $0x2, s6;
	s4 =	sor.u32 s8, s4;
	s8 =	smul.u32 $0x50000, s8  }
0xb: {  	s16 =	sshrl.u32 s6, $0x1;
	s7 =	sadd.s32 s5, s7;
	s14 =	smul.u32 $0x2800, s4  }
0xc: {  	s4 =	simm.s32 $0x3200;
	s7 =	sshrl.u32 s7, $0x3;
	s8 =	sshrl.u32 s8, $0x2  }
0xd: {  	s15 =	sadd.s32 s7, s9;
	s5 =	sshrl.u32 s14, $0x3;
	s17 =	sadd.s32 s8, s3  }
0xe: {  	s7 =	ssub.s32 s6, s16;
	s1 =	sadd.s32 s1, s5;
	[dreg:$0x12] =	wrdreg s17  }
0xf: {  	s6 =	simm.s32 $0x3000;
	s19 =	sadd.s32 $0x4000, s17;
	[dreg:$0x6] =	wrdreg s1  }
0x10: {  	s8 =	simm.s32 $0x3300;
	s20 =	sadd.s32 $0x8000, s17;
	[dreg:$0x8] =	wrdreg s19  }
0x11: {  	s9 =	simm.s32 $0x3380;
	s21 =	sadd.s32 $0xC000, s17;
	[dreg:$0x9] =	wrdreg s20  }
0x12: {  	s14 =	simm.s32 $0x3600;
	s22 =	sadd.s32 $0x10000, s17;
	[dreg:$0xa] =	wrdreg s21  }
0x13: {  	s18 =	sadd.s32 s2, s5;
	s26 =	sadd.s32 $0x2400, s15;
	[dreg:$0xb] =	wrdreg s22  }
0x14: {  	s29 =	smax.u32 s7, $0x1;
	s17 =	simm.s32 $0x0;
	[dreg:$0x7] =	wrdreg s18  }
0x15: {  	s2 =	simm.s32 $0x3180;
	s5 =	simm.s32 $0x3280;
	[dreg:$0x10] =	wrdreg s26  }
0x16: {  	s15 =	simm.s32 $0x3680;
	s23 =	sadd.s32 $0x100, s18;
	[dreg:$0x11] =	wrdreg s29  }
0x17: {  	s24 =	sadd.s32 $0x200, s18;
	s25 =	sadd.s32 $0x300, s18;
	[dreg:$0xc] =	wrdreg s23  }
0x18: {  	s1 =	sadd.s32 $0x400, s18;
	s19 =	simm.s32 $0x3800;
	[dreg:$0xd] =	wrdreg s24  }
0x19: {  	s20 =	simm.s32 $0x4;
	s21 =	simm.s32 $0x1;
	[dreg:$0xe] =	wrdreg s25  }
0x1a: {  	s22 =	simm.s32 $0x3;
	s26 =	simm.s32 $0x3780;
	[dreg:$0xf] =	wrdreg s1  }
0x1b: {  	v0 =	vimm.f32 $0.0e+00;
	s23 =	simm.s32 $0x80;
	s25 =	simm.s32 $0x7800;
	s24 =	simm.s32 $0x2F80  }
.LBB2_1:
0x1c: {  	s7 =	rddreg [dreg:$0x6]  }
0x1d: {  	[tilespmem:s30], [sflag:$0x1] =	stream.linear.gather [hbm4b:s7+s30], $0x2800, $0x38;
	[tilespmem:$0x1F800] =	vst v63  }
0x1e: {  	s29 =	rddreg [dreg:$0x7];
	s16 =	simm.s32 $0x0;
	s7 =	simm.s32 $0x200  }
0x1f: {  	[tilespmem:s31], [sflag:$0x3] =	stream.linear.gather [hbm4b:s29+s30], $0x800, $0x38;
	[tilespmem:$0x1F800] =	vst v63  }
.LBB2_2:
0x20: {  	p0 =	sne.s32 s7, $0xFE00;
	[tilespmem:s16+$0x3870] =	vst v0  }
0x21: {  	[tilespmem:s16+$0x3800] =	vst v0  }
0x22: {  	[tilespmem:s16+$0x3810] =	vst v0  }
.Ltmp0:
0x23: {  	[tilespmem:s16+$0x3820] =	vst v0;
	(pc) =	sbr.rel @p0 .LBB2_2-.Ltmp0, $4  }
0x24: {  	[tilespmem:s16+$0x3830] =	vst v0  }
0x25: {  	[tilespmem:s16+$0x3840] =	vst v0  }
0x26: {  	[tilespmem:s16+$0x3850] =	vst v0  }
0x27: {  	[tilespmem:s16+$0x3860] =	vst v0;
	s16 =	sshra.s32 s7, $0x2;
	s7 =	sadd.s32 $0x200, s7  }
0x28: {  	[tilespmem:s16+$0x3870] =	vst v0  }
0x29: {  	[tilespmem:s16+$0x3800] =	vst v0  }
0x2a: {  	[tilespmem:s16+$0x3810] =	vst v0  }
0x2b: {  	[tilespmem:s16+$0x3820] =	vst v0  }
0x2c: {  	[tilespmem:s16+$0x3830] =	vst v0  }
0x2d: {  	[tilespmem:s16+$0x3840] =	vst v0  }
0x2e: {  	[tilespmem:s16+$0x3850] =	vst v0  }
0x2f: {  	[tilespmem:s16+$0x3860] =	vst v0;
	s18 =	rddreg [dreg:$0x12]  }
0x30: {  	[spmem:s18] =	stream.linear.scatter [tilespmem:s19], [sflag:$0x4], $0x4000, $0x38;
	[tilespmem:$0x1F800] =	vst v63  }
0x31: {  	_ =	swait.ge [sflag:s20], $0x4000  }
0x32: {  	[sflag:s20] =	ssyncset.done $0x0  }
0x33: {  	s7 =	rddreg [dreg:$0x8];
	[sflag:s20] =	ssyncadd.s32 $0xFFFFC000  }
0x34: {  	[spmem:s7] =	stream.linear.scatter [tilespmem:s19], [sflag:$0x4], $0x4000, $0x38;
	[tilespmem:$0x1F800] =	vst v63  }
0x35: {  	_ =	swait.ge [sflag:s20], $0x4000  }
0x36: {  	[sflag:s20] =	ssyncset.done $0x0  }
0x37: {  	s16 =	rddreg [dreg:$0x9];
	[sflag:s20] =	ssyncadd.s32 $0xFFFFC000  }
0x38: {  	[spmem:s16] =	stream.linear.scatter [tilespmem:s19], [sflag:$0x4], $0x4000, $0x38;
	[tilespmem:$0x1F800] =	vst v63  }
0x39: {  	_ =	swait.ge [sflag:s20], $0x4000  }
0x3a: {  	[sflag:s20] =	ssyncset.done $0x0  }
0x3b: {  	s29 =	rddreg [dreg:$0xa];
	[sflag:s20] =	ssyncadd.s32 $0xFFFFC000  }
0x3c: {  	[spmem:s29] =	stream.linear.scatter [tilespmem:s19], [sflag:$0x4], $0x4000, $0x38;
	[tilespmem:$0x1F800] =	vst v63  }
0x3d: {  	_ =	swait.ge [sflag:s20], $0x4000  }
0x3e: {  	[sflag:s20] =	ssyncset.done $0x0  }
0x3f: {  	s1 =	rddreg [dreg:$0xb];
	[sflag:s20] =	ssyncadd.s32 $0xFFFFC000  }
0x40: {  	[spmem:s1] =	stream.linear.scatter [tilespmem:s19], [sflag:$0x4], $0x4000, $0x38;
	[tilespmem:$0x1F800] =	vst v63  }
0x41: {  	_ =	swait.ge [sflag:s20], $0x4000  }
0x42: {  	[sflag:s20] =	ssyncset.done $0x0  }
0x43: {  	[sflag:s20] =	ssyncadd.s32 $0xFFFFC000  }
0x44: {  	_ =	swait.ge [sflag:s21], $0x2800  }
0x45: {  	[sflag:s21] =	ssyncset.done $0x0  }
0x46: {  	[sflag:s21] =	ssyncadd.s32 $0xFFFFD800  }
0x47: {  	_ =	swait.ge [sflag:s22], $0x800  }
0x48: {  	[sflag:s22] =	ssyncset.done $0x0  }
0x49: {  	[sflag:s22] =	ssyncadd.s32 $0xFFFFF800  }
0x4a: {  	[bflag:$0x0] =	sbarrier.arrive $0xFFFF  }
0x4b: {  	[tilespmem:s19], [sflag:$0x1] =	stream.indirect.gather [hbm4b:s0+s23], $0x80, s30, s23, $0xb8;
	[tilespmem:$0x1F800] =	vst v63  }
0x4c: {  	s16 =	rddreg [dreg:$0xc]  }
0x4d: {  	[tilespmem:s6], [sflag:$0x3] =	stream.linear.gather [hbm4b:s16+s30], $0x800, $0x38;
	[tilespmem:$0x1F800] =	vst v63  }
0x4e: {  	_ = 	snop  }
0x4f: {  	[tilespmem:s25], [sflag:$0x2] =	stream.indirect.gather [hbm4b:s0+s23], $0x80, s23, s23, $0xb8;
	[tilespmem:$0x1F800] =	vst v63  }
0x50: {  	_ =	swait.ge [sflag:s21], $0x4000  }
0x51: {  	[sflag:s21] =	ssyncset.done $0x0  }
0x52: {  	[sflag:s21] =	ssyncadd.s32 $0xFFFFC000  }
0x53: {  	[spmem:s3] =	stream.indirect.scatter.add.f32 [tilespmem:s19], [sflag:$0x4], $0x80, s31, s23, $0xb8;
	[tilespmem:$0x1F800] =	vst v63  }
0x54: {  	_ =	swait.ge [sflag:s20], $0x4000  }
0x55: {  	[sflag:s20] =	ssyncset.done $0x0  }
0x56: {  	s29 =	simm.s32 $0x100;
	[sflag:s20] =	ssyncadd.s32 $0xFFFFC000  }
0x57: {  	[tilespmem:s19], [sflag:$0x1] =	stream.indirect.gather [hbm4b:s0+s23], $0x80, s29, s23, $0xb8;
	[tilespmem:$0x1F800] =	vst v63  }
0x58: {  	_ =	swait.ge [sflag:s28], $0x4000  }
0x59: {  	[sflag:s28] =	ssyncset.done $0x0  }
0x5a: {  	s1 =	simm.s32 $0x2880;
	[sflag:s28] =	ssyncadd.s32 $0xFFFFC000  }
0x5b: {  	[spmem:s3] =	stream.indirect.scatter.add.f32 [tilespmem:s25], [sflag:$0x4], $0x80, s1, s23, $0xb8;
	[tilespmem:$0x1F800] =	vst v63  }
0x5c: {  	_ =	swait.ge [sflag:s20], $0x4000  }
0x5d: {  	[sflag:s20] =	ssyncset.done $0x0  }
0x5e: {  	s1 =	simm.s32 $0x180;
	[sflag:s20] =	ssyncadd.s32 $0xFFFFC000  }
0x5f: {  	[tilespmem:s25], [sflag:$0x2] =	stream.indirect.gather [hbm4b:s0+s23], $0x80, s1, s23, $0xb8;
	[tilespmem:$0x1F800] =	vst v63  }
0x60: {  	_ =	swait.ge [sflag:s21], $0x4000  }
0x61: {  	[sflag:s21] =	ssyncset.done $0x0  }
0x62: {  	s7 =	simm.s32 $0x2900;
	[sflag:s21] =	ssyncadd.s32 $0xFFFFC000  }
0x63: {  	[spmem:s3] =	stream.indirect.scatter.add.f32 [tilespmem:s19], [sflag:$0x4], $0x80, s7, s23, $0xb8;
	[tilespmem:$0x1F800] =	vst v63  }
0x64: {  	_ =	swait.ge [sflag:s20], $0x4000  }
0x65: {  	[sflag:s20] =	ssyncset.done $0x0  }
0x66: {  	s16 =	simm.s32 $0x200;
	[sflag:s20] =	ssyncadd.s32 $0xFFFFC000  }
0x67: {  	[tilespmem:s19], [sflag:$0x1] =	stream.indirect.gather [hbm4b:s0+s23], $0x80, s16, s23, $0xb8;
	[tilespmem:$0x1F800] =	vst v63  }
0x68: {  	_ =	swait.ge [sflag:s28], $0x4000  }
0x69: {  	[sflag:s28] =	ssyncset.done $0x0  }
0x6a: {  	s29 =	simm.s32 $0x2980;
	[sflag:s28] =	ssyncadd.s32 $0xFFFFC000  }
0x6b: {  	[spmem:s3] =	stream.indirect.scatter.add.f32 [tilespmem:s25], [sflag:$0x4], $0x80, s29, s23, $0xb8;
	[tilespmem:$0x1F800] =	vst v63  }
0x6c: {  	_ =	swait.ge [sflag:s20], $0x4000  }
0x6d: {  	[sflag:s20] =	ssyncset.done $0x0  }
0x6e: {  	s1 =	simm.s32 $0x280;
	[sflag:s20] =	ssyncadd.s32 $0xFFFFC000  }
0x6f: {  	[tilespmem:s25], [sflag:$0x2] =	stream.indirect.gather [hbm4b:s0+s23], $0x80, s1, s23, $0xb8;
	[tilespmem:$0x1F800] =	vst v63  }
0x70: {  	_ =	swait.ge [sflag:s21], $0x4000  }
0x71: {  	[sflag:s21] =	ssyncset.done $0x0  }
0x72: {  	s7 =	simm.s32 $0x2A00;
	[sflag:s21] =	ssyncadd.s32 $0xFFFFC000  }
0x73: {  	[spmem:s3] =	stream.indirect.scatter.add.f32 [tilespmem:s19], [sflag:$0x4], $0x80, s7, s23, $0xb8;
	[tilespmem:$0x1F800] =	vst v63  }
0x74: {  	_ =	swait.ge [sflag:s20], $0x4000  }
0x75: {  	[sflag:s20] =	ssyncset.done $0x0  }
0x76: {  	s16 =	simm.s32 $0x300;
	[sflag:s20] =	ssyncadd.s32 $0xFFFFC000  }
0x77: {  	[tilespmem:s19], [sflag:$0x1] =	stream.indirect.gather [hbm4b:s0+s23], $0x80, s16, s23, $0xb8;
	[tilespmem:$0x1F800] =	vst v63  }
0x78: {  	_ =	swait.ge [sflag:s28], $0x4000  }
0x79: {  	[sflag:s28] =	ssyncset.done $0x0  }
0x7a: {  	s29 =	simm.s32 $0x2A80;
	[sflag:s28] =	ssyncadd.s32 $0xFFFFC000  }
0x7b: {  	[spmem:s3] =	stream.indirect.scatter.add.f32 [tilespmem:s25], [sflag:$0x4], $0x80, s29, s23, $0xb8;
	[tilespmem:$0x1F800] =	vst v63  }
0x7c: {  	_ =	swait.ge [sflag:s20], $0x4000  }
0x7d: {  	[sflag:s20] =	ssyncset.done $0x0  }
0x7e: {  	s1 =	simm.s32 $0x380;
	[sflag:s20] =	ssyncadd.s32 $0xFFFFC000  }
0x7f: {  	[tilespmem:s25], [sflag:$0x2] =	stream.indirect.gather [hbm4b:s0+s23], $0x80, s1, s23, $0xb8;
	[tilespmem:$0x1F800] =	vst v63  }
0x80: {  	_ =	swait.ge [sflag:s21], $0x4000  }
0x81: {  	[sflag:s21] =	ssyncset.done $0x0  }
0x82: {  	s7 =	simm.s32 $0x2B00;
	[sflag:s21] =	ssyncadd.s32 $0xFFFFC000  }
0x83: {  	[spmem:s3] =	stream.indirect.scatter.add.f32 [tilespmem:s19], [sflag:$0x4], $0x80, s7, s23, $0xb8;
	[tilespmem:$0x1F800] =	vst v63  }
0x84: {  	_ =	swait.ge [sflag:s20], $0x4000  }
0x85: {  	[sflag:s20] =	ssyncset.done $0x0  }
0x86: {  	s16 =	simm.s32 $0x400;
	[sflag:s20] =	ssyncadd.s32 $0xFFFFC000  }
0x87: {  	[tilespmem:s19], [sflag:$0x1] =	stream.indirect.gather [hbm4b:s0+s23], $0x80, s16, s23, $0xb8;
	[tilespmem:$0x1F800] =	vst v63  }
0x88: {  	_ =	swait.ge [sflag:s28], $0x4000  }
0x89: {  	[sflag:s28] =	ssyncset.done $0x0  }
0x8a: {  	s29 =	simm.s32 $0x2B80;
	[sflag:s28] =	ssyncadd.s32 $0xFFFFC000  }
0x8b: {  	[spmem:s3] =	stream.indirect.scatter.add.f32 [tilespmem:s25], [sflag:$0x4], $0x80, s29, s23, $0xb8;
	[tilespmem:$0x1F800] =	vst v63  }
0x8c: {  	_ =	swait.ge [sflag:s20], $0x4000  }
0x8d: {  	[sflag:s20] =	ssyncset.done $0x0  }
0x8e: {  	s1 =	simm.s32 $0x480;
	[sflag:s20] =	ssyncadd.s32 $0xFFFFC000  }
0x8f: {  	[tilespmem:s25], [sflag:$0x2] =	stream.indirect.gather [hbm4b:s0+s23], $0x80, s1, s23, $0xb8;
	[tilespmem:$0x1F800] =	vst v63  }
0x90: {  	_ =	swait.ge [sflag:s21], $0x4000  }
0x91: {  	[sflag:s21] =	ssyncset.done $0x0  }
0x92: {  	s7 =	simm.s32 $0x2C00;
	[sflag:s21] =	ssyncadd.s32 $0xFFFFC000  }
0x93: {  	[spmem:s3] =	stream.indirect.scatter.add.f32 [tilespmem:s19], [sflag:$0x4], $0x80, s7, s23, $0xb8;
	[tilespmem:$0x1F800] =	vst v63  }
0x94: {  	_ =	swait.ge [sflag:s20], $0x4000  }
0x95: {  	[sflag:s20] =	ssyncset.done $0x0  }
0x96: {  	s16 =	simm.s32 $0x500;
	[sflag:s20] =	ssyncadd.s32 $0xFFFFC000  }
0x97: {  	[tilespmem:s19], [sflag:$0x1] =	stream.indirect.gather [hbm4b:s0+s23], $0x80, s16, s23, $0xb8;
	[tilespmem:$0x1F800] =	vst v63  }
0x98: {  	_ =	swait.ge [sflag:s28], $0x4000  }
0x99: {  	[sflag:s28] =	ssyncset.done $0x0  }
0x9a: {  	s29 =	simm.s32 $0x2C80;
	[sflag:s28] =	ssyncadd.s32 $0xFFFFC000  }
0x9b: {  	[spmem:s3] =	stream.indirect.scatter.add.f32 [tilespmem:s25], [sflag:$0x4], $0x80, s29, s23, $0xb8;
	[tilespmem:$0x1F800] =	vst v63  }
0x9c: {  	_ =	swait.ge [sflag:s20], $0x4000  }
0x9d: {  	[sflag:s20] =	ssyncset.done $0x0  }
0x9e: {  	s1 =	simm.s32 $0x580;
	[sflag:s20] =	ssyncadd.s32 $0xFFFFC000  }
0x9f: {  	[tilespmem:s25], [sflag:$0x2] =	stream.indirect.gather [hbm4b:s0+s23], $0x80, s1, s23, $0xb8;
	[tilespmem:$0x1F800] =	vst v63  }
0xa0: {  	_ =	swait.ge [sflag:s21], $0x4000  }
0xa1: {  	[sflag:s21] =	ssyncset.done $0x0  }
0xa2: {  	s7 =	simm.s32 $0x2D00;
	[sflag:s21] =	ssyncadd.s32 $0xFFFFC000  }
0xa3: {  	[spmem:s3] =	stream.indirect.scatter.add.f32 [tilespmem:s19], [sflag:$0x4], $0x80, s7, s23, $0xb8;
	[tilespmem:$0x1F800] =	vst v63  }
0xa4: {  	_ =	swait.ge [sflag:s20], $0x4000  }
0xa5: {  	[sflag:s20] =	ssyncset.done $0x0  }
0xa6: {  	s16 =	simm.s32 $0x600;
	[sflag:s20] =	ssyncadd.s32 $0xFFFFC000  }
0xa7: {  	[tilespmem:s19], [sflag:$0x1] =	stream.indirect.gather [hbm4b:s0+s23], $0x80, s16, s23, $0xb8;
	[tilespmem:$0x1F800] =	vst v63  }
0xa8: {  	_ =	swait.ge [sflag:s28], $0x4000  }
0xa9: {  	[sflag:s28] =	ssyncset.done $0x0  }
0xaa: {  	s29 =	simm.s32 $0x2D80;
	[sflag:s28] =	ssyncadd.s32 $0xFFFFC000  }
0xab: {  	[spmem:s3] =	stream.indirect.scatter.add.f32 [tilespmem:s25], [sflag:$0x4], $0x80, s29, s23, $0xb8;
	[tilespmem:$0x1F800] =	vst v63  }
0xac: {  	_ =	swait.ge [sflag:s20], $0x4000  }
0xad: {  	[sflag:s20] =	ssyncset.done $0x0  }
0xae: {  	s1 =	simm.s32 $0x680;
	[sflag:s20] =	ssyncadd.s32 $0xFFFFC000  }
0xaf: {  	[tilespmem:s25], [sflag:$0x2] =	stream.indirect.gather [hbm4b:s0+s23], $0x80, s1, s23, $0xb8;
	[tilespmem:$0x1F800] =	vst v63  }
0xb0: {  	_ =	swait.ge [sflag:s21], $0x4000  }
0xb1: {  	[sflag:s21] =	ssyncset.done $0x0  }
0xb2: {  	s7 =	simm.s32 $0x2E00;
	[sflag:s21] =	ssyncadd.s32 $0xFFFFC000  }
0xb3: {  	[spmem:s3] =	stream.indirect.scatter.add.f32 [tilespmem:s19], [sflag:$0x4], $0x80, s7, s23, $0xb8;
	[tilespmem:$0x1F800] =	vst v63  }
0xb4: {  	_ =	swait.ge [sflag:s20], $0x4000  }
0xb5: {  	[sflag:s20] =	ssyncset.done $0x0  }
0xb6: {  	s16 =	simm.s32 $0x700;
	[sflag:s20] =	ssyncadd.s32 $0xFFFFC000  }
0xb7: {  	[tilespmem:s19], [sflag:$0x1] =	stream.indirect.gather [hbm4b:s0+s23], $0x80, s16, s23, $0xb8;
	[tilespmem:$0x1F800] =	vst v63  }
0xb8: {  	_ =	swait.ge [sflag:s28], $0x4000  }
0xb9: {  	[sflag:s28] =	ssyncset.done $0x0  }
0xba: {  	s29 =	simm.s32 $0x2E80;
	[sflag:s28] =	ssyncadd.s32 $0xFFFFC000  }
0xbb: {  	[spmem:s3] =	stream.indirect.scatter.add.f32 [tilespmem:s25], [sflag:$0x4], $0x80, s29, s23, $0xb8;
	[tilespmem:$0x1F800] =	vst v63  }
0xbc: {  	_ =	swait.ge [sflag:s20], $0x4000  }
0xbd: {  	[sflag:s20] =	ssyncset.done $0x0  }
0xbe: {  	s1 =	simm.s32 $0x780;
	[sflag:s20] =	ssyncadd.s32 $0xFFFFC000  }
0xbf: {  	[tilespmem:s25], [sflag:$0x2] =	stream.indirect.gather [hbm4b:s0+s23], $0x80, s1, s23, $0xb8;
	[tilespmem:$0x1F800] =	vst v63  }
0xc0: {  	_ =	swait.ge [sflag:s21], $0x4000  }
0xc1: {  	[sflag:s21] =	ssyncset.done $0x0  }
0xc2: {  	s16 =	simm.s32 $0x2F00;
	[sflag:s21] =	ssyncadd.s32 $0xFFFFC000  }
0xc3: {  	[spmem:s3] =	stream.indirect.scatter.add.f32 [tilespmem:s19], [sflag:$0x4], $0x80, s16, s23, $0xb8;
	[tilespmem:$0x1F800] =	vst v63  }
0xc4: {  	_ =	swait.ge [sflag:s20], $0x4000  }
0xc5: {  	[sflag:s20] =	ssyncset.done $0x0  }
0xc6: {  	s29 =	simm.s32 $0x800;
	[sflag:s20] =	ssyncadd.s32 $0xFFFFC000  }
0xc7: {  	[tilespmem:s19], [sflag:$0x1] =	stream.indirect.gather [hbm4b:s0+s23], $0x80, s29, s23, $0xb8;
	[tilespmem:$0x1F800] =	vst v63  }
0xc8: {  	_ =	swait.ge [sflag:s28], $0x4000  }
0xc9: {  	[sflag:s28] =	ssyncset.done $0x0  }
0xca: {  	[sflag:s28] =	ssyncadd.s32 $0xFFFFC000  }
0xcb: {  	[spmem:s3] =	stream.indirect.scatter.add.f32 [tilespmem:s25], [sflag:$0x4], $0x80, s24, s23, $0xb8;
	[tilespmem:$0x1F800] =	vst v63  }
0xcc: {  	_ =	swait.ge [sflag:s20], $0x4000  }
0xcd: {  	[sflag:s20] =	ssyncset.done $0x0  }
0xce: {  	[sflag:s20] =	ssyncadd.s32 $0xFFFFC000  }
0xcf: {  	_ =	swait.ge [sflag:s22], $0x800  }
0xd0: {  	[sflag:s22] =	ssyncset.done $0x0  }
0xd1: {  	s1 =	rddreg [dreg:$0xd];
	[sflag:s22] =	ssyncadd.s32 $0xFFFFF800  }
0xd2: {  	[tilespmem:s31], [sflag:$0x3] =	stream.linear.gather [hbm4b:s1+s30], $0x800, $0x38;
	[tilespmem:$0x1F800] =	vst v63  }
0xd3: {  	s16 =	simm.s32 $0x880  }
0xd4: {  	[tilespmem:s25], [sflag:$0x2] =	stream.indirect.gather [hbm4b:s0+s23], $0x80, s16, s23, $0xb8;
	[tilespmem:$0x1F800] =	vst v63  }
0xd5: {  	_ =	swait.ge [sflag:s21], $0x4000  }
0xd6: {  	[sflag:s21] =	ssyncset.done $0x0  }
0xd7: {  	[sflag:s21] =	ssyncadd.s32 $0xFFFFC000  }
0xd8: {  	[spmem:s3] =	stream.indirect.scatter.add.f32 [tilespmem:s19], [sflag:$0x4], $0x80, s6, s23, $0xb8;
	[tilespmem:$0x1F800] =	vst v63  }
0xd9: {  	_ =	swait.ge [sflag:s20], $0x4000  }
0xda: {  	[sflag:s20] =	ssyncset.done $0x0  }
0xdb: {  	s29 =	simm.s32 $0x900;
	[sflag:s20] =	ssyncadd.s32 $0xFFFFC000  }
0xdc: {  	[tilespmem:s19], [sflag:$0x1] =	stream.indirect.gather [hbm4b:s0+s23], $0x80, s29, s23, $0xb8;
	[tilespmem:$0x1F800] =	vst v63  }
0xdd: {  	_ =	swait.ge [sflag:s28], $0x4000  }
0xde: {  	[sflag:s28] =	ssyncset.done $0x0  }
0xdf: {  	s29 =	simm.s32 $0x3080;
	[sflag:s28] =	ssyncadd.s32 $0xFFFFC000  }
0xe0: {  	[spmem:s3] =	stream.indirect.scatter.add.f32 [tilespmem:s25], [sflag:$0x4], $0x80, s29, s23, $0xb8;
	[tilespmem:$0x1F800] =	vst v63  }
0xe1: {  	_ =	swait.ge [sflag:s20], $0x4000  }
0xe2: {  	[sflag:s20] =	ssyncset.done $0x0  }
0xe3: {  	s1 =	simm.s32 $0x980;
	[sflag:s20] =	ssyncadd.s32 $0xFFFFC000  }
0xe4: {  	[tilespmem:s25], [sflag:$0x2] =	stream.indirect.gather [hbm4b:s0+s23], $0x80, s1, s23, $0xb8;
	[tilespmem:$0x1F800] =	vst v63  }
0xe5: {  	_ =	swait.ge [sflag:s21], $0x4000  }
0xe6: {  	[sflag:s21] =	ssyncset.done $0x0  }
0xe7: {  	s31 =	simm.s32 $0x3100;
	[sflag:s21] =	ssyncadd.s32 $0xFFFFC000  }
0xe8: {  	[spmem:s3] =	stream.indirect.scatter.add.f32 [tilespmem:s19], [sflag:$0x4], $0x80, s31, s23, $0xb8;
	[tilespmem:$0x1F800] =	vst v63  }
0xe9: {  	_ =	swait.ge [sflag:s20], $0x4000  }
0xea: {  	[sflag:s20] =	ssyncset.done $0x0  }
0xeb: {  	s16 =	simm.s32 $0xA00;
	[sflag:s20] =	ssyncadd.s32 $0xFFFFC000  }
0xec: {  	[tilespmem:s19], [sflag:$0x1] =	stream.indirect.gather [hbm4b:s0+s23], $0x80, s16, s23, $0xb8;
	[tilespmem:$0x1F800] =	vst v63  }
0xed: {  	_ =	swait.ge [sflag:s28], $0x4000  }
0xee: {  	[sflag:s28] =	ssyncset.done $0x0  }
0xef: {  	[sflag:s28] =	ssyncadd.s32 $0xFFFFC000  }
0xf0: {  	[spmem:s3] =	stream.indirect.scatter.add.f32 [tilespmem:s25], [sflag:$0x4], $0x80, s2, s23, $0xb8;
	[tilespmem:$0x1F800] =	vst v63  }
0xf1: {  	_ =	swait.ge [sflag:s20], $0x4000  }
0xf2: {  	[sflag:s20] =	ssyncset.done $0x0  }
0xf3: {  	s16 =	simm.s32 $0xA80;
	[sflag:s20] =	ssyncadd.s32 $0xFFFFC000  }
0xf4: {  	[tilespmem:s25], [sflag:$0x2] =	stream.indirect.gather [hbm4b:s0+s23], $0x80, s16, s23, $0xb8;
	[tilespmem:$0x1F800] =	vst v63  }
0xf5: {  	_ =	swait.ge [sflag:s21], $0x4000  }
0xf6: {  	[sflag:s21] =	ssyncset.done $0x0  }
0xf7: {  	[sflag:s21] =	ssyncadd.s32 $0xFFFFC000  }
0xf8: {  	[spmem:s3] =	stream.indirect.scatter.add.f32 [tilespmem:s19], [sflag:$0x4], $0x80, s4, s23, $0xb8;
	[tilespmem:$0x1F800] =	vst v63  }
0xf9: {  	_ =	swait.ge [sflag:s20], $0x4000  }
0xfa: {  	[sflag:s20] =	ssyncset.done $0x0  }
0xfb: {  	s16 =	simm.s32 $0xB00;
	[sflag:s20] =	ssyncadd.s32 $0xFFFFC000  }
0xfc: {  	[tilespmem:s19], [sflag:$0x1] =	stream.indirect.gather [hbm4b:s0+s23], $0x80, s16, s23, $0xb8;
	[tilespmem:$0x1F800] =	vst v63  }
0xfd: {  	_ =	swait.ge [sflag:s28], $0x4000  }
0xfe: {  	[sflag:s28] =	ssyncset.done $0x0  }
0xff: {  	[sflag:s28] =	ssyncadd.s32 $0xFFFFC000  }
0x100: {  	[spmem:s3] =	stream.indirect.scatter.add.f32 [tilespmem:s25], [sflag:$0x4], $0x80, s5, s23, $0xb8;
	[tilespmem:$0x1F800] =	vst v63  }
0x101: {  	_ =	swait.ge [sflag:s20], $0x4000  }
0x102: {  	[sflag:s20] =	ssyncset.done $0x0  }
0x103: {  	s16 =	simm.s32 $0xB80;
	[sflag:s20] =	ssyncadd.s32 $0xFFFFC000  }
0x104: {  	[tilespmem:s25], [sflag:$0x2] =	stream.indirect.gather [hbm4b:s0+s23], $0x80, s16, s23, $0xb8;
	[tilespmem:$0x1F800] =	vst v63  }
0x105: {  	_ =	swait.ge [sflag:s21], $0x4000  }
0x106: {  	[sflag:s21] =	ssyncset.done $0x0  }
0x107: {  	[sflag:s21] =	ssyncadd.s32 $0xFFFFC000  }
0x108: {  	[spmem:s3] =	stream.indirect.scatter.add.f32 [tilespmem:s19], [sflag:$0x4], $0x80, s8, s23, $0xb8;
	[tilespmem:$0x1F800] =	vst v63  }
0x109: {  	_ =	swait.ge [sflag:s20], $0x4000  }
0x10a: {  	[sflag:s20] =	ssyncset.done $0x0  }
0x10b: {  	s16 =	simm.s32 $0xC00;
	[sflag:s20] =	ssyncadd.s32 $0xFFFFC000  }
0x10c: {  	[tilespmem:s19], [sflag:$0x1] =	stream.indirect.gather [hbm4b:s0+s23], $0x80, s16, s23, $0xb8;
	[tilespmem:$0x1F800] =	vst v63  }
0x10d: {  	_ =	swait.ge [sflag:s28], $0x4000  }
0x10e: {  	[sflag:s28] =	ssyncset.done $0x0  }
0x10f: {  	[sflag:s28] =	ssyncadd.s32 $0xFFFFC000  }
0x110: {  	[spmem:s3] =	stream.indirect.scatter.add.f32 [tilespmem:s25], [sflag:$0x4], $0x80, s9, s23, $0xb8;
	[tilespmem:$0x1F800] =	vst v63  }
0x111: {  	_ =	swait.ge [sflag:s20], $0x4000  }
0x112: {  	[sflag:s20] =	ssyncset.done $0x0  }
0x113: {  	s16 =	simm.s32 $0xC80;
	[sflag:s20] =	ssyncadd.s32 $0xFFFFC000  }
0x114: {  	[tilespmem:s25], [sflag:$0x2] =	stream.indirect.gather [hbm4b:s0+s23], $0x80, s16, s23, $0xb8;
	[tilespmem:$0x1F800] =	vst v63  }
0x115: {  	_ =	swait.ge [sflag:s21], $0x4000  }
0x116: {  	[sflag:s21] =	ssyncset.done $0x0  }
0x117: {  	[sflag:s21] =	ssyncadd.s32 $0xFFFFC000  }
0x118: {  	[spmem:s3] =	stream.indirect.scatter.add.f32 [tilespmem:s19], [sflag:$0x4], $0x80, s10, s23, $0xb8;
	[tilespmem:$0x1F800] =	vst v63  }
0x119: {  	_ =	swait.ge [sflag:s20], $0x4000  }
0x11a: {  	[sflag:s20] =	ssyncset.done $0x0  }
0x11b: {  	s16 =	simm.s32 $0xD00;
	[sflag:s20] =	ssyncadd.s32 $0xFFFFC000  }
0x11c: {  	[tilespmem:s19], [sflag:$0x1] =	stream.indirect.gather [hbm4b:s0+s23], $0x80, s16, s23, $0xb8;
	[tilespmem:$0x1F800] =	vst v63  }
0x11d: {  	_ =	swait.ge [sflag:s28], $0x4000  }
0x11e: {  	[sflag:s28] =	ssyncset.done $0x0  }
0x11f: {  	[sflag:s28] =	ssyncadd.s32 $0xFFFFC000  }
0x120: {  	[spmem:s3] =	stream.indirect.scatter.add.f32 [tilespmem:s25], [sflag:$0x4], $0x80, s11, s23, $0xb8;
	[tilespmem:$0x1F800] =	vst v63  }
0x121: {  	_ =	swait.ge [sflag:s20], $0x4000  }
0x122: {  	[sflag:s20] =	ssyncset.done $0x0  }
0x123: {  	s16 =	simm.s32 $0xD80;
	[sflag:s20] =	ssyncadd.s32 $0xFFFFC000  }
0x124: {  	[tilespmem:s25], [sflag:$0x2] =	stream.indirect.gather [hbm4b:s0+s23], $0x80, s16, s23, $0xb8;
	[tilespmem:$0x1F800] =	vst v63  }
0x125: {  	_ =	swait.ge [sflag:s21], $0x4000  }
0x126: {  	[sflag:s21] =	ssyncset.done $0x0  }
0x127: {  	[sflag:s21] =	ssyncadd.s32 $0xFFFFC000  }
0x128: {  	[spmem:s3] =	stream.indirect.scatter.add.f32 [tilespmem:s19], [sflag:$0x4], $0x80, s12, s23, $0xb8;
	[tilespmem:$0x1F800] =	vst v63  }
0x129: {  	_ =	swait.ge [sflag:s20], $0x4000  }
0x12a: {  	[sflag:s20] =	ssyncset.done $0x0  }
0x12b: {  	s16 =	simm.s32 $0xE00;
	[sflag:s20] =	ssyncadd.s32 $0xFFFFC000  }
0x12c: {  	[tilespmem:s19], [sflag:$0x1] =	stream.indirect.gather [hbm4b:s0+s23], $0x80, s16, s23, $0xb8;
	[tilespmem:$0x1F800] =	vst v63  }
0x12d: {  	_ =	swait.ge [sflag:s28], $0x4000  }
0x12e: {  	[sflag:s28] =	ssyncset.done $0x0  }
0x12f: {  	[sflag:s28] =	ssyncadd.s32 $0xFFFFC000  }
0x130: {  	[spmem:s3] =	stream.indirect.scatter.add.f32 [tilespmem:s25], [sflag:$0x4], $0x80, s13, s23, $0xb8;
	[tilespmem:$0x1F800] =	vst v63  }
0x131: {  	_ =	swait.ge [sflag:s20], $0x4000  }
0x132: {  	[sflag:s20] =	ssyncset.done $0x0  }
0x133: {  	s16 =	simm.s32 $0xE80;
	[sflag:s20] =	ssyncadd.s32 $0xFFFFC000  }
0x134: {  	[tilespmem:s25], [sflag:$0x2] =	stream.indirect.gather [hbm4b:s0+s23], $0x80, s16, s23, $0xb8;
	[tilespmem:$0x1F800] =	vst v63  }
0x135: {  	_ =	swait.ge [sflag:s21], $0x4000  }
0x136: {  	[sflag:s21] =	ssyncset.done $0x0  }
0x137: {  	[sflag:s21] =	ssyncadd.s32 $0xFFFFC000  }
0x138: {  	[spmem:s3] =	stream.indirect.scatter.add.f32 [tilespmem:s19], [sflag:$0x4], $0x80, s14, s23, $0xb8;
	[tilespmem:$0x1F800] =	vst v63  }
0x139: {  	_ =	swait.ge [sflag:s20], $0x4000  }
0x13a: {  	[sflag:s20] =	ssyncset.done $0x0  }
0x13b: {  	s16 =	simm.s32 $0xF00;
	[sflag:s20] =	ssyncadd.s32 $0xFFFFC000  }
0x13c: {  	[tilespmem:s19], [sflag:$0x1] =	stream.indirect.gather [hbm4b:s0+s23], $0x80, s16, s23, $0xb8;
	[tilespmem:$0x1F800] =	vst v63  }
0x13d: {  	_ =	swait.ge [sflag:s28], $0x4000  }
0x13e: {  	[sflag:s28] =	ssyncset.done $0x0  }
0x13f: {  	[sflag:s28] =	ssyncadd.s32 $0xFFFFC000  }
0x140: {  	[spmem:s3] =	stream.indirect.scatter.add.f32 [tilespmem:s25], [sflag:$0x4], $0x80, s15, s23, $0xb8;
	[tilespmem:$0x1F800] =	vst v63  }
0x141: {  	_ =	swait.ge [sflag:s20], $0x4000  }
0x142: {  	[sflag:s20] =	ssyncset.done $0x0  }
0x143: {  	s16 =	simm.s32 $0xF80;
	[sflag:s20] =	ssyncadd.s32 $0xFFFFC000  }
0x144: {  	[tilespmem:s25], [sflag:$0x2] =	stream.indirect.gather [hbm4b:s0+s23], $0x80, s16, s23, $0xb8;
	[tilespmem:$0x1F800] =	vst v63  }
0x145: {  	_ =	swait.ge [sflag:s21], $0x4000  }
0x146: {  	[sflag:s21] =	ssyncset.done $0x0  }
0x147: {  	s16 =	simm.s32 $0x3700;
	[sflag:s21] =	ssyncadd.s32 $0xFFFFC000  }
0x148: {  	[spmem:s3] =	stream.indirect.scatter.add.f32 [tilespmem:s19], [sflag:$0x4], $0x80, s16, s23, $0xb8;
	[tilespmem:$0x1F800] =	vst v63  }
0x149: {  	_ =	swait.ge [sflag:s20], $0x4000  }
0x14a: {  	[sflag:s20] =	ssyncset.done $0x0  }
0x14b: {  	s7 =	simm.s32 $0x1000;
	[sflag:s20] =	ssyncadd.s32 $0xFFFFC000  }
0x14c: {  	[tilespmem:s19], [sflag:$0x1] =	stream.indirect.gather [hbm4b:s0+s23], $0x80, s7, s23, $0xb8;
	[tilespmem:$0x1F800] =	vst v63  }
0x14d: {  	_ =	swait.ge [sflag:s28], $0x4000  }
0x14e: {  	[sflag:s28] =	ssyncset.done $0x0  }
0x14f: {  	[sflag:s28] =	ssyncadd.s32 $0xFFFFC000  }
0x150: {  	[spmem:s3] =	stream.indirect.scatter.add.f32 [tilespmem:s25], [sflag:$0x4], $0x80, s26, s23, $0xb8;
	[tilespmem:$0x1F800] =	vst v63  }
0x151: {  	_ =	swait.ge [sflag:s20], $0x4000  }
0x152: {  	[sflag:s20] =	ssyncset.done $0x0  }
0x153: {  	[sflag:s20] =	ssyncadd.s32 $0xFFFFC000  }
0x154: {  	_ =	swait.ge [sflag:s22], $0x800  }
0x155: {  	[sflag:s22] =	ssyncset.done $0x0  }
0x156: {  	s7 =	rddreg [dreg:$0xe];
	[sflag:s22] =	ssyncadd.s32 $0xFFFFF800  }
0x157: {  	[tilespmem:s6], [sflag:$0x3] =	stream.linear.gather [hbm4b:s7+s30], $0x800, $0x38;
	[tilespmem:$0x1F800] =	vst v63  }
0x158: {  	s7 =	simm.s32 $0x1080  }
0x159: {  	[tilespmem:s25], [sflag:$0x2] =	stream.indirect.gather [hbm4b:s0+s23], $0x80, s7, s23, $0xb8;
	[tilespmem:$0x1F800] =	vst v63  }
0x15a: {  	_ =	swait.ge [sflag:s21], $0x4000  }
0x15b: {  	[sflag:s21] =	ssyncset.done $0x0  }
0x15c: {  	s1 =	simm.s32 $0x2800;
	[sflag:s21] =	ssyncadd.s32 $0xFFFFC000  }
0x15d: {  	[spmem:s3] =	stream.indirect.scatter.add.f32 [tilespmem:s19], [sflag:$0x4], $0x80, s1, s23, $0xb8;
	[tilespmem:$0x1F800] =	vst v63  }
0x15e: {  	_ =	swait.ge [sflag:s20], $0x4000  }
0x15f: {  	[sflag:s20] =	ssyncset.done $0x0  }
0x160: {  	s7 =	simm.s32 $0x1100;
	[sflag:s20] =	ssyncadd.s32 $0xFFFFC000  }
0x161: {  	[tilespmem:s19], [sflag:$0x1] =	stream.indirect.gather [hbm4b:s0+s23], $0x80, s7, s23, $0xb8;
	[tilespmem:$0x1F800] =	vst v63  }
0x162: {  	_ =	swait.ge [sflag:s28], $0x4000  }
0x163: {  	[sflag:s28] =	ssyncset.done $0x0  }
0x164: {  	s7 =	simm.s32 $0x2880;
	[sflag:s28] =	ssyncadd.s32 $0xFFFFC000  }
0x165: {  	[spmem:s3] =	stream.indirect.scatter.add.f32 [tilespmem:s25], [sflag:$0x4], $0x80, s7, s23, $0xb8;
	[tilespmem:$0x1F800] =	vst v63  }
0x166: {  	_ =	swait.ge [sflag:s20], $0x4000  }
0x167: {  	[sflag:s20] =	ssyncset.done $0x0  }
0x168: {  	s7 =	simm.s32 $0x1180;
	[sflag:s20] =	ssyncadd.s32 $0xFFFFC000  }
0x169: {  	[tilespmem:s25], [sflag:$0x2] =	stream.indirect.gather [hbm4b:s0+s23], $0x80, s7, s23, $0xb8;
	[tilespmem:$0x1F800] =	vst v63  }
0x16a: {  	_ =	swait.ge [sflag:s21], $0x4000  }
0x16b: {  	[sflag:s21] =	ssyncset.done $0x0  }
0x16c: {  	s7 =	simm.s32 $0x2900;
	[sflag:s21] =	ssyncadd.s32 $0xFFFFC000  }
0x16d: {  	[spmem:s3] =	stream.indirect.scatter.add.f32 [tilespmem:s19], [sflag:$0x4], $0x80, s7, s23, $0xb8;
	[tilespmem:$0x1F800] =	vst v63  }
0x16e: {  	_ =	swait.ge [sflag:s20], $0x4000  }
0x16f: {  	[sflag:s20] =	ssyncset.done $0x0  }
0x170: {  	s7 =	simm.s32 $0x1200;
	[sflag:s20] =	ssyncadd.s32 $0xFFFFC000  }
0x171: {  	[tilespmem:s19], [sflag:$0x1] =	stream.indirect.gather [hbm4b:s0+s23], $0x80, s7, s23, $0xb8;
	[tilespmem:$0x1F800] =	vst v63  }
0x172: {  	_ =	swait.ge [sflag:s28], $0x4000  }
0x173: {  	[sflag:s28] =	ssyncset.done $0x0  }
0x174: {  	s7 =	simm.s32 $0x2980;
	[sflag:s28] =	ssyncadd.s32 $0xFFFFC000  }
0x175: {  	[spmem:s3] =	stream.indirect.scatter.add.f32 [tilespmem:s25], [sflag:$0x4], $0x80, s7, s23, $0xb8;
	[tilespmem:$0x1F800] =	vst v63  }
0x176: {  	_ =	swait.ge [sflag:s20], $0x4000  }
0x177: {  	[sflag:s20] =	ssyncset.done $0x0  }
0x178: {  	s7 =	simm.s32 $0x1280;
	[sflag:s20] =	ssyncadd.s32 $0xFFFFC000  }
0x179: {  	[tilespmem:s25], [sflag:$0x2] =	stream.indirect.gather [hbm4b:s0+s23], $0x80, s7, s23, $0xb8;
	[tilespmem:$0x1F800] =	vst v63  }
0x17a: {  	_ =	swait.ge [sflag:s21], $0x4000  }
0x17b: {  	[sflag:s21] =	ssyncset.done $0x0  }
0x17c: {  	s7 =	simm.s32 $0x2A00;
	[sflag:s21] =	ssyncadd.s32 $0xFFFFC000  }
0x17d: {  	[spmem:s3] =	stream.indirect.scatter.add.f32 [tilespmem:s19], [sflag:$0x4], $0x80, s7, s23, $0xb8;
	[tilespmem:$0x1F800] =	vst v63  }
0x17e: {  	_ =	swait.ge [sflag:s20], $0x4000  }
0x17f: {  	[sflag:s20] =	ssyncset.done $0x0  }
0x180: {  	s7 =	simm.s32 $0x1300;
	[sflag:s20] =	ssyncadd.s32 $0xFFFFC000  }
0x181: {  	[tilespmem:s19], [sflag:$0x1] =	stream.indirect.gather [hbm4b:s0+s23], $0x80, s7, s23, $0xb8;
	[tilespmem:$0x1F800] =	vst v63  }
0x182: {  	_ =	swait.ge [sflag:s28], $0x4000  }
0x183: {  	[sflag:s28] =	ssyncset.done $0x0  }
0x184: {  	s7 =	simm.s32 $0x2A80;
	[sflag:s28] =	ssyncadd.s32 $0xFFFFC000  }
0x185: {  	[spmem:s3] =	stream.indirect.scatter.add.f32 [tilespmem:s25], [sflag:$0x4], $0x80, s7, s23, $0xb8;
	[tilespmem:$0x1F800] =	vst v63  }
0x186: {  	_ =	swait.ge [sflag:s20], $0x4000  }
0x187: {  	[sflag:s20] =	ssyncset.done $0x0  }
0x188: {  	s7 =	simm.s32 $0x1380;
	[sflag:s20] =	ssyncadd.s32 $0xFFFFC000  }
0x189: {  	[tilespmem:s25], [sflag:$0x2] =	stream.indirect.gather [hbm4b:s0+s23], $0x80, s7, s23, $0xb8;
	[tilespmem:$0x1F800] =	vst v63  }
0x18a: {  	_ =	swait.ge [sflag:s21], $0x4000  }
0x18b: {  	[sflag:s21] =	ssyncset.done $0x0  }
0x18c: {  	s7 =	simm.s32 $0x2B00;
	[sflag:s21] =	ssyncadd.s32 $0xFFFFC000  }
0x18d: {  	[spmem:s3] =	stream.indirect.scatter.add.f32 [tilespmem:s19], [sflag:$0x4], $0x80, s7, s23, $0xb8;
	[tilespmem:$0x1F800] =	vst v63  }
0x18e: {  	_ =	swait.ge [sflag:s20], $0x4000  }
0x18f: {  	[sflag:s20] =	ssyncset.done $0x0  }
0x190: {  	s7 =	simm.s32 $0x1400;
	[sflag:s20] =	ssyncadd.s32 $0xFFFFC000  }
0x191: {  	[tilespmem:s19], [sflag:$0x1] =	stream.indirect.gather [hbm4b:s0+s23], $0x80, s7, s23, $0xb8;
	[tilespmem:$0x1F800] =	vst v63  }
0x192: {  	_ =	swait.ge [sflag:s28], $0x4000  }
0x193: {  	[sflag:s28] =	ssyncset.done $0x0  }
0x194: {  	s7 =	simm.s32 $0x2B80;
	[sflag:s28] =	ssyncadd.s32 $0xFFFFC000  }
0x195: {  	[spmem:s3] =	stream.indirect.scatter.add.f32 [tilespmem:s25], [sflag:$0x4], $0x80, s7, s23, $0xb8;
	[tilespmem:$0x1F800] =	vst v63  }
0x196: {  	_ =	swait.ge [sflag:s20], $0x4000  }
0x197: {  	[sflag:s20] =	ssyncset.done $0x0  }
0x198: {  	s7 =	simm.s32 $0x1480;
	[sflag:s20] =	ssyncadd.s32 $0xFFFFC000  }
0x199: {  	[tilespmem:s25], [sflag:$0x2] =	stream.indirect.gather [hbm4b:s0+s23], $0x80, s7, s23, $0xb8;
	[tilespmem:$0x1F800] =	vst v63  }
0x19a: {  	_ =	swait.ge [sflag:s21], $0x4000  }
0x19b: {  	[sflag:s21] =	ssyncset.done $0x0  }
0x19c: {  	s7 =	simm.s32 $0x2C00;
	[sflag:s21] =	ssyncadd.s32 $0xFFFFC000  }
0x19d: {  	[spmem:s3] =	stream.indirect.scatter.add.f32 [tilespmem:s19], [sflag:$0x4], $0x80, s7, s23, $0xb8;
	[tilespmem:$0x1F800] =	vst v63  }
0x19e: {  	_ =	swait.ge [sflag:s20], $0x4000  }
0x19f: {  	[sflag:s20] =	ssyncset.done $0x0  }
0x1a0: {  	s7 =	simm.s32 $0x1500;
	[sflag:s20] =	ssyncadd.s32 $0xFFFFC000  }
0x1a1: {  	[tilespmem:s19], [sflag:$0x1] =	stream.indirect.gather [hbm4b:s0+s23], $0x80, s7, s23, $0xb8;
	[tilespmem:$0x1F800] =	vst v63  }
0x1a2: {  	_ =	swait.ge [sflag:s28], $0x4000  }
0x1a3: {  	[sflag:s28] =	ssyncset.done $0x0  }
0x1a4: {  	s7 =	simm.s32 $0x2C80;
	[sflag:s28] =	ssyncadd.s32 $0xFFFFC000  }
0x1a5: {  	[spmem:s3] =	stream.indirect.scatter.add.f32 [tilespmem:s25], [sflag:$0x4], $0x80, s7, s23, $0xb8;
	[tilespmem:$0x1F800] =	vst v63  }
0x1a6: {  	_ =	swait.ge [sflag:s20], $0x4000  }
0x1a7: {  	[sflag:s20] =	ssyncset.done $0x0  }
0x1a8: {  	s7 =	simm.s32 $0x1580;
	[sflag:s20] =	ssyncadd.s32 $0xFFFFC000  }
0x1a9: {  	[tilespmem:s25], [sflag:$0x2] =	stream.indirect.gather [hbm4b:s0+s23], $0x80, s7, s23, $0xb8;
	[tilespmem:$0x1F800] =	vst v63  }
0x1aa: {  	_ =	swait.ge [sflag:s21], $0x4000  }
0x1ab: {  	[sflag:s21] =	ssyncset.done $0x0  }
0x1ac: {  	s7 =	simm.s32 $0x2D00;
	[sflag:s21] =	ssyncadd.s32 $0xFFFFC000  }
0x1ad: {  	[spmem:s3] =	stream.indirect.scatter.add.f32 [tilespmem:s19], [sflag:$0x4], $0x80, s7, s23, $0xb8;
	[tilespmem:$0x1F800] =	vst v63  }
0x1ae: {  	_ =	swait.ge [sflag:s20], $0x4000  }
0x1af: {  	[sflag:s20] =	ssyncset.done $0x0  }
0x1b0: {  	s7 =	simm.s32 $0x1600;
	[sflag:s20] =	ssyncadd.s32 $0xFFFFC000  }
0x1b1: {  	[tilespmem:s19], [sflag:$0x1] =	stream.indirect.gather [hbm4b:s0+s23], $0x80, s7, s23, $0xb8;
	[tilespmem:$0x1F800] =	vst v63  }
0x1b2: {  	_ =	swait.ge [sflag:s28], $0x4000  }
0x1b3: {  	[sflag:s28] =	ssyncset.done $0x0  }
0x1b4: {  	s7 =	simm.s32 $0x2D80;
	[sflag:s28] =	ssyncadd.s32 $0xFFFFC000  }
0x1b5: {  	[spmem:s3] =	stream.indirect.scatter.add.f32 [tilespmem:s25], [sflag:$0x4], $0x80, s7, s23, $0xb8;
	[tilespmem:$0x1F800] =	vst v63  }
0x1b6: {  	_ =	swait.ge [sflag:s20], $0x4000  }
0x1b7: {  	[sflag:s20] =	ssyncset.done $0x0  }
0x1b8: {  	s7 =	simm.s32 $0x1680;
	[sflag:s20] =	ssyncadd.s32 $0xFFFFC000  }
0x1b9: {  	[tilespmem:s25], [sflag:$0x2] =	stream.indirect.gather [hbm4b:s0+s23], $0x80, s7, s23, $0xb8;
	[tilespmem:$0x1F800] =	vst v63  }
0x1ba: {  	_ =	swait.ge [sflag:s21], $0x4000  }
0x1bb: {  	[sflag:s21] =	ssyncset.done $0x0  }
0x1bc: {  	s7 =	simm.s32 $0x2E00;
	[sflag:s21] =	ssyncadd.s32 $0xFFFFC000  }
0x1bd: {  	[spmem:s3] =	stream.indirect.scatter.add.f32 [tilespmem:s19], [sflag:$0x4], $0x80, s7, s23, $0xb8;
	[tilespmem:$0x1F800] =	vst v63  }
0x1be: {  	_ =	swait.ge [sflag:s20], $0x4000  }
0x1bf: {  	[sflag:s20] =	ssyncset.done $0x0  }
0x1c0: {  	s7 =	simm.s32 $0x1700;
	[sflag:s20] =	ssyncadd.s32 $0xFFFFC000  }
0x1c1: {  	[tilespmem:s19], [sflag:$0x1] =	stream.indirect.gather [hbm4b:s0+s23], $0x80, s7, s23, $0xb8;
	[tilespmem:$0x1F800] =	vst v63  }
0x1c2: {  	_ =	swait.ge [sflag:s28], $0x4000  }
0x1c3: {  	[sflag:s28] =	ssyncset.done $0x0  }
0x1c4: {  	s7 =	simm.s32 $0x2E80;
	[sflag:s28] =	ssyncadd.s32 $0xFFFFC000  }
0x1c5: {  	[spmem:s3] =	stream.indirect.scatter.add.f32 [tilespmem:s25], [sflag:$0x4], $0x80, s7, s23, $0xb8;
	[tilespmem:$0x1F800] =	vst v63  }
0x1c6: {  	_ =	swait.ge [sflag:s20], $0x4000  }
0x1c7: {  	[sflag:s20] =	ssyncset.done $0x0  }
0x1c8: {  	s7 =	simm.s32 $0x1780;
	[sflag:s20] =	ssyncadd.s32 $0xFFFFC000  }
0x1c9: {  	[tilespmem:s25], [sflag:$0x2] =	stream.indirect.gather [hbm4b:s0+s23], $0x80, s7, s23, $0xb8;
	[tilespmem:$0x1F800] =	vst v63  }
0x1ca: {  	_ =	swait.ge [sflag:s21], $0x4000  }
0x1cb: {  	[sflag:s21] =	ssyncset.done $0x0  }
0x1cc: {  	s7 =	simm.s32 $0x2F00;
	[sflag:s21] =	ssyncadd.s32 $0xFFFFC000  }
0x1cd: {  	[spmem:s3] =	stream.indirect.scatter.add.f32 [tilespmem:s19], [sflag:$0x4], $0x80, s7, s23, $0xb8;
	[tilespmem:$0x1F800] =	vst v63  }
0x1ce: {  	_ =	swait.ge [sflag:s20], $0x4000  }
0x1cf: {  	[sflag:s20] =	ssyncset.done $0x0  }
0x1d0: {  	s7 =	simm.s32 $0x1800;
	[sflag:s20] =	ssyncadd.s32 $0xFFFFC000  }
0x1d1: {  	[tilespmem:s19], [sflag:$0x1] =	stream.indirect.gather [hbm4b:s0+s23], $0x80, s7, s23, $0xb8;
	[tilespmem:$0x1F800] =	vst v63  }
0x1d2: {  	_ =	swait.ge [sflag:s28], $0x4000  }
0x1d3: {  	[sflag:s28] =	ssyncset.done $0x0  }
0x1d4: {  	[sflag:s28] =	ssyncadd.s32 $0xFFFFC000  }
0x1d5: {  	[spmem:s3] =	stream.indirect.scatter.add.f32 [tilespmem:s25], [sflag:$0x4], $0x80, s24, s23, $0xb8;
	[tilespmem:$0x1F800] =	vst v63  }
0x1d6: {  	_ =	swait.ge [sflag:s20], $0x4000  }
0x1d7: {  	[sflag:s20] =	ssyncset.done $0x0  }
0x1d8: {  	[sflag:s20] =	ssyncadd.s32 $0xFFFFC000  }
0x1d9: {  	_ =	swait.ge [sflag:s22], $0x800  }
0x1da: {  	[sflag:s22] =	ssyncset.done $0x0  }
0x1db: {  	s7 =	rddreg [dreg:$0xf];
	[sflag:s22] =	ssyncadd.s32 $0xFFFFF800  }
0x1dc: {  	[tilespmem:s1], [sflag:$0x3] =	stream.linear.gather [hbm4b:s7+s30], $0x800, $0x38;
	[tilespmem:$0x1F800] =	vst v63  }
0x1dd: {  	s7 =	simm.s32 $0x1880  }
0x1de: {  	[tilespmem:s25], [sflag:$0x2] =	stream.indirect.gather [hbm4b:s0+s23], $0x80, s7, s23, $0xb8;
	[tilespmem:$0x1F800] =	vst v63  }
0x1df: {  	_ =	swait.ge [sflag:s21], $0x4000  }
0x1e0: {  	[sflag:s21] =	ssyncset.done $0x0  }
0x1e1: {  	[sflag:s21] =	ssyncadd.s32 $0xFFFFC000  }
0x1e2: {  	[spmem:s3] =	stream.indirect.scatter.add.f32 [tilespmem:s19], [sflag:$0x4], $0x80, s6, s23, $0xb8;
	[tilespmem:$0x1F800] =	vst v63  }
0x1e3: {  	_ =	swait.ge [sflag:s20], $0x4000  }
0x1e4: {  	[sflag:s20] =	ssyncset.done $0x0  }
0x1e5: {  	s7 =	simm.s32 $0x1900;
	[sflag:s20] =	ssyncadd.s32 $0xFFFFC000  }
0x1e6: {  	[tilespmem:s19], [sflag:$0x1] =	stream.indirect.gather [hbm4b:s0+s23], $0x80, s7, s23, $0xb8;
	[tilespmem:$0x1F800] =	vst v63  }
0x1e7: {  	_ =	swait.ge [sflag:s28], $0x4000  }
0x1e8: {  	[sflag:s28] =	ssyncset.done $0x0  }
0x1e9: {  	[sflag:s28] =	ssyncadd.s32 $0xFFFFC000  }
0x1ea: {  	[spmem:s3] =	stream.indirect.scatter.add.f32 [tilespmem:s25], [sflag:$0x4], $0x80, s29, s23, $0xb8;
	[tilespmem:$0x1F800] =	vst v63  }
0x1eb: {  	_ =	swait.ge [sflag:s20], $0x4000  }
0x1ec: {  	[sflag:s20] =	ssyncset.done $0x0  }
0x1ed: {  	s7 =	simm.s32 $0x1980;
	[sflag:s20] =	ssyncadd.s32 $0xFFFFC000  }
0x1ee: {  	[tilespmem:s25], [sflag:$0x2] =	stream.indirect.gather [hbm4b:s0+s23], $0x80, s7, s23, $0xb8;
	[tilespmem:$0x1F800] =	vst v63  }
0x1ef: {  	_ =	swait.ge [sflag:s21], $0x4000  }
0x1f0: {  	[sflag:s21] =	ssyncset.done $0x0  }
0x1f1: {  	[sflag:s21] =	ssyncadd.s32 $0xFFFFC000  }
0x1f2: {  	[spmem:s3] =	stream.indirect.scatter.add.f32 [tilespmem:s19], [sflag:$0x4], $0x80, s31, s23, $0xb8;
	[tilespmem:$0x1F800] =	vst v63  }
0x1f3: {  	_ =	swait.ge [sflag:s20], $0x4000  }
0x1f4: {  	[sflag:s20] =	ssyncset.done $0x0  }
0x1f5: {  	s29 =	simm.s32 $0x1A00;
	[sflag:s20] =	ssyncadd.s32 $0xFFFFC000  }
0x1f6: {  	[tilespmem:s19], [sflag:$0x1] =	stream.indirect.gather [hbm4b:s0+s23], $0x80, s29, s23, $0xb8;
	[tilespmem:$0x1F800] =	vst v63  }
0x1f7: {  	_ =	swait.ge [sflag:s28], $0x4000  }
0x1f8: {  	[sflag:s28] =	ssyncset.done $0x0  }
0x1f9: {  	[sflag:s28] =	ssyncadd.s32 $0xFFFFC000  }
0x1fa: {  	[spmem:s3] =	stream.indirect.scatter.add.f32 [tilespmem:s25], [sflag:$0x4], $0x80, s2, s23, $0xb8;
	[tilespmem:$0x1F800] =	vst v63  }
0x1fb: {  	_ =	swait.ge [sflag:s20], $0x4000  }
0x1fc: {  	[sflag:s20] =	ssyncset.done $0x0  }
0x1fd: {  	s7 =	simm.s32 $0x1A80;
	[sflag:s20] =	ssyncadd.s32 $0xFFFFC000  }
0x1fe: {  	[tilespmem:s25], [sflag:$0x2] =	stream.indirect.gather [hbm4b:s0+s23], $0x80, s7, s23, $0xb8;
	[tilespmem:$0x1F800] =	vst v63  }
0x1ff: {  	_ =	swait.ge [sflag:s21], $0x4000  }
0x200: {  	[sflag:s21] =	ssyncset.done $0x0  }
0x201: {  	[sflag:s21] =	ssyncadd.s32 $0xFFFFC000  }
0x202: {  	[spmem:s3] =	stream.indirect.scatter.add.f32 [tilespmem:s19], [sflag:$0x4], $0x80, s4, s23, $0xb8;
	[tilespmem:$0x1F800] =	vst v63  }
0x203: {  	_ =	swait.ge [sflag:s20], $0x4000  }
0x204: {  	[sflag:s20] =	ssyncset.done $0x0  }
0x205: {  	s29 =	simm.s32 $0x1B00;
	[sflag:s20] =	ssyncadd.s32 $0xFFFFC000  }
0x206: {  	[tilespmem:s19], [sflag:$0x1] =	stream.indirect.gather [hbm4b:s0+s23], $0x80, s29, s23, $0xb8;
	[tilespmem:$0x1F800] =	vst v63  }
0x207: {  	_ =	swait.ge [sflag:s28], $0x4000  }
0x208: {  	[sflag:s28] =	ssyncset.done $0x0  }
0x209: {  	[sflag:s28] =	ssyncadd.s32 $0xFFFFC000  }
0x20a: {  	[spmem:s3] =	stream.indirect.scatter.add.f32 [tilespmem:s25], [sflag:$0x4], $0x80, s5, s23, $0xb8;
	[tilespmem:$0x1F800] =	vst v63  }
0x20b: {  	_ =	swait.ge [sflag:s20], $0x4000  }
0x20c: {  	[sflag:s20] =	ssyncset.done $0x0  }
0x20d: {  	s7 =	simm.s32 $0x1B80;
	[sflag:s20] =	ssyncadd.s32 $0xFFFFC000  }
0x20e: {  	[tilespmem:s25], [sflag:$0x2] =	stream.indirect.gather [hbm4b:s0+s23], $0x80, s7, s23, $0xb8;
	[tilespmem:$0x1F800] =	vst v63  }
0x20f: {  	_ =	swait.ge [sflag:s21], $0x4000  }
0x210: {  	[sflag:s21] =	ssyncset.done $0x0  }
0x211: {  	[sflag:s21] =	ssyncadd.s32 $0xFFFFC000  }
0x212: {  	[spmem:s3] =	stream.indirect.scatter.add.f32 [tilespmem:s19], [sflag:$0x4], $0x80, s8, s23, $0xb8;
	[tilespmem:$0x1F800] =	vst v63  }
0x213: {  	_ =	swait.ge [sflag:s20], $0x4000  }
0x214: {  	[sflag:s20] =	ssyncset.done $0x0  }
0x215: {  	s29 =	simm.s32 $0x1C00;
	[sflag:s20] =	ssyncadd.s32 $0xFFFFC000  }
0x216: {  	[tilespmem:s19], [sflag:$0x1] =	stream.indirect.gather [hbm4b:s0+s23], $0x80, s29, s23, $0xb8;
	[tilespmem:$0x1F800] =	vst v63  }
0x217: {  	_ =	swait.ge [sflag:s28], $0x4000  }
0x218: {  	[sflag:s28] =	ssyncset.done $0x0  }
0x219: {  	[sflag:s28] =	ssyncadd.s32 $0xFFFFC000  }
0x21a: {  	[spmem:s3] =	stream.indirect.scatter.add.f32 [tilespmem:s25], [sflag:$0x4], $0x80, s9, s23, $0xb8;
	[tilespmem:$0x1F800] =	vst v63  }
0x21b: {  	_ =	swait.ge [sflag:s20], $0x4000  }
0x21c: {  	[sflag:s20] =	ssyncset.done $0x0  }
0x21d: {  	s7 =	simm.s32 $0x1C80;
	[sflag:s20] =	ssyncadd.s32 $0xFFFFC000  }
0x21e: {  	[tilespmem:s25], [sflag:$0x2] =	stream.indirect.gather [hbm4b:s0+s23], $0x80, s7, s23, $0xb8;
	[tilespmem:$0x1F800] =	vst v63  }
0x21f: {  	_ =	swait.ge [sflag:s21], $0x4000  }
0x220: {  	[sflag:s21] =	ssyncset.done $0x0  }
0x221: {  	[sflag:s21] =	ssyncadd.s32 $0xFFFFC000  }
0x222: {  	[spmem:s3] =	stream.indirect.scatter.add.f32 [tilespmem:s19], [sflag:$0x4], $0x80, s10, s23, $0xb8;
	[tilespmem:$0x1F800] =	vst v63  }
0x223: {  	_ =	swait.ge [sflag:s20], $0x4000  }
0x224: {  	[sflag:s20] =	ssyncset.done $0x0  }
0x225: {  	s29 =	simm.s32 $0x1D00;
	[sflag:s20] =	ssyncadd.s32 $0xFFFFC000  }
0x226: {  	[tilespmem:s19], [sflag:$0x1] =	stream.indirect.gather [hbm4b:s0+s23], $0x80, s29, s23, $0xb8;
	[tilespmem:$0x1F800] =	vst v63  }
0x227: {  	_ =	swait.ge [sflag:s28], $0x4000  }
0x228: {  	[sflag:s28] =	ssyncset.done $0x0  }
0x229: {  	[sflag:s28] =	ssyncadd.s32 $0xFFFFC000  }
0x22a: {  	[spmem:s3] =	stream.indirect.scatter.add.f32 [tilespmem:s25], [sflag:$0x4], $0x80, s11, s23, $0xb8;
	[tilespmem:$0x1F800] =	vst v63  }
0x22b: {  	_ =	swait.ge [sflag:s20], $0x4000  }
0x22c: {  	[sflag:s20] =	ssyncset.done $0x0  }
0x22d: {  	s7 =	simm.s32 $0x1D80;
	[sflag:s20] =	ssyncadd.s32 $0xFFFFC000  }
0x22e: {  	[tilespmem:s25], [sflag:$0x2] =	stream.indirect.gather [hbm4b:s0+s23], $0x80, s7, s23, $0xb8;
	[tilespmem:$0x1F800] =	vst v63  }
0x22f: {  	_ =	swait.ge [sflag:s21], $0x4000  }
0x230: {  	[sflag:s21] =	ssyncset.done $0x0  }
0x231: {  	[sflag:s21] =	ssyncadd.s32 $0xFFFFC000  }
0x232: {  	[spmem:s3] =	stream.indirect.scatter.add.f32 [tilespmem:s19], [sflag:$0x4], $0x80, s12, s23, $0xb8;
	[tilespmem:$0x1F800] =	vst v63  }
0x233: {  	_ =	swait.ge [sflag:s20], $0x4000  }
0x234: {  	[sflag:s20] =	ssyncset.done $0x0  }
0x235: {  	s29 =	simm.s32 $0x1E00;
	[sflag:s20] =	ssyncadd.s32 $0xFFFFC000  }
0x236: {  	[tilespmem:s19], [sflag:$0x1] =	stream.indirect.gather [hbm4b:s0+s23], $0x80, s29, s23, $0xb8;
	[tilespmem:$0x1F800] =	vst v63  }
0x237: {  	_ =	swait.ge [sflag:s28], $0x4000  }
0x238: {  	[sflag:s28] =	ssyncset.done $0x0  }
0x239: {  	[sflag:s28] =	ssyncadd.s32 $0xFFFFC000  }
0x23a: {  	[spmem:s3] =	stream.indirect.scatter.add.f32 [tilespmem:s25], [sflag:$0x4], $0x80, s13, s23, $0xb8;
	[tilespmem:$0x1F800] =	vst v63  }
0x23b: {  	_ =	swait.ge [sflag:s20], $0x4000  }
0x23c: {  	[sflag:s20] =	ssyncset.done $0x0  }
0x23d: {  	s7 =	simm.s32 $0x1E80;
	[sflag:s20] =	ssyncadd.s32 $0xFFFFC000  }
0x23e: {  	[tilespmem:s25], [sflag:$0x2] =	stream.indirect.gather [hbm4b:s0+s23], $0x80, s7, s23, $0xb8;
	[tilespmem:$0x1F800] =	vst v63  }
0x23f: {  	_ =	swait.ge [sflag:s21], $0x4000  }
0x240: {  	[sflag:s21] =	ssyncset.done $0x0  }
0x241: {  	[sflag:s21] =	ssyncadd.s32 $0xFFFFC000  }
0x242: {  	[spmem:s3] =	stream.indirect.scatter.add.f32 [tilespmem:s19], [sflag:$0x4], $0x80, s14, s23, $0xb8;
	[tilespmem:$0x1F800] =	vst v63  }
0x243: {  	_ =	swait.ge [sflag:s20], $0x4000  }
0x244: {  	[sflag:s20] =	ssyncset.done $0x0  }
0x245: {  	s29 =	simm.s32 $0x1F00;
	[sflag:s20] =	ssyncadd.s32 $0xFFFFC000  }
0x246: {  	[tilespmem:s19], [sflag:$0x1] =	stream.indirect.gather [hbm4b:s0+s23], $0x80, s29, s23, $0xb8;
	[tilespmem:$0x1F800] =	vst v63  }
0x247: {  	_ =	swait.ge [sflag:s28], $0x4000  }
0x248: {  	[sflag:s28] =	ssyncset.done $0x0  }
0x249: {  	[sflag:s28] =	ssyncadd.s32 $0xFFFFC000  }
0x24a: {  	[spmem:s3] =	stream.indirect.scatter.add.f32 [tilespmem:s25], [sflag:$0x4], $0x80, s15, s23, $0xb8;
	[tilespmem:$0x1F800] =	vst v63  }
0x24b: {  	_ =	swait.ge [sflag:s20], $0x4000  }
0x24c: {  	[sflag:s20] =	ssyncset.done $0x0  }
0x24d: {  	s7 =	simm.s32 $0x1F80;
	[sflag:s20] =	ssyncadd.s32 $0xFFFFC000  }
0x24e: {  	[tilespmem:s25], [sflag:$0x2] =	stream.indirect.gather [hbm4b:s0+s23], $0x80, s7, s23, $0xb8;
	[tilespmem:$0x1F800] =	vst v63  }
0x24f: {  	_ =	swait.ge [sflag:s21], $0x4000  }
0x250: {  	[sflag:s21] =	ssyncset.done $0x0  }
0x251: {  	[sflag:s21] =	ssyncadd.s32 $0xFFFFC000  }
0x252: {  	[spmem:s3] =	stream.indirect.scatter.add.f32 [tilespmem:s19], [sflag:$0x4], $0x80, s16, s23, $0xb8;
	[tilespmem:$0x1F800] =	vst v63  }
0x253: {  	_ =	swait.ge [sflag:s20], $0x4000  }
0x254: {  	[sflag:s20] =	ssyncset.done $0x0  }
0x255: {  	s29 =	simm.s32 $0x2000;
	[sflag:s20] =	ssyncadd.s32 $0xFFFFC000  }
0x256: {  	[tilespmem:s19], [sflag:$0x1] =	stream.indirect.gather [hbm4b:s0+s23], $0x80, s29, s23, $0xb8;
	[tilespmem:$0x1F800] =	vst v63  }
0x257: {  	_ =	swait.ge [sflag:s28], $0x4000  }
0x258: {  	[sflag:s28] =	ssyncset.done $0x0  }
0x259: {  	[sflag:s28] =	ssyncadd.s32 $0xFFFFC000  }
0x25a: {  	[spmem:s3] =	stream.indirect.scatter.add.f32 [tilespmem:s25], [sflag:$0x4], $0x80, s26, s23, $0xb8;
	[tilespmem:$0x1F800] =	vst v63  }
0x25b: {  	_ =	swait.ge [sflag:s20], $0x4000  }
0x25c: {  	[sflag:s20] =	ssyncset.done $0x0  }
0x25d: {  	[sflag:s20] =	ssyncadd.s32 $0xFFFFC000  }
0x25e: {  	_ =	swait.ge [sflag:s22], $0x800  }
0x25f: {  	[sflag:s22] =	ssyncset.done $0x0  }
0x260: {  	s7 =	simm.s32 $0x2080;
	[sflag:s22] =	ssyncadd.s32 $0xFFFFF800  }
0x261: {  	[tilespmem:s25], [sflag:$0x2] =	stream.indirect.gather [hbm4b:s0+s23], $0x80, s7, s23, $0xb8;
	[tilespmem:$0x1F800] =	vst v63  }
0x262: {  	_ =	swait.ge [sflag:s21], $0x4000  }
0x263: {  	[sflag:s21] =	ssyncset.done $0x0  }
0x264: {  	s31 =	simm.s32 $0x2800;
	[sflag:s21] =	ssyncadd.s32 $0xFFFFC000  }
0x265: {  	[spmem:s3] =	stream.indirect.scatter.add.f32 [tilespmem:s19], [sflag:$0x4], $0x80, s31, s23, $0xb8;
	[tilespmem:$0x1F800] =	vst v63  }
0x266: {  	_ =	swait.ge [sflag:s20], $0x4000  }
0x267: {  	[sflag:s20] =	ssyncset.done $0x0  }
0x268: {  	s16 =	simm.s32 $0x2100;
	[sflag:s20] =	ssyncadd.s32 $0xFFFFC000  }
0x269: {  	[tilespmem:s19], [sflag:$0x1] =	stream.indirect.gather [hbm4b:s0+s23], $0x80, s16, s23, $0xb8;
	[tilespmem:$0x1F800] =	vst v63  }
0x26a: {  	_ =	swait.ge [sflag:s28], $0x4000  }
0x26b: {  	[sflag:s28] =	ssyncset.done $0x0  }
0x26c: {  	s29 =	simm.s32 $0x2880;
	[sflag:s28] =	ssyncadd.s32 $0xFFFFC000  }
0x26d: {  	[spmem:s3] =	stream.indirect.scatter.add.f32 [tilespmem:s25], [sflag:$0x4], $0x80, s29, s23, $0xb8;
	[tilespmem:$0x1F800] =	vst v63  }
0x26e: {  	_ =	swait.ge [sflag:s20], $0x4000  }
0x26f: {  	[sflag:s20] =	ssyncset.done $0x0  }
0x270: {  	s7 =	simm.s32 $0x2180;
	[sflag:s20] =	ssyncadd.s32 $0xFFFFC000  }
0x271: {  	[tilespmem:s25], [sflag:$0x2] =	stream.indirect.gather [hbm4b:s0+s23], $0x80, s7, s23, $0xb8;
	[tilespmem:$0x1F800] =	vst v63  }
0x272: {  	_ =	swait.ge [sflag:s21], $0x4000  }
0x273: {  	[sflag:s21] =	ssyncset.done $0x0  }
0x274: {  	s16 =	simm.s32 $0x2900;
	[sflag:s21] =	ssyncadd.s32 $0xFFFFC000  }
0x275: {  	[spmem:s3] =	stream.indirect.scatter.add.f32 [tilespmem:s19], [sflag:$0x4], $0x80, s16, s23, $0xb8;
	[tilespmem:$0x1F800] =	vst v63  }
0x276: {  	_ =	swait.ge [sflag:s20], $0x4000  }
0x277: {  	[sflag:s20] =	ssyncset.done $0x0  }
0x278: {  	s29 =	simm.s32 $0x2200;
	[sflag:s20] =	ssyncadd.s32 $0xFFFFC000  }
0x279: {  	[tilespmem:s19], [sflag:$0x1] =	stream.indirect.gather [hbm4b:s0+s23], $0x80, s29, s23, $0xb8;
	[tilespmem:$0x1F800] =	vst v63  }
0x27a: {  	_ =	swait.ge [sflag:s28], $0x4000  }
0x27b: {  	[sflag:s28] =	ssyncset.done $0x0  }
0x27c: {  	s7 =	simm.s32 $0x2980;
	[sflag:s28] =	ssyncadd.s32 $0xFFFFC000  }
0x27d: {  	[spmem:s3] =	stream.indirect.scatter.add.f32 [tilespmem:s25], [sflag:$0x4], $0x80, s7, s23, $0xb8;
	[tilespmem:$0x1F800] =	vst v63  }
0x27e: {  	_ =	swait.ge [sflag:s20], $0x4000  }
0x27f: {  	[sflag:s20] =	ssyncset.done $0x0  }
0x280: {  	s16 =	simm.s32 $0x2280;
	[sflag:s20] =	ssyncadd.s32 $0xFFFFC000  }
0x281: {  	[tilespmem:s25], [sflag:$0x2] =	stream.indirect.gather [hbm4b:s0+s23], $0x80, s16, s23, $0xb8;
	[tilespmem:$0x1F800] =	vst v63  }
0x282: {  	_ =	swait.ge [sflag:s21], $0x4000  }
0x283: {  	[sflag:s21] =	ssyncset.done $0x0  }
0x284: {  	s29 =	simm.s32 $0x2A00;
	[sflag:s21] =	ssyncadd.s32 $0xFFFFC000  }
0x285: {  	[spmem:s3] =	stream.indirect.scatter.add.f32 [tilespmem:s19], [sflag:$0x4], $0x80, s29, s23, $0xb8;
	[tilespmem:$0x1F800] =	vst v63  }
0x286: {  	_ =	swait.ge [sflag:s20], $0x4000  }
0x287: {  	[sflag:s20] =	ssyncset.done $0x0  }
0x288: {  	s7 =	simm.s32 $0x2300;
	[sflag:s20] =	ssyncadd.s32 $0xFFFFC000  }
0x289: {  	[tilespmem:s19], [sflag:$0x1] =	stream.indirect.gather [hbm4b:s0+s23], $0x80, s7, s23, $0xb8;
	[tilespmem:$0x1F800] =	vst v63  }
0x28a: {  	_ =	swait.ge [sflag:s28], $0x4000  }
0x28b: {  	[sflag:s28] =	ssyncset.done $0x0  }
0x28c: {  	s16 =	simm.s32 $0x2A80;
	[sflag:s28] =	ssyncadd.s32 $0xFFFFC000  }
0x28d: {  	[spmem:s3] =	stream.indirect.scatter.add.f32 [tilespmem:s25], [sflag:$0x4], $0x80, s16, s23, $0xb8;
	[tilespmem:$0x1F800] =	vst v63  }
0x28e: {  	_ =	swait.ge [sflag:s20], $0x4000  }
0x28f: {  	[sflag:s20] =	ssyncset.done $0x0  }
0x290: {  	s29 =	simm.s32 $0x2380;
	[sflag:s20] =	ssyncadd.s32 $0xFFFFC000  }
0x291: {  	[tilespmem:s25], [sflag:$0x2] =	stream.indirect.gather [hbm4b:s0+s23], $0x80, s29, s23, $0xb8;
	[tilespmem:$0x1F800] =	vst v63  }
0x292: {  	_ =	swait.ge [sflag:s21], $0x4000  }
0x293: {  	[sflag:s21] =	ssyncset.done $0x0  }
0x294: {  	s7 =	simm.s32 $0x2B00;
	[sflag:s21] =	ssyncadd.s32 $0xFFFFC000  }
0x295: {  	[spmem:s3] =	stream.indirect.scatter.add.f32 [tilespmem:s19], [sflag:$0x4], $0x80, s7, s23, $0xb8;
	[tilespmem:$0x1F800] =	vst v63  }
0x296: {  	_ =	swait.ge [sflag:s20], $0x4000  }
0x297: {  	[sflag:s20] =	ssyncset.done $0x0  }
0x298: {  	s16 =	simm.s32 $0x2400;
	[sflag:s20] =	ssyncadd.s32 $0xFFFFC000  }
0x299: {  	[tilespmem:s19], [sflag:$0x1] =	stream.indirect.gather [hbm4b:s0+s23], $0x80, s16, s23, $0xb8;
	[tilespmem:$0x1F800] =	vst v63  }
0x29a: {  	_ =	swait.ge [sflag:s28], $0x4000  }
0x29b: {  	[sflag:s28] =	ssyncset.done $0x0  }
0x29c: {  	s29 =	simm.s32 $0x2B80;
	[sflag:s28] =	ssyncadd.s32 $0xFFFFC000  }
0x29d: {  	[spmem:s3] =	stream.indirect.scatter.add.f32 [tilespmem:s25], [sflag:$0x4], $0x80, s29, s23, $0xb8;
	[tilespmem:$0x1F800] =	vst v63  }
0x29e: {  	_ =	swait.ge [sflag:s20], $0x4000  }
0x29f: {  	[sflag:s20] =	ssyncset.done $0x0  }
0x2a0: {  	s7 =	simm.s32 $0x2480;
	[sflag:s20] =	ssyncadd.s32 $0xFFFFC000  }
0x2a1: {  	[tilespmem:s25], [sflag:$0x2] =	stream.indirect.gather [hbm4b:s0+s23], $0x80, s7, s23, $0xb8;
	[tilespmem:$0x1F800] =	vst v63  }
0x2a2: {  	_ =	swait.ge [sflag:s21], $0x4000  }
0x2a3: {  	[sflag:s21] =	ssyncset.done $0x0  }
0x2a4: {  	s16 =	simm.s32 $0x2C00;
	[sflag:s21] =	ssyncadd.s32 $0xFFFFC000  }
0x2a5: {  	[spmem:s3] =	stream.indirect.scatter.add.f32 [tilespmem:s19], [sflag:$0x4], $0x80, s16, s23, $0xb8;
	[tilespmem:$0x1F800] =	vst v63  }
0x2a6: {  	_ =	swait.ge [sflag:s20], $0x4000  }
0x2a7: {  	[sflag:s20] =	ssyncset.done $0x0  }
0x2a8: {  	s29 =	simm.s32 $0x2500;
	[sflag:s20] =	ssyncadd.s32 $0xFFFFC000  }
0x2a9: {  	[tilespmem:s19], [sflag:$0x1] =	stream.indirect.gather [hbm4b:s0+s23], $0x80, s29, s23, $0xb8;
	[tilespmem:$0x1F800] =	vst v63  }
0x2aa: {  	_ =	swait.ge [sflag:s28], $0x4000  }
0x2ab: {  	[sflag:s28] =	ssyncset.done $0x0  }
0x2ac: {  	s7 =	simm.s32 $0x2C80;
	[sflag:s28] =	ssyncadd.s32 $0xFFFFC000  }
0x2ad: {  	[spmem:s3] =	stream.indirect.scatter.add.f32 [tilespmem:s25], [sflag:$0x4], $0x80, s7, s23, $0xb8;
	[tilespmem:$0x1F800] =	vst v63  }
0x2ae: {  	_ =	swait.ge [sflag:s20], $0x4000  }
0x2af: {  	[sflag:s20] =	ssyncset.done $0x0  }
0x2b0: {  	s16 =	simm.s32 $0x2580;
	[sflag:s20] =	ssyncadd.s32 $0xFFFFC000  }
0x2b1: {  	[tilespmem:s25], [sflag:$0x2] =	stream.indirect.gather [hbm4b:s0+s23], $0x80, s16, s23, $0xb8;
	[tilespmem:$0x1F800] =	vst v63  }
0x2b2: {  	_ =	swait.ge [sflag:s21], $0x4000  }
0x2b3: {  	[sflag:s21] =	ssyncset.done $0x0  }
0x2b4: {  	s29 =	simm.s32 $0x2D00;
	[sflag:s21] =	ssyncadd.s32 $0xFFFFC000  }
0x2b5: {  	[spmem:s3] =	stream.indirect.scatter.add.f32 [tilespmem:s19], [sflag:$0x4], $0x80, s29, s23, $0xb8;
	[tilespmem:$0x1F800] =	vst v63  }
0x2b6: {  	_ =	swait.ge [sflag:s20], $0x4000  }
0x2b7: {  	[sflag:s20] =	ssyncset.done $0x0  }
0x2b8: {  	s7 =	simm.s32 $0x2600;
	[sflag:s20] =	ssyncadd.s32 $0xFFFFC000  }
0x2b9: {  	[tilespmem:s19], [sflag:$0x1] =	stream.indirect.gather [hbm4b:s0+s23], $0x80, s7, s23, $0xb8;
	[tilespmem:$0x1F800] =	vst v63  }
0x2ba: {  	_ =	swait.ge [sflag:s28], $0x4000  }
0x2bb: {  	[sflag:s28] =	ssyncset.done $0x0  }
0x2bc: {  	s16 =	simm.s32 $0x2D80;
	[sflag:s28] =	ssyncadd.s32 $0xFFFFC000  }
0x2bd: {  	[spmem:s3] =	stream.indirect.scatter.add.f32 [tilespmem:s25], [sflag:$0x4], $0x80, s16, s23, $0xb8;
	[tilespmem:$0x1F800] =	vst v63  }
0x2be: {  	_ =	swait.ge [sflag:s20], $0x4000  }
0x2bf: {  	[sflag:s20] =	ssyncset.done $0x0  }
0x2c0: {  	s29 =	simm.s32 $0x2680;
	[sflag:s20] =	ssyncadd.s32 $0xFFFFC000  }
0x2c1: {  	[tilespmem:s25], [sflag:$0x2] =	stream.indirect.gather [hbm4b:s0+s23], $0x80, s29, s23, $0xb8;
	[tilespmem:$0x1F800] =	vst v63  }
0x2c2: {  	_ =	swait.ge [sflag:s21], $0x4000  }
0x2c3: {  	[sflag:s21] =	ssyncset.done $0x0  }
0x2c4: {  	s7 =	simm.s32 $0x2E00;
	[sflag:s21] =	ssyncadd.s32 $0xFFFFC000  }
0x2c5: {  	[spmem:s3] =	stream.indirect.scatter.add.f32 [tilespmem:s19], [sflag:$0x4], $0x80, s7, s23, $0xb8;
	[tilespmem:$0x1F800] =	vst v63  }
0x2c6: {  	_ =	swait.ge [sflag:s20], $0x4000  }
0x2c7: {  	[sflag:s20] =	ssyncset.done $0x0  }
0x2c8: {  	s16 =	simm.s32 $0x2700;
	[sflag:s20] =	ssyncadd.s32 $0xFFFFC000  }
0x2c9: {  	[tilespmem:s19], [sflag:$0x1] =	stream.indirect.gather [hbm4b:s0+s23], $0x80, s16, s23, $0xb8;
	[tilespmem:$0x1F800] =	vst v63  }
0x2ca: {  	_ =	swait.ge [sflag:s28], $0x4000  }
0x2cb: {  	[sflag:s28] =	ssyncset.done $0x0  }
0x2cc: {  	s29 =	simm.s32 $0x2E80;
	[sflag:s28] =	ssyncadd.s32 $0xFFFFC000  }
0x2cd: {  	[spmem:s3] =	stream.indirect.scatter.add.f32 [tilespmem:s25], [sflag:$0x4], $0x80, s29, s23, $0xb8;
	[tilespmem:$0x1F800] =	vst v63  }
0x2ce: {  	_ =	swait.ge [sflag:s20], $0x4000  }
0x2cf: {  	[sflag:s20] =	ssyncset.done $0x0  }
0x2d0: {  	s7 =	simm.s32 $0x2780;
	[sflag:s20] =	ssyncadd.s32 $0xFFFFC000  }
0x2d1: {  	[tilespmem:s25], [sflag:$0x2] =	stream.indirect.gather [hbm4b:s0+s23], $0x80, s7, s23, $0xb8;
	[tilespmem:$0x1F800] =	vst v63  }
0x2d2: {  	_ =	swait.ge [sflag:s21], $0x4000  }
0x2d3: {  	[sflag:s21] =	ssyncset.done $0x0  }
0x2d4: {  	s16 =	simm.s32 $0x2F00;
	[sflag:s21] =	ssyncadd.s32 $0xFFFFC000  }
0x2d5: {  	[spmem:s3] =	stream.indirect.scatter.add.f32 [tilespmem:s19], [sflag:$0x4], $0x80, s16, s23, $0xb8;
	[tilespmem:$0x1F800] =	vst v63  }
0x2d6: {  	_ =	swait.ge [sflag:s20], $0x4000  }
0x2d7: {  	[sflag:s20] =	ssyncset.done $0x0  }
0x2d8: {  	[sflag:s20] =	ssyncadd.s32 $0xFFFFC000  }
0x2d9: {  	_ =	swait.ge [sflag:s28], $0x4000  }
0x2da: {  	[sflag:s28] =	ssyncset.done $0x0  }
0x2db: {  	[sflag:s28] =	ssyncadd.s32 $0xFFFFC000  }
0x2dc: {  	[spmem:s3] =	stream.indirect.scatter.add.f32 [tilespmem:s25], [sflag:$0x4], $0x80, s24, s23, $0xb8;
	[tilespmem:$0x1F800] =	vst v63  }
0x2dd: {  	_ =	swait.ge [sflag:s20], $0x4000  }
0x2de: {  	[sflag:s20] =	ssyncset.done $0x0  }
0x2df: {  	s29 =	stileid.u32;
	[sflag:s20] =	ssyncadd.s32 $0xFFFFC000  }
0x2e0: {  	s7 =	sshll.u32 s29, $0x6;
	[bflag:$0x0] =	sbarrier.arrive $0xFFFF  }
0x2e1: {  	s1 =	sshrl.u32 s18, $0x3;
	s7 =	sor.u32 $0x1C04, s7;
	s18 =	rddreg [dreg:$0x10]  }
0x2e2: {  	[hbm:s18], [sflag:s7] =	dma.local [spmem:s1], $0x2800  }
0x2e3: {  	_ =	swait.ge [sflag:s20], $0x2800  }
0x2e4: {  	s17 =	sadd.s32 $0x1, s17;
	s29 =	rddreg [dreg:$0x11]  }
0x2e5: {  	p0 =	sne.s32 s17, s29  }
.Ltmp1:
0x2e6: {  	_ = 	snop;
	(pc) =	sbr.rel @p0 .LBB2_1-.Ltmp1, $3  }
0x2e7: {  	_ =	sdelay $0x1  }
0x2e8: {  	[sflag:s20] =	ssyncset.done $0x0  }
0x2e9: {  	[sflag:s20] =	ssyncadd.s32 $0xFFFFD800  }
0x2ea: {  	_ =	sfence.sel $0x180000  }
0x2eb: {  	[bflag:$0x0] =	sbarrier.arrive $0xFFFF  }
0x2ec: {  	_ =	strace $0x9000004A  }
0x2ed: {  	s0 =	stileid.u32;
	[bflag:$0x2] =	sbarrier.arrive $0xFFFF  }
0x2ee: {  	p0 =	sne.s32 s0, $0x0;
	s0 =	rddreg [dreg:$0x5]  }
0x2ef: {  	s0 =	sadd.s32 @!p0 $0x100000, s0  }
0x2f0: {  	[sflag:s0] =	ssyncadd.tile.s32 @!p0 $0x1;
	_ =	shalt  }
.Lfunc_end2:
_tile_overlayer_lowered:
.L_overlay_start_2:
0x2f1: {  	(tag) =	ssettag $0x2  }
0x2f2: {  	s0 =	rddreg [dreg:$0x0];
	s2 =	stileid.u32  }
0x2f3: {  	s1 =	rddreg [dreg:$0x1];
	p0 =	sne.s32 s2, $0x0  }
0x2f4: {  	s3 =	rddreg [dreg:$0x2];
	[bflag:$0x3] =	sbarrier.arrive $0xFFFF;
	s2 =	simm.s32 @!p0 $0x1C04  }
0x2f5: {  	[timem:s3], [sflag:s2] =	dma.local @!p0 [hbm:s0], s1  }
0x2f6: {  	s0 =	simm.s32 @!p0 $0x4  }
0x2f7: {  	_ =	swait.ge @!p0 [sflag:s0], s1  }
0x2f8: {  	s1 =	ssub.s32 @!p0 $0x0, s1;
	[sflag:s0] =	ssyncset.done @!p0 $0x0  }
0x2f9: {  	[sflag:s0] =	ssyncadd.s32 @!p0 s1  }
0x2fa: {  	[bflag:$0x3] =	sbarrier.arrive $0xFFFF  }
0x2fb: {  	_ =	shalt  }

// kernel: kernel.14.cloned.1.call-start
scs
__scs_entry_jumppad:
0x0: {  	(pc) =	sbr.rel $0x88, $3  }
0x1: {  	(tag) =	ssettag $0x0;
	lr =	simm.s32 $0x1  }
0x2: {  	[smem:$0x3F99] =	sst lr;
	_ =	strace $0xD0000000  }
0x3: {  	_ = 	snop  }
0x4: {  	_ = 	snop  }
0x5: {  	_ = 	snop  }
0x6: {  	_ = 	snop  }
0x7: {  	_ = 	snop  }
__scs_overlays_trampoline_lowered:
0x8: {  	[smem:$0x3FA8] =	sst s0  }
0x9: {  	[smem:$0x3FA9] =	sst s1  }
0xa: {  	[smem:$0x3FAA] =	sst s2  }
0xb: {  	[smem:$0x3FAB] =	sst s3  }
0xc: {  	[smem:$0x3FAC] =	sst s4  }
0xd: {  	[smem:$0x3FAD] =	sst s5  }
0xe: {  	[smem:$0x3FAE] =	sst s6  }
0xf: {  	[smem:$0x3FAF] =	sst s7  }
0x10: {  	[smem:$0x3FB0] =	sst s8  }
0x11: {  	[smem:$0x3FB1] =	sst s9;
	s0 =	simm.s32 @!p0 $0x0  }
0x12: {  	s1 =	sld [smem:$0x3F97];
	s0 =	simm.s32 @p0 $0x1  }
0x13: {  	[smem:$0x3FB2] =	sst s0;
	s0 =	simm.s32 @!p1 $0x0  }
0x14: {  	s2 =	sld [smem:$0x3F96];
	s0 =	simm.s32 @p1 $0x1  }
0x15: {  	[smem:$0x3FB3] =	sst s0;
	s0 =	simm.s32 @!p2 $0x0  }
0x16: {  	s3 =	sld [smem:$0x3FDB];
	s0 =	simm.s32 @p2 $0x1  }
0x17: {  	s4 =	simm.s32 $0x1BF5;
	[smem:$0x3FB5] =	sst s0  }
0x18: {  	s0 =	sld [smem:$0x3F98];
	_ =	swait.ge [sflag:s4], $0x0  }
0x19: {  	s7 =	sld [smem:$0x3F99]  }
0x1a: {  	s8 =	sadd.s32 $0xFFFFE003, lr  }
0x1b: {  	s9 =	sadd.s32 $0xFFFFFEF7, lr;
	s5 =	simm.s32 $0xFFFFFFFF;
	p2 =	slt.u32 s8, $0xFFFFF086  }
0x1c: {  	p1 =	slt.u32 s9, $0xF7A;
	s5 =	simm.s32 @!p2 $0x0  }
0x1d: {  	s5 =	simm.s32 @p1 $0x1;
	p0 =	seq.s32 s7, s2  }
0x1e: {  	s7 =	smul.u32 @!p0 $0xF7A, s2;
	p2 =	seq.s32 @!p0 s5, $0x0  }
0x1f: {  	s9 =	smul.u32 $0xF7A, s1;
	s8 =	simm.s32 @!p0 $0x1BF5;
	p2 =	por !p2, p0  }
0x20: {  	[sflag:s8] =	ssyncset.s32 @!p0 $0xFFFFF086;
	s6 =	sadd.s32 @!p0 s3, s7;
	s7 =	simm.s32 @!p0 $0x108  }
0x21: {  	s3 =	sadd.s32 s3, s9;
	s6 =	sadd.s32 @!p0 $0x88, s6;
	s7 =	simm.s32 @p2 $0x1082  }
0x22: {  	[simem:s7], [sflag:s8] =	dma.local @!p0 [hbm:s6], $0xF7A  }
0x23: {  	s9 =	sor.u32 $0xD0000000, s2;
	s6 =	simm.s32 $0x108;
	_ =	swait.ge @!p0 [sflag:s8], $0x0  }
0x24: {  	s3 =	sadd.s32 $0x88, s3;
	s6 =	simm.s32 @!p1 $0x1082;
	[sflag:s4] =	ssyncset.s32 $0xFFFFF086  }
0x25: {  	[simem:s6], [sflag:s4] =	dma.local [hbm:s3], $0xF7A  }
0x26: {  	[smem:$0x3F99] =	sst s1;
	(tag) =	ssettag s2;
	_ =	strace s9  }
0x27: {  	s1 =	sld [smem:$0x3FA9]  }
0x28: {  	s2 =	sld [smem:$0x3FAA]  }
0x29: {  	s4 =	sld [smem:$0x3FAC]  }
0x2a: {  	p0 =	seq.s32 s5, $0x0;
	s5 =	sld [smem:$0x3FAD]  }
0x2b: {  	s6 =	sld [smem:$0x3FAE]  }
0x2c: {  	s7 =	sld [smem:$0x3FAF]  }
0x2d: {  	s3 =	simm.s32 $0x108;
	s8 =	sld [smem:$0x3FB0]  }
0x2e: {  	s3 =	simm.s32 @!p0 $0x1082;
	s9 =	sld [smem:$0x3FB1]  }
0x2f: {  	lr =	sadd.s32 s0, s3;
	s0 =	sld [smem:$0x3FA8]  }
0x30: {  	s3 =	sld [smem:$0x3FAB]  }
0x31: {  	[smem:$0x3FB4] =	sst s10  }
0x32: {  	s10 =	sld [smem:$0x3FB2];
	_ =	sdelay $0x3  }
0x33: {  	p0 =	seq.s32 s10, $0x1;
	s10 =	sld [smem:$0x3FB4];
	_ =	sdelay $0x3  }
0x34: {  	[smem:$0x3FB4] =	sst s10  }
0x35: {  	s10 =	sld [smem:$0x3FB3];
	_ =	sdelay $0x3  }
0x36: {  	p1 =	seq.s32 s10, $0x1;
	s10 =	sld [smem:$0x3FB4];
	_ =	sdelay $0x3  }
0x37: {  	[smem:$0x3FB4] =	sst s10  }
0x38: {  	s10 =	sld [smem:$0x3FB5]  }
0x39: {  	_ = 	snop;
	(pc) =	sbr.ind lr, $3  }
0x3a: {  	_ = 	snop  }
0x3b: {  	_ = 	snop  }
0x3c: {  	p2 =	seq.s32 s10, $0x1;
	s10 =	sld [smem:$0x3FB4]  }
0x3d: {  	_ =	shalt  }
0x3e: {  	_ =	shalt  }
0x3f: {  	_ =	shalt  }
0x40: {  	_ =	shalt  }
0x41: {  	_ =	shalt  }
0x42: {  	_ =	shalt  }
0x43: {  	_ =	shalt  }
0x44: {  	_ =	shalt  }
0x45: {  	_ =	shalt  }
0x46: {  	_ =	shalt  }
0x47: {  	_ =	shalt  }
0x48: {  	_ =	shalt  }
0x49: {  	_ =	shalt  }
0x4a: {  	_ =	shalt  }
0x4b: {  	_ =	shalt  }
0x4c: {  	_ =	shalt  }
0x4d: {  	_ =	shalt  }
0x4e: {  	_ =	shalt  }
0x4f: {  	_ =	shalt  }
0x50: {  	_ =	shalt  }
0x51: {  	_ =	shalt  }
0x52: {  	_ =	shalt  }
0x53: {  	_ =	shalt  }
0x54: {  	_ =	shalt  }
0x55: {  	_ =	shalt  }
0x56: {  	_ =	shalt  }
0x57: {  	_ =	shalt  }
0x58: {  	_ =	shalt  }
0x59: {  	_ =	shalt  }
0x5a: {  	_ =	shalt  }
0x5b: {  	_ =	shalt  }
0x5c: {  	_ =	shalt  }
0x5d: {  	_ =	shalt  }
0x5e: {  	_ =	shalt  }
0x5f: {  	_ =	shalt  }
0x60: {  	_ =	shalt  }
0x61: {  	_ =	shalt  }
0x62: {  	_ =	shalt  }
0x63: {  	_ =	shalt  }
0x64: {  	_ =	shalt  }
0x65: {  	_ =	shalt  }
0x66: {  	_ =	shalt  }
0x67: {  	_ =	shalt  }
0x68: {  	_ =	shalt  }
0x69: {  	_ =	shalt  }
0x6a: {  	_ =	shalt  }
0x6b: {  	_ =	shalt  }
0x6c: {  	_ =	shalt  }
0x6d: {  	_ =	shalt  }
0x6e: {  	_ =	shalt  }
0x6f: {  	_ =	shalt  }
0x70: {  	_ =	shalt  }
0x71: {  	_ =	shalt  }
0x72: {  	_ =	shalt  }
0x73: {  	_ =	shalt  }
0x74: {  	_ =	shalt  }
0x75: {  	_ =	shalt  }
0x76: {  	_ =	shalt  }
0x77: {  	_ =	shalt  }
0x78: {  	_ =	shalt  }
0x79: {  	_ =	shalt  }
0x7a: {  	_ =	shalt  }
0x7b: {  	_ =	shalt  }
0x7c: {  	_ =	shalt  }
0x7d: {  	_ =	shalt  }
0x7e: {  	_ =	shalt  }
0x7f: {  	_ =	shalt  }
0x80: {  	_ =	shalt  }
0x81: {  	_ =	shalt  }
0x82: {  	_ =	shalt  }
0x83: {  	_ =	shalt  }
0x84: {  	_ =	shalt  }
0x85: {  	_ =	shalt  }
0x86: {  	_ =	shalt  }
0x87: {  	_ =	shalt  }
.Lfunc_end0:
.L_simem_size_0:
called_computation.2_lowered:
.L_overlay_start_0:
0x88: {  	s2 =	sld [smem:$0x3FD9]  }
0x89: {  	s3 =	sld [smem:$0x3FFE];
	_ =	sdelay $0x1  }
0x8a: {  	s1 =	srdreg.scid  }
0x8b: {  	s0 =	sand.u32 $0x1, s1  }
0x8c: {  	s14 =	sshll.u32 s0, $0xA;
	s2 =	sadd.s32 s3, s2  }
0x8d: {  	s2 =	sadd.s32 s2, s14  }
0x8e: {  	[smem:$0x3FC0] =	sst s2  }
0x8f: {  	_ = 	snop  }
0x90: {  	s2 =	sld [smem:$0x3FD0];
	_ =	sdelay $0x2  }
0x91: {  	s15 =	simm.s32 $0xA;
	s4 =	simm.s32 $0x10  }
0x92: {  	[smem:s4], [sflag:s15] =	dma.local [hbm:s2], $0x1  }
0x93: {  	_ =	swait.eq [sflag:s15], $0x1  }
0x94: {  	s16 =	sld [smem:$0x10];
	[sflag:s15] =	ssyncset.done $0x0  }
0x95: {  	s17 =	sld [smem:$0x11];
	[sflag:s15] =	ssyncadd.s32 $0xFFFFFFFF  }
0x96: {  	s18 =	sld [smem:$0x12];
	(tm) =	ssettm $0x1  }
0x97: {  	s5 =	sld [smem:$0x3FFB];
	_ =	sdelay $0x3  }
0x98: {  	_ =	strace s5  }
0x99: {  	s5 =	sld [smem:$0x3FFC];
	_ =	sdelay $0x3  }
0x9a: {  	_ =	strace s5  }
0x9b: {  	s5 =	sld [smem:$0x3FFD];
	_ =	sdelay $0x3  }
0x9c: {  	_ =	strace s5  }
0x9d: {  	_ =	strace $0x8FFFFFFF  }
0x9e: {  	s19 =	sld [smem:$0x3FDB];
	_ =	sdelay $0x1  }
0x9f: {  	s6 =	simm.s32 $_scs_section_size  }
0xa0: {  	s7 =	simm.s32 $_size__tile_overlayer_lowered;
	s8 =	simm.s32 $_tile_overlayer_lowered  }
0xa1: {  	s22 =	simm.s32 $0x1BFF;
	s21 =	sshll.u32 s8, $0x1;
	s5 =	sadd.s32 s6, s19  }
0xa2: {  	s9 =	simm.s32 $0x0;
	s20 =	sshll.u32 s7, $0x1;
	s7 =	sadd.s32 s21, s5  }
0xa3: {  	[timem:s9], [sflag:s22] =	dma.local [hbm:s7], s20  }
0xa4: {  	_ =	swait.ge [sflag:s22], s20  }
0xa5: {  	s6 =	ssub.s32 $0x0, s20;
	[sflag:s22] =	ssyncset.done $0x0  }
0xa6: {  	[sflag:s22] =	ssyncadd.s32 s6;
	_ =	sdelay $0x1  }
0xa7: {  	s23 =	simm.s32 $0x1B8B  }
0xa8: {  	_ =	swait.ge [sflag:s23], $0x1  }
0xa9: {  	[sflag:s23] =	ssyncset.done $0x0  }
0xaa: {  	s25 =	simm.s32 $0x1B8E;
	s24 =	sld [smem:$0x3FFE];
	[sflag:s23] =	ssyncadd.s32 $0xFFFFFFFF  }
0xab: {  	s26 =	simm.s32 $execute0_lowered;
	[smem:$0x3FD2] =	sst s25  }
0xac: {  	s7 =	sshll.u32 s26, $0x1;
	_ =	strace $0x8000004C;
	[dreg:$0x1] =	wrdreg $0xFFFFFFFF  }
0xad: {  	s28 =	simm.s32 $_size_execute0_lowered;
	s5 =	sadd.s32 s5, s7;
	[dreg:$0x0] =	wrdreg $0x0  }
0xae: {  	s7 =	sshll.u32 s28, $0x1;
	[dreg:$0x2] =	wrdreg s5  }
0xaf: {  	[dreg:$0x3] =	wrdreg s7  }
0xb0: {  	[dreg:$0x4] =	wrdreg $0xC0  }
0xb1: {  	_ =	task [dreg:s9], $0x5FFFF  }
0xb2: {  	[dreg:$0x1] =	wrdreg $0xFFFFFFFF  }
0xb3: {  	[dreg:$0x0] =	wrdreg $0x60  }
0xb4: {  	[dreg:$0x2] =	wrdreg s18  }
0xb5: {  	[dreg:$0x3] =	wrdreg s16  }
0xb6: {  	[dreg:$0x4] =	wrdreg s17  }
0xb7: {  	[dreg:$0x5] =	wrdreg s24  }
0xb8: {  	[dreg:$0x6] =	wrdreg $0xB8000  }
0xb9: {  	[dreg:$0x7] =	wrdreg $0x9  }
0xba: {  	_ =	task.clear_ibuf [dreg:s9], $0x8FFFF;
	_ =	strace $0x9000004C  }
0xbb: {  	s29 =	simm.s32 $0x9;
	_ =	strace $0x8000004E  }
0xbc: {  	_ =	swait.ge [sflag:s29], $0x1  }
0xbd: {  	[sflag:s29] =	ssyncadd.s32 $0xFFFFFFFF  }
0xbe: {  	_ =	strace $0x9000004E  }
0xbf: {  	_ =	sfence  }
0xc0: {  	s30 =	sld [smem:$0x0];
	_ =	sdelay $0x2  }
0xc1: {  	s31 =	sshll.u32 s1, $0xD;
	s1 =	sshrl.u32 s1, $0x2  }
0xc2: {  	s3 =	sand.u32 $0x4000, s31;
	s1 =	sadd.s32 s1, s30  }
0xc3: {  	s0 =	sor.u32 s3, s0;
	s1 =	sshll.u32 s1, $0x11  }
0xc4: {  	s0 =	sor.u32 s1, s0  }
0xc5: {  	s0 =	sadd.s32 $0x8F2B, s0  }
0xc6: {  	[sflag:s0] =	ssyncadd.remote.s32 $0x1  }
0xc7: {  	_ =	sfence.sel $0xFFFF  }
0xc8: {  	[dreg:$0x0] =	wrdreg $0xFFFFFFFF;
	(pc) =	sbr.abs _section_cstart, $3  }
0xc9: {  	[dreg:$0x1] =	wrdreg $0xFFFFFFFF  }
0xca: {  	_ =	task.clear_ibuf [dreg:s9], $0x2FFFF;
	_ =	strace $0x9FFFFFFF  }
0xcb: {  	(tm) =	ssettm $0x7FFFFFFF  }
tec
execute0_lowered:
.L_overlay_start_1:
0x0: {  	(tag) =	ssettag $0x1  }
0x1: {  	s0 =	rddreg [dreg:$0x0]  }
0x2: {  	s1 =	rddreg [dreg:$0x1]  }
0x3: {  	s2 =	rddreg [dreg:$0x2]  }
0x4: {  	s3 =	srdreg.scid;
	s9 =	rddreg [dreg:$0x3]  }
0x5: {  	s8 =	stileid.u32;
	s30 =	simm.s32 $0x0;
	s31 =	simm.s32 $0x2800  }
0x6: {  	s28 =	simm.s32 $0x2;
	s10 =	simm.s32 $0x3400;
	s11 =	simm.s32 $0x3480  }
0x7: {  	s12 =	simm.s32 $0x3500;
	s6 =	sand.u32 $0x1, s3;
	s3 =	rddreg [dreg:$0x4]  }
0x8: {  	s13 =	simm.s32 $0x3580;
	s5 =	smul.u32 $0x14000, s8;
	[smem:$0x7FF] =	sst s30  }
0x9: {  	s7 =	smul.u32 $0x140000, s6;
	s4 =	sshll.u32 s6, $0x4;
	_ =	strace $0x8000004D  }
0xa: {  	s6 =	ssub.s32 $0x2, s6;
	s4 =	sor.u32 s8, s4;
	s8 =	smul.u32 $0x50000, s8  }
0xb: {  	s16 =	sshrl.u32 s6, $0x1;
	s7 =	sadd.s32 s5, s7;
	s14 =	smul.u32 $0x2800, s4  }
0xc: {  	s4 =	simm.s32 $0x3200;
	s7 =	sshrl.u32 s7, $0x3;
	s8 =	sshrl.u32 s8, $0x2  }
0xd: {  	s15 =	sadd.s32 s7, s9;
	s5 =	sshrl.u32 s14, $0x3;
	s17 =	sadd.s32 s8, s3  }
0xe: {  	s7 =	ssub.s32 s6, s16;
	s1 =	sadd.s32 s1, s5;
	[dreg:$0x12] =	wrdreg s17  }
0xf: {  	s6 =	simm.s32 $0x3000;
	s19 =	sadd.s32 $0x4000, s17;
	[dreg:$0x6] =	wrdreg s1  }
0x10: {  	s8 =	simm.s32 $0x3300;
	s20 =	sadd.s32 $0x8000, s17;
	[dreg:$0x8] =	wrdreg s19  }
0x11: {  	s9 =	simm.s32 $0x3380;
	s21 =	sadd.s32 $0xC000, s17;
	[dreg:$0x9] =	wrdreg s20  }
0x12: {  	s14 =	simm.s32 $0x3600;
	s22 =	sadd.s32 $0x10000, s17;
	[dreg:$0xa] =	wrdreg s21  }
0x13: {  	s18 =	sadd.s32 s2, s5;
	s26 =	sadd.s32 $0x2400, s15;
	[dreg:$0xb] =	wrdreg s22  }
0x14: {  	s29 =	smax.u32 s7, $0x1;
	s17 =	simm.s32 $0x0;
	[dreg:$0x7] =	wrdreg s18  }
0x15: {  	s2 =	simm.s32 $0x3180;
	s5 =	simm.s32 $0x3280;
	[dreg:$0x10] =	wrdreg s26  }
0x16: {  	s15 =	simm.s32 $0x3680;
	s23 =	sadd.s32 $0x100, s18;
	[dreg:$0x11] =	wrdreg s29  }
0x17: {  	s24 =	sadd.s32 $0x200, s18;
	s25 =	sadd.s32 $0x300, s18;
	[dreg:$0xc] =	wrdreg s23  }
0x18: {  	s1 =	sadd.s32 $0x400, s18;
	s19 =	simm.s32 $0x3800;
	[dreg:$0xd] =	wrdreg s24  }
0x19: {  	s20 =	simm.s32 $0x4;
	s21 =	simm.s32 $0x1;
	[dreg:$0xe] =	wrdreg s25  }
0x1a: {  	s22 =	simm.s32 $0x3;
	s26 =	simm.s32 $0x3780;
	[dreg:$0xf] =	wrdreg s1  }
0x1b: {  	v0 =	vimm.f32 $0.0e+00;
	s23 =	simm.s32 $0x80;
	s25 =	simm.s32 $0x7800;
	s24 =	simm.s32 $0x2F80  }
.LBB2_1:
0x1c: {  	s7 =	rddreg [dreg:$0x6]  }
0x1d: {  	[tilespmem:s30], [sflag:$0x1] =	stream.linear.gather [hbm4b:s7+s30], $0x2800, $0x38;
	[tilespmem:$0x1F800] =	vst v63  }
0x1e: {  	s29 =	rddreg [dreg:$0x7];
	s16 =	simm.s32 $0x0;
	s7 =	simm.s32 $0x200  }
0x1f: {  	[tilespmem:s31], [sflag:$0x3] =	stream.linear.gather [hbm4b:s29+s30], $0x800, $0x38;
	[tilespmem:$0x1F800] =	vst v63  }
.LBB2_2:
0x20: {  	p0 =	sne.s32 s7, $0xFE00;
	[tilespmem:s16+$0x3870] =	vst v0  }
0x21: {  	[tilespmem:s16+$0x3800] =	vst v0  }
0x22: {  	[tilespmem:s16+$0x3810] =	vst v0  }
.Ltmp0:
0x23: {  	[tilespmem:s16+$0x3820] =	vst v0;
	(pc) =	sbr.rel @p0 .LBB2_2-.Ltmp0, $4  }
0x24: {  	[tilespmem:s16+$0x3830] =	vst v0  }
0x25: {  	[tilespmem:s16+$0x3840] =	vst v0  }
0x26: {  	[tilespmem:s16+$0x3850] =	vst v0  }
0x27: {  	[tilespmem:s16+$0x3860] =	vst v0;
	s16 =	sshra.s32 s7, $0x2;
	s7 =	sadd.s32 $0x200, s7  }
0x28: {  	[tilespmem:s16+$0x3870] =	vst v0  }
0x29: {  	[tilespmem:s16+$0x3800] =	vst v0  }
0x2a: {  	[tilespmem:s16+$0x3810] =	vst v0  }
0x2b: {  	[tilespmem:s16+$0x3820] =	vst v0  }
0x2c: {  	[tilespmem:s16+$0x3830] =	vst v0  }
0x2d: {  	[tilespmem:s16+$0x3840] =	vst v0  }
0x2e: {  	[tilespmem:s16+$0x3850] =	vst v0  }
0x2f: {  	[tilespmem:s16+$0x3860] =	vst v0;
	s18 =	rddreg [dreg:$0x12]  }
0x30: {  	[spmem:s18] =	stream.linear.scatter [tilespmem:s19], [sflag:$0x4], $0x4000, $0x38;
	[tilespmem:$0x1F800] =	vst v63  }
0x31: {  	_ =	swait.ge [sflag:s20], $0x4000  }
0x32: {  	[sflag:s20] =	ssyncset.done $0x0  }
0x33: {  	s7 =	rddreg [dreg:$0x8];
	[sflag:s20] =	ssyncadd.s32 $0xFFFFC000  }
0x34: {  	[spmem:s7] =	stream.linear.scatter [tilespmem:s19], [sflag:$0x4], $0x4000, $0x38;
	[tilespmem:$0x1F800] =	vst v63  }
0x35: {  	_ =	swait.ge [sflag:s20], $0x4000  }
0x36: {  	[sflag:s20] =	ssyncset.done $0x0  }
0x37: {  	s16 =	rddreg [dreg:$0x9];
	[sflag:s20] =	ssyncadd.s32 $0xFFFFC000  }
0x38: {  	[spmem:s16] =	stream.linear.scatter [tilespmem:s19], [sflag:$0x4], $0x4000, $0x38;
	[tilespmem:$0x1F800] =	vst v63  }
0x39: {  	_ =	swait.ge [sflag:s20], $0x4000  }
0x3a: {  	[sflag:s20] =	ssyncset.done $0x0  }
0x3b: {  	s29 =	rddreg [dreg:$0xa];
	[sflag:s20] =	ssyncadd.s32 $0xFFFFC000  }
0x3c: {  	[spmem:s29] =	stream.linear.scatter [tilespmem:s19], [sflag:$0x4], $0x4000, $0x38;
	[tilespmem:$0x1F800] =	vst v63  }
0x3d: {  	_ =	swait.ge [sflag:s20], $0x4000  }
0x3e: {  	[sflag:s20] =	ssyncset.done $0x0  }
0x3f: {  	s1 =	rddreg [dreg:$0xb];
	[sflag:s20] =	ssyncadd.s32 $0xFFFFC000  }
0x40: {  	[spmem:s1] =	stream.linear.scatter [tilespmem:s19], [sflag:$0x4], $0x4000, $0x38;
	[tilespmem:$0x1F800] =	vst v63  }
0x41: {  	_ =	swait.ge [sflag:s20], $0x4000  }
0x42: {  	[sflag:s20] =	ssyncset.done $0x0  }
0x43: {  	[sflag:s20] =	ssyncadd.s32 $0xFFFFC000  }
0x44: {  	_ =	swait.ge [sflag:s21], $0x2800  }
0x45: {  	[sflag:s21] =	ssyncset.done $0x0  }
0x46: {  	[sflag:s21] =	ssyncadd.s32 $0xFFFFD800  }
0x47: {  	_ =	swait.ge [sflag:s22], $0x800  }
0x48: {  	[sflag:s22] =	ssyncset.done $0x0  }
0x49: {  	[sflag:s22] =	ssyncadd.s32 $0xFFFFF800  }
0x4a: {  	[bflag:$0x0] =	sbarrier.arrive $0xFFFF  }
0x4b: {  	[tilespmem:s19], [sflag:$0x1] =	stream.indirect.gather [hbm4b:s0+s23], $0x80, s30, s23, $0xb8;
	[tilespmem:$0x1F800] =	vst v63  }
0x4c: {  	s16 =	rddreg [dreg:$0xc]  }
0x4d: {  	[tilespmem:s6], [sflag:$0x3] =	stream.linear.gather [hbm4b:s16+s30], $0x800, $0x38;
	[tilespmem:$0x1F800] =	vst v63  }
0x4e: {  	_ = 	snop  }
0x4f: {  	[tilespmem:s25], [sflag:$0x2] =	stream.indirect.gather [hbm4b:s0+s23], $0x80, s23, s23, $0xb8;
	[tilespmem:$0x1F800] =	vst v63  }
0x50: {  	_ =	swait.ge [sflag:s21], $0x4000  }
0x51: {  	[sflag:s21] =	ssyncset.done $0x0  }
0x52: {  	[sflag:s21] =	ssyncadd.s32 $0xFFFFC000  }
0x53: {  	[spmem:s3] =	stream.indirect.scatter.add.f32 [tilespmem:s19], [sflag:$0x4], $0x80, s31, s23, $0xb8;
	[tilespmem:$0x1F800] =	vst v63  }
0x54: {  	_ =	swait.ge [sflag:s20], $0x4000  }
0x55: {  	[sflag:s20] =	ssyncset.done $0x0  }
0x56: {  	s29 =	simm.s32 $0x100;
	[sflag:s20] =	ssyncadd.s32 $0xFFFFC000  }
0x57: {  	[tilespmem:s19], [sflag:$0x1] =	stream.indirect.gather [hbm4b:s0+s23], $0x80, s29, s23, $0xb8;
	[tilespmem:$0x1F800] =	vst v63  }
0x58: {  	_ =	swait.ge [sflag:s28], $0x4000  }
0x59: {  	[sflag:s28] =	ssyncset.done $0x0  }
0x5a: {  	s1 =	simm.s32 $0x2880;
	[sflag:s28] =	ssyncadd.s32 $0xFFFFC000  }
0x5b: {  	[spmem:s3] =	stream.indirect.scatter.add.f32 [tilespmem:s25], [sflag:$0x4], $0x80, s1, s23, $0xb8;
	[tilespmem:$0x1F800] =	vst v63  }
0x5c: {  	_ =	swait.ge [sflag:s20], $0x4000  }
0x5d: {  	[sflag:s20] =	ssyncset.done $0x0  }
0x5e: {  	s1 =	simm.s32 $0x180;
	[sflag:s20] =	ssyncadd.s32 $0xFFFFC000  }
0x5f: {  	[tilespmem:s25], [sflag:$0x2] =	stream.indirect.gather [hbm4b:s0+s23], $0x80, s1, s23, $0xb8;
	[tilespmem:$0x1F800] =	vst v63  }
0x60: {  	_ =	swait.ge [sflag:s21], $0x4000  }
0x61: {  	[sflag:s21] =	ssyncset.done $0x0  }
0x62: {  	s7 =	simm.s32 $0x2900;
	[sflag:s21] =	ssyncadd.s32 $0xFFFFC000  }
0x63: {  	[spmem:s3] =	stream.indirect.scatter.add.f32 [tilespmem:s19], [sflag:$0x4], $0x80, s7, s23, $0xb8;
	[tilespmem:$0x1F800] =	vst v63  }
0x64: {  	_ =	swait.ge [sflag:s20], $0x4000  }
0x65: {  	[sflag:s20] =	ssyncset.done $0x0  }
0x66: {  	s16 =	simm.s32 $0x200;
	[sflag:s20] =	ssyncadd.s32 $0xFFFFC000  }
0x67: {  	[tilespmem:s19], [sflag:$0x1] =	stream.indirect.gather [hbm4b:s0+s23], $0x80, s16, s23, $0xb8;
	[tilespmem:$0x1F800] =	vst v63  }
0x68: {  	_ =	swait.ge [sflag:s28], $0x4000  }
0x69: {  	[sflag:s28] =	ssyncset.done $0x0  }
0x6a: {  	s29 =	simm.s32 $0x2980;
	[sflag:s28] =	ssyncadd.s32 $0xFFFFC000  }
0x6b: {  	[spmem:s3] =	stream.indirect.scatter.add.f32 [tilespmem:s25], [sflag:$0x4], $0x80, s29, s23, $0xb8;
	[tilespmem:$0x1F800] =	vst v63  }
0x6c: {  	_ =	swait.ge [sflag:s20], $0x4000  }
0x6d: {  	[sflag:s20] =	ssyncset.done $0x0  }
0x6e: {  	s1 =	simm.s32 $0x280;
	[sflag:s20] =	ssyncadd.s32 $0xFFFFC000  }
0x6f: {  	[tilespmem:s25], [sflag:$0x2] =	stream.indirect.gather [hbm4b:s0+s23], $0x80, s1, s23, $0xb8;
	[tilespmem:$0x1F800] =	vst v63  }
0x70: {  	_ =	swait.ge [sflag:s21], $0x4000  }
0x71: {  	[sflag:s21] =	ssyncset.done $0x0  }
0x72: {  	s7 =	simm.s32 $0x2A00;
	[sflag:s21] =	ssyncadd.s32 $0xFFFFC000  }
0x73: {  	[spmem:s3] =	stream.indirect.scatter.add.f32 [tilespmem:s19], [sflag:$0x4], $0x80, s7, s23, $0xb8;
	[tilespmem:$0x1F800] =	vst v63  }
0x74: {  	_ =	swait.ge [sflag:s20], $0x4000  }
0x75: {  	[sflag:s20] =	ssyncset.done $0x0  }
0x76: {  	s16 =	simm.s32 $0x300;
	[sflag:s20] =	ssyncadd.s32 $0xFFFFC000  }
0x77: {  	[tilespmem:s19], [sflag:$0x1] =	stream.indirect.gather [hbm4b:s0+s23], $0x80, s16, s23, $0xb8;
	[tilespmem:$0x1F800] =	vst v63  }
0x78: {  	_ =	swait.ge [sflag:s28], $0x4000  }
0x79: {  	[sflag:s28] =	ssyncset.done $0x0  }
0x7a: {  	s29 =	simm.s32 $0x2A80;
	[sflag:s28] =	ssyncadd.s32 $0xFFFFC000  }
0x7b: {  	[spmem:s3] =	stream.indirect.scatter.add.f32 [tilespmem:s25], [sflag:$0x4], $0x80, s29, s23, $0xb8;
	[tilespmem:$0x1F800] =	vst v63  }
0x7c: {  	_ =	swait.ge [sflag:s20], $0x4000  }
0x7d: {  	[sflag:s20] =	ssyncset.done $0x0  }
0x7e: {  	s1 =	simm.s32 $0x380;
	[sflag:s20] =	ssyncadd.s32 $0xFFFFC000  }
0x7f: {  	[tilespmem:s25], [sflag:$0x2] =	stream.indirect.gather [hbm4b:s0+s23], $0x80, s1, s23, $0xb8;
	[tilespmem:$0x1F800] =	vst v63  }
0x80: {  	_ =	swait.ge [sflag:s21], $0x4000  }
0x81: {  	[sflag:s21] =	ssyncset.done $0x0  }
0x82: {  	s7 =	simm.s32 $0x2B00;
	[sflag:s21] =	ssyncadd.s32 $0xFFFFC000  }
0x83: {  	[spmem:s3] =	stream.indirect.scatter.add.f32 [tilespmem:s19], [sflag:$0x4], $0x80, s7, s23, $0xb8;
	[tilespmem:$0x1F800] =	vst v63  }
0x84: {  	_ =	swait.ge [sflag:s20], $0x4000  }
0x85: {  	[sflag:s20] =	ssyncset.done $0x0  }
0x86: {  	s16 =	simm.s32 $0x400;
	[sflag:s20] =	ssyncadd.s32 $0xFFFFC000  }
0x87: {  	[tilespmem:s19], [sflag:$0x1] =	stream.indirect.gather [hbm4b:s0+s23], $0x80, s16, s23, $0xb8;
	[tilespmem:$0x1F800] =	vst v63  }
0x88: {  	_ =	swait.ge [sflag:s28], $0x4000  }
0x89: {  	[sflag:s28] =	ssyncset.done $0x0  }
0x8a: {  	s29 =	simm.s32 $0x2B80;
	[sflag:s28] =	ssyncadd.s32 $0xFFFFC000  }
0x8b: {  	[spmem:s3] =	stream.indirect.scatter.add.f32 [tilespmem:s25], [sflag:$0x4], $0x80, s29, s23, $0xb8;
	[tilespmem:$0x1F800] =	vst v63  }
0x8c: {  	_ =	swait.ge [sflag:s20], $0x4000  }
0x8d: {  	[sflag:s20] =	ssyncset.done $0x0  }
0x8e: {  	s1 =	simm.s32 $0x480;
	[sflag:s20] =	ssyncadd.s32 $0xFFFFC000  }
0x8f: {  	[tilespmem:s25], [sflag:$0x2] =	stream.indirect.gather [hbm4b:s0+s23], $0x80, s1, s23, $0xb8;
	[tilespmem:$0x1F800] =	vst v63  }
0x90: {  	_ =	swait.ge [sflag:s21], $0x4000  }
0x91: {  	[sflag:s21] =	ssyncset.done $0x0  }
0x92: {  	s7 =	simm.s32 $0x2C00;
	[sflag:s21] =	ssyncadd.s32 $0xFFFFC000  }
0x93: {  	[spmem:s3] =	stream.indirect.scatter.add.f32 [tilespmem:s19], [sflag:$0x4], $0x80, s7, s23, $0xb8;
	[tilespmem:$0x1F800] =	vst v63  }
0x94: {  	_ =	swait.ge [sflag:s20], $0x4000  }
0x95: {  	[sflag:s20] =	ssyncset.done $0x0  }
0x96: {  	s16 =	simm.s32 $0x500;
	[sflag:s20] =	ssyncadd.s32 $0xFFFFC000  }
0x97: {  	[tilespmem:s19], [sflag:$0x1] =	stream.indirect.gather [hbm4b:s0+s23], $0x80, s16, s23, $0xb8;
	[tilespmem:$0x1F800] =	vst v63  }
0x98: {  	_ =	swait.ge [sflag:s28], $0x4000  }
0x99: {  	[sflag:s28] =	ssyncset.done $0x0  }
0x9a: {  	s29 =	simm.s32 $0x2C80;
	[sflag:s28] =	ssyncadd.s32 $0xFFFFC000  }
0x9b: {  	[spmem:s3] =	stream.indirect.scatter.add.f32 [tilespmem:s25], [sflag:$0x4], $0x80, s29, s23, $0xb8;
	[tilespmem:$0x1F800] =	vst v63  }
0x9c: {  	_ =	swait.ge [sflag:s20], $0x4000  }
0x9d: {  	[sflag:s20] =	ssyncset.done $0x0  }
0x9e: {  	s1 =	simm.s32 $0x580;
	[sflag:s20] =	ssyncadd.s32 $0xFFFFC000  }
0x9f: {  	[tilespmem:s25], [sflag:$0x2] =	stream.indirect.gather [hbm4b:s0+s23], $0x80, s1, s23, $0xb8;
	[tilespmem:$0x1F800] =	vst v63  }
0xa0: {  	_ =	swait.ge [sflag:s21], $0x4000  }
0xa1: {  	[sflag:s21] =	ssyncset.done $0x0  }
0xa2: {  	s7 =	simm.s32 $0x2D00;
	[sflag:s21] =	ssyncadd.s32 $0xFFFFC000  }
0xa3: {  	[spmem:s3] =	stream.indirect.scatter.add.f32 [tilespmem:s19], [sflag:$0x4], $0x80, s7, s23, $0xb8;
	[tilespmem:$0x1F800] =	vst v63  }
0xa4: {  	_ =	swait.ge [sflag:s20], $0x4000  }
0xa5: {  	[sflag:s20] =	ssyncset.done $0x0  }
0xa6: {  	s16 =	simm.s32 $0x600;
	[sflag:s20] =	ssyncadd.s32 $0xFFFFC000  }
0xa7: {  	[tilespmem:s19], [sflag:$0x1] =	stream.indirect.gather [hbm4b:s0+s23], $0x80, s16, s23, $0xb8;
	[tilespmem:$0x1F800] =	vst v63  }
0xa8: {  	_ =	swait.ge [sflag:s28], $0x4000  }
0xa9: {  	[sflag:s28] =	ssyncset.done $0x0  }
0xaa: {  	s29 =	simm.s32 $0x2D80;
	[sflag:s28] =	ssyncadd.s32 $0xFFFFC000  }
0xab: {  	[spmem:s3] =	stream.indirect.scatter.add.f32 [tilespmem:s25], [sflag:$0x4], $0x80, s29, s23, $0xb8;
	[tilespmem:$0x1F800] =	vst v63  }
0xac: {  	_ =	swait.ge [sflag:s20], $0x4000  }
0xad: {  	[sflag:s20] =	ssyncset.done $0x0  }
0xae: {  	s1 =	simm.s32 $0x680;
	[sflag:s20] =	ssyncadd.s32 $0xFFFFC000  }
0xaf: {  	[tilespmem:s25], [sflag:$0x2] =	stream.indirect.gather [hbm4b:s0+s23], $0x80, s1, s23, $0xb8;
	[tilespmem:$0x1F800] =	vst v63  }
0xb0: {  	_ =	swait.ge [sflag:s21], $0x4000  }
0xb1: {  	[sflag:s21] =	ssyncset.done $0x0  }
0xb2: {  	s7 =	simm.s32 $0x2E00;
	[sflag:s21] =	ssyncadd.s32 $0xFFFFC000  }
0xb3: {  	[spmem:s3] =	stream.indirect.scatter.add.f32 [tilespmem:s19], [sflag:$0x4], $0x80, s7, s23, $0xb8;
	[tilespmem:$0x1F800] =	vst v63  }
0xb4: {  	_ =	swait.ge [sflag:s20], $0x4000  }
0xb5: {  	[sflag:s20] =	ssyncset.done $0x0  }
0xb6: {  	s16 =	simm.s32 $0x700;
	[sflag:s20] =	ssyncadd.s32 $0xFFFFC000  }
0xb7: {  	[tilespmem:s19], [sflag:$0x1] =	stream.indirect.gather [hbm4b:s0+s23], $0x80, s16, s23, $0xb8;
	[tilespmem:$0x1F800] =	vst v63  }
0xb8: {  	_ =	swait.ge [sflag:s28], $0x4000  }
0xb9: {  	[sflag:s28] =	ssyncset.done $0x0  }
0xba: {  	s29 =	simm.s32 $0x2E80;
	[sflag:s28] =	ssyncadd.s32 $0xFFFFC000  }
0xbb: {  	[spmem:s3] =	stream.indirect.scatter.add.f32 [tilespmem:s25], [sflag:$0x4], $0x80, s29, s23, $0xb8;
	[tilespmem:$0x1F800] =	vst v63  }
0xbc: {  	_ =	swait.ge [sflag:s20], $0x4000  }
0xbd: {  	[sflag:s20] =	ssyncset.done $0x0  }
0xbe: {  	s1 =	simm.s32 $0x780;
	[sflag:s20] =	ssyncadd.s32 $0xFFFFC000  }
0xbf: {  	[tilespmem:s25], [sflag:$0x2] =	stream.indirect.gather [hbm4b:s0+s23], $0x80, s1, s23, $0xb8;
	[tilespmem:$0x1F800] =	vst v63  }
0xc0: {  	_ =	swait.ge [sflag:s21], $0x4000  }
0xc1: {  	[sflag:s21] =	ssyncset.done $0x0  }
0xc2: {  	s16 =	simm.s32 $0x2F00;
	[sflag:s21] =	ssyncadd.s32 $0xFFFFC000  }
0xc3: {  	[spmem:s3] =	stream.indirect.scatter.add.f32 [tilespmem:s19], [sflag:$0x4], $0x80, s16, s23, $0xb8;
	[tilespmem:$0x1F800] =	vst v63  }
0xc4: {  	_ =	swait.ge [sflag:s20], $0x4000  }
0xc5: {  	[sflag:s20] =	ssyncset.done $0x0  }
0xc6: {  	s29 =	simm.s32 $0x800;
	[sflag:s20] =	ssyncadd.s32 $0xFFFFC000  }
0xc7: {  	[tilespmem:s19], [sflag:$0x1] =	stream.indirect.gather [hbm4b:s0+s23], $0x80, s29, s23, $0xb8;
	[tilespmem:$0x1F800] =	vst v63  }
0xc8: {  	_ =	swait.ge [sflag:s28], $0x4000  }
0xc9: {  	[sflag:s28] =	ssyncset.done $0x0  }
0xca: {  	[sflag:s28] =	ssyncadd.s32 $0xFFFFC000  }
0xcb: {  	[spmem:s3] =	stream.indirect.scatter.add.f32 [tilespmem:s25], [sflag:$0x4], $0x80, s24, s23, $0xb8;
	[tilespmem:$0x1F800] =	vst v63  }
0xcc: {  	_ =	swait.ge [sflag:s20], $0x4000  }
0xcd: {  	[sflag:s20] =	ssyncset.done $0x0  }
0xce: {  	[sflag:s20] =	ssyncadd.s32 $0xFFFFC000  }
0xcf: {  	_ =	swait.ge [sflag:s22], $0x800  }
0xd0: {  	[sflag:s22] =	ssyncset.done $0x0  }
0xd1: {  	s1 =	rddreg [dreg:$0xd];
	[sflag:s22] =	ssyncadd.s32 $0xFFFFF800  }
0xd2: {  	[tilespmem:s31], [sflag:$0x3] =	stream.linear.gather [hbm4b:s1+s30], $0x800, $0x38;
	[tilespmem:$0x1F800] =	vst v63  }
0xd3: {  	s16 =	simm.s32 $0x880  }
0xd4: {  	[tilespmem:s25], [sflag:$0x2] =	stream.indirect.gather [hbm4b:s0+s23], $0x80, s16, s23, $0xb8;
	[tilespmem:$0x1F800] =	vst v63  }
0xd5: {  	_ =	swait.ge [sflag:s21], $0x4000  }
0xd6: {  	[sflag:s21] =	ssyncset.done $0x0  }
0xd7: {  	[sflag:s21] =	ssyncadd.s32 $0xFFFFC000  }
0xd8: {  	[spmem:s3] =	stream.indirect.scatter.add.f32 [tilespmem:s19], [sflag:$0x4], $0x80, s6, s23, $0xb8;
	[tilespmem:$0x1F800] =	vst v63  }
0xd9: {  	_ =	swait.ge [sflag:s20], $0x4000  }
0xda: {  	[sflag:s20] =	ssyncset.done $0x0  }
0xdb: {  	s29 =	simm.s32 $0x900;
	[sflag:s20] =	ssyncadd.s32 $0xFFFFC000  }
0xdc: {  	[tilespmem:s19], [sflag:$0x1] =	stream.indirect.gather [hbm4b:s0+s23], $0x80, s29, s23, $0xb8;
	[tilespmem:$0x1F800] =	vst v63  }
0xdd: {  	_ =	swait.ge [sflag:s28], $0x4000  }
0xde: {  	[sflag:s28] =	ssyncset.done $0x0  }
0xdf: {  	s29 =	simm.s32 $0x3080;
	[sflag:s28] =	ssyncadd.s32 $0xFFFFC000  }
0xe0: {  	[spmem:s3] =	stream.indirect.scatter.add.f32 [tilespmem:s25], [sflag:$0x4], $0x80, s29, s23, $0xb8;
	[tilespmem:$0x1F800] =	vst v63  }
0xe1: {  	_ =	swait.ge [sflag:s20], $0x4000  }
0xe2: {  	[sflag:s20] =	ssyncset.done $0x0  }
0xe3: {  	s1 =	simm.s32 $0x980;
	[sflag:s20] =	ssyncadd.s32 $0xFFFFC000  }
0xe4: {  	[tilespmem:s25], [sflag:$0x2] =	stream.indirect.gather [hbm4b:s0+s23], $0x80, s1, s23, $0xb8;
	[tilespmem:$0x1F800] =	vst v63  }
0xe5: {  	_ =	swait.ge [sflag:s21], $0x4000  }
0xe6: {  	[sflag:s21] =	ssyncset.done $0x0  }
0xe7: {  	s31 =	simm.s32 $0x3100;
	[sflag:s21] =	ssyncadd.s32 $0xFFFFC000  }
0xe8: {  	[spmem:s3] =	stream.indirect.scatter.add.f32 [tilespmem:s19], [sflag:$0x4], $0x80, s31, s23, $0xb8;
	[tilespmem:$0x1F800] =	vst v63  }
0xe9: {  	_ =	swait.ge [sflag:s20], $0x4000  }
0xea: {  	[sflag:s20] =	ssyncset.done $0x0  }
0xeb: {  	s16 =	simm.s32 $0xA00;
	[sflag:s20] =	ssyncadd.s32 $0xFFFFC000  }
0xec: {  	[tilespmem:s19], [sflag:$0x1] =	stream.indirect.gather [hbm4b:s0+s23], $0x80, s16, s23, $0xb8;
	[tilespmem:$0x1F800] =	vst v63  }
0xed: {  	_ =	swait.ge [sflag:s28], $0x4000  }
0xee: {  	[sflag:s28] =	ssyncset.done $0x0  }
0xef: {  	[sflag:s28] =	ssyncadd.s32 $0xFFFFC000  }
0xf0: {  	[spmem:s3] =	stream.indirect.scatter.add.f32 [tilespmem:s25], [sflag:$0x4], $0x80, s2, s23, $0xb8;
	[tilespmem:$0x1F800] =	vst v63  }
0xf1: {  	_ =	swait.ge [sflag:s20], $0x4000  }
0xf2: {  	[sflag:s20] =	ssyncset.done $0x0  }
0xf3: {  	s16 =	simm.s32 $0xA80;
	[sflag:s20] =	ssyncadd.s32 $0xFFFFC000  }
0xf4: {  	[tilespmem:s25], [sflag:$0x2] =	stream.indirect.gather [hbm4b:s0+s23], $0x80, s16, s23, $0xb8;
	[tilespmem:$0x1F800] =	vst v63  }
0xf5: {  	_ =	swait.ge [sflag:s21], $0x4000  }
0xf6: {  	[sflag:s21] =	ssyncset.done $0x0  }
0xf7: {  	[sflag:s21] =	ssyncadd.s32 $0xFFFFC000  }
0xf8: {  	[spmem:s3] =	stream.indirect.scatter.add.f32 [tilespmem:s19], [sflag:$0x4], $0x80, s4, s23, $0xb8;
	[tilespmem:$0x1F800] =	vst v63  }
0xf9: {  	_ =	swait.ge [sflag:s20], $0x4000  }
0xfa: {  	[sflag:s20] =	ssyncset.done $0x0  }
0xfb: {  	s16 =	simm.s32 $0xB00;
	[sflag:s20] =	ssyncadd.s32 $0xFFFFC000  }
0xfc: {  	[tilespmem:s19], [sflag:$0x1] =	stream.indirect.gather [hbm4b:s0+s23], $0x80, s16, s23, $0xb8;
	[tilespmem:$0x1F800] =	vst v63  }
0xfd: {  	_ =	swait.ge [sflag:s28], $0x4000  }
0xfe: {  	[sflag:s28] =	ssyncset.done $0x0  }
0xff: {  	[sflag:s28] =	ssyncadd.s32 $0xFFFFC000  }
0x100: {  	[spmem:s3] =	stream.indirect.scatter.add.f32 [tilespmem:s25], [sflag:$0x4], $0x80, s5, s23, $0xb8;
	[tilespmem:$0x1F800] =	vst v63  }
0x101: {  	_ =	swait.ge [sflag:s20], $0x4000  }
0x102: {  	[sflag:s20] =	ssyncset.done $0x0  }
0x103: {  	s16 =	simm.s32 $0xB80;
	[sflag:s20] =	ssyncadd.s32 $0xFFFFC000  }
0x104: {  	[tilespmem:s25], [sflag:$0x2] =	stream.indirect.gather [hbm4b:s0+s23], $0x80, s16, s23, $0xb8;
	[tilespmem:$0x1F800] =	vst v63  }
0x105: {  	_ =	swait.ge [sflag:s21], $0x4000  }
0x106: {  	[sflag:s21] =	ssyncset.done $0x0  }
0x107: {  	[sflag:s21] =	ssyncadd.s32 $0xFFFFC000  }
0x108: {  	[spmem:s3] =	stream.indirect.scatter.add.f32 [tilespmem:s19], [sflag:$0x4], $0x80, s8, s23, $0xb8;
	[tilespmem:$0x1F800] =	vst v63  }
0x109: {  	_ =	swait.ge [sflag:s20], $0x4000  }
0x10a: {  	[sflag:s20] =	ssyncset.done $0x0  }
0x10b: {  	s16 =	simm.s32 $0xC00;
	[sflag:s20] =	ssyncadd.s32 $0xFFFFC000  }
0x10c: {  	[tilespmem:s19], [sflag:$0x1] =	stream.indirect.gather [hbm4b:s0+s23], $0x80, s16, s23, $0xb8;
	[tilespmem:$0x1F800] =	vst v63  }
0x10d: {  	_ =	swait.ge [sflag:s28], $0x4000  }
0x10e: {  	[sflag:s28] =	ssyncset.done $0x0  }
0x10f: {  	[sflag:s28] =	ssyncadd.s32 $0xFFFFC000  }
0x110: {  	[spmem:s3] =	stream.indirect.scatter.add.f32 [tilespmem:s25], [sflag:$0x4], $0x80, s9, s23, $0xb8;
	[tilespmem:$0x1F800] =	vst v63  }
0x111: {  	_ =	swait.ge [sflag:s20], $0x4000  }
0x112: {  	[sflag:s20] =	ssyncset.done $0x0  }
0x113: {  	s16 =	simm.s32 $0xC80;
	[sflag:s20] =	ssyncadd.s32 $0xFFFFC000  }
0x114: {  	[tilespmem:s25], [sflag:$0x2] =	stream.indirect.gather [hbm4b:s0+s23], $0x80, s16, s23, $0xb8;
	[tilespmem:$0x1F800] =	vst v63  }
0x115: {  	_ =	swait.ge [sflag:s21], $0x4000  }
0x116: {  	[sflag:s21] =	ssyncset.done $0x0  }
0x117: {  	[sflag:s21] =	ssyncadd.s32 $0xFFFFC000  }
0x118: {  	[spmem:s3] =	stream.indirect.scatter.add.f32 [tilespmem:s19], [sflag:$0x4], $0x80, s10, s23, $0xb8;
	[tilespmem:$0x1F800] =	vst v63  }
0x119: {  	_ =	swait.ge [sflag:s20], $0x4000  }
0x11a: {  	[sflag:s20] =	ssyncset.done $0x0  }
0x11b: {  	s16 =	simm.s32 $0xD00;
	[sflag:s20] =	ssyncadd.s32 $0xFFFFC000  }
0x11c: {  	[tilespmem:s19], [sflag:$0x1] =	stream.indirect.gather [hbm4b:s0+s23], $0x80, s16, s23, $0xb8;
	[tilespmem:$0x1F800] =	vst v63  }
0x11d: {  	_ =	swait.ge [sflag:s28], $0x4000  }
0x11e: {  	[sflag:s28] =	ssyncset.done $0x0  }
0x11f: {  	[sflag:s28] =	ssyncadd.s32 $0xFFFFC000  }
0x120: {  	[spmem:s3] =	stream.indirect.scatter.add.f32 [tilespmem:s25], [sflag:$0x4], $0x80, s11, s23, $0xb8;
	[tilespmem:$0x1F800] =	vst v63  }
0x121: {  	_ =	swait.ge [sflag:s20], $0x4000  }
0x122: {  	[sflag:s20] =	ssyncset.done $0x0  }
0x123: {  	s16 =	simm.s32 $0xD80;
	[sflag:s20] =	ssyncadd.s32 $0xFFFFC000  }
0x124: {  	[tilespmem:s25], [sflag:$0x2] =	stream.indirect.gather [hbm4b:s0+s23], $0x80, s16, s23, $0xb8;
	[tilespmem:$0x1F800] =	vst v63  }
0x125: {  	_ =	swait.ge [sflag:s21], $0x4000  }
0x126: {  	[sflag:s21] =	ssyncset.done $0x0  }
0x127: {  	[sflag:s21] =	ssyncadd.s32 $0xFFFFC000  }
0x128: {  	[spmem:s3] =	stream.indirect.scatter.add.f32 [tilespmem:s19], [sflag:$0x4], $0x80, s12, s23, $0xb8;
	[tilespmem:$0x1F800] =	vst v63  }
0x129: {  	_ =	swait.ge [sflag:s20], $0x4000  }
0x12a: {  	[sflag:s20] =	ssyncset.done $0x0  }
0x12b: {  	s16 =	simm.s32 $0xE00;
	[sflag:s20] =	ssyncadd.s32 $0xFFFFC000  }
0x12c: {  	[tilespmem:s19], [sflag:$0x1] =	stream.indirect.gather [hbm4b:s0+s23], $0x80, s16, s23, $0xb8;
	[tilespmem:$0x1F800] =	vst v63  }
0x12d: {  	_ =	swait.ge [sflag:s28], $0x4000  }
0x12e: {  	[sflag:s28] =	ssyncset.done $0x0  }
0x12f: {  	[sflag:s28] =	ssyncadd.s32 $0xFFFFC000  }
0x130: {  	[spmem:s3] =	stream.indirect.scatter.add.f32 [tilespmem:s25], [sflag:$0x4], $0x80, s13, s23, $0xb8;
	[tilespmem:$0x1F800] =	vst v63  }
0x131: {  	_ =	swait.ge [sflag:s20], $0x4000  }
0x132: {  	[sflag:s20] =	ssyncset.done $0x0  }
0x133: {  	s16 =	simm.s32 $0xE80;
	[sflag:s20] =	ssyncadd.s32 $0xFFFFC000  }
0x134: {  	[tilespmem:s25], [sflag:$0x2] =	stream.indirect.gather [hbm4b:s0+s23], $0x80, s16, s23, $0xb8;
	[tilespmem:$0x1F800] =	vst v63  }
0x135: {  	_ =	swait.ge [sflag:s21], $0x4000  }
0x136: {  	[sflag:s21] =	ssyncset.done $0x0  }
0x137: {  	[sflag:s21] =	ssyncadd.s32 $0xFFFFC000  }
0x138: {  	[spmem:s3] =	stream.indirect.scatter.add.f32 [tilespmem:s19], [sflag:$0x4], $0x80, s14, s23, $0xb8;
	[tilespmem:$0x1F800] =	vst v63  }
0x139: {  	_ =	swait.ge [sflag:s20], $0x4000  }
0x13a: {  	[sflag:s20] =	ssyncset.done $0x0  }
0x13b: {  	s16 =	simm.s32 $0xF00;
	[sflag:s20] =	ssyncadd.s32 $0xFFFFC000  }
0x13c: {  	[tilespmem:s19], [sflag:$0x1] =	stream.indirect.gather [hbm4b:s0+s23], $0x80, s16, s23, $0xb8;
	[tilespmem:$0x1F800] =	vst v63  }
0x13d: {  	_ =	swait.ge [sflag:s28], $0x4000  }
0x13e: {  	[sflag:s28] =	ssyncset.done $0x0  }
0x13f: {  	[sflag:s28] =	ssyncadd.s32 $0xFFFFC000  }
0x140: {  	[spmem:s3] =	stream.indirect.scatter.add.f32 [tilespmem:s25], [sflag:$0x4], $0x80, s15, s23, $0xb8;
	[tilespmem:$0x1F800] =	vst v63  }
0x141: {  	_ =	swait.ge [sflag:s20], $0x4000  }
0x142: {  	[sflag:s20] =	ssyncset.done $0x0  }
0x143: {  	s16 =	simm.s32 $0xF80;
	[sflag:s20] =	ssyncadd.s32 $0xFFFFC000  }
0x144: {  	[tilespmem:s25], [sflag:$0x2] =	stream.indirect.gather [hbm4b:s0+s23], $0x80, s16, s23, $0xb8;
	[tilespmem:$0x1F800] =	vst v63  }
0x145: {  	_ =	swait.ge [sflag:s21], $0x4000  }
0x146: {  	[sflag:s21] =	ssyncset.done $0x0  }
0x147: {  	s16 =	simm.s32 $0x3700;
	[sflag:s21] =	ssyncadd.s32 $0xFFFFC000  }
0x148: {  	[spmem:s3] =	stream.indirect.scatter.add.f32 [tilespmem:s19], [sflag:$0x4], $0x80, s16, s23, $0xb8;
	[tilespmem:$0x1F800] =	vst v63  }
0x149: {  	_ =	swait.ge [sflag:s20], $0x4000  }
0x14a: {  	[sflag:s20] =	ssyncset.done $0x0  }
0x14b: {  	s7 =	simm.s32 $0x1000;
	[sflag:s20] =	ssyncadd.s32 $0xFFFFC000  }
0x14c: {  	[tilespmem:s19], [sflag:$0x1] =	stream.indirect.gather [hbm4b:s0+s23], $0x80, s7, s23, $0xb8;
	[tilespmem:$0x1F800] =	vst v63  }
0x14d: {  	_ =	swait.ge [sflag:s28], $0x4000  }
0x14e: {  	[sflag:s28] =	ssyncset.done $0x0  }
0x14f: {  	[sflag:s28] =	ssyncadd.s32 $0xFFFFC000  }
0x150: {  	[spmem:s3] =	stream.indirect.scatter.add.f32 [tilespmem:s25], [sflag:$0x4], $0x80, s26, s23, $0xb8;
	[tilespmem:$0x1F800] =	vst v63  }
0x151: {  	_ =	swait.ge [sflag:s20], $0x4000  }
0x152: {  	[sflag:s20] =	ssyncset.done $0x0  }
0x153: {  	[sflag:s20] =	ssyncadd.s32 $0xFFFFC000  }
0x154: {  	_ =	swait.ge [sflag:s22], $0x800  }
0x155: {  	[sflag:s22] =	ssyncset.done $0x0  }
0x156: {  	s7 =	rddreg [dreg:$0xe];
	[sflag:s22] =	ssyncadd.s32 $0xFFFFF800  }
0x157: {  	[tilespmem:s6], [sflag:$0x3] =	stream.linear.gather [hbm4b:s7+s30], $0x800, $0x38;
	[tilespmem:$0x1F800] =	vst v63  }
0x158: {  	s7 =	simm.s32 $0x1080  }
0x159: {  	[tilespmem:s25], [sflag:$0x2] =	stream.indirect.gather [hbm4b:s0+s23], $0x80, s7, s23, $0xb8;
	[tilespmem:$0x1F800] =	vst v63  }
0x15a: {  	_ =	swait.ge [sflag:s21], $0x4000  }
0x15b: {  	[sflag:s21] =	ssyncset.done $0x0  }
0x15c: {  	s1 =	simm.s32 $0x2800;
	[sflag:s21] =	ssyncadd.s32 $0xFFFFC000  }
0x15d: {  	[spmem:s3] =	stream.indirect.scatter.add.f32 [tilespmem:s19], [sflag:$0x4], $0x80, s1, s23, $0xb8;
	[tilespmem:$0x1F800] =	vst v63  }
0x15e: {  	_ =	swait.ge [sflag:s20], $0x4000  }
0x15f: {  	[sflag:s20] =	ssyncset.done $0x0  }
0x160: {  	s7 =	simm.s32 $0x1100;
	[sflag:s20] =	ssyncadd.s32 $0xFFFFC000  }
0x161: {  	[tilespmem:s19], [sflag:$0x1] =	stream.indirect.gather [hbm4b:s0+s23], $0x80, s7, s23, $0xb8;
	[tilespmem:$0x1F800] =	vst v63  }
0x162: {  	_ =	swait.ge [sflag:s28], $0x4000  }
0x163: {  	[sflag:s28] =	ssyncset.done $0x0  }
0x164: {  	s7 =	simm.s32 $0x2880;
	[sflag:s28] =	ssyncadd.s32 $0xFFFFC000  }
0x165: {  	[spmem:s3] =	stream.indirect.scatter.add.f32 [tilespmem:s25], [sflag:$0x4], $0x80, s7, s23, $0xb8;
	[tilespmem:$0x1F800] =	vst v63  }
0x166: {  	_ =	swait.ge [sflag:s20], $0x4000  }
0x167: {  	[sflag:s20] =	ssyncset.done $0x0  }
0x168: {  	s7 =	simm.s32 $0x1180;
	[sflag:s20] =	ssyncadd.s32 $0xFFFFC000  }
0x169: {  	[tilespmem:s25], [sflag:$0x2] =	stream.indirect.gather [hbm4b:s0+s23], $0x80, s7, s23, $0xb8;
	[tilespmem:$0x1F800] =	vst v63  }
0x16a: {  	_ =	swait.ge [sflag:s21], $0x4000  }
0x16b: {  	[sflag:s21] =	ssyncset.done $0x0  }
0x16c: {  	s7 =	simm.s32 $0x2900;
	[sflag:s21] =	ssyncadd.s32 $0xFFFFC000  }
0x16d: {  	[spmem:s3] =	stream.indirect.scatter.add.f32 [tilespmem:s19], [sflag:$0x4], $0x80, s7, s23, $0xb8;
	[tilespmem:$0x1F800] =	vst v63  }
0x16e: {  	_ =	swait.ge [sflag:s20], $0x4000  }
0x16f: {  	[sflag:s20] =	ssyncset.done $0x0  }
0x170: {  	s7 =	simm.s32 $0x1200;
	[sflag:s20] =	ssyncadd.s32 $0xFFFFC000  }
0x171: {  	[tilespmem:s19], [sflag:$0x1] =	stream.indirect.gather [hbm4b:s0+s23], $0x80, s7, s23, $0xb8;
	[tilespmem:$0x1F800] =	vst v63  }
0x172: {  	_ =	swait.ge [sflag:s28], $0x4000  }
0x173: {  	[sflag:s28] =	ssyncset.done $0x0  }
0x174: {  	s7 =	simm.s32 $0x2980;
	[sflag:s28] =	ssyncadd.s32 $0xFFFFC000  }
0x175: {  	[spmem:s3] =	stream.indirect.scatter.add.f32 [tilespmem:s25], [sflag:$0x4], $0x80, s7, s23, $0xb8;
	[tilespmem:$0x1F800] =	vst v63  }
0x176: {  	_ =	swait.ge [sflag:s20], $0x4000  }
0x177: {  	[sflag:s20] =	ssyncset.done $0x0  }
0x178: {  	s7 =	simm.s32 $0x1280;
	[sflag:s20] =	ssyncadd.s32 $0xFFFFC000  }
0x179: {  	[tilespmem:s25], [sflag:$0x2] =	stream.indirect.gather [hbm4b:s0+s23], $0x80, s7, s23, $0xb8;
	[tilespmem:$0x1F800] =	vst v63  }
0x17a: {  	_ =	swait.ge [sflag:s21], $0x4000  }
0x17b: {  	[sflag:s21] =	ssyncset.done $0x0  }
0x17c: {  	s7 =	simm.s32 $0x2A00;
	[sflag:s21] =	ssyncadd.s32 $0xFFFFC000  }
0x17d: {  	[spmem:s3] =	stream.indirect.scatter.add.f32 [tilespmem:s19], [sflag:$0x4], $0x80, s7, s23, $0xb8;
	[tilespmem:$0x1F800] =	vst v63  }
0x17e: {  	_ =	swait.ge [sflag:s20], $0x4000  }
0x17f: {  	[sflag:s20] =	ssyncset.done $0x0  }
0x180: {  	s7 =	simm.s32 $0x1300;
	[sflag:s20] =	ssyncadd.s32 $0xFFFFC000  }
0x181: {  	[tilespmem:s19], [sflag:$0x1] =	stream.indirect.gather [hbm4b:s0+s23], $0x80, s7, s23, $0xb8;
	[tilespmem:$0x1F800] =	vst v63  }
0x182: {  	_ =	swait.ge [sflag:s28], $0x4000  }
0x183: {  	[sflag:s28] =	ssyncset.done $0x0  }
0x184: {  	s7 =	simm.s32 $0x2A80;
	[sflag:s28] =	ssyncadd.s32 $0xFFFFC000  }
0x185: {  	[spmem:s3] =	stream.indirect.scatter.add.f32 [tilespmem:s25], [sflag:$0x4], $0x80, s7, s23, $0xb8;
	[tilespmem:$0x1F800] =	vst v63  }
0x186: {  	_ =	swait.ge [sflag:s20], $0x4000  }
0x187: {  	[sflag:s20] =	ssyncset.done $0x0  }
0x188: {  	s7 =	simm.s32 $0x1380;
	[sflag:s20] =	ssyncadd.s32 $0xFFFFC000  }
0x189: {  	[tilespmem:s25], [sflag:$0x2] =	stream.indirect.gather [hbm4b:s0+s23], $0x80, s7, s23, $0xb8;
	[tilespmem:$0x1F800] =	vst v63  }
0x18a: {  	_ =	swait.ge [sflag:s21], $0x4000  }
0x18b: {  	[sflag:s21] =	ssyncset.done $0x0  }
0x18c: {  	s7 =	simm.s32 $0x2B00;
	[sflag:s21] =	ssyncadd.s32 $0xFFFFC000  }
0x18d: {  	[spmem:s3] =	stream.indirect.scatter.add.f32 [tilespmem:s19], [sflag:$0x4], $0x80, s7, s23, $0xb8;
	[tilespmem:$0x1F800] =	vst v63  }
0x18e: {  	_ =	swait.ge [sflag:s20], $0x4000  }
0x18f: {  	[sflag:s20] =	ssyncset.done $0x0  }
0x190: {  	s7 =	simm.s32 $0x1400;
	[sflag:s20] =	ssyncadd.s32 $0xFFFFC000  }
0x191: {  	[tilespmem:s19], [sflag:$0x1] =	stream.indirect.gather [hbm4b:s0+s23], $0x80, s7, s23, $0xb8;
	[tilespmem:$0x1F800] =	vst v63  }
0x192: {  	_ =	swait.ge [sflag:s28], $0x4000  }
0x193: {  	[sflag:s28] =	ssyncset.done $0x0  }
0x194: {  	s7 =	simm.s32 $0x2B80;
	[sflag:s28] =	ssyncadd.s32 $0xFFFFC000  }
0x195: {  	[spmem:s3] =	stream.indirect.scatter.add.f32 [tilespmem:s25], [sflag:$0x4], $0x80, s7, s23, $0xb8;
	[tilespmem:$0x1F800] =	vst v63  }
0x196: {  	_ =	swait.ge [sflag:s20], $0x4000  }
0x197: {  	[sflag:s20] =	ssyncset.done $0x0  }
0x198: {  	s7 =	simm.s32 $0x1480;
	[sflag:s20] =	ssyncadd.s32 $0xFFFFC000  }
0x199: {  	[tilespmem:s25], [sflag:$0x2] =	stream.indirect.gather [hbm4b:s0+s23], $0x80, s7, s23, $0xb8;
	[tilespmem:$0x1F800] =	vst v63  }
0x19a: {  	_ =	swait.ge [sflag:s21], $0x4000  }
0x19b: {  	[sflag:s21] =	ssyncset.done $0x0  }
0x19c: {  	s7 =	simm.s32 $0x2C00;
	[sflag:s21] =	ssyncadd.s32 $0xFFFFC000  }
0x19d: {  	[spmem:s3] =	stream.indirect.scatter.add.f32 [tilespmem:s19], [sflag:$0x4], $0x80, s7, s23, $0xb8;
	[tilespmem:$0x1F800] =	vst v63  }
0x19e: {  	_ =	swait.ge [sflag:s20], $0x4000  }
0x19f: {  	[sflag:s20] =	ssyncset.done $0x0  }
0x1a0: {  	s7 =	simm.s32 $0x1500;
	[sflag:s20] =	ssyncadd.s32 $0xFFFFC000  }
0x1a1: {  	[tilespmem:s19], [sflag:$0x1] =	stream.indirect.gather [hbm4b:s0+s23], $0x80, s7, s23, $0xb8;
	[tilespmem:$0x1F800] =	vst v63  }
0x1a2: {  	_ =	swait.ge [sflag:s28], $0x4000  }
0x1a3: {  	[sflag:s28] =	ssyncset.done $0x0  }
0x1a4: {  	s7 =	simm.s32 $0x2C80;
	[sflag:s28] =	ssyncadd.s32 $0xFFFFC000  }
0x1a5: {  	[spmem:s3] =	stream.indirect.scatter.add.f32 [tilespmem:s25], [sflag:$0x4], $0x80, s7, s23, $0xb8;
	[tilespmem:$0x1F800] =	vst v63  }
0x1a6: {  	_ =	swait.ge [sflag:s20], $0x4000  }
0x1a7: {  	[sflag:s20] =	ssyncset.done $0x0  }
0x1a8: {  	s7 =	simm.s32 $0x1580;
	[sflag:s20] =	ssyncadd.s32 $0xFFFFC000  }
0x1a9: {  	[tilespmem:s25], [sflag:$0x2] =	stream.indirect.gather [hbm4b:s0+s23], $0x80, s7, s23, $0xb8;
	[tilespmem:$0x1F800] =	vst v63  }
0x1aa: {  	_ =	swait.ge [sflag:s21], $0x4000  }
0x1ab: {  	[sflag:s21] =	ssyncset.done $0x0  }
0x1ac: {  	s7 =	simm.s32 $0x2D00;
	[sflag:s21] =	ssyncadd.s32 $0xFFFFC000  }
0x1ad: {  	[spmem:s3] =	stream.indirect.scatter.add.f32 [tilespmem:s19], [sflag:$0x4], $0x80, s7, s23, $0xb8;
	[tilespmem:$0x1F800] =	vst v63  }
0x1ae: {  	_ =	swait.ge [sflag:s20], $0x4000  }
0x1af: {  	[sflag:s20] =	ssyncset.done $0x0  }
0x1b0: {  	s7 =	simm.s32 $0x1600;
	[sflag:s20] =	ssyncadd.s32 $0xFFFFC000  }
0x1b1: {  	[tilespmem:s19], [sflag:$0x1] =	stream.indirect.gather [hbm4b:s0+s23], $0x80, s7, s23, $0xb8;
	[tilespmem:$0x1F800] =	vst v63  }
0x1b2: {  	_ =	swait.ge [sflag:s28], $0x4000  }
0x1b3: {  	[sflag:s28] =	ssyncset.done $0x0  }
0x1b4: {  	s7 =	simm.s32 $0x2D80;
	[sflag:s28] =	ssyncadd.s32 $0xFFFFC000  }
0x1b5: {  	[spmem:s3] =	stream.indirect.scatter.add.f32 [tilespmem:s25], [sflag:$0x4], $0x80, s7, s23, $0xb8;
	[tilespmem:$0x1F800] =	vst v63  }
0x1b6: {  	_ =	swait.ge [sflag:s20], $0x4000  }
0x1b7: {  	[sflag:s20] =	ssyncset.done $0x0  }
0x1b8: {  	s7 =	simm.s32 $0x1680;
	[sflag:s20] =	ssyncadd.s32 $0xFFFFC000  }
0x1b9: {  	[tilespmem:s25], [sflag:$0x2] =	stream.indirect.gather [hbm4b:s0+s23], $0x80, s7, s23, $0xb8;
	[tilespmem:$0x1F800] =	vst v63  }
0x1ba: {  	_ =	swait.ge [sflag:s21], $0x4000  }
0x1bb: {  	[sflag:s21] =	ssyncset.done $0x0  }
0x1bc: {  	s7 =	simm.s32 $0x2E00;
	[sflag:s21] =	ssyncadd.s32 $0xFFFFC000  }
0x1bd: {  	[spmem:s3] =	stream.indirect.scatter.add.f32 [tilespmem:s19], [sflag:$0x4], $0x80, s7, s23, $0xb8;
	[tilespmem:$0x1F800] =	vst v63  }
0x1be: {  	_ =	swait.ge [sflag:s20], $0x4000  }
0x1bf: {  	[sflag:s20] =	ssyncset.done $0x0  }
0x1c0: {  	s7 =	simm.s32 $0x1700;
	[sflag:s20] =	ssyncadd.s32 $0xFFFFC000  }
0x1c1: {  	[tilespmem:s19], [sflag:$0x1] =	stream.indirect.gather [hbm4b:s0+s23], $0x80, s7, s23, $0xb8;
	[tilespmem:$0x1F800] =	vst v63  }
0x1c2: {  	_ =	swait.ge [sflag:s28], $0x4000  }
0x1c3: {  	[sflag:s28] =	ssyncset.done $0x0  }
0x1c4: {  	s7 =	simm.s32 $0x2E80;
	[sflag:s28] =	ssyncadd.s32 $0xFFFFC000  }
0x1c5: {  	[spmem:s3] =	stream.indirect.scatter.add.f32 [tilespmem:s25], [sflag:$0x4], $0x80, s7, s23, $0xb8;
	[tilespmem:$0x1F800] =	vst v63  }
0x1c6: {  	_ =	swait.ge [sflag:s20], $0x4000  }
0x1c7: {  	[sflag:s20] =	ssyncset.done $0x0  }
0x1c8: {  	s7 =	simm.s32 $0x1780;
	[sflag:s20] =	ssyncadd.s32 $0xFFFFC000  }
0x1c9: {  	[tilespmem:s25], [sflag:$0x2] =	stream.indirect.gather [hbm4b:s0+s23], $0x80, s7, s23, $0xb8;
	[tilespmem:$0x1F800] =	vst v63  }
0x1ca: {  	_ =	swait.ge [sflag:s21], $0x4000  }
0x1cb: {  	[sflag:s21] =	ssyncset.done $0x0  }
0x1cc: {  	s7 =	simm.s32 $0x2F00;
	[sflag:s21] =	ssyncadd.s32 $0xFFFFC000  }
0x1cd: {  	[spmem:s3] =	stream.indirect.scatter.add.f32 [tilespmem:s19], [sflag:$0x4], $0x80, s7, s23, $0xb8;
	[tilespmem:$0x1F800] =	vst v63  }
0x1ce: {  	_ =	swait.ge [sflag:s20], $0x4000  }
0x1cf: {  	[sflag:s20] =	ssyncset.done $0x0  }
0x1d0: {  	s7 =	simm.s32 $0x1800;
	[sflag:s20] =	ssyncadd.s32 $0xFFFFC000  }
0x1d1: {  	[tilespmem:s19], [sflag:$0x1] =	stream.indirect.gather [hbm4b:s0+s23], $0x80, s7, s23, $0xb8;
	[tilespmem:$0x1F800] =	vst v63  }
0x1d2: {  	_ =	swait.ge [sflag:s28], $0x4000  }
0x1d3: {  	[sflag:s28] =	ssyncset.done $0x0  }
0x1d4: {  	[sflag:s28] =	ssyncadd.s32 $0xFFFFC000  }
0x1d5: {  	[spmem:s3] =	stream.indirect.scatter.add.f32 [tilespmem:s25], [sflag:$0x4], $0x80, s24, s23, $0xb8;
	[tilespmem:$0x1F800] =	vst v63  }
0x1d6: {  	_ =	swait.ge [sflag:s20], $0x4000  }
0x1d7: {  	[sflag:s20] =	ssyncset.done $0x0  }
0x1d8: {  	[sflag:s20] =	ssyncadd.s32 $0xFFFFC000  }
0x1d9: {  	_ =	swait.ge [sflag:s22], $0x800  }
0x1da: {  	[sflag:s22] =	ssyncset.done $0x0  }
0x1db: {  	s7 =	rddreg [dreg:$0xf];
	[sflag:s22] =	ssyncadd.s32 $0xFFFFF800  }
0x1dc: {  	[tilespmem:s1], [sflag:$0x3] =	stream.linear.gather [hbm4b:s7+s30], $0x800, $0x38;
	[tilespmem:$0x1F800] =	vst v63  }
0x1dd: {  	s7 =	simm.s32 $0x1880  }
0x1de: {  	[tilespmem:s25], [sflag:$0x2] =	stream.indirect.gather [hbm4b:s0+s23], $0x80, s7, s23, $0xb8;
	[tilespmem:$0x1F800] =	vst v63  }
0x1df: {  	_ =	swait.ge [sflag:s21], $0x4000  }
0x1e0: {  	[sflag:s21] =	ssyncset.done $0x0  }
0x1e1: {  	[sflag:s21] =	ssyncadd.s32 $0xFFFFC000  }
0x1e2: {  	[spmem:s3] =	stream.indirect.scatter.add.f32 [tilespmem:s19], [sflag:$0x4], $0x80, s6, s23, $0xb8;
	[tilespmem:$0x1F800] =	vst v63  }
0x1e3: {  	_ =	swait.ge [sflag:s20], $0x4000  }
0x1e4: {  	[sflag:s20] =	ssyncset.done $0x0  }
0x1e5: {  	s7 =	simm.s32 $0x1900;
	[sflag:s20] =	ssyncadd.s32 $0xFFFFC000  }
0x1e6: {  	[tilespmem:s19], [sflag:$0x1] =	stream.indirect.gather [hbm4b:s0+s23], $0x80, s7, s23, $0xb8;
	[tilespmem:$0x1F800] =	vst v63  }
0x1e7: {  	_ =	swait.ge [sflag:s28], $0x4000  }
0x1e8: {  	[sflag:s28] =	ssyncset.done $0x0  }
0x1e9: {  	[sflag:s28] =	ssyncadd.s32 $0xFFFFC000  }
0x1ea: {  	[spmem:s3] =	stream.indirect.scatter.add.f32 [tilespmem:s25], [sflag:$0x4], $0x80, s29, s23, $0xb8;
	[tilespmem:$0x1F800] =	vst v63  }
0x1eb: {  	_ =	swait.ge [sflag:s20], $0x4000  }
0x1ec: {  	[sflag:s20] =	ssyncset.done $0x0  }
0x1ed: {  	s7 =	simm.s32 $0x1980;
	[sflag:s20] =	ssyncadd.s32 $0xFFFFC000  }
0x1ee: {  	[tilespmem:s25], [sflag:$0x2] =	stream.indirect.gather [hbm4b:s0+s23], $0x80, s7, s23, $0xb8;
	[tilespmem:$0x1F800] =	vst v63  }
0x1ef: {  	_ =	swait.ge [sflag:s21], $0x4000  }
0x1f0: {  	[sflag:s21] =	ssyncset.done $0x0  }
0x1f1: {  	[sflag:s21] =	ssyncadd.s32 $0xFFFFC000  }
0x1f2: {  	[spmem:s3] =	stream.indirect.scatter.add.f32 [tilespmem:s19], [sflag:$0x4], $0x80, s31, s23, $0xb8;
	[tilespmem:$0x1F800] =	vst v63  }
0x1f3: {  	_ =	swait.ge [sflag:s20], $0x4000  }
0x1f4: {  	[sflag:s20] =	ssyncset.done $0x0  }
0x1f5: {  	s29 =	simm.s32 $0x1A00;
	[sflag:s20] =	ssyncadd.s32 $0xFFFFC000  }
0x1f6: {  	[tilespmem:s19], [sflag:$0x1] =	stream.indirect.gather [hbm4b:s0+s23], $0x80, s29, s23, $0xb8;
	[tilespmem:$0x1F800] =	vst v63  }
0x1f7: {  	_ =	swait.ge [sflag:s28], $0x4000  }
0x1f8: {  	[sflag:s28] =	ssyncset.done $0x0  }
0x1f9: {  	[sflag:s28] =	ssyncadd.s32 $0xFFFFC000  }
0x1fa: {  	[spmem:s3] =	stream.indirect.scatter.add.f32 [tilespmem:s25], [sflag:$0x4], $0x80, s2, s23, $0xb8;
	[tilespmem:$0x1F800] =	vst v63  }
0x1fb: {  	_ =	swait.ge [sflag:s20], $0x4000  }
0x1fc: {  	[sflag:s20] =	ssyncset.done $0x0  }
0x1fd: {  	s7 =	simm.s32 $0x1A80;
	[sflag:s20] =	ssyncadd.s32 $0xFFFFC000  }
0x1fe: {  	[tilespmem:s25], [sflag:$0x2] =	stream.indirect.gather [hbm4b:s0+s23], $0x80, s7, s23, $0xb8;
	[tilespmem:$0x1F800] =	vst v63  }
0x1ff: {  	_ =	swait.ge [sflag:s21], $0x4000  }
0x200: {  	[sflag:s21] =	ssyncset.done $0x0  }
0x201: {  	[sflag:s21] =	ssyncadd.s32 $0xFFFFC000  }
0x202: {  	[spmem:s3] =	stream.indirect.scatter.add.f32 [tilespmem:s19], [sflag:$0x4], $0x80, s4, s23, $0xb8;
	[tilespmem:$0x1F800] =	vst v63  }
0x203: {  	_ =	swait.ge [sflag:s20], $0x4000  }
0x204: {  	[sflag:s20] =	ssyncset.done $0x0  }
0x205: {  	s29 =	simm.s32 $0x1B00;
	[sflag:s20] =	ssyncadd.s32 $0xFFFFC000  }
0x206: {  	[tilespmem:s19], [sflag:$0x1] =	stream.indirect.gather [hbm4b:s0+s23], $0x80, s29, s23, $0xb8;
	[tilespmem:$0x1F800] =	vst v63  }
0x207: {  	_ =	swait.ge [sflag:s28], $0x4000  }
0x208: {  	[sflag:s28] =	ssyncset.done $0x0  }
0x209: {  	[sflag:s28] =	ssyncadd.s32 $0xFFFFC000  }
0x20a: {  	[spmem:s3] =	stream.indirect.scatter.add.f32 [tilespmem:s25], [sflag:$0x4], $0x80, s5, s23, $0xb8;
	[tilespmem:$0x1F800] =	vst v63  }
0x20b: {  	_ =	swait.ge [sflag:s20], $0x4000  }
0x20c: {  	[sflag:s20] =	ssyncset.done $0x0  }
0x20d: {  	s7 =	simm.s32 $0x1B80;
	[sflag:s20] =	ssyncadd.s32 $0xFFFFC000  }
0x20e: {  	[tilespmem:s25], [sflag:$0x2] =	stream.indirect.gather [hbm4b:s0+s23], $0x80, s7, s23, $0xb8;
	[tilespmem:$0x1F800] =	vst v63  }
0x20f: {  	_ =	swait.ge [sflag:s21], $0x4000  }
0x210: {  	[sflag:s21] =	ssyncset.done $0x0  }
0x211: {  	[sflag:s21] =	ssyncadd.s32 $0xFFFFC000  }
0x212: {  	[spmem:s3] =	stream.indirect.scatter.add.f32 [tilespmem:s19], [sflag:$0x4], $0x80, s8, s23, $0xb8;
	[tilespmem:$0x1F800] =	vst v63  }
0x213: {  	_ =	swait.ge [sflag:s20], $0x4000  }
0x214: {  	[sflag:s20] =	ssyncset.done $0x0  }
0x215: {  	s29 =	simm.s32 $0x1C00;
	[sflag:s20] =	ssyncadd.s32 $0xFFFFC000  }
0x216: {  	[tilespmem:s19], [sflag:$0x1] =	stream.indirect.gather [hbm4b:s0+s23], $0x80, s29, s23, $0xb8;
	[tilespmem:$0x1F800] =	vst v63  }
0x217: {  	_ =	swait.ge [sflag:s28], $0x4000  }
0x218: {  	[sflag:s28] =	ssyncset.done $0x0  }
0x219: {  	[sflag:s28] =	ssyncadd.s32 $0xFFFFC000  }
0x21a: {  	[spmem:s3] =	stream.indirect.scatter.add.f32 [tilespmem:s25], [sflag:$0x4], $0x80, s9, s23, $0xb8;
	[tilespmem:$0x1F800] =	vst v63  }
0x21b: {  	_ =	swait.ge [sflag:s20], $0x4000  }
0x21c: {  	[sflag:s20] =	ssyncset.done $0x0  }
0x21d: {  	s7 =	simm.s32 $0x1C80;
	[sflag:s20] =	ssyncadd.s32 $0xFFFFC000  }
0x21e: {  	[tilespmem:s25], [sflag:$0x2] =	stream.indirect.gather [hbm4b:s0+s23], $0x80, s7, s23, $0xb8;
	[tilespmem:$0x1F800] =	vst v63  }
0x21f: {  	_ =	swait.ge [sflag:s21], $0x4000  }
0x220: {  	[sflag:s21] =	ssyncset.done $0x0  }
0x221: {  	[sflag:s21] =	ssyncadd.s32 $0xFFFFC000  }
0x222: {  	[spmem:s3] =	stream.indirect.scatter.add.f32 [tilespmem:s19], [sflag:$0x4], $0x80, s10, s23, $0xb8;
	[tilespmem:$0x1F800] =	vst v63  }
0x223: {  	_ =	swait.ge [sflag:s20], $0x4000  }
0x224: {  	[sflag:s20] =	ssyncset.done $0x0  }
0x225: {  	s29 =	simm.s32 $0x1D00;
	[sflag:s20] =	ssyncadd.s32 $0xFFFFC000  }
0x226: {  	[tilespmem:s19], [sflag:$0x1] =	stream.indirect.gather [hbm4b:s0+s23], $0x80, s29, s23, $0xb8;
	[tilespmem:$0x1F800] =	vst v63  }
0x227: {  	_ =	swait.ge [sflag:s28], $0x4000  }
0x228: {  	[sflag:s28] =	ssyncset.done $0x0  }
0x229: {  	[sflag:s28] =	ssyncadd.s32 $0xFFFFC000  }
0x22a: {  	[spmem:s3] =	stream.indirect.scatter.add.f32 [tilespmem:s25], [sflag:$0x4], $0x80, s11, s23, $0xb8;
	[tilespmem:$0x1F800] =	vst v63  }
0x22b: {  	_ =	swait.ge [sflag:s20], $0x4000  }
0x22c: {  	[sflag:s20] =	ssyncset.done $0x0  }
0x22d: {  	s7 =	simm.s32 $0x1D80;
	[sflag:s20] =	ssyncadd.s32 $0xFFFFC000  }
0x22e: {  	[tilespmem:s25], [sflag:$0x2] =	stream.indirect.gather [hbm4b:s0+s23], $0x80, s7, s23, $0xb8;
	[tilespmem:$0x1F800] =	vst v63  }
0x22f: {  	_ =	swait.ge [sflag:s21], $0x4000  }
0x230: {  	[sflag:s21] =	ssyncset.done $0x0  }
0x231: {  	[sflag:s21] =	ssyncadd.s32 $0xFFFFC000  }
0x232: {  	[spmem:s3] =	stream.indirect.scatter.add.f32 [tilespmem:s19], [sflag:$0x4], $0x80, s12, s23, $0xb8;
	[tilespmem:$0x1F800] =	vst v63  }
0x233: {  	_ =	swait.ge [sflag:s20], $0x4000  }
0x234: {  	[sflag:s20] =	ssyncset.done $0x0  }
0x235: {  	s29 =	simm.s32 $0x1E00;
	[sflag:s20] =	ssyncadd.s32 $0xFFFFC000  }
0x236: {  	[tilespmem:s19], [sflag:$0x1] =	stream.indirect.gather [hbm4b:s0+s23], $0x80, s29, s23, $0xb8;
	[tilespmem:$0x1F800] =	vst v63  }
0x237: {  	_ =	swait.ge [sflag:s28], $0x4000  }
0x238: {  	[sflag:s28] =	ssyncset.done $0x0  }
0x239: {  	[sflag:s28] =	ssyncadd.s32 $0xFFFFC000  }
0x23a: {  	[spmem:s3] =	stream.indirect.scatter.add.f32 [tilespmem:s25], [sflag:$0x4], $0x80, s13, s23, $0xb8;
	[tilespmem:$0x1F800] =	vst v63  }
0x23b: {  	_ =	swait.ge [sflag:s20], $0x4000  }
0x23c: {  	[sflag:s20] =	ssyncset.done $0x0  }
0x23d: {  	s7 =	simm.s32 $0x1E80;
	[sflag:s20] =	ssyncadd.s32 $0xFFFFC000  }
0x23e: {  	[tilespmem:s25], [sflag:$0x2] =	stream.indirect.gather [hbm4b:s0+s23], $0x80, s7, s23, $0xb8;
	[tilespmem:$0x1F800] =	vst v63  }
0x23f: {  	_ =	swait.ge [sflag:s21], $0x4000  }
0x240: {  	[sflag:s21] =	ssyncset.done $0x0  }
0x241: {  	[sflag:s21] =	ssyncadd.s32 $0xFFFFC000  }
0x242: {  	[spmem:s3] =	stream.indirect.scatter.add.f32 [tilespmem:s19], [sflag:$0x4], $0x80, s14, s23, $0xb8;
	[tilespmem:$0x1F800] =	vst v63  }
0x243: {  	_ =	swait.ge [sflag:s20], $0x4000  }
0x244: {  	[sflag:s20] =	ssyncset.done $0x0  }
0x245: {  	s29 =	simm.s32 $0x1F00;
	[sflag:s20] =	ssyncadd.s32 $0xFFFFC000  }
0x246: {  	[tilespmem:s19], [sflag:$0x1] =	stream.indirect.gather [hbm4b:s0+s23], $0x80, s29, s23, $0xb8;
	[tilespmem:$0x1F800] =	vst v63  }
0x247: {  	_ =	swait.ge [sflag:s28], $0x4000  }
0x248: {  	[sflag:s28] =	ssyncset.done $0x0  }
0x249: {  	[sflag:s28] =	ssyncadd.s32 $0xFFFFC000  }
0x24a: {  	[spmem:s3] =	stream.indirect.scatter.add.f32 [tilespmem:s25], [sflag:$0x4], $0x80, s15, s23, $0xb8;
	[tilespmem:$0x1F800] =	vst v63  }
0x24b: {  	_ =	swait.ge [sflag:s20], $0x4000  }
0x24c: {  	[sflag:s20] =	ssyncset.done $0x0  }
0x24d: {  	s7 =	simm.s32 $0x1F80;
	[sflag:s20] =	ssyncadd.s32 $0xFFFFC000  }
0x24e: {  	[tilespmem:s25], [sflag:$0x2] =	stream.indirect.gather [hbm4b:s0+s23], $0x80, s7, s23, $0xb8;
	[tilespmem:$0x1F800] =	vst v63  }
0x24f: {  	_ =	swait.ge [sflag:s21], $0x4000  }
0x250: {  	[sflag:s21] =	ssyncset.done $0x0  }
0x251: {  	[sflag:s21] =	ssyncadd.s32 $0xFFFFC000  }
0x252: {  	[spmem:s3] =	stream.indirect.scatter.add.f32 [tilespmem:s19], [sflag:$0x4], $0x80, s16, s23, $0xb8;
	[tilespmem:$0x1F800] =	vst v63  }
0x253: {  	_ =	swait.ge [sflag:s20], $0x4000  }
0x254: {  	[sflag:s20] =	ssyncset.done $0x0  }
0x255: {  	s29 =	simm.s32 $0x2000;
	[sflag:s20] =	ssyncadd.s32 $0xFFFFC000  }
0x256: {  	[tilespmem:s19], [sflag:$0x1] =	stream.indirect.gather [hbm4b:s0+s23], $0x80, s29, s23, $0xb8;
	[tilespmem:$0x1F800] =	vst v63  }
0x257: {  	_ =	swait.ge [sflag:s28], $0x4000  }
0x258: {  	[sflag:s28] =	ssyncset.done $0x0  }
0x259: {  	[sflag:s28] =	ssyncadd.s32 $0xFFFFC000  }
0x25a: {  	[spmem:s3] =	stream.indirect.scatter.add.f32 [tilespmem:s25], [sflag:$0x4], $0x80, s26, s23, $0xb8;
	[tilespmem:$0x1F800] =	vst v63  }
0x25b: {  	_ =	swait.ge [sflag:s20], $0x4000  }
0x25c: {  	[sflag:s20] =	ssyncset.done $0x0  }
0x25d: {  	[sflag:s20] =	ssyncadd.s32 $0xFFFFC000  }
0x25e: {  	_ =	swait.ge [sflag:s22], $0x800  }
0x25f: {  	[sflag:s22] =	ssyncset.done $0x0  }
0x260: {  	s7 =	simm.s32 $0x2080;
	[sflag:s22] =	ssyncadd.s32 $0xFFFFF800  }
0x261: {  	[tilespmem:s25], [sflag:$0x2] =	stream.indirect.gather [hbm4b:s0+s23], $0x80, s7, s23, $0xb8;
	[tilespmem:$0x1F800] =	vst v63  }
0x262: {  	_ =	swait.ge [sflag:s21], $0x4000  }
0x263: {  	[sflag:s21] =	ssyncset.done $0x0  }
0x264: {  	s31 =	simm.s32 $0x2800;
	[sflag:s21] =	ssyncadd.s32 $0xFFFFC000  }
0x265: {  	[spmem:s3] =	stream.indirect.scatter.add.f32 [tilespmem:s19], [sflag:$0x4], $0x80, s31, s23, $0xb8;
	[tilespmem:$0x1F800] =	vst v63  }
0x266: {  	_ =	swait.ge [sflag:s20], $0x4000  }
0x267: {  	[sflag:s20] =	ssyncset.done $0x0  }
0x268: {  	s16 =	simm.s32 $0x2100;
	[sflag:s20] =	ssyncadd.s32 $0xFFFFC000  }
0x269: {  	[tilespmem:s19], [sflag:$0x1] =	stream.indirect.gather [hbm4b:s0+s23], $0x80, s16, s23, $0xb8;
	[tilespmem:$0x1F800] =	vst v63  }
0x26a: {  	_ =	swait.ge [sflag:s28], $0x4000  }
0x26b: {  	[sflag:s28] =	ssyncset.done $0x0  }
0x26c: {  	s29 =	simm.s32 $0x2880;
	[sflag:s28] =	ssyncadd.s32 $0xFFFFC000  }
0x26d: {  	[spmem:s3] =	stream.indirect.scatter.add.f32 [tilespmem:s25], [sflag:$0x4], $0x80, s29, s23, $0xb8;
	[tilespmem:$0x1F800] =	vst v63  }
0x26e: {  	_ =	swait.ge [sflag:s20], $0x4000  }
0x26f: {  	[sflag:s20] =	ssyncset.done $0x0  }
0x270: {  	s7 =	simm.s32 $0x2180;
	[sflag:s20] =	ssyncadd.s32 $0xFFFFC000  }
0x271: {  	[tilespmem:s25], [sflag:$0x2] =	stream.indirect.gather [hbm4b:s0+s23], $0x80, s7, s23, $0xb8;
	[tilespmem:$0x1F800] =	vst v63  }
0x272: {  	_ =	swait.ge [sflag:s21], $0x4000  }
0x273: {  	[sflag:s21] =	ssyncset.done $0x0  }
0x274: {  	s16 =	simm.s32 $0x2900;
	[sflag:s21] =	ssyncadd.s32 $0xFFFFC000  }
0x275: {  	[spmem:s3] =	stream.indirect.scatter.add.f32 [tilespmem:s19], [sflag:$0x4], $0x80, s16, s23, $0xb8;
	[tilespmem:$0x1F800] =	vst v63  }
0x276: {  	_ =	swait.ge [sflag:s20], $0x4000  }
0x277: {  	[sflag:s20] =	ssyncset.done $0x0  }
0x278: {  	s29 =	simm.s32 $0x2200;
	[sflag:s20] =	ssyncadd.s32 $0xFFFFC000  }
0x279: {  	[tilespmem:s19], [sflag:$0x1] =	stream.indirect.gather [hbm4b:s0+s23], $0x80, s29, s23, $0xb8;
	[tilespmem:$0x1F800] =	vst v63  }
0x27a: {  	_ =	swait.ge [sflag:s28], $0x4000  }
0x27b: {  	[sflag:s28] =	ssyncset.done $0x0  }
0x27c: {  	s7 =	simm.s32 $0x2980;
	[sflag:s28] =	ssyncadd.s32 $0xFFFFC000  }
0x27d: {  	[spmem:s3] =	stream.indirect.scatter.add.f32 [tilespmem:s25], [sflag:$0x4], $0x80, s7, s23, $0xb8;
	[tilespmem:$0x1F800] =	vst v63  }
0x27e: {  	_ =	swait.ge [sflag:s20], $0x4000  }
0x27f: {  	[sflag:s20] =	ssyncset.done $0x0  }
0x280: {  	s16 =	simm.s32 $0x2280;
	[sflag:s20] =	ssyncadd.s32 $0xFFFFC000  }
0x281: {  	[tilespmem:s25], [sflag:$0x2] =	stream.indirect.gather [hbm4b:s0+s23], $0x80, s16, s23, $0xb8;
	[tilespmem:$0x1F800] =	vst v63  }
0x282: {  	_ =	swait.ge [sflag:s21], $0x4000  }
0x283: {  	[sflag:s21] =	ssyncset.done $0x0  }
0x284: {  	s29 =	simm.s32 $0x2A00;
	[sflag:s21] =	ssyncadd.s32 $0xFFFFC000  }
0x285: {  	[spmem:s3] =	stream.indirect.scatter.add.f32 [tilespmem:s19], [sflag:$0x4], $0x80, s29, s23, $0xb8;
	[tilespmem:$0x1F800] =	vst v63  }
0x286: {  	_ =	swait.ge [sflag:s20], $0x4000  }
0x287: {  	[sflag:s20] =	ssyncset.done $0x0  }
0x288: {  	s7 =	simm.s32 $0x2300;
	[sflag:s20] =	ssyncadd.s32 $0xFFFFC000  }
0x289: {  	[tilespmem:s19], [sflag:$0x1] =	stream.indirect.gather [hbm4b:s0+s23], $0x80, s7, s23, $0xb8;
	[tilespmem:$0x1F800] =	vst v63  }
0x28a: {  	_ =	swait.ge [sflag:s28], $0x4000  }
0x28b: {  	[sflag:s28] =	ssyncset.done $0x0  }
0x28c: {  	s16 =	simm.s32 $0x2A80;
	[sflag:s28] =	ssyncadd.s32 $0xFFFFC000  }
0x28d: {  	[spmem:s3] =	stream.indirect.scatter.add.f32 [tilespmem:s25], [sflag:$0x4], $0x80, s16, s23, $0xb8;
	[tilespmem:$0x1F800] =	vst v63  }
0x28e: {  	_ =	swait.ge [sflag:s20], $0x4000  }
0x28f: {  	[sflag:s20] =	ssyncset.done $0x0  }
0x290: {  	s29 =	simm.s32 $0x2380;
	[sflag:s20] =	ssyncadd.s32 $0xFFFFC000  }
0x291: {  	[tilespmem:s25], [sflag:$0x2] =	stream.indirect.gather [hbm4b:s0+s23], $0x80, s29, s23, $0xb8;
	[tilespmem:$0x1F800] =	vst v63  }
0x292: {  	_ =	swait.ge [sflag:s21], $0x4000  }
0x293: {  	[sflag:s21] =	ssyncset.done $0x0  }
0x294: {  	s7 =	simm.s32 $0x2B00;
	[sflag:s21] =	ssyncadd.s32 $0xFFFFC000  }
0x295: {  	[spmem:s3] =	stream.indirect.scatter.add.f32 [tilespmem:s19], [sflag:$0x4], $0x80, s7, s23, $0xb8;
	[tilespmem:$0x1F800] =	vst v63  }
0x296: {  	_ =	swait.ge [sflag:s20], $0x4000  }
0x297: {  	[sflag:s20] =	ssyncset.done $0x0  }
0x298: {  	s16 =	simm.s32 $0x2400;
	[sflag:s20] =	ssyncadd.s32 $0xFFFFC000  }
0x299: {  	[tilespmem:s19], [sflag:$0x1] =	stream.indirect.gather [hbm4b:s0+s23], $0x80, s16, s23, $0xb8;
	[tilespmem:$0x1F800] =	vst v63  }
0x29a: {  	_ =	swait.ge [sflag:s28], $0x4000  }
0x29b: {  	[sflag:s28] =	ssyncset.done $0x0  }
0x29c: {  	s29 =	simm.s32 $0x2B80;
	[sflag:s28] =	ssyncadd.s32 $0xFFFFC000  }
0x29d: {  	[spmem:s3] =	stream.indirect.scatter.add.f32 [tilespmem:s25], [sflag:$0x4], $0x80, s29, s23, $0xb8;
	[tilespmem:$0x1F800] =	vst v63  }
0x29e: {  	_ =	swait.ge [sflag:s20], $0x4000  }
0x29f: {  	[sflag:s20] =	ssyncset.done $0x0  }
0x2a0: {  	s7 =	simm.s32 $0x2480;
	[sflag:s20] =	ssyncadd.s32 $0xFFFFC000  }
0x2a1: {  	[tilespmem:s25], [sflag:$0x2] =	stream.indirect.gather [hbm4b:s0+s23], $0x80, s7, s23, $0xb8;
	[tilespmem:$0x1F800] =	vst v63  }
0x2a2: {  	_ =	swait.ge [sflag:s21], $0x4000  }
0x2a3: {  	[sflag:s21] =	ssyncset.done $0x0  }
0x2a4: {  	s16 =	simm.s32 $0x2C00;
	[sflag:s21] =	ssyncadd.s32 $0xFFFFC000  }
0x2a5: {  	[spmem:s3] =	stream.indirect.scatter.add.f32 [tilespmem:s19], [sflag:$0x4], $0x80, s16, s23, $0xb8;
	[tilespmem:$0x1F800] =	vst v63  }
0x2a6: {  	_ =	swait.ge [sflag:s20], $0x4000  }
0x2a7: {  	[sflag:s20] =	ssyncset.done $0x0  }
0x2a8: {  	s29 =	simm.s32 $0x2500;
	[sflag:s20] =	ssyncadd.s32 $0xFFFFC000  }
0x2a9: {  	[tilespmem:s19], [sflag:$0x1] =	stream.indirect.gather [hbm4b:s0+s23], $0x80, s29, s23, $0xb8;
	[tilespmem:$0x1F800] =	vst v63  }
0x2aa: {  	_ =	swait.ge [sflag:s28], $0x4000  }
0x2ab: {  	[sflag:s28] =	ssyncset.done $0x0  }
0x2ac: {  	s7 =	simm.s32 $0x2C80;
	[sflag:s28] =	ssyncadd.s32 $0xFFFFC000  }
0x2ad: {  	[spmem:s3] =	stream.indirect.scatter.add.f32 [tilespmem:s25], [sflag:$0x4], $0x80, s7, s23, $0xb8;
	[tilespmem:$0x1F800] =	vst v63  }
0x2ae: {  	_ =	swait.ge [sflag:s20], $0x4000  }
0x2af: {  	[sflag:s20] =	ssyncset.done $0x0  }
0x2b0: {  	s16 =	simm.s32 $0x2580;
	[sflag:s20] =	ssyncadd.s32 $0xFFFFC000  }
0x2b1: {  	[tilespmem:s25], [sflag:$0x2] =	stream.indirect.gather [hbm4b:s0+s23], $0x80, s16, s23, $0xb8;
	[tilespmem:$0x1F800] =	vst v63  }
0x2b2: {  	_ =	swait.ge [sflag:s21], $0x4000  }
0x2b3: {  	[sflag:s21] =	ssyncset.done $0x0  }
0x2b4: {  	s29 =	simm.s32 $0x2D00;
	[sflag:s21] =	ssyncadd.s32 $0xFFFFC000  }
0x2b5: {  	[spmem:s3] =	stream.indirect.scatter.add.f32 [tilespmem:s19], [sflag:$0x4], $0x80, s29, s23, $0xb8;
	[tilespmem:$0x1F800] =	vst v63  }
0x2b6: {  	_ =	swait.ge [sflag:s20], $0x4000  }
0x2b7: {  	[sflag:s20] =	ssyncset.done $0x0  }
0x2b8: {  	s7 =	simm.s32 $0x2600;
	[sflag:s20] =	ssyncadd.s32 $0xFFFFC000  }
0x2b9: {  	[tilespmem:s19], [sflag:$0x1] =	stream.indirect.gather [hbm4b:s0+s23], $0x80, s7, s23, $0xb8;
	[tilespmem:$0x1F800] =	vst v63  }
0x2ba: {  	_ =	swait.ge [sflag:s28], $0x4000  }
0x2bb: {  	[sflag:s28] =	ssyncset.done $0x0  }
0x2bc: {  	s16 =	simm.s32 $0x2D80;
	[sflag:s28] =	ssyncadd.s32 $0xFFFFC000  }
0x2bd: {  	[spmem:s3] =	stream.indirect.scatter.add.f32 [tilespmem:s25], [sflag:$0x4], $0x80, s16, s23, $0xb8;
	[tilespmem:$0x1F800] =	vst v63  }
0x2be: {  	_ =	swait.ge [sflag:s20], $0x4000  }
0x2bf: {  	[sflag:s20] =	ssyncset.done $0x0  }
0x2c0: {  	s29 =	simm.s32 $0x2680;
	[sflag:s20] =	ssyncadd.s32 $0xFFFFC000  }
0x2c1: {  	[tilespmem:s25], [sflag:$0x2] =	stream.indirect.gather [hbm4b:s0+s23], $0x80, s29, s23, $0xb8;
	[tilespmem:$0x1F800] =	vst v63  }
0x2c2: {  	_ =	swait.ge [sflag:s21], $0x4000  }
0x2c3: {  	[sflag:s21] =	ssyncset.done $0x0  }
0x2c4: {  	s7 =	simm.s32 $0x2E00;
	[sflag:s21] =	ssyncadd.s32 $0xFFFFC000  }
0x2c5: {  	[spmem:s3] =	stream.indirect.scatter.add.f32 [tilespmem:s19], [sflag:$0x4], $0x80, s7, s23, $0xb8;
	[tilespmem:$0x1F800] =	vst v63  }
0x2c6: {  	_ =	swait.ge [sflag:s20], $0x4000  }
0x2c7: {  	[sflag:s20] =	ssyncset.done $0x0  }
0x2c8: {  	s16 =	simm.s32 $0x2700;
	[sflag:s20] =	ssyncadd.s32 $0xFFFFC000  }
0x2c9: {  	[tilespmem:s19], [sflag:$0x1] =	stream.indirect.gather [hbm4b:s0+s23], $0x80, s16, s23, $0xb8;
	[tilespmem:$0x1F800] =	vst v63  }
0x2ca: {  	_ =	swait.ge [sflag:s28], $0x4000  }
0x2cb: {  	[sflag:s28] =	ssyncset.done $0x0  }
0x2cc: {  	s29 =	simm.s32 $0x2E80;
	[sflag:s28] =	ssyncadd.s32 $0xFFFFC000  }
0x2cd: {  	[spmem:s3] =	stream.indirect.scatter.add.f32 [tilespmem:s25], [sflag:$0x4], $0x80, s29, s23, $0xb8;
	[tilespmem:$0x1F800] =	vst v63  }
0x2ce: {  	_ =	swait.ge [sflag:s20], $0x4000  }
0x2cf: {  	[sflag:s20] =	ssyncset.done $0x0  }
0x2d0: {  	s7 =	simm.s32 $0x2780;
	[sflag:s20] =	ssyncadd.s32 $0xFFFFC000  }
0x2d1: {  	[tilespmem:s25], [sflag:$0x2] =	stream.indirect.gather [hbm4b:s0+s23], $0x80, s7, s23, $0xb8;
	[tilespmem:$0x1F800] =	vst v63  }
0x2d2: {  	_ =	swait.ge [sflag:s21], $0x4000  }
0x2d3: {  	[sflag:s21] =	ssyncset.done $0x0  }
0x2d4: {  	s16 =	simm.s32 $0x2F00;
	[sflag:s21] =	ssyncadd.s32 $0xFFFFC000  }
0x2d5: {  	[spmem:s3] =	stream.indirect.scatter.add.f32 [tilespmem:s19], [sflag:$0x4], $0x80, s16, s23, $0xb8;
	[tilespmem:$0x1F800] =	vst v63  }
0x2d6: {  	_ =	swait.ge [sflag:s20], $0x4000  }
0x2d7: {  	[sflag:s20] =	ssyncset.done $0x0  }
0x2d8: {  	[sflag:s20] =	ssyncadd.s32 $0xFFFFC000  }
0x2d9: {  	_ =	swait.ge [sflag:s28], $0x4000  }
0x2da: {  	[sflag:s28] =	ssyncset.done $0x0  }
0x2db: {  	[sflag:s28] =	ssyncadd.s32 $0xFFFFC000  }
0x2dc: {  	[spmem:s3] =	stream.indirect.scatter.add.f32 [tilespmem:s25], [sflag:$0x4], $0x80, s24, s23, $0xb8;
	[tilespmem:$0x1F800] =	vst v63  }
0x2dd: {  	_ =	swait.ge [sflag:s20], $0x4000  }
0x2de: {  	[sflag:s20] =	ssyncset.done $0x0  }
0x2df: {  	s29 =	stileid.u32;
	[sflag:s20] =	ssyncadd.s32 $0xFFFFC000  }
0x2e0: {  	s7 =	sshll.u32 s29, $0x6;
	[bflag:$0x0] =	sbarrier.arrive $0xFFFF  }
0x2e1: {  	s1 =	sshrl.u32 s18, $0x3;
	s7 =	sor.u32 $0x1C04, s7;
	s18 =	rddreg [dreg:$0x10]  }
0x2e2: {  	[hbm:s18], [sflag:s7] =	dma.local [spmem:s1], $0x2800  }
0x2e3: {  	_ =	swait.ge [sflag:s20], $0x2800  }
0x2e4: {  	s17 =	sadd.s32 $0x1, s17;
	s29 =	rddreg [dreg:$0x11]  }
0x2e5: {  	p0 =	sne.s32 s17, s29  }
.Ltmp1:
0x2e6: {  	_ = 	snop;
	(pc) =	sbr.rel @p0 .LBB2_1-.Ltmp1, $3  }
0x2e7: {  	_ =	sdelay $0x1  }
0x2e8: {  	[sflag:s20] =	ssyncset.done $0x0  }
0x2e9: {  	[sflag:s20] =	ssyncadd.s32 $0xFFFFD800  }
0x2ea: {  	_ =	sfence.sel $0x180000  }
0x2eb: {  	[bflag:$0x0] =	sbarrier.arrive $0xFFFF  }
0x2ec: {  	_ =	strace $0x9000004D  }
0x2ed: {  	s0 =	stileid.u32;
	[bflag:$0x2] =	sbarrier.arrive $0xFFFF  }
0x2ee: {  	p0 =	sne.s32 s0, $0x0;
	s0 =	rddreg [dreg:$0x5]  }
0x2ef: {  	s0 =	sadd.s32 @!p0 $0x100000, s0  }
0x2f0: {  	[sflag:s0] =	ssyncadd.tile.s32 @!p0 $0x1;
	_ =	shalt  }
.Lfunc_end2:
_tile_overlayer_lowered:
.L_overlay_start_2:
0x2f1: {  	(tag) =	ssettag $0x2  }
0x2f2: {  	s0 =	rddreg [dreg:$0x0];
	s2 =	stileid.u32  }
0x2f3: {  	s1 =	rddreg [dreg:$0x1];
	p0 =	sne.s32 s2, $0x0  }
0x2f4: {  	s3 =	rddreg [dreg:$0x2];
	[bflag:$0x3] =	sbarrier.arrive $0xFFFF;
	s2 =	simm.s32 @!p0 $0x1C04  }
0x2f5: {  	[timem:s3], [sflag:s2] =	dma.local @!p0 [hbm:s0], s1  }
0x2f6: {  	s0 =	simm.s32 @!p0 $0x4  }
0x2f7: {  	_ =	swait.ge @!p0 [sflag:s0], s1  }
0x2f8: {  	s1 =	ssub.s32 @!p0 $0x0, s1;
	[sflag:s0] =	ssyncset.done @!p0 $0x0  }
0x2f9: {  	[sflag:s0] =	ssyncadd.s32 @!p0 s1  }
0x2fa: {  	[bflag:$0x3] =	sbarrier.arrive $0xFFFF  }
0x2fb: {  	_ =	shalt  }

// kernel: kernel.8.cloned.1.call-start
scs
__scs_entry_jumppad:
0x0: {  	(pc) =	sbr.rel $0x88, $3  }
0x1: {  	(tag) =	ssettag $0x0;
	lr =	simm.s32 $0x1  }
0x2: {  	[smem:$0x3F99] =	sst lr;
	_ =	strace $0xD0000000  }
0x3: {  	_ = 	snop  }
0x4: {  	_ = 	snop  }
0x5: {  	_ = 	snop  }
0x6: {  	_ = 	snop  }
0x7: {  	_ = 	snop  }
__scs_overlays_trampoline_lowered:
0x8: {  	[smem:$0x3FA8] =	sst s0  }
0x9: {  	[smem:$0x3FA9] =	sst s1  }
0xa: {  	[smem:$0x3FAA] =	sst s2  }
0xb: {  	[smem:$0x3FAB] =	sst s3  }
0xc: {  	[smem:$0x3FAC] =	sst s4  }
0xd: {  	[smem:$0x3FAD] =	sst s5  }
0xe: {  	[smem:$0x3FAE] =	sst s6  }
0xf: {  	[smem:$0x3FAF] =	sst s7  }
0x10: {  	[smem:$0x3FB0] =	sst s8  }
0x11: {  	[smem:$0x3FB1] =	sst s9;
	s0 =	simm.s32 @!p0 $0x0  }
0x12: {  	s1 =	sld [smem:$0x3F97];
	s0 =	simm.s32 @p0 $0x1  }
0x13: {  	[smem:$0x3FB2] =	sst s0;
	s0 =	simm.s32 @!p1 $0x0  }
0x14: {  	s2 =	sld [smem:$0x3F96];
	s0 =	simm.s32 @p1 $0x1  }
0x15: {  	[smem:$0x3FB3] =	sst s0;
	s0 =	simm.s32 @!p2 $0x0  }
0x16: {  	s3 =	sld [smem:$0x3FDB];
	s0 =	simm.s32 @p2 $0x1  }
0x17: {  	s4 =	simm.s32 $0x1BF5;
	[smem:$0x3FB5] =	sst s0  }
0x18: {  	s0 =	sld [smem:$0x3F98];
	_ =	swait.ge [sflag:s4], $0x0  }
0x19: {  	s7 =	sld [smem:$0x3F99]  }
0x1a: {  	s8 =	sadd.s32 $0xFFFFE003, lr  }
0x1b: {  	s9 =	sadd.s32 $0xFFFFFEF7, lr;
	s5 =	simm.s32 $0xFFFFFFFF;
	p2 =	slt.u32 s8, $0xFFFFF086  }
0x1c: {  	p1 =	slt.u32 s9, $0xF7A;
	s5 =	simm.s32 @!p2 $0x0  }
0x1d: {  	s5 =	simm.s32 @p1 $0x1;
	p0 =	seq.s32 s7, s2  }
0x1e: {  	s7 =	smul.u32 @!p0 $0xF7A, s2;
	p2 =	seq.s32 @!p0 s5, $0x0  }
0x1f: {  	s9 =	smul.u32 $0xF7A, s1;
	s8 =	simm.s32 @!p0 $0x1BF5;
	p2 =	por !p2, p0  }
0x20: {  	[sflag:s8] =	ssyncset.s32 @!p0 $0xFFFFF086;
	s6 =	sadd.s32 @!p0 s3, s7;
	s7 =	simm.s32 @!p0 $0x108  }
0x21: {  	s3 =	sadd.s32 s3, s9;
	s6 =	sadd.s32 @!p0 $0x88, s6;
	s7 =	simm.s32 @p2 $0x1082  }
0x22: {  	[simem:s7], [sflag:s8] =	dma.local @!p0 [hbm:s6], $0xF7A  }
0x23: {  	s9 =	sor.u32 $0xD0000000, s2;
	s6 =	simm.s32 $0x108;
	_ =	swait.ge @!p0 [sflag:s8], $0x0  }
0x24: {  	s3 =	sadd.s32 $0x88, s3;
	s6 =	simm.s32 @!p1 $0x1082;
	[sflag:s4] =	ssyncset.s32 $0xFFFFF086  }
0x25: {  	[simem:s6], [sflag:s4] =	dma.local [hbm:s3], $0xF7A  }
0x26: {  	[smem:$0x3F99] =	sst s1;
	(tag) =	ssettag s2;
	_ =	strace s9  }
0x27: {  	s1 =	sld [smem:$0x3FA9]  }
0x28: {  	s2 =	sld [smem:$0x3FAA]  }
0x29: {  	s4 =	sld [smem:$0x3FAC]  }
0x2a: {  	p0 =	seq.s32 s5, $0x0;
	s5 =	sld [smem:$0x3FAD]  }
0x2b: {  	s6 =	sld [smem:$0x3FAE]  }
0x2c: {  	s7 =	sld [smem:$0x3FAF]  }
0x2d: {  	s3 =	simm.s32 $0x108;
	s8 =	sld [smem:$0x3FB0]  }
0x2e: {  	s3 =	simm.s32 @!p0 $0x1082;
	s9 =	sld [smem:$0x3FB1]  }
0x2f: {  	lr =	sadd.s32 s0, s3;
	s0 =	sld [smem:$0x3FA8]  }
0x30: {  	s3 =	sld [smem:$0x3FAB]  }
0x31: {  	[smem:$0x3FB4] =	sst s10  }
0x32: {  	s10 =	sld [smem:$0x3FB2];
	_ =	sdelay $0x3  }
0x33: {  	p0 =	seq.s32 s10, $0x1;
	s10 =	sld [smem:$0x3FB4];
	_ =	sdelay $0x3  }
0x34: {  	[smem:$0x3FB4] =	sst s10  }
0x35: {  	s10 =	sld [smem:$0x3FB3];
	_ =	sdelay $0x3  }
0x36: {  	p1 =	seq.s32 s10, $0x1;
	s10 =	sld [smem:$0x3FB4];
	_ =	sdelay $0x3  }
0x37: {  	[smem:$0x3FB4] =	sst s10  }
0x38: {  	s10 =	sld [smem:$0x3FB5]  }
0x39: {  	_ = 	snop;
	(pc) =	sbr.ind lr, $3  }
0x3a: {  	_ = 	snop  }
0x3b: {  	_ = 	snop  }
0x3c: {  	p2 =	seq.s32 s10, $0x1;
	s10 =	sld [smem:$0x3FB4]  }
0x3d: {  	_ =	shalt  }
0x3e: {  	_ =	shalt  }
0x3f: {  	_ =	shalt  }
0x40: {  	_ =	shalt  }
0x41: {  	_ =	shalt  }
0x42: {  	_ =	shalt  }
0x43: {  	_ =	shalt  }
0x44: {  	_ =	shalt  }
0x45: {  	_ =	shalt  }
0x46: {  	_ =	shalt  }
0x47: {  	_ =	shalt  }
0x48: {  	_ =	shalt  }
0x49: {  	_ =	shalt  }
0x4a: {  	_ =	shalt  }
0x4b: {  	_ =	shalt  }
0x4c: {  	_ =	shalt  }
0x4d: {  	_ =	shalt  }
0x4e: {  	_ =	shalt  }
0x4f: {  	_ =	shalt  }
0x50: {  	_ =	shalt  }
0x51: {  	_ =	shalt  }
0x52: {  	_ =	shalt  }
0x53: {  	_ =	shalt  }
0x54: {  	_ =	shalt  }
0x55: {  	_ =	shalt  }
0x56: {  	_ =	shalt  }
0x57: {  	_ =	shalt  }
0x58: {  	_ =	shalt  }
0x59: {  	_ =	shalt  }
0x5a: {  	_ =	shalt  }
0x5b: {  	_ =	shalt  }
0x5c: {  	_ =	shalt  }
0x5d: {  	_ =	shalt  }
0x5e: {  	_ =	shalt  }
0x5f: {  	_ =	shalt  }
0x60: {  	_ =	shalt  }
0x61: {  	_ =	shalt  }
0x62: {  	_ =	shalt  }
0x63: {  	_ =	shalt  }
0x64: {  	_ =	shalt  }
0x65: {  	_ =	shalt  }
0x66: {  	_ =	shalt  }
0x67: {  	_ =	shalt  }
0x68: {  	_ =	shalt  }
0x69: {  	_ =	shalt  }
0x6a: {  	_ =	shalt  }
0x6b: {  	_ =	shalt  }
0x6c: {  	_ =	shalt  }
0x6d: {  	_ =	shalt  }
0x6e: {  	_ =	shalt  }
0x6f: {  	_ =	shalt  }
0x70: {  	_ =	shalt  }
0x71: {  	_ =	shalt  }
0x72: {  	_ =	shalt  }
0x73: {  	_ =	shalt  }
0x74: {  	_ =	shalt  }
0x75: {  	_ =	shalt  }
0x76: {  	_ =	shalt  }
0x77: {  	_ =	shalt  }
0x78: {  	_ =	shalt  }
0x79: {  	_ =	shalt  }
0x7a: {  	_ =	shalt  }
0x7b: {  	_ =	shalt  }
0x7c: {  	_ =	shalt  }
0x7d: {  	_ =	shalt  }
0x7e: {  	_ =	shalt  }
0x7f: {  	_ =	shalt  }
0x80: {  	_ =	shalt  }
0x81: {  	_ =	shalt  }
0x82: {  	_ =	shalt  }
0x83: {  	_ =	shalt  }
0x84: {  	_ =	shalt  }
0x85: {  	_ =	shalt  }
0x86: {  	_ =	shalt  }
0x87: {  	_ =	shalt  }
.Lfunc_end0:
.L_simem_size_0:
called_computation_lowered:
.L_overlay_start_0:
0x88: {  	s2 =	sld [smem:$0x3FD9]  }
0x89: {  	s3 =	sld [smem:$0x3FFE];
	_ =	sdelay $0x1  }
0x8a: {  	s1 =	srdreg.scid  }
0x8b: {  	s0 =	sand.u32 $0x1, s1  }
0x8c: {  	s15 =	sshll.u32 s0, $0xA;
	s2 =	sadd.s32 s3, s2  }
0x8d: {  	s2 =	sadd.s32 s2, s15  }
0x8e: {  	[smem:$0x3FC0] =	sst s2  }
0x8f: {  	_ = 	snop  }
0x90: {  	s2 =	sld [smem:$0x3FD0];
	_ =	sdelay $0x2  }
0x91: {  	s16 =	simm.s32 $0xA;
	s4 =	simm.s32 $0x10  }
0x92: {  	[smem:s4], [sflag:s16] =	dma.local [hbm:s2], $0x1  }
0x93: {  	_ =	swait.eq [sflag:s16], $0x1  }
0x94: {  	[sflag:s16] =	ssyncset.done $0x0  }
0x95: {  	s17 =	sld [smem:$0x11];
	[sflag:s16] =	ssyncadd.s32 $0xFFFFFFFF  }
0x96: {  	s18 =	sld [smem:$0x12];
	(tm) =	ssettm $0x1  }
0x97: {  	s19 =	sld [smem:$0x3FFB];
	_ =	sdelay $0x3  }
0x98: {  	_ =	strace s19  }
0x99: {  	s4 =	sld [smem:$0x3FFC];
	_ =	sdelay $0x3  }
0x9a: {  	_ =	strace s4  }
0x9b: {  	s4 =	sld [smem:$0x3FFD];
	_ =	sdelay $0x3  }
0x9c: {  	_ =	strace s4  }
0x9d: {  	_ =	strace $0x8FFFFFFF  }
0x9e: {  	s20 =	sld [smem:$0x3FDB];
	_ =	sdelay $0x1  }
0x9f: {  	s5 =	simm.s32 $_scs_section_size  }
0xa0: {  	s6 =	simm.s32 $_size__tile_overlayer_lowered;
	s7 =	simm.s32 $_tile_overlayer_lowered  }
0xa1: {  	s23 =	simm.s32 $0x1BFF;
	s22 =	sshll.u32 s7, $0x1;
	s4 =	sadd.s32 s5, s20  }
0xa2: {  	s8 =	simm.s32 $0x0;
	s21 =	sshll.u32 s6, $0x1;
	s6 =	sadd.s32 s22, s4  }
0xa3: {  	[timem:s8], [sflag:s23] =	dma.local [hbm:s6], s21  }
0xa4: {  	_ =	swait.ge [sflag:s23], s21  }
0xa5: {  	s5 =	ssub.s32 $0x0, s21;
	[sflag:s23] =	ssyncset.done $0x0  }
0xa6: {  	[sflag:s23] =	ssyncadd.s32 s5;
	_ =	sdelay $0x1  }
0xa7: {  	s24 =	simm.s32 $0x1B8B  }
0xa8: {  	_ =	swait.ge [sflag:s24], $0x1  }
0xa9: {  	[sflag:s24] =	ssyncset.done $0x0  }
0xaa: {  	s25 =	simm.s32 $0x1B8E;
	[sflag:s24] =	ssyncadd.s32 $0xFFFFFFFF  }
0xab: {  	s26 =	simm.s32 $execute0_lowered;
	[smem:$0x3FD2] =	sst s25  }
0xac: {  	s5 =	sshll.u32 s26, $0x1;
	_ =	strace $0x80000046;
	[dreg:$0x1] =	wrdreg $0xFFFFFFFF  }
0xad: {  	s28 =	simm.s32 $_size_execute0_lowered;
	s4 =	sadd.s32 s4, s5;
	[dreg:$0x0] =	wrdreg $0x0  }
0xae: {  	s5 =	sshll.u32 s28, $0x1;
	[dreg:$0x2] =	wrdreg s4  }
0xaf: {  	[dreg:$0x3] =	wrdreg s5  }
0xb0: {  	[dreg:$0x4] =	wrdreg $0xC0  }
0xb1: {  	_ =	task [dreg:s8], $0x5FFFF  }
0xb2: {  	[dreg:$0x1] =	wrdreg $0xFFFFFFFF  }
0xb3: {  	[dreg:$0x0] =	wrdreg $0x60  }
0xb4: {  	[dreg:$0x2] =	wrdreg s17  }
0xb5: {  	[dreg:$0x3] =	wrdreg s18  }
0xb6: {  	[dreg:$0x4] =	wrdreg $0x29000  }
0xb7: {  	[dreg:$0x5] =	wrdreg $0x9  }
0xb8: {  	_ =	task.clear_ibuf [dreg:s8], $0x6FFFF;
	_ =	strace $0x90000046  }
0xb9: {  	s29 =	simm.s32 $0x9;
	_ =	strace $0x80000048  }
0xba: {  	_ =	swait.ge [sflag:s29], $0x1  }
0xbb: {  	[sflag:s29] =	ssyncadd.s32 $0xFFFFFFFF  }
0xbc: {  	_ =	strace $0x90000048  }
0xbd: {  	_ =	sfence  }
0xbe: {  	s30 =	sld [smem:$0x0];
	_ =	sdelay $0x2  }
0xbf: {  	s31 =	sshll.u32 s1, $0xD;
	s1 =	sshrl.u32 s1, $0x2  }
0xc0: {  	s3 =	sand.u32 $0x4000, s31;
	s1 =	sadd.s32 s1, s30  }
0xc1: {  	s0 =	sor.u32 s3, s0;
	s1 =	sshll.u32 s1, $0x11  }
0xc2: {  	s0 =	sor.u32 s1, s0  }
0xc3: {  	s0 =	sadd.s32 $0x8F2B, s0  }
0xc4: {  	[sflag:s0] =	ssyncadd.remote.s32 $0x1  }
0xc5: {  	_ =	sfence.sel $0xFFFF  }
0xc6: {  	[dreg:$0x0] =	wrdreg $0xFFFFFFFF;
	(pc) =	sbr.abs _section_cstart, $3  }
0xc7: {  	[dreg:$0x1] =	wrdreg $0xFFFFFFFF  }
0xc8: {  	_ =	task.clear_ibuf [dreg:s8], $0x2FFFF;
	_ =	strace $0x9FFFFFFF  }
0xc9: {  	(tm) =	ssettm $0x7FFFFFFF  }
tec
execute0_lowered:
.L_overlay_start_1:
0x0: {  	(tag) =	ssettag $0x1  }
0x1: {  	s9 =	rddreg [dreg:$0x0]  }
0x2: {  	s10 =	rddreg [dreg:$0x1]  }
0x3: {  	s2 =	rddreg [dreg:$0x2]  }
0x4: {  	s0 =	rddreg [dreg:$0x3]  }
0x5: {  	s4 =	srdreg.scid;
	s3 =	simm.s32 $0x0;
	s1 =	stileid.u32  }
0x6: {  	s14 =	simm.s32 $0x80;
	s15 =	simm.s32 $0x2800;
	s18 =	simm.s32 $0x20  }
0x7: {  	s19 =	simm.s32 $0x10;
	s20 =	simm.s32 $0x0;
	s5 =	smul.u32 $0xA00, s1  }
0x8: {  	s6 =	sand.u32 $0x1, s4;
	[smem:$0x7FF] =	sst s3;
	s8 =	smul.u32 $0x500, s1  }
0x9: {  	s16 =	sshll.u32 s1, $0x6;
	s4 =	ssub.s32 $0x2, s6;
	_ =	strace $0x80000047  }
0xa: {  	s29 =	sshll.u32 s6, $0x4;
	s13 =	sshll.u32 s6, $0x7;
	s16 =	sor.u32 $0x1C01, s16  }
0xb: {  	s7 =	sshrl.u32 s4, $0x1;
	s28 =	sshrl.u32 s5, $0x2;
	s30 =	sor.u32 s1, s29  }
0xc: {  	s13 =	sor.u32 s13, s8;
	s11 =	ssub.s32 s4, s7;
	s4 =	sadd.s32 s28, s2  }
0xd: {  	s12 =	smul.u32 $0x500, s30;
	s31 =	sshrl.u32 s13, $0x3;
	s13 =	simm.s32 $0x1  }
0xe: {  	s5 =	sadd.s32 $0x80, s4;
	s6 =	sadd.s32 $0x100, s4;
	s7 =	sadd.s32 $0x180, s4  }
0xf: {  	s8 =	sadd.s32 $0x200, s4;
	s10 =	sadd.s32 s10, s31;
	s11 =	smax.u32 s11, $0x1  }
0x10: {  	v0 =	vimm.f32 $1.000000000e+00;
	v1 =	vimm.f32 $0.0e+00;
	s17 =	sshrl.u32 s4, $0x3;
	s9 =	sadd.s32 s9, s12;
	s12 =	simm.s32 $0x2880  }
.LBB2_1:
0x11: {  	[tilespmem:$0x2800] =	vst v0  }
0x12: {  	[tilespmem:$0x2880] =	vst v1  }
0x13: {  	[tilespmem:$0x2810] =	vst v0  }
0x14: {  	[tilespmem:$0x2890] =	vst v1  }
0x15: {  	[tilespmem:$0x2820] =	vst v0  }
0x16: {  	[tilespmem:$0x28A0] =	vst v1  }
0x17: {  	[tilespmem:$0x2830] =	vst v0  }
0x18: {  	[tilespmem:$0x28B0] =	vst v1  }
0x19: {  	[tilespmem:$0x2840] =	vst v0  }
0x1a: {  	[tilespmem:$0x28C0] =	vst v1  }
0x1b: {  	[tilespmem:$0x2850] =	vst v0  }
0x1c: {  	[tilespmem:$0x28D0] =	vst v1  }
0x1d: {  	[tilespmem:$0x2860] =	vst v0  }
0x1e: {  	[tilespmem:$0x28E0] =	vst v1  }
0x1f: {  	[tilespmem:$0x2870] =	vst v0  }
0x20: {  	[tilespmem:$0x28F0] =	vst v1  }
0x21: {  	[spmem:s4] =	stream.linear.scatter [tilespmem:s12], [sflag:$0x1], $0x80, $0x38;
	[tilespmem:$0x2B80] =	vst v63  }
0x22: {  	_ =	swait.ge [sflag:s13], $0x80  }
0x23: {  	[sflag:s13] =	ssyncset.done $0x0  }
0x24: {  	[sflag:s13] =	ssyncadd.s32 $0xFFFFFF80  }
0x25: {  	[spmem:s5] =	stream.linear.scatter [tilespmem:s12], [sflag:$0x1], $0x80, $0x38;
	[tilespmem:$0x2B80] =	vst v63  }
0x26: {  	_ =	swait.ge [sflag:s13], $0x80  }
0x27: {  	[sflag:s13] =	ssyncset.done $0x0  }
0x28: {  	[sflag:s13] =	ssyncadd.s32 $0xFFFFFF80  }
0x29: {  	[spmem:s6] =	stream.linear.scatter [tilespmem:s12], [sflag:$0x1], $0x80, $0x38;
	[tilespmem:$0x2B80] =	vst v63  }
0x2a: {  	_ =	swait.ge [sflag:s13], $0x80  }
0x2b: {  	[sflag:s13] =	ssyncset.done $0x0  }
0x2c: {  	[sflag:s13] =	ssyncadd.s32 $0xFFFFFF80  }
0x2d: {  	[spmem:s7] =	stream.linear.scatter [tilespmem:s12], [sflag:$0x1], $0x80, $0x38;
	[tilespmem:$0x2B80] =	vst v63  }
0x2e: {  	_ =	swait.ge [sflag:s13], $0x80  }
0x2f: {  	[sflag:s13] =	ssyncset.done $0x0  }
0x30: {  	[sflag:s13] =	ssyncadd.s32 $0xFFFFFF80  }
0x31: {  	[spmem:s8] =	stream.linear.scatter [tilespmem:s12], [sflag:$0x1], $0x80, $0x38;
	[tilespmem:$0x2B80] =	vst v63  }
0x32: {  	_ =	swait.ge [sflag:s13], $0x80  }
0x33: {  	[sflag:s13] =	ssyncset.done $0x0  }
0x34: {  	[sflag:s13] =	ssyncadd.s32 $0xFFFFFF80  }
0x35: {  	[bflag:$0x0] =	sbarrier.arrive $0xFFFF  }
0x36: {  	[tilespmem:s3], [sflag:$0x1] =	stream.linear.gather [hbm4b:s9+s3], $0x2800, $0x38;
	[tilespmem:$0x2B80] =	vst v63  }
0x37: {  	_ =	swait.ge [sflag:s13], $0x2800  }
0x38: {  	[sflag:s13] =	ssyncset.done $0x0  }
0x39: {  	s21 =	simm.s32 $0x0;
	[sflag:s13] =	ssyncadd.s32 $0xFFFFD800  }
0x3a: {  	[spmem:s2] =	stream.indirect.scatter.add.f32 [tilespmem:s15], [sflag:$0x1], $0x1, s21, s14, $0xb8;
	[tilespmem:$0x2B80] =	vst v63  }
0x3b: {  	_ =	swait.ge [sflag:s13], $0x80  }
0x3c: {  	s21 =	simm.s32 $0x200;
	[sflag:s13] =	ssyncset.done $0x0  }
.LBB2_2:
0x3d: {  	s22 =	sshra.s32 s21, $0x2;
	[sflag:s13] =	ssyncadd.s32 $0xFFFFFF80;
	p0 =	sne.s32 s21, $0x9E00  }
0x3e: {  	[spmem:s2] =	stream.indirect.scatter.add.f32 [tilespmem:s15], [sflag:$0x1], $0x1, s22, s14, $0xb8;
	[tilespmem:$0x2B80] =	vst v63  }
.Ltmp0:
0x3f: {  	_ = 	snop;
	(pc) =	sbr.rel @p0 .LBB2_2-.Ltmp0, $4  }
0x40: {  	_ = 	snop  }
0x41: {  	s21 =	sadd.s32 $0x200, s21  }
0x42: {  	_ =	swait.ge [sflag:s13], $0x80  }
0x43: {  	[sflag:s13] =	ssyncset.done $0x0  }
0x44: {  	s20 =	sadd.s32 $0x1, s20  }
0x45: {  	[sflag:s13] =	ssyncadd.s32 $0xFFFFFF80;
	p0 =	sne.s32 s20, s11  }
.Ltmp1:
0x46: {  	[bflag:$0x0] =	sbarrier.arrive $0xFFFF;
	(pc) =	sbr.rel @p0 .LBB2_1-.Ltmp1, $4  }
0x47: {  	[hbm:s10@s18], [sflag:s16] =	dma.strided [spmem:s17@s19], $0x50, s13, $0x10   }
0x48: {  	_ =	swait.ge [sflag:s13], $0x50  }
0x49: {  	[sflag:s13] =	ssyncset.done $0x0  }
0x4a: {  	[sflag:s13] =	ssyncadd.s32 $0xFFFFFFB0  }
0x4b: {  	_ =	sfence.sel $0x180000  }
0x4c: {  	[bflag:$0x0] =	sbarrier.arrive $0xFFFF  }
0x4d: {  	p0 =	sne.s32 s1, $0x0;
	_ =	strace $0x90000047  }
0x4e: {  	s0 =	sadd.s32 @!p0 $0x100000, s0;
	[bflag:$0x2] =	sbarrier.arrive $0xFFFF  }
0x4f: {  	[sflag:s0] =	ssyncadd.tile.s32 @!p0 $0x1;
	_ =	shalt  }
.Lfunc_end2:
_tile_overlayer_lowered:
.L_overlay_start_2:
0x50: {  	(tag) =	ssettag $0x2  }
0x51: {  	s0 =	rddreg [dreg:$0x0];
	s2 =	stileid.u32  }
0x52: {  	s1 =	rddreg [dreg:$0x1];
	p0 =	sne.s32 s2, $0x0  }
0x53: {  	s3 =	rddreg [dreg:$0x2];
	[bflag:$0x3] =	sbarrier.arrive $0xFFFF;
	s2 =	simm.s32 @!p0 $0x1C01  }
0x54: {  	[timem:s3], [sflag:s2] =	dma.local @!p0 [hbm:s0], s1  }
0x55: {  	s0 =	simm.s32 @!p0 $0x1  }
0x56: {  	_ =	swait.ge @!p0 [sflag:s0], s1  }
0x57: {  	s1 =	ssub.s32 @!p0 $0x0, s1;
	[sflag:s0] =	ssyncset.done @!p0 $0x0  }
0x58: {  	[sflag:s0] =	ssyncadd.s32 @!p0 s1  }
0x59: {  	[bflag:$0x3] =	sbarrier.arrive $0xFFFF  }
0x5a: {  	_ =	shalt  }

</sc_bundles>
